<compile_context>
chip_gen: v7x
topology: tpu7x:2x2x1
jax: 0.10.2.dev20260603
libtpu: 0.0.44.dev20260713+nightly
codegen_flags: <defaults>
</compile_context>

<pallas_src>
import numpy as np

import jax
import jax.numpy as jnp
from jax import lax
from jax.experimental import pallas as pl
from jax.experimental.pallas import tpu as pltpu
from jax.experimental.pallas import tpu_sc as plsc

L = 16
T = 524288
F = 2
GROWTH = 1.38
PI1 = -1640531535
PI2 = 805459861
MASK = T - 1
RES = [int(16 * GROWTH ** lev) for lev in range(L)]

NCORES = 2
NSUB = 16
NW = NCORES * NSUB
LANES = 16
C = 1024

NCOARSE = 8
WP = [((RES[lev] + 1 + LANES - 1) // LANES) * LANES for lev in range(NCOARSE)]
GBASE = [0]
for lev in range(NCOARSE):
    GBASE.append(GBASE[-1] + (RES[lev] + 1) * WP[lev])
GTOT = GBASE[NCOARSE]
SEG = 4 * C
GPAD = ((GTOT + SEG - 1) // SEG) * SEG


def _build_gidx() -> np.ndarray:
    out = np.zeros(GPAD, np.int32)
    for lev in range(NCOARSE):
        w = RES[lev] + 1
        gx = np.arange(WP[lev], dtype=np.int64)
        gy = np.arange(w, dtype=np.int64)
        ax = ((gx * PI1) & 0xFFFFFFFF).astype(np.uint32)
        by = ((gy * PI2) & 0xFFFFFFFF).astype(np.uint32)
        h = ((by[:, None] ^ ax[None, :]) & np.uint32(MASK)).astype(np.int64)
        out[GBASE[lev]:GBASE[lev + 1]] = (h + lev * T).astype(np.int32).ravel()
    return out


GIDX = _build_gidx()


def _body(xs_hbm, ys_hbm, tab_hbm, gidx_hbm, out_hbm,
          xs_v, ys_v, grid_v, idx0, idx1, rows0, rows1,
          fx0, fx1, fy0, fy1, out_v, sem0, sem1):
    n = xs_hbm.shape[0]
    ppw = n // NW
    nchunk = ppw // C
    cid = lax.axis_index("c")
    sid = lax.axis_index("s")
    wid = sid * NCORES + cid

    iota = lax.iota(jnp.int32, LANES)
    iota2 = iota * 2
    iota32 = iota * (2 * L)
    hi = jnp.int32(-65536)
    bufs = ((idx0, rows0, fx0, fy0, sem0), (idx1, rows1, fx1, fy1, sem1))

    bcps = []
    for s in range(GPAD // SEG):
        idx_v, _, _, _, sem = bufs[s & 1]
        if s >= 2:
            bcps[s - 2].wait()
        pltpu.sync_copy(gidx_hbm.at[pl.ds(s * SEG, SEG)], idx_v)
        bcps.append(
            pltpu.async_copy(tab_hbm.at[idx_v], grid_v.at[pl.ds(s * SEG, SEG)], sem))
    bcps[-2].wait()
    bcps[-1].wait()

    def lerp2(w00, w10, w01, w11, fx, fy, lev, i):
        c00_0 = plsc.bitcast(w00 << 16, jnp.float32)
        c10_0 = plsc.bitcast(w10 << 16, jnp.float32)
        c01_0 = plsc.bitcast(w01 << 16, jnp.float32)
        c11_0 = plsc.bitcast(w11 << 16, jnp.float32)
        c00_1 = plsc.bitcast(w00 & hi, jnp.float32)
        c10_1 = plsc.bitcast(w10 & hi, jnp.float32)
        c01_1 = plsc.bitcast(w01 & hi, jnp.float32)
        c11_1 = plsc.bitcast(w11 & hi, jnp.float32)
        t0 = c00_0 + fx * (c10_0 - c00_0)
        t1 = c01_0 + fx * (c11_0 - c01_0)
        f0 = t0 + fy * (t1 - t0)
        s0 = c00_1 + fx * (c10_1 - c00_1)
        s1 = c01_1 + fx * (c11_1 - c01_1)
        f1 = s0 + fy * (s1 - s0)
        ov = i * (LANES * 2 * L) + iota32 + (2 * lev)
        plsc.store_scatter(out_v, [ov], f0)
        plsc.store_scatter(out_v, [ov + 1], f1)

    def coarse_level(lev):
        hr = float(RES[lev]) * 0.5
        wp = WP[lev]
        gb = GBASE[lev]

        @pl.loop(0, C // LANES)
        def _cl(i):
            sl = pl.ds(i * LANES, LANES)
            sx = xs_v[sl] * hr + hr
            sy = ys_v[sl] * hr + hr
            ix = sx.astype(jnp.int32)
            iy = sy.astype(jnp.int32)
            fx = sx - ix.astype(jnp.float32)
            fy = sy - iy.astype(jnp.float32)
            g = iy * wp + ix + gb
            w00 = plsc.load_gather(grid_v, [g])
            w10 = plsc.load_gather(grid_v, [g + 1])
            w01 = plsc.load_gather(grid_v, [g + wp])
            w11 = plsc.load_gather(grid_v, [g + (wp + 1)])
            lerp2(w00, w10, w01, w11, fx, fy, lev, i)

    def hash_fine(lev, idx_v, fx_v, fy_v):
        hr = float(RES[lev]) * 0.5
        lev_base = lev * T

        @pl.loop(0, C // LANES)
        def _hash(i):
            sl = pl.ds(i * LANES, LANES)
            sx = xs_v[sl] * hr + hr
            sy = ys_v[sl] * hr + hr
            ix = sx.astype(jnp.int32)
            iy = sy.astype(jnp.int32)
            fx_v[sl] = sx - ix.astype(jnp.float32)
            fy_v[sl] = sy - iy.astype(jnp.float32)
            a0 = ix * PI1
            a1 = a0 + PI1
            b0 = iy * PI2
            b1 = b0 + PI2
            idx_v[pl.ds(0 * C + i * LANES, LANES)] = ((a0 ^ b0) & MASK) + lev_base
            idx_v[pl.ds(1 * C + i * LANES, LANES)] = ((a1 ^ b0) & MASK) + lev_base
            idx_v[pl.ds(2 * C + i * LANES, LANES)] = ((a0 ^ b1) & MASK) + lev_base
            idx_v[pl.ds(3 * C + i * LANES, LANES)] = ((a1 ^ b1) & MASK) + lev_base

    def combine_fine(lev, rows_v, fx_v, fy_v):
        @pl.loop(0, C // LANES)
        def _comb(i):
            sl = pl.ds(i * LANES, LANES)
            fx = fx_v[sl]
            fy = fy_v[sl]
            w00 = rows_v[pl.ds(0 * C + i * LANES, LANES)]
            w10 = rows_v[pl.ds(1 * C + i * LANES, LANES)]
            w01 = rows_v[pl.ds(2 * C + i * LANES, LANES)]
            w11 = rows_v[pl.ds(3 * C + i * LANES, LANES)]
            lerp2(w00, w10, w01, w11, fx, fy, lev, i)

    @pl.loop(0, nchunk)
    def _chunk(ci):
        base = wid * ppw + ci * C
        pltpu.sync_copy(xs_hbm.at[pl.ds(base, C)], xs_v)
        pltpu.sync_copy(ys_hbm.at[pl.ds(base, C)], ys_v)

        cps = {}
        for lev in (NCOARSE, NCOARSE + 1):
            idx_v, rows_v, fx_v, fy_v, sem = bufs[lev & 1]
            hash_fine(lev, idx_v, fx_v, fy_v)
            cps[lev] = pltpu.async_copy(tab_hbm.at[idx_v], rows_v, sem)

        for lev in range(NCOARSE):
            coarse_level(lev)

        for lev in range(NCOARSE + 2, L):
            idx_v, rows_v, fx_v, fy_v, sem = bufs[lev & 1]
            cps[lev - 2].wait()
            combine_fine(lev - 2, rows_v, fx_v, fy_v)
            hash_fine(lev, idx_v, fx_v, fy_v)
            cps[lev] = pltpu.async_copy(tab_hbm.at[idx_v], rows_v, sem)

        for lev in (L - 2, L - 1):
            idx_v, rows_v, fx_v, fy_v, sem = bufs[lev & 1]
            cps[lev].wait()
            combine_fine(lev, rows_v, fx_v, fy_v)

        pltpu.sync_copy(out_v, out_hbm.at[pl.ds(base * (2 * L), C * 2 * L)])


def kernel(xy, tables):
    n = xy.shape[0]
    xs = xy[:, 0]
    ys = xy[:, 1]
    tb = tables.astype(jnp.bfloat16).reshape(L * T, F)
    tabw = lax.bitcast_convert_type(
        lax.bitcast_convert_type(tb, jnp.uint16), jnp.int32
    ).reshape(L * T)
    gidx = jnp.asarray(GIDX)
    mesh = plsc.VectorSubcoreMesh(core_axis_name="c", subcore_axis_name="s")
    run = pl.kernel(
        _body,
        out_type=jax.ShapeDtypeStruct((n * 2 * L,), jnp.float32),
        mesh=mesh,
        compiler_params=pltpu.CompilerParams(needs_layout_passes=False),
        scratch_types=[
            pltpu.VMEM((C,), jnp.float32),
            pltpu.VMEM((C,), jnp.float32),
            pltpu.VMEM((GPAD,), jnp.int32),
            pltpu.VMEM((4 * C,), jnp.int32),
            pltpu.VMEM((4 * C,), jnp.int32),
            pltpu.VMEM((4 * C,), jnp.int32),
            pltpu.VMEM((4 * C,), jnp.int32),
            pltpu.VMEM((C,), jnp.float32),
            pltpu.VMEM((C,), jnp.float32),
            pltpu.VMEM((C,), jnp.float32),
            pltpu.VMEM((C,), jnp.float32),
            pltpu.VMEM((C * 2 * L,), jnp.float32),
            pltpu.SemaphoreType.DMA,
            pltpu.SemaphoreType.DMA,
        ],
    )
    flat = run(xs, ys, tabw, gidx)
    return flat.reshape(n, 2 * L)

# --- scband reference (transcript-rebuilt; emitter-appended) ---
"""Pipeline reference for scband-hash-grid-33474975105224 (READ-ONLY COPY).

The authoritative reference and input builder live on the scoring server;
editing this copy changes nothing except your own understanding.
"""

import jax, jax.numpy as jnp
import numpy as np

L = 16
T = 524288
F = 2
B = 1.38
PI1 = -1640531535
PI2 = 805459861
N = 1048576


def setup_inputs(seed: int = 0) -> dict:
    key = jax.random.key(seed)
    k1, k2 = jax.random.split(key)
    xy = jax.random.uniform(k1, (N, 2), dtype=jnp.float32, minval=-1.0, maxval=1.0)
    # learned params: one (T, F) table per level, stacked -> (L, T, F); flax uniform(0.0001) init
    tables = jax.random.uniform(k2, (L, T, F), dtype=jnp.float32, minval=0.0, maxval=0.0001)
    return {"xy": xy, "tables": tables}


def reference(xy, tables):
    pi1 = jnp.int32(PI1)
    pi2 = jnp.int32(PI2)
    feats = []
    for lev in range(L):
        res = int(16 * B ** lev)
        table = tables[lev]
        sc = (xy * 0.5 + 0.5) * res
        fl = jnp.floor(sc).astype(jnp.int32)
        fr = sc - fl.astype(jnp.float32)
        corners = jnp.stack([
            fl,
            fl + jnp.array([1, 0], dtype=jnp.int32),
            fl + jnp.array([0, 1], dtype=jnp.int32),
            fl + jnp.array([1, 1], dtype=jnp.int32),
        ], axis=1)  # (N, 4, 2)
        cx = corners[:, :, 0]
        cy = corners[:, :, 1]
        h = jnp.abs(jnp.mod(jnp.bitwise_xor((cx * pi1).astype(jnp.int32), (cy * pi2).astype(jnp.int32)), T))
        cf = table[h]  # (N, 4, F) gather
        fx = fr[:, 0:1]
        fy = fr[:, 1:2]
        w = jnp.stack([(1 - fx) * (1 - fy), fx * (1 - fy), (1 - fx) * fy, fx * fy], axis=1)  # (N, 4, 1)
        feats.append(jnp.sum(w * cf, axis=1))  # (N, F)
    return jnp.concatenate(feats, axis=-1)  # (N, L*F)

if __name__ == "__main__":
    import jax
    _d = setup_inputs()
    print(jax.jit(kernel)(*tuple(_d.values())))

</pallas_src>

<mosaic_0001>
#map = affine_map<(d0, d1) -> (0)>
module attributes {stable_mosaic.version = 14 : i64} {
  func.func @_body(%arg0: i32, %arg1: i32, %arg2: memref<1048576xf32, #tpu.memory_space<hbm>>, %arg3: memref<1048576xf32, #tpu.memory_space<hbm>>, %arg4: memref<8388608xi32, #tpu.memory_space<hbm>>, %arg5: memref<53248xi32, #tpu.memory_space<hbm>>, %arg6: memref<33554432xf32, #tpu.memory_space<hbm>>, %arg7: memref<1024xf32, #tpu.memory_space<vmem>>, %arg8: memref<1024xf32, #tpu.memory_space<vmem>>, %arg9: memref<53248xi32, #tpu.memory_space<vmem>>, %arg10: memref<4096xi32, #tpu.memory_space<vmem>>, %arg11: memref<4096xi32, #tpu.memory_space<vmem>>, %arg12: memref<4096xi32, #tpu.memory_space<vmem>>, %arg13: memref<4096xi32, #tpu.memory_space<vmem>>, %arg14: memref<1024xf32, #tpu.memory_space<vmem>>, %arg15: memref<1024xf32, #tpu.memory_space<vmem>>, %arg16: memref<1024xf32, #tpu.memory_space<vmem>>, %arg17: memref<1024xf32, #tpu.memory_space<vmem>>, %arg18: memref<32768xf32, #tpu.memory_space<vmem>>, %arg19: memref<!tpu.dma_semaphore, #tpu.memory_space<semaphore_mem>>, %arg20: memref<!tpu.dma_semaphore, #tpu.memory_space<semaphore_mem>>) attributes {dimension_semantics = [#tpu.dimension_semantics<core_parallel>, #tpu.dimension_semantics<subcore_parallel>], iteration_bounds = array<i64: 2, 16>, scalar_prefetch = 0 : i64, scratch_operands = 14 : i64, tpu.core_type = #tpu.core_type<sc_vector_subcore>, window_params = [{transform_indices = #map}, {transform_indices = #map}, {transform_indices = #map}, {transform_indices = #map}, {transform_indices = #map}]} {
    %mul3A = arith.constant 2 : i32
    %mul3A_0 = arith.muli %arg1, %mul3A : i32
    %add3A = arith.addi %mul3A_0, %arg0 : i32
    %iota3A = tpu.iota {dimensions = array<i32: 0>} : vector<16xi32>
    %mul3A_1 = arith.constant 2 : i32
    %mul3A_2 = vector.broadcast %mul3A_1 : i32 to vector<16xi32>
    %mul3A_3 = arith.muli %iota3A, %mul3A_2 : vector<16xi32>
    %mul3A_4 = arith.constant 32 : i32
    %mul3A_5 = vector.broadcast %mul3A_4 : i32 to vector<16xi32>
    %mul3A_6 = arith.muli %iota3A, %mul3A_5 : vector<16xi32>
    "tpu.region"() ({
      %run_scoped3A = tpu.sem_alloc : memref<!tpu.dma_semaphore, #tpu.memory_space<semaphore_mem>>
      %dma_start3A_114 = arith.constant 0 : i32
      %dma_start3A_115 = tpu.memref_slice %arg5[%dma_start3A_114] : memref<53248xi32, #tpu.memory_space<hbm>> -> memref<4096xi32, #tpu.memory_space<hbm>>
      %dma_start3A_116 = arith.constant 0 : i32
      %dma_start3A_117 = tpu.memref_slice %arg5[%dma_start3A_116] : memref<53248xi32, #tpu.memory_space<hbm>> -> memref<4096xi32, #tpu.memory_space<hbm>>
      tpu.enqueue_dma source(%dma_start3A_117 : memref<4096xi32, #tpu.memory_space<hbm>>) target(%arg10 : memref<4096xi32, #tpu.memory_space<vmem>>) target_semaphore(%run_scoped3A : memref<!tpu.dma_semaphore, #tpu.memory_space<semaphore_mem>>)
      %dma_wait3A_118 = arith.constant 0 : i32
      %dma_wait3A_119 = tpu.memref_slice %arg5[%dma_wait3A_118] : memref<53248xi32, #tpu.memory_space<hbm>> -> memref<4096xi32, #tpu.memory_space<hbm>>
      %dma_wait3A_120 = arith.constant 0 : i32
      %dma_wait3A_121 = tpu.memref_slice %arg5[%dma_wait3A_120] : memref<53248xi32, #tpu.memory_space<hbm>> -> memref<4096xi32, #tpu.memory_space<hbm>>
      tpu.wait_dma2 semaphore(%run_scoped3A : memref<!tpu.dma_semaphore, #tpu.memory_space<semaphore_mem>>) src(%dma_wait3A_121 : memref<4096xi32, #tpu.memory_space<hbm>>) dst(%arg10 : memref<4096xi32, #tpu.memory_space<vmem>>)
      tpu.yield
    }) : () -> ()
    %dma_start3A = arith.constant 0 : i32
    %dma_start3A_7 = tpu.memref_slice %arg9[%dma_start3A] : memref<53248xi32, #tpu.memory_space<vmem>> -> memref<4096xi32, #tpu.memory_space<vmem>>
    %dma_start3A_8 = arith.constant 0 : i32
    %dma_start3A_9 = tpu.memref_slice %arg4[%dma_start3A_8] : memref<8388608xi32, #tpu.memory_space<hbm>> -> memref<8388608xi32, #tpu.memory_space<hbm>>
    tpu.enqueue_indirect_dma source(%dma_start3A_9 : memref<8388608xi32, #tpu.memory_space<hbm>>) target(%dma_start3A_7 : memref<4096xi32, #tpu.memory_space<vmem>>) offsets(%arg10 : memref<4096xi32, #tpu.memory_space<vmem>>) semaphore(%arg19 : memref<!tpu.dma_semaphore, #tpu.memory_space<semaphore_mem>>)
    "tpu.region"() ({
      %run_scoped3A = tpu.sem_alloc : memref<!tpu.dma_semaphore, #tpu.memory_space<semaphore_mem>>
      %dma_start3A_114 = arith.constant 4096 : i32
      %dma_start3A_115 = tpu.memref_slice %arg5[%dma_start3A_114] : memref<53248xi32, #tpu.memory_space<hbm>> -> memref<4096xi32, #tpu.memory_space<hbm>>
      %dma_start3A_116 = arith.constant 4096 : i32
      %dma_start3A_117 = tpu.memref_slice %arg5[%dma_start3A_116] : memref<53248xi32, #tpu.memory_space<hbm>> -> memref<4096xi32, #tpu.memory_space<hbm>>
      tpu.enqueue_dma source(%dma_start3A_117 : memref<4096xi32, #tpu.memory_space<hbm>>) target(%arg11 : memref<4096xi32, #tpu.memory_space<vmem>>) target_semaphore(%run_scoped3A : memref<!tpu.dma_semaphore, #tpu.memory_space<semaphore_mem>>)
      %dma_wait3A_118 = arith.constant 4096 : i32
      %dma_wait3A_119 = tpu.memref_slice %arg5[%dma_wait3A_118] : memref<53248xi32, #tpu.memory_space<hbm>> -> memref<4096xi32, #tpu.memory_space<hbm>>
      %dma_wait3A_120 = arith.constant 4096 : i32
      %dma_wait3A_121 = tpu.memref_slice %arg5[%dma_wait3A_120] : memref<53248xi32, #tpu.memory_space<hbm>> -> memref<4096xi32, #tpu.memory_space<hbm>>
      tpu.wait_dma2 semaphore(%run_scoped3A : memref<!tpu.dma_semaphore, #tpu.memory_space<semaphore_mem>>) src(%dma_wait3A_121 : memref<4096xi32, #tpu.memory_space<hbm>>) dst(%arg11 : memref<4096xi32, #tpu.memory_space<vmem>>)
      tpu.yield
    }) : () -> ()
    %dma_start3A_10 = arith.constant 4096 : i32
    %dma_start3A_11 = tpu.memref_slice %arg9[%dma_start3A_10] : memref<53248xi32, #tpu.memory_space<vmem>> -> memref<4096xi32, #tpu.memory_space<vmem>>
    %dma_start3A_12 = arith.constant 0 : i32
    %dma_start3A_13 = tpu.memref_slice %arg4[%dma_start3A_12] : memref<8388608xi32, #tpu.memory_space<hbm>> -> memref<8388608xi32, #tpu.memory_space<hbm>>
    tpu.enqueue_indirect_dma source(%dma_start3A_13 : memref<8388608xi32, #tpu.memory_space<hbm>>) target(%dma_start3A_11 : memref<4096xi32, #tpu.memory_space<vmem>>) offsets(%arg11 : memref<4096xi32, #tpu.memory_space<vmem>>) semaphore(%arg20 : memref<!tpu.dma_semaphore, #tpu.memory_space<semaphore_mem>>)
    %dma_wait3A = arith.constant 0 : i32
    %dma_wait3A_14 = tpu.memref_slice %arg9[%dma_wait3A] : memref<53248xi32, #tpu.memory_space<vmem>> -> memref<4096xi32, #tpu.memory_space<vmem>>
    %dma_wait3A_15 = arith.constant 0 : i32
    %dma_wait3A_16 = tpu.memref_slice %arg4[%dma_wait3A_15] : memref<8388608xi32, #tpu.memory_space<hbm>> -> memref<8388608xi32, #tpu.memory_space<hbm>>
    tpu.wait_indirect_dma semaphore(%arg19 : memref<!tpu.dma_semaphore, #tpu.memory_space<semaphore_mem>>) src(%dma_wait3A_16 : memref<8388608xi32, #tpu.memory_space<hbm>>) dst(%dma_wait3A_14 : memref<4096xi32, #tpu.memory_space<vmem>>)
    "tpu.region"() ({
      %run_scoped3A = tpu.sem_alloc : memref<!tpu.dma_semaphore, #tpu.memory_space<semaphore_mem>>
      %dma_start3A_114 = arith.constant 8192 : i32
      %dma_start3A_115 = tpu.memref_slice %arg5[%dma_start3A_114] : memref<53248xi32, #tpu.memory_space<hbm>> -> memref<4096xi32, #tpu.memory_space<hbm>>
      %dma_start3A_116 = arith.constant 8192 : i32
      %dma_start3A_117 = tpu.memref_slice %arg5[%dma_start3A_116] : memref<53248xi32, #tpu.memory_space<hbm>> -> memref<4096xi32, #tpu.memory_space<hbm>>
      tpu.enqueue_dma source(%dma_start3A_117 : memref<4096xi32, #tpu.memory_space<hbm>>) target(%arg10 : memref<4096xi32, #tpu.memory_space<vmem>>) target_semaphore(%run_scoped3A : memref<!tpu.dma_semaphore, #tpu.memory_space<semaphore_mem>>)
      %dma_wait3A_118 = arith.constant 8192 : i32
      %dma_wait3A_119 = tpu.memref_slice %arg5[%dma_wait3A_118] : memref<53248xi32, #tpu.memory_space<hbm>> -> memref<4096xi32, #tpu.memory_space<hbm>>
      %dma_wait3A_120 = arith.constant 8192 : i32
      %dma_wait3A_121 = tpu.memref_slice %arg5[%dma_wait3A_120] : memref<53248xi32, #tpu.memory_space<hbm>> -> memref<4096xi32, #tpu.memory_space<hbm>>
      tpu.wait_dma2 semaphore(%run_scoped3A : memref<!tpu.dma_semaphore, #tpu.memory_space<semaphore_mem>>) src(%dma_wait3A_121 : memref<4096xi32, #tpu.memory_space<hbm>>) dst(%arg10 : memref<4096xi32, #tpu.memory_space<vmem>>)
      tpu.yield
    }) : () -> ()
    %dma_start3A_17 = arith.constant 8192 : i32
    %dma_start3A_18 = tpu.memref_slice %arg9[%dma_start3A_17] : memref<53248xi32, #tpu.memory_space<vmem>> -> memref<4096xi32, #tpu.memory_space<vmem>>
    %dma_start3A_19 = arith.constant 0 : i32
    %dma_start3A_20 = tpu.memref_slice %arg4[%dma_start3A_19] : memref<8388608xi32, #tpu.memory_space<hbm>> -> memref<8388608xi32, #tpu.memory_space<hbm>>
    tpu.enqueue_indirect_dma source(%dma_start3A_20 : memref<8388608xi32, #tpu.memory_space<hbm>>) target(%dma_start3A_18 : memref<4096xi32, #tpu.memory_space<vmem>>) offsets(%arg10 : memref<4096xi32, #tpu.memory_space<vmem>>) semaphore(%arg19 : memref<!tpu.dma_semaphore, #tpu.memory_space<semaphore_mem>>)
    %dma_wait3A_21 = arith.constant 4096 : i32
    %dma_wait3A_22 = tpu.memref_slice %arg9[%dma_wait3A_21] : memref<53248xi32, #tpu.memory_space<vmem>> -> memref<4096xi32, #tpu.memory_space<vmem>>
    %dma_wait3A_23 = arith.constant 0 : i32
    %dma_wait3A_24 = tpu.memref_slice %arg4[%dma_wait3A_23] : memref<8388608xi32, #tpu.memory_space<hbm>> -> memref<8388608xi32, #tpu.memory_space<hbm>>
    tpu.wait_indirect_dma semaphore(%arg20 : memref<!tpu.dma_semaphore, #tpu.memory_space<semaphore_mem>>) src(%dma_wait3A_24 : memref<8388608xi32, #tpu.memory_space<hbm>>) dst(%dma_wait3A_22 : memref<4096xi32, #tpu.memory_space<vmem>>)
    "tpu.region"() ({
      %run_scoped3A = tpu.sem_alloc : memref<!tpu.dma_semaphore, #tpu.memory_space<semaphore_mem>>
      %dma_start3A_114 = arith.constant 12288 : i32
      %dma_start3A_115 = tpu.memref_slice %arg5[%dma_start3A_114] : memref<53248xi32, #tpu.memory_space<hbm>> -> memref<4096xi32, #tpu.memory_space<hbm>>
      %dma_start3A_116 = arith.constant 12288 : i32
      %dma_start3A_117 = tpu.memref_slice %arg5[%dma_start3A_116] : memref<53248xi32, #tpu.memory_space<hbm>> -> memref<4096xi32, #tpu.memory_space<hbm>>
      tpu.enqueue_dma source(%dma_start3A_117 : memref<4096xi32, #tpu.memory_space<hbm>>) target(%arg11 : memref<4096xi32, #tpu.memory_space<vmem>>) target_semaphore(%run_scoped3A : memref<!tpu.dma_semaphore, #tpu.memory_space<semaphore_mem>>)
      %dma_wait3A_118 = arith.constant 12288 : i32
      %dma_wait3A_119 = tpu.memref_slice %arg5[%dma_wait3A_118] : memref<53248xi32, #tpu.memory_space<hbm>> -> memref<4096xi32, #tpu.memory_space<hbm>>
      %dma_wait3A_120 = arith.constant 12288 : i32
      %dma_wait3A_121 = tpu.memref_slice %arg5[%dma_wait3A_120] : memref<53248xi32, #tpu.memory_space<hbm>> -> memref<4096xi32, #tpu.memory_space<hbm>>
      tpu.wait_dma2 semaphore(%run_scoped3A : memref<!tpu.dma_semaphore, #tpu.memory_space<semaphore_mem>>) src(%dma_wait3A_121 : memref<4096xi32, #tpu.memory_space<hbm>>) dst(%arg11 : memref<4096xi32, #tpu.memory_space<vmem>>)
      tpu.yield
    }) : () -> ()
    %dma_start3A_25 = arith.constant 12288 : i32
    %dma_start3A_26 = tpu.memref_slice %arg9[%dma_start3A_25] : memref<53248xi32, #tpu.memory_space<vmem>> -> memref<4096xi32, #tpu.memory_space<vmem>>
    %dma_start3A_27 = arith.constant 0 : i32
    %dma_start3A_28 = tpu.memref_slice %arg4[%dma_start3A_27] : memref<8388608xi32, #tpu.memory_space<hbm>> -> memref<8388608xi32, #tpu.memory_space<hbm>>
    tpu.enqueue_indirect_dma source(%dma_start3A_28 : memref<8388608xi32, #tpu.memory_space<hbm>>) target(%dma_start3A_26 : memref<4096xi32, #tpu.memory_space<vmem>>) offsets(%arg11 : memref<4096xi32, #tpu.memory_space<vmem>>) semaphore(%arg20 : memref<!tpu.dma_semaphore, #tpu.memory_space<semaphore_mem>>)
    %dma_wait3A_29 = arith.constant 8192 : i32
    %dma_wait3A_30 = tpu.memref_slice %arg9[%dma_wait3A_29] : memref<53248xi32, #tpu.memory_space<vmem>> -> memref<4096xi32, #tpu.memory_space<vmem>>
    %dma_wait3A_31 = arith.constant 0 : i32
    %dma_wait3A_32 = tpu.memref_slice %arg4[%dma_wait3A_31] : memref<8388608xi32, #tpu.memory_space<hbm>> -> memref<8388608xi32, #tpu.memory_space<hbm>>
    tpu.wait_indirect_dma semaphore(%arg19 : memref<!tpu.dma_semaphore, #tpu.memory_space<semaphore_mem>>) src(%dma_wait3A_32 : memref<8388608xi32, #tpu.memory_space<hbm>>) dst(%dma_wait3A_30 : memref<4096xi32, #tpu.memory_space<vmem>>)
    "tpu.region"() ({
      %run_scoped3A = tpu.sem_alloc : memref<!tpu.dma_semaphore, #tpu.memory_space<semaphore_mem>>
      %dma_start3A_114 = arith.constant 16384 : i32
      %dma_start3A_115 = tpu.memref_slice %arg5[%dma_start3A_114] : memref<53248xi32, #tpu.memory_space<hbm>> -> memref<4096xi32, #tpu.memory_space<hbm>>
      %dma_start3A_116 = arith.constant 16384 : i32
      %dma_start3A_117 = tpu.memref_slice %arg5[%dma_start3A_116] : memref<53248xi32, #tpu.memory_space<hbm>> -> memref<4096xi32, #tpu.memory_space<hbm>>
      tpu.enqueue_dma source(%dma_start3A_117 : memref<4096xi32, #tpu.memory_space<hbm>>) target(%arg10 : memref<4096xi32, #tpu.memory_space<vmem>>) target_semaphore(%run_scoped3A : memref<!tpu.dma_semaphore, #tpu.memory_space<semaphore_mem>>)
      %dma_wait3A_118 = arith.constant 16384 : i32
      %dma_wait3A_119 = tpu.memref_slice %arg5[%dma_wait3A_118] : memref<53248xi32, #tpu.memory_space<hbm>> -> memref<4096xi32, #tpu.memory_space<hbm>>
      %dma_wait3A_120 = arith.constant 16384 : i32
      %dma_wait3A_121 = tpu.memref_slice %arg5[%dma_wait3A_120] : memref<53248xi32, #tpu.memory_space<hbm>> -> memref<4096xi32, #tpu.memory_space<hbm>>
      tpu.wait_dma2 semaphore(%run_scoped3A : memref<!tpu.dma_semaphore, #tpu.memory_space<semaphore_mem>>) src(%dma_wait3A_121 : memref<4096xi32, #tpu.memory_space<hbm>>) dst(%arg10 : memref<4096xi32, #tpu.memory_space<vmem>>)
      tpu.yield
    }) : () -> ()
    %dma_start3A_33 = arith.constant 16384 : i32
    %dma_start3A_34 = tpu.memref_slice %arg9[%dma_start3A_33] : memref<53248xi32, #tpu.memory_space<vmem>> -> memref<4096xi32, #tpu.memory_space<vmem>>
    %dma_start3A_35 = arith.constant 0 : i32
    %dma_start3A_36 = tpu.memref_slice %arg4[%dma_start3A_35] : memref<8388608xi32, #tpu.memory_space<hbm>> -> memref<8388608xi32, #tpu.memory_space<hbm>>
    tpu.enqueue_indirect_dma source(%dma_start3A_36 : memref<8388608xi32, #tpu.memory_space<hbm>>) target(%dma_start3A_34 : memref<4096xi32, #tpu.memory_space<vmem>>) offsets(%arg10 : memref<4096xi32, #tpu.memory_space<vmem>>) semaphore(%arg19 : memref<!tpu.dma_semaphore, #tpu.memory_space<semaphore_mem>>)
    %dma_wait3A_37 = arith.constant 12288 : i32
    %dma_wait3A_38 = tpu.memref_slice %arg9[%dma_wait3A_37] : memref<53248xi32, #tpu.memory_space<vmem>> -> memref<4096xi32, #tpu.memory_space<vmem>>
    %dma_wait3A_39 = arith.constant 0 : i32
    %dma_wait3A_40 = tpu.memref_slice %arg4[%dma_wait3A_39] : memref<8388608xi32, #tpu.memory_space<hbm>> -> memref<8388608xi32, #tpu.memory_space<hbm>>
    tpu.wait_indirect_dma semaphore(%arg20 : memref<!tpu.dma_semaphore, #tpu.memory_space<semaphore_mem>>) src(%dma_wait3A_40 : memref<8388608xi32, #tpu.memory_space<hbm>>) dst(%dma_wait3A_38 : memref<4096xi32, #tpu.memory_space<vmem>>)
    "tpu.region"() ({
      %run_scoped3A = tpu.sem_alloc : memref<!tpu.dma_semaphore, #tpu.memory_space<semaphore_mem>>
      %dma_start3A_114 = arith.constant 20480 : i32
      %dma_start3A_115 = tpu.memref_slice %arg5[%dma_start3A_114] : memref<53248xi32, #tpu.memory_space<hbm>> -> memref<4096xi32, #tpu.memory_space<hbm>>
      %dma_start3A_116 = arith.constant 20480 : i32
      %dma_start3A_117 = tpu.memref_slice %arg5[%dma_start3A_116] : memref<53248xi32, #tpu.memory_space<hbm>> -> memref<4096xi32, #tpu.memory_space<hbm>>
      tpu.enqueue_dma source(%dma_start3A_117 : memref<4096xi32, #tpu.memory_space<hbm>>) target(%arg11 : memref<4096xi32, #tpu.memory_space<vmem>>) target_semaphore(%run_scoped3A : memref<!tpu.dma_semaphore, #tpu.memory_space<semaphore_mem>>)
      %dma_wait3A_118 = arith.constant 20480 : i32
      %dma_wait3A_119 = tpu.memref_slice %arg5[%dma_wait3A_118] : memref<53248xi32, #tpu.memory_space<hbm>> -> memref<4096xi32, #tpu.memory_space<hbm>>
      %dma_wait3A_120 = arith.constant 20480 : i32
      %dma_wait3A_121 = tpu.memref_slice %arg5[%dma_wait3A_120] : memref<53248xi32, #tpu.memory_space<hbm>> -> memref<4096xi32, #tpu.memory_space<hbm>>
      tpu.wait_dma2 semaphore(%run_scoped3A : memref<!tpu.dma_semaphore, #tpu.memory_space<semaphore_mem>>) src(%dma_wait3A_121 : memref<4096xi32, #tpu.memory_space<hbm>>) dst(%arg11 : memref<4096xi32, #tpu.memory_space<vmem>>)
      tpu.yield
    }) : () -> ()
    %dma_start3A_41 = arith.constant 20480 : i32
    %dma_start3A_42 = tpu.memref_slice %arg9[%dma_start3A_41] : memref<53248xi32, #tpu.memory_space<vmem>> -> memref<4096xi32, #tpu.memory_space<vmem>>
    %dma_start3A_43 = arith.constant 0 : i32
    %dma_start3A_44 = tpu.memref_slice %arg4[%dma_start3A_43] : memref<8388608xi32, #tpu.memory_space<hbm>> -> memref<8388608xi32, #tpu.memory_space<hbm>>
    tpu.enqueue_indirect_dma source(%dma_start3A_44 : memref<8388608xi32, #tpu.memory_space<hbm>>) target(%dma_start3A_42 : memref<4096xi32, #tpu.memory_space<vmem>>) offsets(%arg11 : memref<4096xi32, #tpu.memory_space<vmem>>) semaphore(%arg20 : memref<!tpu.dma_semaphore, #tpu.memory_space<semaphore_mem>>)
    %dma_wait3A_45 = arith.constant 16384 : i32
    %dma_wait3A_46 = tpu.memref_slice %arg9[%dma_wait3A_45] : memref<53248xi32, #tpu.memory_space<vmem>> -> memref<4096xi32, #tpu.memory_space<vmem>>
    %dma_wait3A_47 = arith.constant 0 : i32
    %dma_wait3A_48 = tpu.memref_slice %arg4[%dma_wait3A_47] : memref<8388608xi32, #tpu.memory_space<hbm>> -> memref<8388608xi32, #tpu.memory_space<hbm>>
    tpu.wait_indirect_dma semaphore(%arg19 : memref<!tpu.dma_semaphore, #tpu.memory_space<semaphore_mem>>) src(%dma_wait3A_48 : memref<8388608xi32, #tpu.memory_space<hbm>>) dst(%dma_wait3A_46 : memref<4096xi32, #tpu.memory_space<vmem>>)
    "tpu.region"() ({
      %run_scoped3A = tpu.sem_alloc : memref<!tpu.dma_semaphore, #tpu.memory_space<semaphore_mem>>
      %dma_start3A_114 = arith.constant 24576 : i32
      %dma_start3A_115 = tpu.memref_slice %arg5[%dma_start3A_114] : memref<53248xi32, #tpu.memory_space<hbm>> -> memref<4096xi32, #tpu.memory_space<hbm>>
      %dma_start3A_116 = arith.constant 24576 : i32
      %dma_start3A_117 = tpu.memref_slice %arg5[%dma_start3A_116] : memref<53248xi32, #tpu.memory_space<hbm>> -> memref<4096xi32, #tpu.memory_space<hbm>>
      tpu.enqueue_dma source(%dma_start3A_117 : memref<4096xi32, #tpu.memory_space<hbm>>) target(%arg10 : memref<4096xi32, #tpu.memory_space<vmem>>) target_semaphore(%run_scoped3A : memref<!tpu.dma_semaphore, #tpu.memory_space<semaphore_mem>>)
      %dma_wait3A_118 = arith.constant 24576 : i32
      %dma_wait3A_119 = tpu.memref_slice %arg5[%dma_wait3A_118] : memref<53248xi32, #tpu.memory_space<hbm>> -> memref<4096xi32, #tpu.memory_space<hbm>>
      %dma_wait3A_120 = arith.constant 24576 : i32
      %dma_wait3A_121 = tpu.memref_slice %arg5[%dma_wait3A_120] : memref<53248xi32, #tpu.memory_space<hbm>> -> memref<4096xi32, #tpu.memory_space<hbm>>
      tpu.wait_dma2 semaphore(%run_scoped3A : memref<!tpu.dma_semaphore, #tpu.memory_space<semaphore_mem>>) src(%dma_wait3A_121 : memref<4096xi32, #tpu.memory_space<hbm>>) dst(%arg10 : memref<4096xi32, #tpu.memory_space<vmem>>)
      tpu.yield
    }) : () -> ()
    %dma_start3A_49 = arith.constant 24576 : i32
    %dma_start3A_50 = tpu.memref_slice %arg9[%dma_start3A_49] : memref<53248xi32, #tpu.memory_space<vmem>> -> memref<4096xi32, #tpu.memory_space<vmem>>
    %dma_start3A_51 = arith.constant 0 : i32
    %dma_start3A_52 = tpu.memref_slice %arg4[%dma_start3A_51] : memref<8388608xi32, #tpu.memory_space<hbm>> -> memref<8388608xi32, #tpu.memory_space<hbm>>
    tpu.enqueue_indirect_dma source(%dma_start3A_52 : memref<8388608xi32, #tpu.memory_space<hbm>>) target(%dma_start3A_50 : memref<4096xi32, #tpu.memory_space<vmem>>) offsets(%arg10 : memref<4096xi32, #tpu.memory_space<vmem>>) semaphore(%arg19 : memref<!tpu.dma_semaphore, #tpu.memory_space<semaphore_mem>>)
    %dma_wait3A_53 = arith.constant 20480 : i32
    %dma_wait3A_54 = tpu.memref_slice %arg9[%dma_wait3A_53] : memref<53248xi32, #tpu.memory_space<vmem>> -> memref<4096xi32, #tpu.memory_space<vmem>>
    %dma_wait3A_55 = arith.constant 0 : i32
    %dma_wait3A_56 = tpu.memref_slice %arg4[%dma_wait3A_55] : memref<8388608xi32, #tpu.memory_space<hbm>> -> memref<8388608xi32, #tpu.memory_space<hbm>>
    tpu.wait_indirect_dma semaphore(%arg20 : memref<!tpu.dma_semaphore, #tpu.memory_space<semaphore_mem>>) src(%dma_wait3A_56 : memref<8388608xi32, #tpu.memory_space<hbm>>) dst(%dma_wait3A_54 : memref<4096xi32, #tpu.memory_space<vmem>>)
    "tpu.region"() ({
      %run_scoped3A = tpu.sem_alloc : memref<!tpu.dma_semaphore, #tpu.memory_space<semaphore_mem>>
      %dma_start3A_114 = arith.constant 28672 : i32
      %dma_start3A_115 = tpu.memref_slice %arg5[%dma_start3A_114] : memref<53248xi32, #tpu.memory_space<hbm>> -> memref<4096xi32, #tpu.memory_space<hbm>>
      %dma_start3A_116 = arith.constant 28672 : i32
      %dma_start3A_117 = tpu.memref_slice %arg5[%dma_start3A_116] : memref<53248xi32, #tpu.memory_space<hbm>> -> memref<4096xi32, #tpu.memory_space<hbm>>
      tpu.enqueue_dma source(%dma_start3A_117 : memref<4096xi32, #tpu.memory_space<hbm>>) target(%arg11 : memref<4096xi32, #tpu.memory_space<vmem>>) target_semaphore(%run_scoped3A : memref<!tpu.dma_semaphore, #tpu.memory_space<semaphore_mem>>)
      %dma_wait3A_118 = arith.constant 28672 : i32
      %dma_wait3A_119 = tpu.memref_slice %arg5[%dma_wait3A_118] : memref<53248xi32, #tpu.memory_space<hbm>> -> memref<4096xi32, #tpu.memory_space<hbm>>
      %dma_wait3A_120 = arith.constant 28672 : i32
      %dma_wait3A_121 = tpu.memref_slice %arg5[%dma_wait3A_120] : memref<53248xi32, #tpu.memory_space<hbm>> -> memref<4096xi32, #tpu.memory_space<hbm>>
      tpu.wait_dma2 semaphore(%run_scoped3A : memref<!tpu.dma_semaphore, #tpu.memory_space<semaphore_mem>>) src(%dma_wait3A_121 : memref<4096xi32, #tpu.memory_space<hbm>>) dst(%arg11 : memref<4096xi32, #tpu.memory_space<vmem>>)
      tpu.yield
    }) : () -> ()
    %dma_start3A_57 = arith.constant 28672 : i32
    %dma_start3A_58 = tpu.memref_slice %arg9[%dma_start3A_57] : memref<53248xi32, #tpu.memory_space<vmem>> -> memref<4096xi32, #tpu.memory_space<vmem>>
    %dma_start3A_59 = arith.constant 0 : i32
    %dma_start3A_60 = tpu.memref_slice %arg4[%dma_start3A_59] : memref<8388608xi32, #tpu.memory_space<hbm>> -> memref<8388608xi32, #tpu.memory_space<hbm>>
    tpu.enqueue_indirect_dma source(%dma_start3A_60 : memref<8388608xi32, #tpu.memory_space<hbm>>) target(%dma_start3A_58 : memref<4096xi32, #tpu.memory_space<vmem>>) offsets(%arg11 : memref<4096xi32, #tpu.memory_space<vmem>>) semaphore(%arg20 : memref<!tpu.dma_semaphore, #tpu.memory_space<semaphore_mem>>)
    %dma_wait3A_61 = arith.constant 24576 : i32
    %dma_wait3A_62 = tpu.memref_slice %arg9[%dma_wait3A_61] : memref<53248xi32, #tpu.memory_space<vmem>> -> memref<4096xi32, #tpu.memory_space<vmem>>
    %dma_wait3A_63 = arith.constant 0 : i32
    %dma_wait3A_64 = tpu.memref_slice %arg4[%dma_wait3A_63] : memref<8388608xi32, #tpu.memory_space<hbm>> -> memref<8388608xi32, #tpu.memory_space<hbm>>
    tpu.wait_indirect_dma semaphore(%arg19 : memref<!tpu.dma_semaphore, #tpu.memory_space<semaphore_mem>>) src(%dma_wait3A_64 : memref<8388608xi32, #tpu.memory_space<hbm>>) dst(%dma_wait3A_62 : memref<4096xi32, #tpu.memory_space<vmem>>)
    "tpu.region"() ({
      %run_scoped3A = tpu.sem_alloc : memref<!tpu.dma_semaphore, #tpu.memory_space<semaphore_mem>>
      %dma_start3A_114 = arith.constant 32768 : i32
      %dma_start3A_115 = tpu.memref_slice %arg5[%dma_start3A_114] : memref<53248xi32, #tpu.memory_space<hbm>> -> memref<4096xi32, #tpu.memory_space<hbm>>
      %dma_start3A_116 = arith.constant 32768 : i32
      %dma_start3A_117 = tpu.memref_slice %arg5[%dma_start3A_116] : memref<53248xi32, #tpu.memory_space<hbm>> -> memref<4096xi32, #tpu.memory_space<hbm>>
      tpu.enqueue_dma source(%dma_start3A_117 : memref<4096xi32, #tpu.memory_space<hbm>>) target(%arg10 : memref<4096xi32, #tpu.memory_space<vmem>>) target_semaphore(%run_scoped3A : memref<!tpu.dma_semaphore, #tpu.memory_space<semaphore_mem>>)
      %dma_wait3A_118 = arith.constant 32768 : i32
      %dma_wait3A_119 = tpu.memref_slice %arg5[%dma_wait3A_118] : memref<53248xi32, #tpu.memory_space<hbm>> -> memref<4096xi32, #tpu.memory_space<hbm>>
      %dma_wait3A_120 = arith.constant 32768 : i32
      %dma_wait3A_121 = tpu.memref_slice %arg5[%dma_wait3A_120] : memref<53248xi32, #tpu.memory_space<hbm>> -> memref<4096xi32, #tpu.memory_space<hbm>>
      tpu.wait_dma2 semaphore(%run_scoped3A : memref<!tpu.dma_semaphore, #tpu.memory_space<semaphore_mem>>) src(%dma_wait3A_121 : memref<4096xi32, #tpu.memory_space<hbm>>) dst(%arg10 : memref<4096xi32, #tpu.memory_space<vmem>>)
      tpu.yield
    }) : () -> ()
    %dma_start3A_65 = arith.constant 32768 : i32
    %dma_start3A_66 = tpu.memref_slice %arg9[%dma_start3A_65] : memref<53248xi32, #tpu.memory_space<vmem>> -> memref<4096xi32, #tpu.memory_space<vmem>>
    %dma_start3A_67 = arith.constant 0 : i32
    %dma_start3A_68 = tpu.memref_slice %arg4[%dma_start3A_67] : memref<8388608xi32, #tpu.memory_space<hbm>> -> memref<8388608xi32, #tpu.memory_space<hbm>>
    tpu.enqueue_indirect_dma source(%dma_start3A_68 : memref<8388608xi32, #tpu.memory_space<hbm>>) target(%dma_start3A_66 : memref<4096xi32, #tpu.memory_space<vmem>>) offsets(%arg10 : memref<4096xi32, #tpu.memory_space<vmem>>) semaphore(%arg19 : memref<!tpu.dma_semaphore, #tpu.memory_space<semaphore_mem>>)
    %dma_wait3A_69 = arith.constant 28672 : i32
    %dma_wait3A_70 = tpu.memref_slice %arg9[%dma_wait3A_69] : memref<53248xi32, #tpu.memory_space<vmem>> -> memref<4096xi32, #tpu.memory_space<vmem>>
    %dma_wait3A_71 = arith.constant 0 : i32
    %dma_wait3A_72 = tpu.memref_slice %arg4[%dma_wait3A_71] : memref<8388608xi32, #tpu.memory_space<hbm>> -> memref<8388608xi32, #tpu.memory_space<hbm>>
    tpu.wait_indirect_dma semaphore(%arg20 : memref<!tpu.dma_semaphore, #tpu.memory_space<semaphore_mem>>) src(%dma_wait3A_72 : memref<8388608xi32, #tpu.memory_space<hbm>>) dst(%dma_wait3A_70 : memref<4096xi32, #tpu.memory_space<vmem>>)
    "tpu.region"() ({
      %run_scoped3A = tpu.sem_alloc : memref<!tpu.dma_semaphore, #tpu.memory_space<semaphore_mem>>
      %dma_start3A_114 = arith.constant 36864 : i32
      %dma_start3A_115 = tpu.memref_slice %arg5[%dma_start3A_114] : memref<53248xi32, #tpu.memory_space<hbm>> -> memref<4096xi32, #tpu.memory_space<hbm>>
      %dma_start3A_116 = arith.constant 36864 : i32
      %dma_start3A_117 = tpu.memref_slice %arg5[%dma_start3A_116] : memref<53248xi32, #tpu.memory_space<hbm>> -> memref<4096xi32, #tpu.memory_space<hbm>>
      tpu.enqueue_dma source(%dma_start3A_117 : memref<4096xi32, #tpu.memory_space<hbm>>) target(%arg11 : memref<4096xi32, #tpu.memory_space<vmem>>) target_semaphore(%run_scoped3A : memref<!tpu.dma_semaphore, #tpu.memory_space<semaphore_mem>>)
      %dma_wait3A_118 = arith.constant 36864 : i32
      %dma_wait3A_119 = tpu.memref_slice %arg5[%dma_wait3A_118] : memref<53248xi32, #tpu.memory_space<hbm>> -> memref<4096xi32, #tpu.memory_space<hbm>>
      %dma_wait3A_120 = arith.constant 36864 : i32
      %dma_wait3A_121 = tpu.memref_slice %arg5[%dma_wait3A_120] : memref<53248xi32, #tpu.memory_space<hbm>> -> memref<4096xi32, #tpu.memory_space<hbm>>
      tpu.wait_dma2 semaphore(%run_scoped3A : memref<!tpu.dma_semaphore, #tpu.memory_space<semaphore_mem>>) src(%dma_wait3A_121 : memref<4096xi32, #tpu.memory_space<hbm>>) dst(%arg11 : memref<4096xi32, #tpu.memory_space<vmem>>)
      tpu.yield
    }) : () -> ()
    %dma_start3A_73 = arith.constant 36864 : i32
    %dma_start3A_74 = tpu.memref_slice %arg9[%dma_start3A_73] : memref<53248xi32, #tpu.memory_space<vmem>> -> memref<4096xi32, #tpu.memory_space<vmem>>
    %dma_start3A_75 = arith.constant 0 : i32
    %dma_start3A_76 = tpu.memref_slice %arg4[%dma_start3A_75] : memref<8388608xi32, #tpu.memory_space<hbm>> -> memref<8388608xi32, #tpu.memory_space<hbm>>
    tpu.enqueue_indirect_dma source(%dma_start3A_76 : memref<8388608xi32, #tpu.memory_space<hbm>>) target(%dma_start3A_74 : memref<4096xi32, #tpu.memory_space<vmem>>) offsets(%arg11 : memref<4096xi32, #tpu.memory_space<vmem>>) semaphore(%arg20 : memref<!tpu.dma_semaphore, #tpu.memory_space<semaphore_mem>>)
    %dma_wait3A_77 = arith.constant 32768 : i32
    %dma_wait3A_78 = tpu.memref_slice %arg9[%dma_wait3A_77] : memref<53248xi32, #tpu.memory_space<vmem>> -> memref<4096xi32, #tpu.memory_space<vmem>>
    %dma_wait3A_79 = arith.constant 0 : i32
    %dma_wait3A_80 = tpu.memref_slice %arg4[%dma_wait3A_79] : memref<8388608xi32, #tpu.memory_space<hbm>> -> memref<8388608xi32, #tpu.memory_space<hbm>>
    tpu.wait_indirect_dma semaphore(%arg19 : memref<!tpu.dma_semaphore, #tpu.memory_space<semaphore_mem>>) src(%dma_wait3A_80 : memref<8388608xi32, #tpu.memory_space<hbm>>) dst(%dma_wait3A_78 : memref<4096xi32, #tpu.memory_space<vmem>>)
    "tpu.region"() ({
      %run_scoped3A = tpu.sem_alloc : memref<!tpu.dma_semaphore, #tpu.memory_space<semaphore_mem>>
      %dma_start3A_114 = arith.constant 40960 : i32
      %dma_start3A_115 = tpu.memref_slice %arg5[%dma_start3A_114] : memref<53248xi32, #tpu.memory_space<hbm>> -> memref<4096xi32, #tpu.memory_space<hbm>>
      %dma_start3A_116 = arith.constant 40960 : i32
      %dma_start3A_117 = tpu.memref_slice %arg5[%dma_start3A_116] : memref<53248xi32, #tpu.memory_space<hbm>> -> memref<4096xi32, #tpu.memory_space<hbm>>
      tpu.enqueue_dma source(%dma_start3A_117 : memref<4096xi32, #tpu.memory_space<hbm>>) target(%arg10 : memref<4096xi32, #tpu.memory_space<vmem>>) target_semaphore(%run_scoped3A : memref<!tpu.dma_semaphore, #tpu.memory_space<semaphore_mem>>)
      %dma_wait3A_118 = arith.constant 40960 : i32
      %dma_wait3A_119 = tpu.memref_slice %arg5[%dma_wait3A_118] : memref<53248xi32, #tpu.memory_space<hbm>> -> memref<4096xi32, #tpu.memory_space<hbm>>
      %dma_wait3A_120 = arith.constant 40960 : i32
      %dma_wait3A_121 = tpu.memref_slice %arg5[%dma_wait3A_120] : memref<53248xi32, #tpu.memory_space<hbm>> -> memref<4096xi32, #tpu.memory_space<hbm>>
      tpu.wait_dma2 semaphore(%run_scoped3A : memref<!tpu.dma_semaphore, #tpu.memory_space<semaphore_mem>>) src(%dma_wait3A_121 : memref<4096xi32, #tpu.memory_space<hbm>>) dst(%arg10 : memref<4096xi32, #tpu.memory_space<vmem>>)
      tpu.yield
    }) : () -> ()
    %dma_start3A_81 = arith.constant 40960 : i32
    %dma_start3A_82 = tpu.memref_slice %arg9[%dma_start3A_81] : memref<53248xi32, #tpu.memory_space<vmem>> -> memref<4096xi32, #tpu.memory_space<vmem>>
    %dma_start3A_83 = arith.constant 0 : i32
    %dma_start3A_84 = tpu.memref_slice %arg4[%dma_start3A_83] : memref<8388608xi32, #tpu.memory_space<hbm>> -> memref<8388608xi32, #tpu.memory_space<hbm>>
    tpu.enqueue_indirect_dma source(%dma_start3A_84 : memref<8388608xi32, #tpu.memory_space<hbm>>) target(%dma_start3A_82 : memref<4096xi32, #tpu.memory_space<vmem>>) offsets(%arg10 : memref<4096xi32, #tpu.memory_space<vmem>>) semaphore(%arg19 : memref<!tpu.dma_semaphore, #tpu.memory_space<semaphore_mem>>)
    %dma_wait3A_85 = arith.constant 36864 : i32
    %dma_wait3A_86 = tpu.memref_slice %arg9[%dma_wait3A_85] : memref<53248xi32, #tpu.memory_space<vmem>> -> memref<4096xi32, #tpu.memory_space<vmem>>
    %dma_wait3A_87 = arith.constant 0 : i32
    %dma_wait3A_88 = tpu.memref_slice %arg4[%dma_wait3A_87] : memref<8388608xi32, #tpu.memory_space<hbm>> -> memref<8388608xi32, #tpu.memory_space<hbm>>
    tpu.wait_indirect_dma semaphore(%arg20 : memref<!tpu.dma_semaphore, #tpu.memory_space<semaphore_mem>>) src(%dma_wait3A_88 : memref<8388608xi32, #tpu.memory_space<hbm>>) dst(%dma_wait3A_86 : memref<4096xi32, #tpu.memory_space<vmem>>)
    "tpu.region"() ({
      %run_scoped3A = tpu.sem_alloc : memref<!tpu.dma_semaphore, #tpu.memory_space<semaphore_mem>>
      %dma_start3A_114 = arith.constant 45056 : i32
      %dma_start3A_115 = tpu.memref_slice %arg5[%dma_start3A_114] : memref<53248xi32, #tpu.memory_space<hbm>> -> memref<4096xi32, #tpu.memory_space<hbm>>
      %dma_start3A_116 = arith.constant 45056 : i32
      %dma_start3A_117 = tpu.memref_slice %arg5[%dma_start3A_116] : memref<53248xi32, #tpu.memory_space<hbm>> -> memref<4096xi32, #tpu.memory_space<hbm>>
      tpu.enqueue_dma source(%dma_start3A_117 : memref<4096xi32, #tpu.memory_space<hbm>>) target(%arg11 : memref<4096xi32, #tpu.memory_space<vmem>>) target_semaphore(%run_scoped3A : memref<!tpu.dma_semaphore, #tpu.memory_space<semaphore_mem>>)
      %dma_wait3A_118 = arith.constant 45056 : i32
      %dma_wait3A_119 = tpu.memref_slice %arg5[%dma_wait3A_118] : memref<53248xi32, #tpu.memory_space<hbm>> -> memref<4096xi32, #tpu.memory_space<hbm>>
      %dma_wait3A_120 = arith.constant 45056 : i32
      %dma_wait3A_121 = tpu.memref_slice %arg5[%dma_wait3A_120] : memref<53248xi32, #tpu.memory_space<hbm>> -> memref<4096xi32, #tpu.memory_space<hbm>>
      tpu.wait_dma2 semaphore(%run_scoped3A : memref<!tpu.dma_semaphore, #tpu.memory_space<semaphore_mem>>) src(%dma_wait3A_121 : memref<4096xi32, #tpu.memory_space<hbm>>) dst(%arg11 : memref<4096xi32, #tpu.memory_space<vmem>>)
      tpu.yield
    }) : () -> ()
    %dma_start3A_89 = arith.constant 45056 : i32
    %dma_start3A_90 = tpu.memref_slice %arg9[%dma_start3A_89] : memref<53248xi32, #tpu.memory_space<vmem>> -> memref<4096xi32, #tpu.memory_space<vmem>>
    %dma_start3A_91 = arith.constant 0 : i32
    %dma_start3A_92 = tpu.memref_slice %arg4[%dma_start3A_91] : memref<8388608xi32, #tpu.memory_space<hbm>> -> memref<8388608xi32, #tpu.memory_space<hbm>>
    tpu.enqueue_indirect_dma source(%dma_start3A_92 : memref<8388608xi32, #tpu.memory_space<hbm>>) target(%dma_start3A_90 : memref<4096xi32, #tpu.memory_space<vmem>>) offsets(%arg11 : memref<4096xi32, #tpu.memory_space<vmem>>) semaphore(%arg20 : memref<!tpu.dma_semaphore, #tpu.memory_space<semaphore_mem>>)
    %dma_wait3A_93 = arith.constant 40960 : i32
    %dma_wait3A_94 = tpu.memref_slice %arg9[%dma_wait3A_93] : memref<53248xi32, #tpu.memory_space<vmem>> -> memref<4096xi32, #tpu.memory_space<vmem>>
    %dma_wait3A_95 = arith.constant 0 : i32
    %dma_wait3A_96 = tpu.memref_slice %arg4[%dma_wait3A_95] : memref<8388608xi32, #tpu.memory_space<hbm>> -> memref<8388608xi32, #tpu.memory_space<hbm>>
    tpu.wait_indirect_dma semaphore(%arg19 : memref<!tpu.dma_semaphore, #tpu.memory_space<semaphore_mem>>) src(%dma_wait3A_96 : memref<8388608xi32, #tpu.memory_space<hbm>>) dst(%dma_wait3A_94 : memref<4096xi32, #tpu.memory_space<vmem>>)
    "tpu.region"() ({
      %run_scoped3A = tpu.sem_alloc : memref<!tpu.dma_semaphore, #tpu.memory_space<semaphore_mem>>
      %dma_start3A_114 = arith.constant 49152 : i32
      %dma_start3A_115 = tpu.memref_slice %arg5[%dma_start3A_114] : memref<53248xi32, #tpu.memory_space<hbm>> -> memref<4096xi32, #tpu.memory_space<hbm>>
      %dma_start3A_116 = arith.constant 49152 : i32
      %dma_start3A_117 = tpu.memref_slice %arg5[%dma_start3A_116] : memref<53248xi32, #tpu.memory_space<hbm>> -> memref<4096xi32, #tpu.memory_space<hbm>>
      tpu.enqueue_dma source(%dma_start3A_117 : memref<4096xi32, #tpu.memory_space<hbm>>) target(%arg10 : memref<4096xi32, #tpu.memory_space<vmem>>) target_semaphore(%run_scoped3A : memref<!tpu.dma_semaphore, #tpu.memory_space<semaphore_mem>>)
      %dma_wait3A_118 = arith.constant 49152 : i32
      %dma_wait3A_119 = tpu.memref_slice %arg5[%dma_wait3A_118] : memref<53248xi32, #tpu.memory_space<hbm>> -> memref<4096xi32, #tpu.memory_space<hbm>>
      %dma_wait3A_120 = arith.constant 49152 : i32
      %dma_wait3A_121 = tpu.memref_slice %arg5[%dma_wait3A_120] : memref<53248xi32, #tpu.memory_space<hbm>> -> memref<4096xi32, #tpu.memory_space<hbm>>
      tpu.wait_dma2 semaphore(%run_scoped3A : memref<!tpu.dma_semaphore, #tpu.memory_space<semaphore_mem>>) src(%dma_wait3A_121 : memref<4096xi32, #tpu.memory_space<hbm>>) dst(%arg10 : memref<4096xi32, #tpu.memory_space<vmem>>)
      tpu.yield
    }) : () -> ()
    %dma_start3A_97 = arith.constant 49152 : i32
    %dma_start3A_98 = tpu.memref_slice %arg9[%dma_start3A_97] : memref<53248xi32, #tpu.memory_space<vmem>> -> memref<4096xi32, #tpu.memory_space<vmem>>
    %dma_start3A_99 = arith.constant 0 : i32
    %dma_start3A_100 = tpu.memref_slice %arg4[%dma_start3A_99] : memref<8388608xi32, #tpu.memory_space<hbm>> -> memref<8388608xi32, #tpu.memory_space<hbm>>
    tpu.enqueue_indirect_dma source(%dma_start3A_100 : memref<8388608xi32, #tpu.memory_space<hbm>>) target(%dma_start3A_98 : memref<4096xi32, #tpu.memory_space<vmem>>) offsets(%arg10 : memref<4096xi32, #tpu.memory_space<vmem>>) semaphore(%arg19 : memref<!tpu.dma_semaphore, #tpu.memory_space<semaphore_mem>>)
    %dma_wait3A_101 = arith.constant 45056 : i32
    %dma_wait3A_102 = tpu.memref_slice %arg9[%dma_wait3A_101] : memref<53248xi32, #tpu.memory_space<vmem>> -> memref<4096xi32, #tpu.memory_space<vmem>>
    %dma_wait3A_103 = arith.constant 0 : i32
    %dma_wait3A_104 = tpu.memref_slice %arg4[%dma_wait3A_103] : memref<8388608xi32, #tpu.memory_space<hbm>> -> memref<8388608xi32, #tpu.memory_space<hbm>>
    tpu.wait_indirect_dma semaphore(%arg20 : memref<!tpu.dma_semaphore, #tpu.memory_space<semaphore_mem>>) src(%dma_wait3A_104 : memref<8388608xi32, #tpu.memory_space<hbm>>) dst(%dma_wait3A_102 : memref<4096xi32, #tpu.memory_space<vmem>>)
    %dma_wait3A_105 = arith.constant 49152 : i32
    %dma_wait3A_106 = tpu.memref_slice %arg9[%dma_wait3A_105] : memref<53248xi32, #tpu.memory_space<vmem>> -> memref<4096xi32, #tpu.memory_space<vmem>>
    %dma_wait3A_107 = arith.constant 0 : i32
    %dma_wait3A_108 = tpu.memref_slice %arg4[%dma_wait3A_107] : memref<8388608xi32, #tpu.memory_space<hbm>> -> memref<8388608xi32, #tpu.memory_space<hbm>>
    tpu.wait_indirect_dma semaphore(%arg19 : memref<!tpu.dma_semaphore, #tpu.memory_space<semaphore_mem>>) src(%dma_wait3A_108 : memref<8388608xi32, #tpu.memory_space<hbm>>) dst(%dma_wait3A_106 : memref<4096xi32, #tpu.memory_space<vmem>>)
    %scan3A = arith.constant -65536 : i32
    %scan3A_109 = arith.constant 0 : i32
    %scan3A_110 = arith.constant 32 : i32
    %scan3A_111 = arith.addi %scan3A_109, %scan3A_110 : i32
    %scan3A_112 = arith.constant 1 : i32
    scf.for %scan3A_114 = %scan3A_109 to %scan3A_111 step %scan3A_112  : i32 {
      %mul3A_115 = arith.constant 1 : i32
      %mul3A_116 = arith.muli %scan3A_114, %mul3A_115 : i32
      %add3A_117 = arith.constant 0 : i32
      %add3A_118 = arith.addi %add3A_117, %mul3A_116 : i32
      %mul3A_119 = arith.constant 32768 : i32
      %mul3A_120 = arith.muli %add3A, %mul3A_119 : i32
      %mul3A_121 = arith.constant 1024 : i32
      %mul3A_122 = arith.muli %add3A_118, %mul3A_121 : i32
      %add3A_123 = arith.addi %mul3A_120, %mul3A_122 : i32
      "tpu.region"() ({
        %run_scoped3A = tpu.sem_alloc : memref<!tpu.dma_semaphore, #tpu.memory_space<semaphore_mem>>
        %dma_start3A_278 = tpu.memref_slice %arg2[%add3A_123] : memref<1048576xf32, #tpu.memory_space<hbm>> -> memref<1024xf32, #tpu.memory_space<hbm>>
        %dma_start3A_279 = tpu.memref_slice %arg2[%add3A_123] : memref<1048576xf32, #tpu.memory_space<hbm>> -> memref<1024xf32, #tpu.memory_space<hbm>>
        tpu.enqueue_dma source(%dma_start3A_279 : memref<1024xf32, #tpu.memory_space<hbm>>) target(%arg7 : memref<1024xf32, #tpu.memory_space<vmem>>) target_semaphore(%run_scoped3A : memref<!tpu.dma_semaphore, #tpu.memory_space<semaphore_mem>>)
        %dma_wait3A_280 = tpu.memref_slice %arg2[%add3A_123] : memref<1048576xf32, #tpu.memory_space<hbm>> -> memref<1024xf32, #tpu.memory_space<hbm>>
        %dma_wait3A_281 = tpu.memref_slice %arg2[%add3A_123] : memref<1048576xf32, #tpu.memory_space<hbm>> -> memref<1024xf32, #tpu.memory_space<hbm>>
        tpu.wait_dma2 semaphore(%run_scoped3A : memref<!tpu.dma_semaphore, #tpu.memory_space<semaphore_mem>>) src(%dma_wait3A_281 : memref<1024xf32, #tpu.memory_space<hbm>>) dst(%arg7 : memref<1024xf32, #tpu.memory_space<vmem>>)
        tpu.yield
      }) : () -> ()
      "tpu.region"() ({
        %run_scoped3A = tpu.sem_alloc : memref<!tpu.dma_semaphore, #tpu.memory_space<semaphore_mem>>
        %dma_start3A_278 = tpu.memref_slice %arg3[%add3A_123] : memref<1048576xf32, #tpu.memory_space<hbm>> -> memref<1024xf32, #tpu.memory_space<hbm>>
        %dma_start3A_279 = tpu.memref_slice %arg3[%add3A_123] : memref<1048576xf32, #tpu.memory_space<hbm>> -> memref<1024xf32, #tpu.memory_space<hbm>>
        tpu.enqueue_dma source(%dma_start3A_279 : memref<1024xf32, #tpu.memory_space<hbm>>) target(%arg8 : memref<1024xf32, #tpu.memory_space<vmem>>) target_semaphore(%run_scoped3A : memref<!tpu.dma_semaphore, #tpu.memory_space<semaphore_mem>>)
        %dma_wait3A_280 = tpu.memref_slice %arg3[%add3A_123] : memref<1048576xf32, #tpu.memory_space<hbm>> -> memref<1024xf32, #tpu.memory_space<hbm>>
        %dma_wait3A_281 = tpu.memref_slice %arg3[%add3A_123] : memref<1048576xf32, #tpu.memory_space<hbm>> -> memref<1024xf32, #tpu.memory_space<hbm>>
        tpu.wait_dma2 semaphore(%run_scoped3A : memref<!tpu.dma_semaphore, #tpu.memory_space<semaphore_mem>>) src(%dma_wait3A_281 : memref<1024xf32, #tpu.memory_space<hbm>>) dst(%arg8 : memref<1024xf32, #tpu.memory_space<vmem>>)
        tpu.yield
      }) : () -> ()
      %scan3A_124 = arith.constant 0 : i32
      %scan3A_125 = arith.constant 64 : i32
      %scan3A_126 = arith.addi %scan3A_124, %scan3A_125 : i32
      %scan3A_127 = arith.constant 1 : i32
      scf.for %scan3A_278 = %scan3A_124 to %scan3A_126 step %scan3A_127  : i32 {
        %mul3A_279 = arith.constant 1 : i32
        %mul3A_280 = arith.muli %scan3A_278, %mul3A_279 : i32
        %add3A_281 = arith.constant 0 : i32
        %add3A_282 = arith.addi %add3A_281, %mul3A_280 : i32
        %mul3A_283 = arith.constant 16 : i32
        %mul3A_284 = arith.muli %add3A_282, %mul3A_283 : i32
        %get3A = arith.index_cast %mul3A_284 : i32 to index
        %get3A_285 = tpu.vector_load %arg7[%get3A] {strides = array<i32>} : memref<1024xf32, #tpu.memory_space<vmem>>, vector<16xf32>,
        %mul3A_286 = arith.constant 1.050000e+02 : f32
        %mul3A_287 = vector.broadcast %mul3A_286 : f32 to vector<16xf32>
        %mul3A_288 = arith.mulf %get3A_285, %mul3A_287 : vector<16xf32>
        %add3A_289 = arith.constant 1.050000e+02 : f32
        %add3A_290 = vector.broadcast %add3A_289 : f32 to vector<16xf32>
        %add3A_291 = arith.addf %mul3A_288, %add3A_290 : vector<16xf32>
        %get3A_292 = arith.index_cast %mul3A_284 : i32 to index
        %get3A_293 = tpu.vector_load %arg8[%get3A_292] {strides = array<i32>} : memref<1024xf32, #tpu.memory_space<vmem>>, vector<16xf32>,
        %mul3A_294 = arith.constant 1.050000e+02 : f32
        %mul3A_295 = vector.broadcast %mul3A_294 : f32 to vector<16xf32>
        %mul3A_296 = arith.mulf %get3A_293, %mul3A_295 : vector<16xf32>
        %add3A_297 = arith.constant 1.050000e+02 : f32
        %add3A_298 = vector.broadcast %add3A_297 : f32 to vector<16xf32>
        %add3A_299 = arith.addf %mul3A_296, %add3A_298 : vector<16xf32>
        %convert_element_type3A = arith.fptosi %add3A_291 : vector<16xf32> to vector<16xi32>
        %convert_element_type3A_300 = arith.fptosi %add3A_299 : vector<16xf32> to vector<16xi32>
        %convert_element_type3A_301 = arith.sitofp %convert_element_type3A : vector<16xi32> to vector<16xf32>
        %sub3A = arith.subf %add3A_291, %convert_element_type3A_301 : vector<16xf32>
        %swap3A = arith.index_cast %mul3A_284 : i32 to index
        %swap3A_302 = tpu.vector_load %arg14[%swap3A] {strides = array<i32>} : memref<1024xf32, #tpu.memory_space<vmem>>, vector<16xf32>,
        tpu.vector_store %arg14[%swap3A], %sub3A {strides = array<i32>} : memref<1024xf32, #tpu.memory_space<vmem>>, vector<16xf32>,
        %convert_element_type3A_303 = arith.sitofp %convert_element_type3A_300 : vector<16xi32> to vector<16xf32>
        %sub3A_304 = arith.subf %add3A_299, %convert_element_type3A_303 : vector<16xf32>
        %swap3A_305 = arith.index_cast %mul3A_284 : i32 to index
        %swap3A_306 = tpu.vector_load %arg16[%swap3A_305] {strides = array<i32>} : memref<1024xf32, #tpu.memory_space<vmem>>, vector<16xf32>,
        tpu.vector_store %arg16[%swap3A_305], %sub3A_304 {strides = array<i32>} : memref<1024xf32, #tpu.memory_space<vmem>>, vector<16xf32>,
        %mul3A_307 = arith.constant -1640531535 : i32
        %mul3A_308 = vector.broadcast %mul3A_307 : i32 to vector<16xi32>
        %mul3A_309 = arith.muli %convert_element_type3A, %mul3A_308 : vector<16xi32>
        %add3A_310 = arith.constant -1640531535 : i32
        %add3A_311 = vector.broadcast %add3A_310 : i32 to vector<16xi32>
        %add3A_312 = arith.addi %mul3A_309, %add3A_311 : vector<16xi32>
        %mul3A_313 = arith.constant 805459861 : i32
        %mul3A_314 = vector.broadcast %mul3A_313 : i32 to vector<16xi32>
        %mul3A_315 = arith.muli %convert_element_type3A_300, %mul3A_314 : vector<16xi32>
        %add3A_316 = arith.constant 805459861 : i32
        %add3A_317 = vector.broadcast %add3A_316 : i32 to vector<16xi32>
        %add3A_318 = arith.addi %mul3A_315, %add3A_317 : vector<16xi32>
        %xor3A = arith.xori %mul3A_309, %mul3A_315 : vector<16xi32>
        %and3A = arith.constant 524287 : i32
        %and3A_319 = vector.broadcast %and3A : i32 to vector<16xi32>
        %and3A_320 = arith.andi %xor3A, %and3A_319 : vector<16xi32>
        %add3A_321 = arith.constant 4194304 : i32
        %add3A_322 = vector.broadcast %add3A_321 : i32 to vector<16xi32>
        %add3A_323 = arith.addi %and3A_320, %add3A_322 : vector<16xi32>
        %mul3A_324 = arith.constant 16 : i32
        %mul3A_325 = arith.muli %add3A_282, %mul3A_324 : i32
        %add3A_326 = arith.constant 0 : i32
        %add3A_327 = arith.addi %add3A_326, %mul3A_325 : i32
        %swap3A_328 = arith.index_cast %add3A_327 : i32 to index
        %swap3A_329 = tpu.vector_load %arg10[%swap3A_328] {strides = array<i32>} : memref<4096xi32, #tpu.memory_space<vmem>>, vector<16xi32>,
        tpu.vector_store %arg10[%swap3A_328], %add3A_323 {strides = array<i32>} : memref<4096xi32, #tpu.memory_space<vmem>>, vector<16xi32>,
        %xor3A_330 = arith.xori %add3A_312, %mul3A_315 : vector<16xi32>
        %and3A_331 = arith.constant 524287 : i32
        %and3A_332 = vector.broadcast %and3A_331 : i32 to vector<16xi32>
        %and3A_333 = arith.andi %xor3A_330, %and3A_332 : vector<16xi32>
        %add3A_334 = arith.constant 4194304 : i32
        %add3A_335 = vector.broadcast %add3A_334 : i32 to vector<16xi32>
        %add3A_336 = arith.addi %and3A_333, %add3A_335 : vector<16xi32>
        %mul3A_337 = arith.constant 16 : i32
        %mul3A_338 = arith.muli %add3A_282, %mul3A_337 : i32
        %add3A_339 = arith.constant 1024 : i32
        %add3A_340 = arith.addi %add3A_339, %mul3A_338 : i32
        %swap3A_341 = arith.index_cast %add3A_340 : i32 to index
        %swap3A_342 = tpu.vector_load %arg10[%swap3A_341] {strides = array<i32>} : memref<4096xi32, #tpu.memory_space<vmem>>, vector<16xi32>,
        tpu.vector_store %arg10[%swap3A_341], %add3A_336 {strides = array<i32>} : memref<4096xi32, #tpu.memory_space<vmem>>, vector<16xi32>,
        %xor3A_343 = arith.xori %mul3A_309, %add3A_318 : vector<16xi32>
        %and3A_344 = arith.constant 524287 : i32
        %and3A_345 = vector.broadcast %and3A_344 : i32 to vector<16xi32>
        %and3A_346 = arith.andi %xor3A_343, %and3A_345 : vector<16xi32>
        %add3A_347 = arith.constant 4194304 : i32
        %add3A_348 = vector.broadcast %add3A_347 : i32 to vector<16xi32>
        %add3A_349 = arith.addi %and3A_346, %add3A_348 : vector<16xi32>
        %mul3A_350 = arith.constant 16 : i32
        %mul3A_351 = arith.muli %add3A_282, %mul3A_350 : i32
        %add3A_352 = arith.constant 2048 : i32
        %add3A_353 = arith.addi %add3A_352, %mul3A_351 : i32
        %swap3A_354 = arith.index_cast %add3A_353 : i32 to index
        %swap3A_355 = tpu.vector_load %arg10[%swap3A_354] {strides = array<i32>} : memref<4096xi32, #tpu.memory_space<vmem>>, vector<16xi32>,
        tpu.vector_store %arg10[%swap3A_354], %add3A_349 {strides = array<i32>} : memref<4096xi32, #tpu.memory_space<vmem>>, vector<16xi32>,
        %xor3A_356 = arith.xori %add3A_312, %add3A_318 : vector<16xi32>
        %and3A_357 = arith.constant 524287 : i32
        %and3A_358 = vector.broadcast %and3A_357 : i32 to vector<16xi32>
        %and3A_359 = arith.andi %xor3A_356, %and3A_358 : vector<16xi32>
        %add3A_360 = arith.constant 4194304 : i32
        %add3A_361 = vector.broadcast %add3A_360 : i32 to vector<16xi32>
        %add3A_362 = arith.addi %and3A_359, %add3A_361 : vector<16xi32>
        %mul3A_363 = arith.constant 16 : i32
        %mul3A_364 = arith.muli %add3A_282, %mul3A_363 : i32
        %add3A_365 = arith.constant 3072 : i32
        %add3A_366 = arith.addi %add3A_365, %mul3A_364 : i32
        %swap3A_367 = arith.index_cast %add3A_366 : i32 to index
        %swap3A_368 = tpu.vector_load %arg10[%swap3A_367] {strides = array<i32>} : memref<4096xi32, #tpu.memory_space<vmem>>, vector<16xi32>,
        tpu.vector_store %arg10[%swap3A_367], %add3A_362 {strides = array<i32>} : memref<4096xi32, #tpu.memory_space<vmem>>, vector<16xi32>,
      }
      %scan3A_128 = arith.constant 64 : i32
      %dma_start3A_129 = arith.constant 0 : i32
      %dma_start3A_130 = tpu.memref_slice %arg4[%dma_start3A_129] : memref<8388608xi32, #tpu.memory_space<hbm>> -> memref<8388608xi32, #tpu.memory_space<hbm>>
      tpu.enqueue_indirect_dma source(%dma_start3A_130 : memref<8388608xi32, #tpu.memory_space<hbm>>) target(%arg12 : memref<4096xi32, #tpu.memory_space<vmem>>) offsets(%arg10 : memref<4096xi32, #tpu.memory_space<vmem>>) semaphore(%arg19 : memref<!tpu.dma_semaphore, #tpu.memory_space<semaphore_mem>>)
      %scan3A_131 = arith.constant 0 : i32
      %scan3A_132 = arith.constant 64 : i32
      %scan3A_133 = arith.addi %scan3A_131, %scan3A_132 : i32
      %scan3A_134 = arith.constant 1 : i32
      scf.for %scan3A_278 = %scan3A_131 to %scan3A_133 step %scan3A_134  : i32 {
        %mul3A_279 = arith.constant 1 : i32
        %mul3A_280 = arith.muli %scan3A_278, %mul3A_279 : i32
        %add3A_281 = arith.constant 0 : i32
        %add3A_282 = arith.addi %add3A_281, %mul3A_280 : i32
        %mul3A_283 = arith.constant 16 : i32
        %mul3A_284 = arith.muli %add3A_282, %mul3A_283 : i32
        %get3A = arith.index_cast %mul3A_284 : i32 to index
        %get3A_285 = tpu.vector_load %arg7[%get3A] {strides = array<i32>} : memref<1024xf32, #tpu.memory_space<vmem>>, vector<16xf32>,
        %mul3A_286 = arith.constant 1.450000e+02 : f32
        %mul3A_287 = vector.broadcast %mul3A_286 : f32 to vector<16xf32>
        %mul3A_288 = arith.mulf %get3A_285, %mul3A_287 : vector<16xf32>
        %add3A_289 = arith.constant 1.450000e+02 : f32
        %add3A_290 = vector.broadcast %add3A_289 : f32 to vector<16xf32>
        %add3A_291 = arith.addf %mul3A_288, %add3A_290 : vector<16xf32>
        %get3A_292 = arith.index_cast %mul3A_284 : i32 to index
        %get3A_293 = tpu.vector_load %arg8[%get3A_292] {strides = array<i32>} : memref<1024xf32, #tpu.memory_space<vmem>>, vector<16xf32>,
        %mul3A_294 = arith.constant 1.450000e+02 : f32
        %mul3A_295 = vector.broadcast %mul3A_294 : f32 to vector<16xf32>
        %mul3A_296 = arith.mulf %get3A_293, %mul3A_295 : vector<16xf32>
        %add3A_297 = arith.constant 1.450000e+02 : f32
        %add3A_298 = vector.broadcast %add3A_297 : f32 to vector<16xf32>
        %add3A_299 = arith.addf %mul3A_296, %add3A_298 : vector<16xf32>
        %convert_element_type3A = arith.fptosi %add3A_291 : vector<16xf32> to vector<16xi32>
        %convert_element_type3A_300 = arith.fptosi %add3A_299 : vector<16xf32> to vector<16xi32>
        %convert_element_type3A_301 = arith.sitofp %convert_element_type3A : vector<16xi32> to vector<16xf32>
        %sub3A = arith.subf %add3A_291, %convert_element_type3A_301 : vector<16xf32>
        %swap3A = arith.index_cast %mul3A_284 : i32 to index
        %swap3A_302 = tpu.vector_load %arg15[%swap3A] {strides = array<i32>} : memref<1024xf32, #tpu.memory_space<vmem>>, vector<16xf32>,
        tpu.vector_store %arg15[%swap3A], %sub3A {strides = array<i32>} : memref<1024xf32, #tpu.memory_space<vmem>>, vector<16xf32>,
        %convert_element_type3A_303 = arith.sitofp %convert_element_type3A_300 : vector<16xi32> to vector<16xf32>
        %sub3A_304 = arith.subf %add3A_299, %convert_element_type3A_303 : vector<16xf32>
        %swap3A_305 = arith.index_cast %mul3A_284 : i32 to index
        %swap3A_306 = tpu.vector_load %arg17[%swap3A_305] {strides = array<i32>} : memref<1024xf32, #tpu.memory_space<vmem>>, vector<16xf32>,
        tpu.vector_store %arg17[%swap3A_305], %sub3A_304 {strides = array<i32>} : memref<1024xf32, #tpu.memory_space<vmem>>, vector<16xf32>,
        %mul3A_307 = arith.constant -1640531535 : i32
        %mul3A_308 = vector.broadcast %mul3A_307 : i32 to vector<16xi32>
        %mul3A_309 = arith.muli %convert_element_type3A, %mul3A_308 : vector<16xi32>
        %add3A_310 = arith.constant -1640531535 : i32
        %add3A_311 = vector.broadcast %add3A_310 : i32 to vector<16xi32>
        %add3A_312 = arith.addi %mul3A_309, %add3A_311 : vector<16xi32>
        %mul3A_313 = arith.constant 805459861 : i32
        %mul3A_314 = vector.broadcast %mul3A_313 : i32 to vector<16xi32>
        %mul3A_315 = arith.muli %convert_element_type3A_300, %mul3A_314 : vector<16xi32>
        %add3A_316 = arith.constant 805459861 : i32
        %add3A_317 = vector.broadcast %add3A_316 : i32 to vector<16xi32>
        %add3A_318 = arith.addi %mul3A_315, %add3A_317 : vector<16xi32>
        %xor3A = arith.xori %mul3A_309, %mul3A_315 : vector<16xi32>
        %and3A = arith.constant 524287 : i32
        %and3A_319 = vector.broadcast %and3A : i32 to vector<16xi32>
        %and3A_320 = arith.andi %xor3A, %and3A_319 : vector<16xi32>
        %add3A_321 = arith.constant 4718592 : i32
        %add3A_322 = vector.broadcast %add3A_321 : i32 to vector<16xi32>
        %add3A_323 = arith.addi %and3A_320, %add3A_322 : vector<16xi32>
        %mul3A_324 = arith.constant 16 : i32
        %mul3A_325 = arith.muli %add3A_282, %mul3A_324 : i32
        %add3A_326 = arith.constant 0 : i32
        %add3A_327 = arith.addi %add3A_326, %mul3A_325 : i32
        %swap3A_328 = arith.index_cast %add3A_327 : i32 to index
        %swap3A_329 = tpu.vector_load %arg11[%swap3A_328] {strides = array<i32>} : memref<4096xi32, #tpu.memory_space<vmem>>, vector<16xi32>,
        tpu.vector_store %arg11[%swap3A_328], %add3A_323 {strides = array<i32>} : memref<4096xi32, #tpu.memory_space<vmem>>, vector<16xi32>,
        %xor3A_330 = arith.xori %add3A_312, %mul3A_315 : vector<16xi32>
        %and3A_331 = arith.constant 524287 : i32
        %and3A_332 = vector.broadcast %and3A_331 : i32 to vector<16xi32>
        %and3A_333 = arith.andi %xor3A_330, %and3A_332 : vector<16xi32>
        %add3A_334 = arith.constant 4718592 : i32
        %add3A_335 = vector.broadcast %add3A_334 : i32 to vector<16xi32>
        %add3A_336 = arith.addi %and3A_333, %add3A_335 : vector<16xi32>
        %mul3A_337 = arith.constant 16 : i32
        %mul3A_338 = arith.muli %add3A_282, %mul3A_337 : i32
        %add3A_339 = arith.constant 1024 : i32
        %add3A_340 = arith.addi %add3A_339, %mul3A_338 : i32
        %swap3A_341 = arith.index_cast %add3A_340 : i32 to index
        %swap3A_342 = tpu.vector_load %arg11[%swap3A_341] {strides = array<i32>} : memref<4096xi32, #tpu.memory_space<vmem>>, vector<16xi32>,
        tpu.vector_store %arg11[%swap3A_341], %add3A_336 {strides = array<i32>} : memref<4096xi32, #tpu.memory_space<vmem>>, vector<16xi32>,
        %xor3A_343 = arith.xori %mul3A_309, %add3A_318 : vector<16xi32>
        %and3A_344 = arith.constant 524287 : i32
        %and3A_345 = vector.broadcast %and3A_344 : i32 to vector<16xi32>
        %and3A_346 = arith.andi %xor3A_343, %and3A_345 : vector<16xi32>
        %add3A_347 = arith.constant 4718592 : i32
        %add3A_348 = vector.broadcast %add3A_347 : i32 to vector<16xi32>
        %add3A_349 = arith.addi %and3A_346, %add3A_348 : vector<16xi32>
        %mul3A_350 = arith.constant 16 : i32
        %mul3A_351 = arith.muli %add3A_282, %mul3A_350 : i32
        %add3A_352 = arith.constant 2048 : i32
        %add3A_353 = arith.addi %add3A_352, %mul3A_351 : i32
        %swap3A_354 = arith.index_cast %add3A_353 : i32 to index
        %swap3A_355 = tpu.vector_load %arg11[%swap3A_354] {strides = array<i32>} : memref<4096xi32, #tpu.memory_space<vmem>>, vector<16xi32>,
        tpu.vector_store %arg11[%swap3A_354], %add3A_349 {strides = array<i32>} : memref<4096xi32, #tpu.memory_space<vmem>>, vector<16xi32>,
        %xor3A_356 = arith.xori %add3A_312, %add3A_318 : vector<16xi32>
        %and3A_357 = arith.constant 524287 : i32
        %and3A_358 = vector.broadcast %and3A_357 : i32 to vector<16xi32>
        %and3A_359 = arith.andi %xor3A_356, %and3A_358 : vector<16xi32>
        %add3A_360 = arith.constant 4718592 : i32
        %add3A_361 = vector.broadcast %add3A_360 : i32 to vector<16xi32>
        %add3A_362 = arith.addi %and3A_359, %add3A_361 : vector<16xi32>
        %mul3A_363 = arith.constant 16 : i32
        %mul3A_364 = arith.muli %add3A_282, %mul3A_363 : i32
        %add3A_365 = arith.constant 3072 : i32
        %add3A_366 = arith.addi %add3A_365, %mul3A_364 : i32
        %swap3A_367 = arith.index_cast %add3A_366 : i32 to index
        %swap3A_368 = tpu.vector_load %arg11[%swap3A_367] {strides = array<i32>} : memref<4096xi32, #tpu.memory_space<vmem>>, vector<16xi32>,
        tpu.vector_store %arg11[%swap3A_367], %add3A_362 {strides = array<i32>} : memref<4096xi32, #tpu.memory_space<vmem>>, vector<16xi32>,
      }
      %scan3A_135 = arith.constant 64 : i32
      %dma_start3A_136 = arith.constant 0 : i32
      %dma_start3A_137 = tpu.memref_slice %arg4[%dma_start3A_136] : memref<8388608xi32, #tpu.memory_space<hbm>> -> memref<8388608xi32, #tpu.memory_space<hbm>>
      tpu.enqueue_indirect_dma source(%dma_start3A_137 : memref<8388608xi32, #tpu.memory_space<hbm>>) target(%arg13 : memref<4096xi32, #tpu.memory_space<vmem>>) offsets(%arg11 : memref<4096xi32, #tpu.memory_space<vmem>>) semaphore(%arg20 : memref<!tpu.dma_semaphore, #tpu.memory_space<semaphore_mem>>)
      %scan3A_138 = arith.constant 0 : i32
      %scan3A_139 = arith.constant 64 : i32
      %scan3A_140 = arith.addi %scan3A_138, %scan3A_139 : i32
      %scan3A_141 = arith.constant 1 : i32
      scf.for %scan3A_278 = %scan3A_138 to %scan3A_140 step %scan3A_141  : i32 {
        %mul3A_279 = arith.constant 1 : i32
        %mul3A_280 = arith.muli %scan3A_278, %mul3A_279 : i32
        %add3A_281 = arith.constant 0 : i32
        %add3A_282 = arith.addi %add3A_281, %mul3A_280 : i32
        %mul3A_283 = arith.constant 16 : i32
        %mul3A_284 = arith.muli %add3A_282, %mul3A_283 : i32
        %get3A = arith.index_cast %mul3A_284 : i32 to index
        %get3A_285 = tpu.vector_load %arg7[%get3A] {strides = array<i32>} : memref<1024xf32, #tpu.memory_space<vmem>>, vector<16xf32>,
        %mul3A_286 = arith.constant 8.000000e+00 : f32
        %mul3A_287 = vector.broadcast %mul3A_286 : f32 to vector<16xf32>
        %mul3A_288 = arith.mulf %get3A_285, %mul3A_287 : vector<16xf32>
        %add3A_289 = arith.constant 8.000000e+00 : f32
        %add3A_290 = vector.broadcast %add3A_289 : f32 to vector<16xf32>
        %add3A_291 = arith.addf %mul3A_288, %add3A_290 : vector<16xf32>
        %get3A_292 = arith.index_cast %mul3A_284 : i32 to index
        %get3A_293 = tpu.vector_load %arg8[%get3A_292] {strides = array<i32>} : memref<1024xf32, #tpu.memory_space<vmem>>, vector<16xf32>,
        %mul3A_294 = arith.constant 8.000000e+00 : f32
        %mul3A_295 = vector.broadcast %mul3A_294 : f32 to vector<16xf32>
        %mul3A_296 = arith.mulf %get3A_293, %mul3A_295 : vector<16xf32>
        %add3A_297 = arith.constant 8.000000e+00 : f32
        %add3A_298 = vector.broadcast %add3A_297 : f32 to vector<16xf32>
        %add3A_299 = arith.addf %mul3A_296, %add3A_298 : vector<16xf32>
        %convert_element_type3A = arith.fptosi %add3A_291 : vector<16xf32> to vector<16xi32>
        %convert_element_type3A_300 = arith.fptosi %add3A_299 : vector<16xf32> to vector<16xi32>
        %convert_element_type3A_301 = arith.sitofp %convert_element_type3A : vector<16xi32> to vector<16xf32>
        %sub3A = arith.subf %add3A_291, %convert_element_type3A_301 : vector<16xf32>
        %convert_element_type3A_302 = arith.sitofp %convert_element_type3A_300 : vector<16xi32> to vector<16xf32>
        %sub3A_303 = arith.subf %add3A_299, %convert_element_type3A_302 : vector<16xf32>
        %mul3A_304 = arith.constant 32 : i32
        %mul3A_305 = vector.broadcast %mul3A_304 : i32 to vector<16xi32>
        %mul3A_306 = arith.muli %convert_element_type3A_300, %mul3A_305 : vector<16xi32>
        %add3A_307 = arith.addi %mul3A_306, %convert_element_type3A : vector<16xi32>
        %add3A_308 = arith.constant 0 : i32
        %add3A_309 = vector.broadcast %add3A_308 : i32 to vector<16xi32>
        %add3A_310 = arith.addi %add3A_307, %add3A_309 : vector<16xi32>
        %gather3A = tpu.vector_load_idx %arg9[%add3A_310] : memref<53248xi32, #tpu.memory_space<vmem>>[vector<16xi32>], vector<16xi32>,
        %add3A_311 = arith.constant 1 : i32
        %add3A_312 = vector.broadcast %add3A_311 : i32 to vector<16xi32>
        %add3A_313 = arith.addi %add3A_310, %add3A_312 : vector<16xi32>
        %gather3A_314 = tpu.vector_load_idx %arg9[%add3A_313] : memref<53248xi32, #tpu.memory_space<vmem>>[vector<16xi32>], vector<16xi32>,
        %add3A_315 = arith.constant 32 : i32
        %add3A_316 = vector.broadcast %add3A_315 : i32 to vector<16xi32>
        %add3A_317 = arith.addi %add3A_310, %add3A_316 : vector<16xi32>
        %gather3A_318 = tpu.vector_load_idx %arg9[%add3A_317] : memref<53248xi32, #tpu.memory_space<vmem>>[vector<16xi32>], vector<16xi32>,
        %add3A_319 = arith.constant 33 : i32
        %add3A_320 = vector.broadcast %add3A_319 : i32 to vector<16xi32>
        %add3A_321 = arith.addi %add3A_310, %add3A_320 : vector<16xi32>
        %gather3A_322 = tpu.vector_load_idx %arg9[%add3A_321] : memref<53248xi32, #tpu.memory_space<vmem>>[vector<16xi32>], vector<16xi32>,
        %shift_left3A = arith.constant 16 : i32
        %shift_left3A_323 = vector.broadcast %shift_left3A : i32 to vector<16xi32>
        %shift_left3A_324 = arith.shli %gather3A, %shift_left3A_323 : vector<16xi32>
        %bitcast3A = vector.bitcast %shift_left3A_324 : vector<16xi32> to vector<16xf32>
        %shift_left3A_325 = arith.constant 16 : i32
        %shift_left3A_326 = vector.broadcast %shift_left3A_325 : i32 to vector<16xi32>
        %shift_left3A_327 = arith.shli %gather3A_314, %shift_left3A_326 : vector<16xi32>
        %bitcast3A_328 = vector.bitcast %shift_left3A_327 : vector<16xi32> to vector<16xf32>
        %shift_left3A_329 = arith.constant 16 : i32
        %shift_left3A_330 = vector.broadcast %shift_left3A_329 : i32 to vector<16xi32>
        %shift_left3A_331 = arith.shli %gather3A_318, %shift_left3A_330 : vector<16xi32>
        %bitcast3A_332 = vector.bitcast %shift_left3A_331 : vector<16xi32> to vector<16xf32>
        %shift_left3A_333 = arith.constant 16 : i32
        %shift_left3A_334 = vector.broadcast %shift_left3A_333 : i32 to vector<16xi32>
        %shift_left3A_335 = arith.shli %gather3A_322, %shift_left3A_334 : vector<16xi32>
        %bitcast3A_336 = vector.bitcast %shift_left3A_335 : vector<16xi32> to vector<16xf32>
        %and3A = vector.broadcast %scan3A : i32 to vector<16xi32>
        %and3A_337 = arith.andi %gather3A, %and3A : vector<16xi32>
        %bitcast3A_338 = vector.bitcast %and3A_337 : vector<16xi32> to vector<16xf32>
        %and3A_339 = vector.broadcast %scan3A : i32 to vector<16xi32>
        %and3A_340 = arith.andi %gather3A_314, %and3A_339 : vector<16xi32>
        %bitcast3A_341 = vector.bitcast %and3A_340 : vector<16xi32> to vector<16xf32>
        %and3A_342 = vector.broadcast %scan3A : i32 to vector<16xi32>
        %and3A_343 = arith.andi %gather3A_318, %and3A_342 : vector<16xi32>
        %bitcast3A_344 = vector.bitcast %and3A_343 : vector<16xi32> to vector<16xf32>
        %and3A_345 = vector.broadcast %scan3A : i32 to vector<16xi32>
        %and3A_346 = arith.andi %gather3A_322, %and3A_345 : vector<16xi32>
        %bitcast3A_347 = vector.bitcast %and3A_346 : vector<16xi32> to vector<16xf32>
        %sub3A_348 = arith.subf %bitcast3A_328, %bitcast3A : vector<16xf32>
        %mul3A_349 = arith.mulf %sub3A, %sub3A_348 : vector<16xf32>
        %add3A_350 = arith.addf %bitcast3A, %mul3A_349 : vector<16xf32>
        %sub3A_351 = arith.subf %bitcast3A_336, %bitcast3A_332 : vector<16xf32>
        %mul3A_352 = arith.mulf %sub3A, %sub3A_351 : vector<16xf32>
        %add3A_353 = arith.addf %bitcast3A_332, %mul3A_352 : vector<16xf32>
        %sub3A_354 = arith.subf %add3A_353, %add3A_350 : vector<16xf32>
        %mul3A_355 = arith.mulf %sub3A_303, %sub3A_354 : vector<16xf32>
        %add3A_356 = arith.addf %add3A_350, %mul3A_355 : vector<16xf32>
        %sub3A_357 = arith.subf %bitcast3A_341, %bitcast3A_338 : vector<16xf32>
        %mul3A_358 = arith.mulf %sub3A, %sub3A_357 : vector<16xf32>
        %add3A_359 = arith.addf %bitcast3A_338, %mul3A_358 : vector<16xf32>
        %sub3A_360 = arith.subf %bitcast3A_347, %bitcast3A_344 : vector<16xf32>
        %mul3A_361 = arith.mulf %sub3A, %sub3A_360 : vector<16xf32>
        %add3A_362 = arith.addf %bitcast3A_344, %mul3A_361 : vector<16xf32>
        %sub3A_363 = arith.subf %add3A_362, %add3A_359 : vector<16xf32>
        %mul3A_364 = arith.mulf %sub3A_303, %sub3A_363 : vector<16xf32>
        %add3A_365 = arith.addf %add3A_359, %mul3A_364 : vector<16xf32>
        %mul3A_366 = arith.constant 512 : i32
        %mul3A_367 = arith.muli %add3A_282, %mul3A_366 : i32
        %add3A_368 = vector.broadcast %mul3A_367 : i32 to vector<16xi32>
        %add3A_369 = arith.addi %add3A_368, %mul3A_6 : vector<16xi32>
        %add3A_370 = arith.constant 0 : i32
        %add3A_371 = vector.broadcast %add3A_370 : i32 to vector<16xi32>
        %add3A_372 = arith.addi %add3A_369, %add3A_371 : vector<16xi32>
        tpu.vector_store_idx %arg18[%add3A_372], %add3A_356 : memref<32768xf32, #tpu.memory_space<vmem>>[vector<16xi32>], vector<16xf32>,
        %add3A_373 = arith.constant 1 : i32
        %add3A_374 = vector.broadcast %add3A_373 : i32 to vector<16xi32>
        %add3A_375 = arith.addi %add3A_372, %add3A_374 : vector<16xi32>
        tpu.vector_store_idx %arg18[%add3A_375], %add3A_365 : memref<32768xf32, #tpu.memory_space<vmem>>[vector<16xi32>], vector<16xf32>,
      }
      %scan3A_142 = arith.constant 64 : i32
      %scan3A_143 = arith.constant 0 : i32
      %scan3A_144 = arith.constant 64 : i32
      %scan3A_145 = arith.addi %scan3A_143, %scan3A_144 : i32
      %scan3A_146 = arith.constant 1 : i32
      scf.for %scan3A_278 = %scan3A_143 to %scan3A_145 step %scan3A_146  : i32 {
        %mul3A_279 = arith.constant 1 : i32
        %mul3A_280 = arith.muli %scan3A_278, %mul3A_279 : i32
        %add3A_281 = arith.constant 0 : i32
        %add3A_282 = arith.addi %add3A_281, %mul3A_280 : i32
        %mul3A_283 = arith.constant 16 : i32
        %mul3A_284 = arith.muli %add3A_282, %mul3A_283 : i32
        %get3A = arith.index_cast %mul3A_284 : i32 to index
        %get3A_285 = tpu.vector_load %arg7[%get3A] {strides = array<i32>} : memref<1024xf32, #tpu.memory_space<vmem>>, vector<16xf32>,
        %mul3A_286 = arith.constant 1.100000e+01 : f32
        %mul3A_287 = vector.broadcast %mul3A_286 : f32 to vector<16xf32>
        %mul3A_288 = arith.mulf %get3A_285, %mul3A_287 : vector<16xf32>
        %add3A_289 = arith.constant 1.100000e+01 : f32
        %add3A_290 = vector.broadcast %add3A_289 : f32 to vector<16xf32>
        %add3A_291 = arith.addf %mul3A_288, %add3A_290 : vector<16xf32>
        %get3A_292 = arith.index_cast %mul3A_284 : i32 to index
        %get3A_293 = tpu.vector_load %arg8[%get3A_292] {strides = array<i32>} : memref<1024xf32, #tpu.memory_space<vmem>>, vector<16xf32>,
        %mul3A_294 = arith.constant 1.100000e+01 : f32
        %mul3A_295 = vector.broadcast %mul3A_294 : f32 to vector<16xf32>
        %mul3A_296 = arith.mulf %get3A_293, %mul3A_295 : vector<16xf32>
        %add3A_297 = arith.constant 1.100000e+01 : f32
        %add3A_298 = vector.broadcast %add3A_297 : f32 to vector<16xf32>
        %add3A_299 = arith.addf %mul3A_296, %add3A_298 : vector<16xf32>
        %convert_element_type3A = arith.fptosi %add3A_291 : vector<16xf32> to vector<16xi32>
        %convert_element_type3A_300 = arith.fptosi %add3A_299 : vector<16xf32> to vector<16xi32>
        %convert_element_type3A_301 = arith.sitofp %convert_element_type3A : vector<16xi32> to vector<16xf32>
        %sub3A = arith.subf %add3A_291, %convert_element_type3A_301 : vector<16xf32>
        %convert_element_type3A_302 = arith.sitofp %convert_element_type3A_300 : vector<16xi32> to vector<16xf32>
        %sub3A_303 = arith.subf %add3A_299, %convert_element_type3A_302 : vector<16xf32>
        %mul3A_304 = arith.constant 32 : i32
        %mul3A_305 = vector.broadcast %mul3A_304 : i32 to vector<16xi32>
        %mul3A_306 = arith.muli %convert_element_type3A_300, %mul3A_305 : vector<16xi32>
        %add3A_307 = arith.addi %mul3A_306, %convert_element_type3A : vector<16xi32>
        %add3A_308 = arith.constant 544 : i32
        %add3A_309 = vector.broadcast %add3A_308 : i32 to vector<16xi32>
        %add3A_310 = arith.addi %add3A_307, %add3A_309 : vector<16xi32>
        %gather3A = tpu.vector_load_idx %arg9[%add3A_310] : memref<53248xi32, #tpu.memory_space<vmem>>[vector<16xi32>], vector<16xi32>,
        %add3A_311 = arith.constant 1 : i32
        %add3A_312 = vector.broadcast %add3A_311 : i32 to vector<16xi32>
        %add3A_313 = arith.addi %add3A_310, %add3A_312 : vector<16xi32>
        %gather3A_314 = tpu.vector_load_idx %arg9[%add3A_313] : memref<53248xi32, #tpu.memory_space<vmem>>[vector<16xi32>], vector<16xi32>,
        %add3A_315 = arith.constant 32 : i32
        %add3A_316 = vector.broadcast %add3A_315 : i32 to vector<16xi32>
        %add3A_317 = arith.addi %add3A_310, %add3A_316 : vector<16xi32>
        %gather3A_318 = tpu.vector_load_idx %arg9[%add3A_317] : memref<53248xi32, #tpu.memory_space<vmem>>[vector<16xi32>], vector<16xi32>,
        %add3A_319 = arith.constant 33 : i32
        %add3A_320 = vector.broadcast %add3A_319 : i32 to vector<16xi32>
        %add3A_321 = arith.addi %add3A_310, %add3A_320 : vector<16xi32>
        %gather3A_322 = tpu.vector_load_idx %arg9[%add3A_321] : memref<53248xi32, #tpu.memory_space<vmem>>[vector<16xi32>], vector<16xi32>,
        %shift_left3A = arith.constant 16 : i32
        %shift_left3A_323 = vector.broadcast %shift_left3A : i32 to vector<16xi32>
        %shift_left3A_324 = arith.shli %gather3A, %shift_left3A_323 : vector<16xi32>
        %bitcast3A = vector.bitcast %shift_left3A_324 : vector<16xi32> to vector<16xf32>
        %shift_left3A_325 = arith.constant 16 : i32
        %shift_left3A_326 = vector.broadcast %shift_left3A_325 : i32 to vector<16xi32>
        %shift_left3A_327 = arith.shli %gather3A_314, %shift_left3A_326 : vector<16xi32>
        %bitcast3A_328 = vector.bitcast %shift_left3A_327 : vector<16xi32> to vector<16xf32>
        %shift_left3A_329 = arith.constant 16 : i32
        %shift_left3A_330 = vector.broadcast %shift_left3A_329 : i32 to vector<16xi32>
        %shift_left3A_331 = arith.shli %gather3A_318, %shift_left3A_330 : vector<16xi32>
        %bitcast3A_332 = vector.bitcast %shift_left3A_331 : vector<16xi32> to vector<16xf32>
        %shift_left3A_333 = arith.constant 16 : i32
        %shift_left3A_334 = vector.broadcast %shift_left3A_333 : i32 to vector<16xi32>
        %shift_left3A_335 = arith.shli %gather3A_322, %shift_left3A_334 : vector<16xi32>
        %bitcast3A_336 = vector.bitcast %shift_left3A_335 : vector<16xi32> to vector<16xf32>
        %and3A = vector.broadcast %scan3A : i32 to vector<16xi32>
        %and3A_337 = arith.andi %gather3A, %and3A : vector<16xi32>
        %bitcast3A_338 = vector.bitcast %and3A_337 : vector<16xi32> to vector<16xf32>
        %and3A_339 = vector.broadcast %scan3A : i32 to vector<16xi32>
        %and3A_340 = arith.andi %gather3A_314, %and3A_339 : vector<16xi32>
        %bitcast3A_341 = vector.bitcast %and3A_340 : vector<16xi32> to vector<16xf32>
        %and3A_342 = vector.broadcast %scan3A : i32 to vector<16xi32>
        %and3A_343 = arith.andi %gather3A_318, %and3A_342 : vector<16xi32>
        %bitcast3A_344 = vector.bitcast %and3A_343 : vector<16xi32> to vector<16xf32>
        %and3A_345 = vector.broadcast %scan3A : i32 to vector<16xi32>
        %and3A_346 = arith.andi %gather3A_322, %and3A_345 : vector<16xi32>
        %bitcast3A_347 = vector.bitcast %and3A_346 : vector<16xi32> to vector<16xf32>
        %sub3A_348 = arith.subf %bitcast3A_328, %bitcast3A : vector<16xf32>
        %mul3A_349 = arith.mulf %sub3A, %sub3A_348 : vector<16xf32>
        %add3A_350 = arith.addf %bitcast3A, %mul3A_349 : vector<16xf32>
        %sub3A_351 = arith.subf %bitcast3A_336, %bitcast3A_332 : vector<16xf32>
        %mul3A_352 = arith.mulf %sub3A, %sub3A_351 : vector<16xf32>
        %add3A_353 = arith.addf %bitcast3A_332, %mul3A_352 : vector<16xf32>
        %sub3A_354 = arith.subf %add3A_353, %add3A_350 : vector<16xf32>
        %mul3A_355 = arith.mulf %sub3A_303, %sub3A_354 : vector<16xf32>
        %add3A_356 = arith.addf %add3A_350, %mul3A_355 : vector<16xf32>
        %sub3A_357 = arith.subf %bitcast3A_341, %bitcast3A_338 : vector<16xf32>
        %mul3A_358 = arith.mulf %sub3A, %sub3A_357 : vector<16xf32>
        %add3A_359 = arith.addf %bitcast3A_338, %mul3A_358 : vector<16xf32>
        %sub3A_360 = arith.subf %bitcast3A_347, %bitcast3A_344 : vector<16xf32>
        %mul3A_361 = arith.mulf %sub3A, %sub3A_360 : vector<16xf32>
        %add3A_362 = arith.addf %bitcast3A_344, %mul3A_361 : vector<16xf32>
        %sub3A_363 = arith.subf %add3A_362, %add3A_359 : vector<16xf32>
        %mul3A_364 = arith.mulf %sub3A_303, %sub3A_363 : vector<16xf32>
        %add3A_365 = arith.addf %add3A_359, %mul3A_364 : vector<16xf32>
        %mul3A_366 = arith.constant 512 : i32
        %mul3A_367 = arith.muli %add3A_282, %mul3A_366 : i32
        %add3A_368 = vector.broadcast %mul3A_367 : i32 to vector<16xi32>
        %add3A_369 = arith.addi %add3A_368, %mul3A_6 : vector<16xi32>
        %add3A_370 = arith.constant 2 : i32
        %add3A_371 = vector.broadcast %add3A_370 : i32 to vector<16xi32>
        %add3A_372 = arith.addi %add3A_369, %add3A_371 : vector<16xi32>
        tpu.vector_store_idx %arg18[%add3A_372], %add3A_356 : memref<32768xf32, #tpu.memory_space<vmem>>[vector<16xi32>], vector<16xf32>,
        %add3A_373 = arith.constant 1 : i32
        %add3A_374 = vector.broadcast %add3A_373 : i32 to vector<16xi32>
        %add3A_375 = arith.addi %add3A_372, %add3A_374 : vector<16xi32>
        tpu.vector_store_idx %arg18[%add3A_375], %add3A_365 : memref<32768xf32, #tpu.memory_space<vmem>>[vector<16xi32>], vector<16xf32>,
      }
      %scan3A_147 = arith.constant 64 : i32
      %scan3A_148 = arith.constant 0 : i32
      %scan3A_149 = arith.constant 64 : i32
      %scan3A_150 = arith.addi %scan3A_148, %scan3A_149 : i32
      %scan3A_151 = arith.constant 1 : i32
      scf.for %scan3A_278 = %scan3A_148 to %scan3A_150 step %scan3A_151  : i32 {
        %mul3A_279 = arith.constant 1 : i32
        %mul3A_280 = arith.muli %scan3A_278, %mul3A_279 : i32
        %add3A_281 = arith.constant 0 : i32
        %add3A_282 = arith.addi %add3A_281, %mul3A_280 : i32
        %mul3A_283 = arith.constant 16 : i32
        %mul3A_284 = arith.muli %add3A_282, %mul3A_283 : i32
        %get3A = arith.index_cast %mul3A_284 : i32 to index
        %get3A_285 = tpu.vector_load %arg7[%get3A] {strides = array<i32>} : memref<1024xf32, #tpu.memory_space<vmem>>, vector<16xf32>,
        %mul3A_286 = arith.constant 1.500000e+01 : f32
        %mul3A_287 = vector.broadcast %mul3A_286 : f32 to vector<16xf32>
        %mul3A_288 = arith.mulf %get3A_285, %mul3A_287 : vector<16xf32>
        %add3A_289 = arith.constant 1.500000e+01 : f32
        %add3A_290 = vector.broadcast %add3A_289 : f32 to vector<16xf32>
        %add3A_291 = arith.addf %mul3A_288, %add3A_290 : vector<16xf32>
        %get3A_292 = arith.index_cast %mul3A_284 : i32 to index
        %get3A_293 = tpu.vector_load %arg8[%get3A_292] {strides = array<i32>} : memref<1024xf32, #tpu.memory_space<vmem>>, vector<16xf32>,
        %mul3A_294 = arith.constant 1.500000e+01 : f32
        %mul3A_295 = vector.broadcast %mul3A_294 : f32 to vector<16xf32>
        %mul3A_296 = arith.mulf %get3A_293, %mul3A_295 : vector<16xf32>
        %add3A_297 = arith.constant 1.500000e+01 : f32
        %add3A_298 = vector.broadcast %add3A_297 : f32 to vector<16xf32>
        %add3A_299 = arith.addf %mul3A_296, %add3A_298 : vector<16xf32>
        %convert_element_type3A = arith.fptosi %add3A_291 : vector<16xf32> to vector<16xi32>
        %convert_element_type3A_300 = arith.fptosi %add3A_299 : vector<16xf32> to vector<16xi32>
        %convert_element_type3A_301 = arith.sitofp %convert_element_type3A : vector<16xi32> to vector<16xf32>
        %sub3A = arith.subf %add3A_291, %convert_element_type3A_301 : vector<16xf32>
        %convert_element_type3A_302 = arith.sitofp %convert_element_type3A_300 : vector<16xi32> to vector<16xf32>
        %sub3A_303 = arith.subf %add3A_299, %convert_element_type3A_302 : vector<16xf32>
        %mul3A_304 = arith.constant 32 : i32
        %mul3A_305 = vector.broadcast %mul3A_304 : i32 to vector<16xi32>
        %mul3A_306 = arith.muli %convert_element_type3A_300, %mul3A_305 : vector<16xi32>
        %add3A_307 = arith.addi %mul3A_306, %convert_element_type3A : vector<16xi32>
        %add3A_308 = arith.constant 1280 : i32
        %add3A_309 = vector.broadcast %add3A_308 : i32 to vector<16xi32>
        %add3A_310 = arith.addi %add3A_307, %add3A_309 : vector<16xi32>
        %gather3A = tpu.vector_load_idx %arg9[%add3A_310] : memref<53248xi32, #tpu.memory_space<vmem>>[vector<16xi32>], vector<16xi32>,
        %add3A_311 = arith.constant 1 : i32
        %add3A_312 = vector.broadcast %add3A_311 : i32 to vector<16xi32>
        %add3A_313 = arith.addi %add3A_310, %add3A_312 : vector<16xi32>
        %gather3A_314 = tpu.vector_load_idx %arg9[%add3A_313] : memref<53248xi32, #tpu.memory_space<vmem>>[vector<16xi32>], vector<16xi32>,
        %add3A_315 = arith.constant 32 : i32
        %add3A_316 = vector.broadcast %add3A_315 : i32 to vector<16xi32>
        %add3A_317 = arith.addi %add3A_310, %add3A_316 : vector<16xi32>
        %gather3A_318 = tpu.vector_load_idx %arg9[%add3A_317] : memref<53248xi32, #tpu.memory_space<vmem>>[vector<16xi32>], vector<16xi32>,
        %add3A_319 = arith.constant 33 : i32
        %add3A_320 = vector.broadcast %add3A_319 : i32 to vector<16xi32>
        %add3A_321 = arith.addi %add3A_310, %add3A_320 : vector<16xi32>
        %gather3A_322 = tpu.vector_load_idx %arg9[%add3A_321] : memref<53248xi32, #tpu.memory_space<vmem>>[vector<16xi32>], vector<16xi32>,
        %shift_left3A = arith.constant 16 : i32
        %shift_left3A_323 = vector.broadcast %shift_left3A : i32 to vector<16xi32>
        %shift_left3A_324 = arith.shli %gather3A, %shift_left3A_323 : vector<16xi32>
        %bitcast3A = vector.bitcast %shift_left3A_324 : vector<16xi32> to vector<16xf32>
        %shift_left3A_325 = arith.constant 16 : i32
        %shift_left3A_326 = vector.broadcast %shift_left3A_325 : i32 to vector<16xi32>
        %shift_left3A_327 = arith.shli %gather3A_314, %shift_left3A_326 : vector<16xi32>
        %bitcast3A_328 = vector.bitcast %shift_left3A_327 : vector<16xi32> to vector<16xf32>
        %shift_left3A_329 = arith.constant 16 : i32
        %shift_left3A_330 = vector.broadcast %shift_left3A_329 : i32 to vector<16xi32>
        %shift_left3A_331 = arith.shli %gather3A_318, %shift_left3A_330 : vector<16xi32>
        %bitcast3A_332 = vector.bitcast %shift_left3A_331 : vector<16xi32> to vector<16xf32>
        %shift_left3A_333 = arith.constant 16 : i32
        %shift_left3A_334 = vector.broadcast %shift_left3A_333 : i32 to vector<16xi32>
        %shift_left3A_335 = arith.shli %gather3A_322, %shift_left3A_334 : vector<16xi32>
        %bitcast3A_336 = vector.bitcast %shift_left3A_335 : vector<16xi32> to vector<16xf32>
        %and3A = vector.broadcast %scan3A : i32 to vector<16xi32>
        %and3A_337 = arith.andi %gather3A, %and3A : vector<16xi32>
        %bitcast3A_338 = vector.bitcast %and3A_337 : vector<16xi32> to vector<16xf32>
        %and3A_339 = vector.broadcast %scan3A : i32 to vector<16xi32>
        %and3A_340 = arith.andi %gather3A_314, %and3A_339 : vector<16xi32>
        %bitcast3A_341 = vector.bitcast %and3A_340 : vector<16xi32> to vector<16xf32>
        %and3A_342 = vector.broadcast %scan3A : i32 to vector<16xi32>
        %and3A_343 = arith.andi %gather3A_318, %and3A_342 : vector<16xi32>
        %bitcast3A_344 = vector.bitcast %and3A_343 : vector<16xi32> to vector<16xf32>
        %and3A_345 = vector.broadcast %scan3A : i32 to vector<16xi32>
        %and3A_346 = arith.andi %gather3A_322, %and3A_345 : vector<16xi32>
        %bitcast3A_347 = vector.bitcast %and3A_346 : vector<16xi32> to vector<16xf32>
        %sub3A_348 = arith.subf %bitcast3A_328, %bitcast3A : vector<16xf32>
        %mul3A_349 = arith.mulf %sub3A, %sub3A_348 : vector<16xf32>
        %add3A_350 = arith.addf %bitcast3A, %mul3A_349 : vector<16xf32>
        %sub3A_351 = arith.subf %bitcast3A_336, %bitcast3A_332 : vector<16xf32>
        %mul3A_352 = arith.mulf %sub3A, %sub3A_351 : vector<16xf32>
        %add3A_353 = arith.addf %bitcast3A_332, %mul3A_352 : vector<16xf32>
        %sub3A_354 = arith.subf %add3A_353, %add3A_350 : vector<16xf32>
        %mul3A_355 = arith.mulf %sub3A_303, %sub3A_354 : vector<16xf32>
        %add3A_356 = arith.addf %add3A_350, %mul3A_355 : vector<16xf32>
        %sub3A_357 = arith.subf %bitcast3A_341, %bitcast3A_338 : vector<16xf32>
        %mul3A_358 = arith.mulf %sub3A, %sub3A_357 : vector<16xf32>
        %add3A_359 = arith.addf %bitcast3A_338, %mul3A_358 : vector<16xf32>
        %sub3A_360 = arith.subf %bitcast3A_347, %bitcast3A_344 : vector<16xf32>
        %mul3A_361 = arith.mulf %sub3A, %sub3A_360 : vector<16xf32>
        %add3A_362 = arith.addf %bitcast3A_344, %mul3A_361 : vector<16xf32>
        %sub3A_363 = arith.subf %add3A_362, %add3A_359 : vector<16xf32>
        %mul3A_364 = arith.mulf %sub3A_303, %sub3A_363 : vector<16xf32>
        %add3A_365 = arith.addf %add3A_359, %mul3A_364 : vector<16xf32>
        %mul3A_366 = arith.constant 512 : i32
        %mul3A_367 = arith.muli %add3A_282, %mul3A_366 : i32
        %add3A_368 = vector.broadcast %mul3A_367 : i32 to vector<16xi32>
        %add3A_369 = arith.addi %add3A_368, %mul3A_6 : vector<16xi32>
        %add3A_370 = arith.constant 4 : i32
        %add3A_371 = vector.broadcast %add3A_370 : i32 to vector<16xi32>
        %add3A_372 = arith.addi %add3A_369, %add3A_371 : vector<16xi32>
        tpu.vector_store_idx %arg18[%add3A_372], %add3A_356 : memref<32768xf32, #tpu.memory_space<vmem>>[vector<16xi32>], vector<16xf32>,
        %add3A_373 = arith.constant 1 : i32
        %add3A_374 = vector.broadcast %add3A_373 : i32 to vector<16xi32>
        %add3A_375 = arith.addi %add3A_372, %add3A_374 : vector<16xi32>
        tpu.vector_store_idx %arg18[%add3A_375], %add3A_365 : memref<32768xf32, #tpu.memory_space<vmem>>[vector<16xi32>], vector<16xf32>,
      }
      %scan3A_152 = arith.constant 64 : i32
      %scan3A_153 = arith.constant 0 : i32
      %scan3A_154 = arith.constant 64 : i32
      %scan3A_155 = arith.addi %scan3A_153, %scan3A_154 : i32
      %scan3A_156 = arith.constant 1 : i32
      scf.for %scan3A_278 = %scan3A_153 to %scan3A_155 step %scan3A_156  : i32 {
        %mul3A_279 = arith.constant 1 : i32
        %mul3A_280 = arith.muli %scan3A_278, %mul3A_279 : i32
        %add3A_281 = arith.constant 0 : i32
        %add3A_282 = arith.addi %add3A_281, %mul3A_280 : i32
        %mul3A_283 = arith.constant 16 : i32
        %mul3A_284 = arith.muli %add3A_282, %mul3A_283 : i32
        %get3A = arith.index_cast %mul3A_284 : i32 to index
        %get3A_285 = tpu.vector_load %arg7[%get3A] {strides = array<i32>} : memref<1024xf32, #tpu.memory_space<vmem>>, vector<16xf32>,
        %mul3A_286 = arith.constant 2.100000e+01 : f32
        %mul3A_287 = vector.broadcast %mul3A_286 : f32 to vector<16xf32>
        %mul3A_288 = arith.mulf %get3A_285, %mul3A_287 : vector<16xf32>
        %add3A_289 = arith.constant 2.100000e+01 : f32
        %add3A_290 = vector.broadcast %add3A_289 : f32 to vector<16xf32>
        %add3A_291 = arith.addf %mul3A_288, %add3A_290 : vector<16xf32>
        %get3A_292 = arith.index_cast %mul3A_284 : i32 to index
        %get3A_293 = tpu.vector_load %arg8[%get3A_292] {strides = array<i32>} : memref<1024xf32, #tpu.memory_space<vmem>>, vector<16xf32>,
        %mul3A_294 = arith.constant 2.100000e+01 : f32
        %mul3A_295 = vector.broadcast %mul3A_294 : f32 to vector<16xf32>
        %mul3A_296 = arith.mulf %get3A_293, %mul3A_295 : vector<16xf32>
        %add3A_297 = arith.constant 2.100000e+01 : f32
        %add3A_298 = vector.broadcast %add3A_297 : f32 to vector<16xf32>
        %add3A_299 = arith.addf %mul3A_296, %add3A_298 : vector<16xf32>
        %convert_element_type3A = arith.fptosi %add3A_291 : vector<16xf32> to vector<16xi32>
        %convert_element_type3A_300 = arith.fptosi %add3A_299 : vector<16xf32> to vector<16xi32>
        %convert_element_type3A_301 = arith.sitofp %convert_element_type3A : vector<16xi32> to vector<16xf32>
        %sub3A = arith.subf %add3A_291, %convert_element_type3A_301 : vector<16xf32>
        %convert_element_type3A_302 = arith.sitofp %convert_element_type3A_300 : vector<16xi32> to vector<16xf32>
        %sub3A_303 = arith.subf %add3A_299, %convert_element_type3A_302 : vector<16xf32>
        %mul3A_304 = arith.constant 48 : i32
        %mul3A_305 = vector.broadcast %mul3A_304 : i32 to vector<16xi32>
        %mul3A_306 = arith.muli %convert_element_type3A_300, %mul3A_305 : vector<16xi32>
        %add3A_307 = arith.addi %mul3A_306, %convert_element_type3A : vector<16xi32>
        %add3A_308 = arith.constant 2272 : i32
        %add3A_309 = vector.broadcast %add3A_308 : i32 to vector<16xi32>
        %add3A_310 = arith.addi %add3A_307, %add3A_309 : vector<16xi32>
        %gather3A = tpu.vector_load_idx %arg9[%add3A_310] : memref<53248xi32, #tpu.memory_space<vmem>>[vector<16xi32>], vector<16xi32>,
        %add3A_311 = arith.constant 1 : i32
        %add3A_312 = vector.broadcast %add3A_311 : i32 to vector<16xi32>
        %add3A_313 = arith.addi %add3A_310, %add3A_312 : vector<16xi32>
        %gather3A_314 = tpu.vector_load_idx %arg9[%add3A_313] : memref<53248xi32, #tpu.memory_space<vmem>>[vector<16xi32>], vector<16xi32>,
        %add3A_315 = arith.constant 48 : i32
        %add3A_316 = vector.broadcast %add3A_315 : i32 to vector<16xi32>
        %add3A_317 = arith.addi %add3A_310, %add3A_316 : vector<16xi32>
        %gather3A_318 = tpu.vector_load_idx %arg9[%add3A_317] : memref<53248xi32, #tpu.memory_space<vmem>>[vector<16xi32>], vector<16xi32>,
        %add3A_319 = arith.constant 49 : i32
        %add3A_320 = vector.broadcast %add3A_319 : i32 to vector<16xi32>
        %add3A_321 = arith.addi %add3A_310, %add3A_320 : vector<16xi32>
        %gather3A_322 = tpu.vector_load_idx %arg9[%add3A_321] : memref<53248xi32, #tpu.memory_space<vmem>>[vector<16xi32>], vector<16xi32>,
        %shift_left3A = arith.constant 16 : i32
        %shift_left3A_323 = vector.broadcast %shift_left3A : i32 to vector<16xi32>
        %shift_left3A_324 = arith.shli %gather3A, %shift_left3A_323 : vector<16xi32>
        %bitcast3A = vector.bitcast %shift_left3A_324 : vector<16xi32> to vector<16xf32>
        %shift_left3A_325 = arith.constant 16 : i32
        %shift_left3A_326 = vector.broadcast %shift_left3A_325 : i32 to vector<16xi32>
        %shift_left3A_327 = arith.shli %gather3A_314, %shift_left3A_326 : vector<16xi32>
        %bitcast3A_328 = vector.bitcast %shift_left3A_327 : vector<16xi32> to vector<16xf32>
        %shift_left3A_329 = arith.constant 16 : i32
        %shift_left3A_330 = vector.broadcast %shift_left3A_329 : i32 to vector<16xi32>
        %shift_left3A_331 = arith.shli %gather3A_318, %shift_left3A_330 : vector<16xi32>
        %bitcast3A_332 = vector.bitcast %shift_left3A_331 : vector<16xi32> to vector<16xf32>
        %shift_left3A_333 = arith.constant 16 : i32
        %shift_left3A_334 = vector.broadcast %shift_left3A_333 : i32 to vector<16xi32>
        %shift_left3A_335 = arith.shli %gather3A_322, %shift_left3A_334 : vector<16xi32>
        %bitcast3A_336 = vector.bitcast %shift_left3A_335 : vector<16xi32> to vector<16xf32>
        %and3A = vector.broadcast %scan3A : i32 to vector<16xi32>
        %and3A_337 = arith.andi %gather3A, %and3A : vector<16xi32>
        %bitcast3A_338 = vector.bitcast %and3A_337 : vector<16xi32> to vector<16xf32>
        %and3A_339 = vector.broadcast %scan3A : i32 to vector<16xi32>
        %and3A_340 = arith.andi %gather3A_314, %and3A_339 : vector<16xi32>
        %bitcast3A_341 = vector.bitcast %and3A_340 : vector<16xi32> to vector<16xf32>
        %and3A_342 = vector.broadcast %scan3A : i32 to vector<16xi32>
        %and3A_343 = arith.andi %gather3A_318, %and3A_342 : vector<16xi32>
        %bitcast3A_344 = vector.bitcast %and3A_343 : vector<16xi32> to vector<16xf32>
        %and3A_345 = vector.broadcast %scan3A : i32 to vector<16xi32>
        %and3A_346 = arith.andi %gather3A_322, %and3A_345 : vector<16xi32>
        %bitcast3A_347 = vector.bitcast %and3A_346 : vector<16xi32> to vector<16xf32>
        %sub3A_348 = arith.subf %bitcast3A_328, %bitcast3A : vector<16xf32>
        %mul3A_349 = arith.mulf %sub3A, %sub3A_348 : vector<16xf32>
        %add3A_350 = arith.addf %bitcast3A, %mul3A_349 : vector<16xf32>
        %sub3A_351 = arith.subf %bitcast3A_336, %bitcast3A_332 : vector<16xf32>
        %mul3A_352 = arith.mulf %sub3A, %sub3A_351 : vector<16xf32>
        %add3A_353 = arith.addf %bitcast3A_332, %mul3A_352 : vector<16xf32>
        %sub3A_354 = arith.subf %add3A_353, %add3A_350 : vector<16xf32>
        %mul3A_355 = arith.mulf %sub3A_303, %sub3A_354 : vector<16xf32>
        %add3A_356 = arith.addf %add3A_350, %mul3A_355 : vector<16xf32>
        %sub3A_357 = arith.subf %bitcast3A_341, %bitcast3A_338 : vector<16xf32>
        %mul3A_358 = arith.mulf %sub3A, %sub3A_357 : vector<16xf32>
        %add3A_359 = arith.addf %bitcast3A_338, %mul3A_358 : vector<16xf32>
        %sub3A_360 = arith.subf %bitcast3A_347, %bitcast3A_344 : vector<16xf32>
        %mul3A_361 = arith.mulf %sub3A, %sub3A_360 : vector<16xf32>
        %add3A_362 = arith.addf %bitcast3A_344, %mul3A_361 : vector<16xf32>
        %sub3A_363 = arith.subf %add3A_362, %add3A_359 : vector<16xf32>
        %mul3A_364 = arith.mulf %sub3A_303, %sub3A_363 : vector<16xf32>
        %add3A_365 = arith.addf %add3A_359, %mul3A_364 : vector<16xf32>
        %mul3A_366 = arith.constant 512 : i32
        %mul3A_367 = arith.muli %add3A_282, %mul3A_366 : i32
        %add3A_368 = vector.broadcast %mul3A_367 : i32 to vector<16xi32>
        %add3A_369 = arith.addi %add3A_368, %mul3A_6 : vector<16xi32>
        %add3A_370 = arith.constant 6 : i32
        %add3A_371 = vector.broadcast %add3A_370 : i32 to vector<16xi32>
        %add3A_372 = arith.addi %add3A_369, %add3A_371 : vector<16xi32>
        tpu.vector_store_idx %arg18[%add3A_372], %add3A_356 : memref<32768xf32, #tpu.memory_space<vmem>>[vector<16xi32>], vector<16xf32>,
        %add3A_373 = arith.constant 1 : i32
        %add3A_374 = vector.broadcast %add3A_373 : i32 to vector<16xi32>
        %add3A_375 = arith.addi %add3A_372, %add3A_374 : vector<16xi32>
        tpu.vector_store_idx %arg18[%add3A_375], %add3A_365 : memref<32768xf32, #tpu.memory_space<vmem>>[vector<16xi32>], vector<16xf32>,
      }
      %scan3A_157 = arith.constant 64 : i32
      %scan3A_158 = arith.constant 0 : i32
      %scan3A_159 = arith.constant 64 : i32
      %scan3A_160 = arith.addi %scan3A_158, %scan3A_159 : i32
      %scan3A_161 = arith.constant 1 : i32
      scf.for %scan3A_278 = %scan3A_158 to %scan3A_160 step %scan3A_161  : i32 {
        %mul3A_279 = arith.constant 1 : i32
        %mul3A_280 = arith.muli %scan3A_278, %mul3A_279 : i32
        %add3A_281 = arith.constant 0 : i32
        %add3A_282 = arith.addi %add3A_281, %mul3A_280 : i32
        %mul3A_283 = arith.constant 16 : i32
        %mul3A_284 = arith.muli %add3A_282, %mul3A_283 : i32
        %get3A = arith.index_cast %mul3A_284 : i32 to index
        %get3A_285 = tpu.vector_load %arg7[%get3A] {strides = array<i32>} : memref<1024xf32, #tpu.memory_space<vmem>>, vector<16xf32>,
        %mul3A_286 = arith.constant 2.900000e+01 : f32
        %mul3A_287 = vector.broadcast %mul3A_286 : f32 to vector<16xf32>
        %mul3A_288 = arith.mulf %get3A_285, %mul3A_287 : vector<16xf32>
        %add3A_289 = arith.constant 2.900000e+01 : f32
        %add3A_290 = vector.broadcast %add3A_289 : f32 to vector<16xf32>
        %add3A_291 = arith.addf %mul3A_288, %add3A_290 : vector<16xf32>
        %get3A_292 = arith.index_cast %mul3A_284 : i32 to index
        %get3A_293 = tpu.vector_load %arg8[%get3A_292] {strides = array<i32>} : memref<1024xf32, #tpu.memory_space<vmem>>, vector<16xf32>,
        %mul3A_294 = arith.constant 2.900000e+01 : f32
        %mul3A_295 = vector.broadcast %mul3A_294 : f32 to vector<16xf32>
        %mul3A_296 = arith.mulf %get3A_293, %mul3A_295 : vector<16xf32>
        %add3A_297 = arith.constant 2.900000e+01 : f32
        %add3A_298 = vector.broadcast %add3A_297 : f32 to vector<16xf32>
        %add3A_299 = arith.addf %mul3A_296, %add3A_298 : vector<16xf32>
        %convert_element_type3A = arith.fptosi %add3A_291 : vector<16xf32> to vector<16xi32>
        %convert_element_type3A_300 = arith.fptosi %add3A_299 : vector<16xf32> to vector<16xi32>
        %convert_element_type3A_301 = arith.sitofp %convert_element_type3A : vector<16xi32> to vector<16xf32>
        %sub3A = arith.subf %add3A_291, %convert_element_type3A_301 : vector<16xf32>
        %convert_element_type3A_302 = arith.sitofp %convert_element_type3A_300 : vector<16xi32> to vector<16xf32>
        %sub3A_303 = arith.subf %add3A_299, %convert_element_type3A_302 : vector<16xf32>
        %mul3A_304 = arith.constant 64 : i32
        %mul3A_305 = vector.broadcast %mul3A_304 : i32 to vector<16xi32>
        %mul3A_306 = arith.muli %convert_element_type3A_300, %mul3A_305 : vector<16xi32>
        %add3A_307 = arith.addi %mul3A_306, %convert_element_type3A : vector<16xi32>
        %add3A_308 = arith.constant 4336 : i32
        %add3A_309 = vector.broadcast %add3A_308 : i32 to vector<16xi32>
        %add3A_310 = arith.addi %add3A_307, %add3A_309 : vector<16xi32>
        %gather3A = tpu.vector_load_idx %arg9[%add3A_310] : memref<53248xi32, #tpu.memory_space<vmem>>[vector<16xi32>], vector<16xi32>,
        %add3A_311 = arith.constant 1 : i32
        %add3A_312 = vector.broadcast %add3A_311 : i32 to vector<16xi32>
        %add3A_313 = arith.addi %add3A_310, %add3A_312 : vector<16xi32>
        %gather3A_314 = tpu.vector_load_idx %arg9[%add3A_313] : memref<53248xi32, #tpu.memory_space<vmem>>[vector<16xi32>], vector<16xi32>,
        %add3A_315 = arith.constant 64 : i32
        %add3A_316 = vector.broadcast %add3A_315 : i32 to vector<16xi32>
        %add3A_317 = arith.addi %add3A_310, %add3A_316 : vector<16xi32>
        %gather3A_318 = tpu.vector_load_idx %arg9[%add3A_317] : memref<53248xi32, #tpu.memory_space<vmem>>[vector<16xi32>], vector<16xi32>,
        %add3A_319 = arith.constant 65 : i32
        %add3A_320 = vector.broadcast %add3A_319 : i32 to vector<16xi32>
        %add3A_321 = arith.addi %add3A_310, %add3A_320 : vector<16xi32>
        %gather3A_322 = tpu.vector_load_idx %arg9[%add3A_321] : memref<53248xi32, #tpu.memory_space<vmem>>[vector<16xi32>], vector<16xi32>,
        %shift_left3A = arith.constant 16 : i32
        %shift_left3A_323 = vector.broadcast %shift_left3A : i32 to vector<16xi32>
        %shift_left3A_324 = arith.shli %gather3A, %shift_left3A_323 : vector<16xi32>
        %bitcast3A = vector.bitcast %shift_left3A_324 : vector<16xi32> to vector<16xf32>
        %shift_left3A_325 = arith.constant 16 : i32
        %shift_left3A_326 = vector.broadcast %shift_left3A_325 : i32 to vector<16xi32>
        %shift_left3A_327 = arith.shli %gather3A_314, %shift_left3A_326 : vector<16xi32>
        %bitcast3A_328 = vector.bitcast %shift_left3A_327 : vector<16xi32> to vector<16xf32>
        %shift_left3A_329 = arith.constant 16 : i32
        %shift_left3A_330 = vector.broadcast %shift_left3A_329 : i32 to vector<16xi32>
        %shift_left3A_331 = arith.shli %gather3A_318, %shift_left3A_330 : vector<16xi32>
        %bitcast3A_332 = vector.bitcast %shift_left3A_331 : vector<16xi32> to vector<16xf32>
        %shift_left3A_333 = arith.constant 16 : i32
        %shift_left3A_334 = vector.broadcast %shift_left3A_333 : i32 to vector<16xi32>
        %shift_left3A_335 = arith.shli %gather3A_322, %shift_left3A_334 : vector<16xi32>
        %bitcast3A_336 = vector.bitcast %shift_left3A_335 : vector<16xi32> to vector<16xf32>
        %and3A = vector.broadcast %scan3A : i32 to vector<16xi32>
        %and3A_337 = arith.andi %gather3A, %and3A : vector<16xi32>
        %bitcast3A_338 = vector.bitcast %and3A_337 : vector<16xi32> to vector<16xf32>
        %and3A_339 = vector.broadcast %scan3A : i32 to vector<16xi32>
        %and3A_340 = arith.andi %gather3A_314, %and3A_339 : vector<16xi32>
        %bitcast3A_341 = vector.bitcast %and3A_340 : vector<16xi32> to vector<16xf32>
        %and3A_342 = vector.broadcast %scan3A : i32 to vector<16xi32>
        %and3A_343 = arith.andi %gather3A_318, %and3A_342 : vector<16xi32>
        %bitcast3A_344 = vector.bitcast %and3A_343 : vector<16xi32> to vector<16xf32>
        %and3A_345 = vector.broadcast %scan3A : i32 to vector<16xi32>
        %and3A_346 = arith.andi %gather3A_322, %and3A_345 : vector<16xi32>
        %bitcast3A_347 = vector.bitcast %and3A_346 : vector<16xi32> to vector<16xf32>
        %sub3A_348 = arith.subf %bitcast3A_328, %bitcast3A : vector<16xf32>
        %mul3A_349 = arith.mulf %sub3A, %sub3A_348 : vector<16xf32>
        %add3A_350 = arith.addf %bitcast3A, %mul3A_349 : vector<16xf32>
        %sub3A_351 = arith.subf %bitcast3A_336, %bitcast3A_332 : vector<16xf32>
        %mul3A_352 = arith.mulf %sub3A, %sub3A_351 : vector<16xf32>
        %add3A_353 = arith.addf %bitcast3A_332, %mul3A_352 : vector<16xf32>
        %sub3A_354 = arith.subf %add3A_353, %add3A_350 : vector<16xf32>
        %mul3A_355 = arith.mulf %sub3A_303, %sub3A_354 : vector<16xf32>
        %add3A_356 = arith.addf %add3A_350, %mul3A_355 : vector<16xf32>
        %sub3A_357 = arith.subf %bitcast3A_341, %bitcast3A_338 : vector<16xf32>
        %mul3A_358 = arith.mulf %sub3A, %sub3A_357 : vector<16xf32>
        %add3A_359 = arith.addf %bitcast3A_338, %mul3A_358 : vector<16xf32>
        %sub3A_360 = arith.subf %bitcast3A_347, %bitcast3A_344 : vector<16xf32>
        %mul3A_361 = arith.mulf %sub3A, %sub3A_360 : vector<16xf32>
        %add3A_362 = arith.addf %bitcast3A_344, %mul3A_361 : vector<16xf32>
        %sub3A_363 = arith.subf %add3A_362, %add3A_359 : vector<16xf32>
        %mul3A_364 = arith.mulf %sub3A_303, %sub3A_363 : vector<16xf32>
        %add3A_365 = arith.addf %add3A_359, %mul3A_364 : vector<16xf32>
        %mul3A_366 = arith.constant 512 : i32
        %mul3A_367 = arith.muli %add3A_282, %mul3A_366 : i32
        %add3A_368 = vector.broadcast %mul3A_367 : i32 to vector<16xi32>
        %add3A_369 = arith.addi %add3A_368, %mul3A_6 : vector<16xi32>
        %add3A_370 = arith.constant 8 : i32
        %add3A_371 = vector.broadcast %add3A_370 : i32 to vector<16xi32>
        %add3A_372 = arith.addi %add3A_369, %add3A_371 : vector<16xi32>
        tpu.vector_store_idx %arg18[%add3A_372], %add3A_356 : memref<32768xf32, #tpu.memory_space<vmem>>[vector<16xi32>], vector<16xf32>,
        %add3A_373 = arith.constant 1 : i32
        %add3A_374 = vector.broadcast %add3A_373 : i32 to vector<16xi32>
        %add3A_375 = arith.addi %add3A_372, %add3A_374 : vector<16xi32>
        tpu.vector_store_idx %arg18[%add3A_375], %add3A_365 : memref<32768xf32, #tpu.memory_space<vmem>>[vector<16xi32>], vector<16xf32>,
      }
      %scan3A_162 = arith.constant 64 : i32
      %scan3A_163 = arith.constant 0 : i32
      %scan3A_164 = arith.constant 64 : i32
      %scan3A_165 = arith.addi %scan3A_163, %scan3A_164 : i32
      %scan3A_166 = arith.constant 1 : i32
      scf.for %scan3A_278 = %scan3A_163 to %scan3A_165 step %scan3A_166  : i32 {
        %mul3A_279 = arith.constant 1 : i32
        %mul3A_280 = arith.muli %scan3A_278, %mul3A_279 : i32
        %add3A_281 = arith.constant 0 : i32
        %add3A_282 = arith.addi %add3A_281, %mul3A_280 : i32
        %mul3A_283 = arith.constant 16 : i32
        %mul3A_284 = arith.muli %add3A_282, %mul3A_283 : i32
        %get3A = arith.index_cast %mul3A_284 : i32 to index
        %get3A_285 = tpu.vector_load %arg7[%get3A] {strides = array<i32>} : memref<1024xf32, #tpu.memory_space<vmem>>, vector<16xf32>,
        %mul3A_286 = arith.constant 4.000000e+01 : f32
        %mul3A_287 = vector.broadcast %mul3A_286 : f32 to vector<16xf32>
        %mul3A_288 = arith.mulf %get3A_285, %mul3A_287 : vector<16xf32>
        %add3A_289 = arith.constant 4.000000e+01 : f32
        %add3A_290 = vector.broadcast %add3A_289 : f32 to vector<16xf32>
        %add3A_291 = arith.addf %mul3A_288, %add3A_290 : vector<16xf32>
        %get3A_292 = arith.index_cast %mul3A_284 : i32 to index
        %get3A_293 = tpu.vector_load %arg8[%get3A_292] {strides = array<i32>} : memref<1024xf32, #tpu.memory_space<vmem>>, vector<16xf32>,
        %mul3A_294 = arith.constant 4.000000e+01 : f32
        %mul3A_295 = vector.broadcast %mul3A_294 : f32 to vector<16xf32>
        %mul3A_296 = arith.mulf %get3A_293, %mul3A_295 : vector<16xf32>
        %add3A_297 = arith.constant 4.000000e+01 : f32
        %add3A_298 = vector.broadcast %add3A_297 : f32 to vector<16xf32>
        %add3A_299 = arith.addf %mul3A_296, %add3A_298 : vector<16xf32>
        %convert_element_type3A = arith.fptosi %add3A_291 : vector<16xf32> to vector<16xi32>
        %convert_element_type3A_300 = arith.fptosi %add3A_299 : vector<16xf32> to vector<16xi32>
        %convert_element_type3A_301 = arith.sitofp %convert_element_type3A : vector<16xi32> to vector<16xf32>
        %sub3A = arith.subf %add3A_291, %convert_element_type3A_301 : vector<16xf32>
        %convert_element_type3A_302 = arith.sitofp %convert_element_type3A_300 : vector<16xi32> to vector<16xf32>
        %sub3A_303 = arith.subf %add3A_299, %convert_element_type3A_302 : vector<16xf32>
        %mul3A_304 = arith.constant 96 : i32
        %mul3A_305 = vector.broadcast %mul3A_304 : i32 to vector<16xi32>
        %mul3A_306 = arith.muli %convert_element_type3A_300, %mul3A_305 : vector<16xi32>
        %add3A_307 = arith.addi %mul3A_306, %convert_element_type3A : vector<16xi32>
        %add3A_308 = arith.constant 8112 : i32
        %add3A_309 = vector.broadcast %add3A_308 : i32 to vector<16xi32>
        %add3A_310 = arith.addi %add3A_307, %add3A_309 : vector<16xi32>
        %gather3A = tpu.vector_load_idx %arg9[%add3A_310] : memref<53248xi32, #tpu.memory_space<vmem>>[vector<16xi32>], vector<16xi32>,
        %add3A_311 = arith.constant 1 : i32
        %add3A_312 = vector.broadcast %add3A_311 : i32 to vector<16xi32>
        %add3A_313 = arith.addi %add3A_310, %add3A_312 : vector<16xi32>
        %gather3A_314 = tpu.vector_load_idx %arg9[%add3A_313] : memref<53248xi32, #tpu.memory_space<vmem>>[vector<16xi32>], vector<16xi32>,
        %add3A_315 = arith.constant 96 : i32
        %add3A_316 = vector.broadcast %add3A_315 : i32 to vector<16xi32>
        %add3A_317 = arith.addi %add3A_310, %add3A_316 : vector<16xi32>
        %gather3A_318 = tpu.vector_load_idx %arg9[%add3A_317] : memref<53248xi32, #tpu.memory_space<vmem>>[vector<16xi32>], vector<16xi32>,
        %add3A_319 = arith.constant 97 : i32
        %add3A_320 = vector.broadcast %add3A_319 : i32 to vector<16xi32>
        %add3A_321 = arith.addi %add3A_310, %add3A_320 : vector<16xi32>
        %gather3A_322 = tpu.vector_load_idx %arg9[%add3A_321] : memref<53248xi32, #tpu.memory_space<vmem>>[vector<16xi32>], vector<16xi32>,
        %shift_left3A = arith.constant 16 : i32
        %shift_left3A_323 = vector.broadcast %shift_left3A : i32 to vector<16xi32>
        %shift_left3A_324 = arith.shli %gather3A, %shift_left3A_323 : vector<16xi32>
        %bitcast3A = vector.bitcast %shift_left3A_324 : vector<16xi32> to vector<16xf32>
        %shift_left3A_325 = arith.constant 16 : i32
        %shift_left3A_326 = vector.broadcast %shift_left3A_325 : i32 to vector<16xi32>
        %shift_left3A_327 = arith.shli %gather3A_314, %shift_left3A_326 : vector<16xi32>
        %bitcast3A_328 = vector.bitcast %shift_left3A_327 : vector<16xi32> to vector<16xf32>
        %shift_left3A_329 = arith.constant 16 : i32
        %shift_left3A_330 = vector.broadcast %shift_left3A_329 : i32 to vector<16xi32>
        %shift_left3A_331 = arith.shli %gather3A_318, %shift_left3A_330 : vector<16xi32>
        %bitcast3A_332 = vector.bitcast %shift_left3A_331 : vector<16xi32> to vector<16xf32>
        %shift_left3A_333 = arith.constant 16 : i32
        %shift_left3A_334 = vector.broadcast %shift_left3A_333 : i32 to vector<16xi32>
        %shift_left3A_335 = arith.shli %gather3A_322, %shift_left3A_334 : vector<16xi32>
        %bitcast3A_336 = vector.bitcast %shift_left3A_335 : vector<16xi32> to vector<16xf32>
        %and3A = vector.broadcast %scan3A : i32 to vector<16xi32>
        %and3A_337 = arith.andi %gather3A, %and3A : vector<16xi32>
        %bitcast3A_338 = vector.bitcast %and3A_337 : vector<16xi32> to vector<16xf32>
        %and3A_339 = vector.broadcast %scan3A : i32 to vector<16xi32>
        %and3A_340 = arith.andi %gather3A_314, %and3A_339 : vector<16xi32>
        %bitcast3A_341 = vector.bitcast %and3A_340 : vector<16xi32> to vector<16xf32>
        %and3A_342 = vector.broadcast %scan3A : i32 to vector<16xi32>
        %and3A_343 = arith.andi %gather3A_318, %and3A_342 : vector<16xi32>
        %bitcast3A_344 = vector.bitcast %and3A_343 : vector<16xi32> to vector<16xf32>
        %and3A_345 = vector.broadcast %scan3A : i32 to vector<16xi32>
        %and3A_346 = arith.andi %gather3A_322, %and3A_345 : vector<16xi32>
        %bitcast3A_347 = vector.bitcast %and3A_346 : vector<16xi32> to vector<16xf32>
        %sub3A_348 = arith.subf %bitcast3A_328, %bitcast3A : vector<16xf32>
        %mul3A_349 = arith.mulf %sub3A, %sub3A_348 : vector<16xf32>
        %add3A_350 = arith.addf %bitcast3A, %mul3A_349 : vector<16xf32>
        %sub3A_351 = arith.subf %bitcast3A_336, %bitcast3A_332 : vector<16xf32>
        %mul3A_352 = arith.mulf %sub3A, %sub3A_351 : vector<16xf32>
        %add3A_353 = arith.addf %bitcast3A_332, %mul3A_352 : vector<16xf32>
        %sub3A_354 = arith.subf %add3A_353, %add3A_350 : vector<16xf32>
        %mul3A_355 = arith.mulf %sub3A_303, %sub3A_354 : vector<16xf32>
        %add3A_356 = arith.addf %add3A_350, %mul3A_355 : vector<16xf32>
        %sub3A_357 = arith.subf %bitcast3A_341, %bitcast3A_338 : vector<16xf32>
        %mul3A_358 = arith.mulf %sub3A, %sub3A_357 : vector<16xf32>
        %add3A_359 = arith.addf %bitcast3A_338, %mul3A_358 : vector<16xf32>
        %sub3A_360 = arith.subf %bitcast3A_347, %bitcast3A_344 : vector<16xf32>
        %mul3A_361 = arith.mulf %sub3A, %sub3A_360 : vector<16xf32>
        %add3A_362 = arith.addf %bitcast3A_344, %mul3A_361 : vector<16xf32>
        %sub3A_363 = arith.subf %add3A_362, %add3A_359 : vector<16xf32>
        %mul3A_364 = arith.mulf %sub3A_303, %sub3A_363 : vector<16xf32>
        %add3A_365 = arith.addf %add3A_359, %mul3A_364 : vector<16xf32>
        %mul3A_366 = arith.constant 512 : i32
        %mul3A_367 = arith.muli %add3A_282, %mul3A_366 : i32
        %add3A_368 = vector.broadcast %mul3A_367 : i32 to vector<16xi32>
        %add3A_369 = arith.addi %add3A_368, %mul3A_6 : vector<16xi32>
        %add3A_370 = arith.constant 10 : i32
        %add3A_371 = vector.broadcast %add3A_370 : i32 to vector<16xi32>
        %add3A_372 = arith.addi %add3A_369, %add3A_371 : vector<16xi32>
        tpu.vector_store_idx %arg18[%add3A_372], %add3A_356 : memref<32768xf32, #tpu.memory_space<vmem>>[vector<16xi32>], vector<16xf32>,
        %add3A_373 = arith.constant 1 : i32
        %add3A_374 = vector.broadcast %add3A_373 : i32 to vector<16xi32>
        %add3A_375 = arith.addi %add3A_372, %add3A_374 : vector<16xi32>
        tpu.vector_store_idx %arg18[%add3A_375], %add3A_365 : memref<32768xf32, #tpu.memory_space<vmem>>[vector<16xi32>], vector<16xf32>,
      }
      %scan3A_167 = arith.constant 64 : i32
      %scan3A_168 = arith.constant 0 : i32
      %scan3A_169 = arith.constant 64 : i32
      %scan3A_170 = arith.addi %scan3A_168, %scan3A_169 : i32
      %scan3A_171 = arith.constant 1 : i32
      scf.for %scan3A_278 = %scan3A_168 to %scan3A_170 step %scan3A_171  : i32 {
        %mul3A_279 = arith.constant 1 : i32
        %mul3A_280 = arith.muli %scan3A_278, %mul3A_279 : i32
        %add3A_281 = arith.constant 0 : i32
        %add3A_282 = arith.addi %add3A_281, %mul3A_280 : i32
        %mul3A_283 = arith.constant 16 : i32
        %mul3A_284 = arith.muli %add3A_282, %mul3A_283 : i32
        %get3A = arith.index_cast %mul3A_284 : i32 to index
        %get3A_285 = tpu.vector_load %arg7[%get3A] {strides = array<i32>} : memref<1024xf32, #tpu.memory_space<vmem>>, vector<16xf32>,
        %mul3A_286 = arith.constant 5.500000e+01 : f32
        %mul3A_287 = vector.broadcast %mul3A_286 : f32 to vector<16xf32>
        %mul3A_288 = arith.mulf %get3A_285, %mul3A_287 : vector<16xf32>
        %add3A_289 = arith.constant 5.500000e+01 : f32
        %add3A_290 = vector.broadcast %add3A_289 : f32 to vector<16xf32>
        %add3A_291 = arith.addf %mul3A_288, %add3A_290 : vector<16xf32>
        %get3A_292 = arith.index_cast %mul3A_284 : i32 to index
        %get3A_293 = tpu.vector_load %arg8[%get3A_292] {strides = array<i32>} : memref<1024xf32, #tpu.memory_space<vmem>>, vector<16xf32>,
        %mul3A_294 = arith.constant 5.500000e+01 : f32
        %mul3A_295 = vector.broadcast %mul3A_294 : f32 to vector<16xf32>
        %mul3A_296 = arith.mulf %get3A_293, %mul3A_295 : vector<16xf32>
        %add3A_297 = arith.constant 5.500000e+01 : f32
        %add3A_298 = vector.broadcast %add3A_297 : f32 to vector<16xf32>
        %add3A_299 = arith.addf %mul3A_296, %add3A_298 : vector<16xf32>
        %convert_element_type3A = arith.fptosi %add3A_291 : vector<16xf32> to vector<16xi32>
        %convert_element_type3A_300 = arith.fptosi %add3A_299 : vector<16xf32> to vector<16xi32>
        %convert_element_type3A_301 = arith.sitofp %convert_element_type3A : vector<16xi32> to vector<16xf32>
        %sub3A = arith.subf %add3A_291, %convert_element_type3A_301 : vector<16xf32>
        %convert_element_type3A_302 = arith.sitofp %convert_element_type3A_300 : vector<16xi32> to vector<16xf32>
        %sub3A_303 = arith.subf %add3A_299, %convert_element_type3A_302 : vector<16xf32>
        %mul3A_304 = arith.constant 112 : i32
        %mul3A_305 = vector.broadcast %mul3A_304 : i32 to vector<16xi32>
        %mul3A_306 = arith.muli %convert_element_type3A_300, %mul3A_305 : vector<16xi32>
        %add3A_307 = arith.addi %mul3A_306, %convert_element_type3A : vector<16xi32>
        %add3A_308 = arith.constant 15888 : i32
        %add3A_309 = vector.broadcast %add3A_308 : i32 to vector<16xi32>
        %add3A_310 = arith.addi %add3A_307, %add3A_309 : vector<16xi32>
        %gather3A = tpu.vector_load_idx %arg9[%add3A_310] : memref<53248xi32, #tpu.memory_space<vmem>>[vector<16xi32>], vector<16xi32>,
        %add3A_311 = arith.constant 1 : i32
        %add3A_312 = vector.broadcast %add3A_311 : i32 to vector<16xi32>
        %add3A_313 = arith.addi %add3A_310, %add3A_312 : vector<16xi32>
        %gather3A_314 = tpu.vector_load_idx %arg9[%add3A_313] : memref<53248xi32, #tpu.memory_space<vmem>>[vector<16xi32>], vector<16xi32>,
        %add3A_315 = arith.constant 112 : i32
        %add3A_316 = vector.broadcast %add3A_315 : i32 to vector<16xi32>
        %add3A_317 = arith.addi %add3A_310, %add3A_316 : vector<16xi32>
        %gather3A_318 = tpu.vector_load_idx %arg9[%add3A_317] : memref<53248xi32, #tpu.memory_space<vmem>>[vector<16xi32>], vector<16xi32>,
        %add3A_319 = arith.constant 113 : i32
        %add3A_320 = vector.broadcast %add3A_319 : i32 to vector<16xi32>
        %add3A_321 = arith.addi %add3A_310, %add3A_320 : vector<16xi32>
        %gather3A_322 = tpu.vector_load_idx %arg9[%add3A_321] : memref<53248xi32, #tpu.memory_space<vmem>>[vector<16xi32>], vector<16xi32>,
        %shift_left3A = arith.constant 16 : i32
        %shift_left3A_323 = vector.broadcast %shift_left3A : i32 to vector<16xi32>
        %shift_left3A_324 = arith.shli %gather3A, %shift_left3A_323 : vector<16xi32>
        %bitcast3A = vector.bitcast %shift_left3A_324 : vector<16xi32> to vector<16xf32>
        %shift_left3A_325 = arith.constant 16 : i32
        %shift_left3A_326 = vector.broadcast %shift_left3A_325 : i32 to vector<16xi32>
        %shift_left3A_327 = arith.shli %gather3A_314, %shift_left3A_326 : vector<16xi32>
        %bitcast3A_328 = vector.bitcast %shift_left3A_327 : vector<16xi32> to vector<16xf32>
        %shift_left3A_329 = arith.constant 16 : i32
        %shift_left3A_330 = vector.broadcast %shift_left3A_329 : i32 to vector<16xi32>
        %shift_left3A_331 = arith.shli %gather3A_318, %shift_left3A_330 : vector<16xi32>
        %bitcast3A_332 = vector.bitcast %shift_left3A_331 : vector<16xi32> to vector<16xf32>
        %shift_left3A_333 = arith.constant 16 : i32
        %shift_left3A_334 = vector.broadcast %shift_left3A_333 : i32 to vector<16xi32>
        %shift_left3A_335 = arith.shli %gather3A_322, %shift_left3A_334 : vector<16xi32>
        %bitcast3A_336 = vector.bitcast %shift_left3A_335 : vector<16xi32> to vector<16xf32>
        %and3A = vector.broadcast %scan3A : i32 to vector<16xi32>
        %and3A_337 = arith.andi %gather3A, %and3A : vector<16xi32>
        %bitcast3A_338 = vector.bitcast %and3A_337 : vector<16xi32> to vector<16xf32>
        %and3A_339 = vector.broadcast %scan3A : i32 to vector<16xi32>
        %and3A_340 = arith.andi %gather3A_314, %and3A_339 : vector<16xi32>
        %bitcast3A_341 = vector.bitcast %and3A_340 : vector<16xi32> to vector<16xf32>
        %and3A_342 = vector.broadcast %scan3A : i32 to vector<16xi32>
        %and3A_343 = arith.andi %gather3A_318, %and3A_342 : vector<16xi32>
        %bitcast3A_344 = vector.bitcast %and3A_343 : vector<16xi32> to vector<16xf32>
        %and3A_345 = vector.broadcast %scan3A : i32 to vector<16xi32>
        %and3A_346 = arith.andi %gather3A_322, %and3A_345 : vector<16xi32>
        %bitcast3A_347 = vector.bitcast %and3A_346 : vector<16xi32> to vector<16xf32>
        %sub3A_348 = arith.subf %bitcast3A_328, %bitcast3A : vector<16xf32>
        %mul3A_349 = arith.mulf %sub3A, %sub3A_348 : vector<16xf32>
        %add3A_350 = arith.addf %bitcast3A, %mul3A_349 : vector<16xf32>
        %sub3A_351 = arith.subf %bitcast3A_336, %bitcast3A_332 : vector<16xf32>
        %mul3A_352 = arith.mulf %sub3A, %sub3A_351 : vector<16xf32>
        %add3A_353 = arith.addf %bitcast3A_332, %mul3A_352 : vector<16xf32>
        %sub3A_354 = arith.subf %add3A_353, %add3A_350 : vector<16xf32>
        %mul3A_355 = arith.mulf %sub3A_303, %sub3A_354 : vector<16xf32>
        %add3A_356 = arith.addf %add3A_350, %mul3A_355 : vector<16xf32>
        %sub3A_357 = arith.subf %bitcast3A_341, %bitcast3A_338 : vector<16xf32>
        %mul3A_358 = arith.mulf %sub3A, %sub3A_357 : vector<16xf32>
        %add3A_359 = arith.addf %bitcast3A_338, %mul3A_358 : vector<16xf32>
        %sub3A_360 = arith.subf %bitcast3A_347, %bitcast3A_344 : vector<16xf32>
        %mul3A_361 = arith.mulf %sub3A, %sub3A_360 : vector<16xf32>
        %add3A_362 = arith.addf %bitcast3A_344, %mul3A_361 : vector<16xf32>
        %sub3A_363 = arith.subf %add3A_362, %add3A_359 : vector<16xf32>
        %mul3A_364 = arith.mulf %sub3A_303, %sub3A_363 : vector<16xf32>
        %add3A_365 = arith.addf %add3A_359, %mul3A_364 : vector<16xf32>
        %mul3A_366 = arith.constant 512 : i32
        %mul3A_367 = arith.muli %add3A_282, %mul3A_366 : i32
        %add3A_368 = vector.broadcast %mul3A_367 : i32 to vector<16xi32>
        %add3A_369 = arith.addi %add3A_368, %mul3A_6 : vector<16xi32>
        %add3A_370 = arith.constant 12 : i32
        %add3A_371 = vector.broadcast %add3A_370 : i32 to vector<16xi32>
        %add3A_372 = arith.addi %add3A_369, %add3A_371 : vector<16xi32>
        tpu.vector_store_idx %arg18[%add3A_372], %add3A_356 : memref<32768xf32, #tpu.memory_space<vmem>>[vector<16xi32>], vector<16xf32>,
        %add3A_373 = arith.constant 1 : i32
        %add3A_374 = vector.broadcast %add3A_373 : i32 to vector<16xi32>
        %add3A_375 = arith.addi %add3A_372, %add3A_374 : vector<16xi32>
        tpu.vector_store_idx %arg18[%add3A_375], %add3A_365 : memref<32768xf32, #tpu.memory_space<vmem>>[vector<16xi32>], vector<16xf32>,
      }
      %scan3A_172 = arith.constant 64 : i32
      %scan3A_173 = arith.constant 0 : i32
      %scan3A_174 = arith.constant 64 : i32
      %scan3A_175 = arith.addi %scan3A_173, %scan3A_174 : i32
      %scan3A_176 = arith.constant 1 : i32
      scf.for %scan3A_278 = %scan3A_173 to %scan3A_175 step %scan3A_176  : i32 {
        %mul3A_279 = arith.constant 1 : i32
        %mul3A_280 = arith.muli %scan3A_278, %mul3A_279 : i32
        %add3A_281 = arith.constant 0 : i32
        %add3A_282 = arith.addi %add3A_281, %mul3A_280 : i32
        %mul3A_283 = arith.constant 16 : i32
        %mul3A_284 = arith.muli %add3A_282, %mul3A_283 : i32
        %get3A = arith.index_cast %mul3A_284 : i32 to index
        %get3A_285 = tpu.vector_load %arg7[%get3A] {strides = array<i32>} : memref<1024xf32, #tpu.memory_space<vmem>>, vector<16xf32>,
        %mul3A_286 = arith.constant 7.600000e+01 : f32
        %mul3A_287 = vector.broadcast %mul3A_286 : f32 to vector<16xf32>
        %mul3A_288 = arith.mulf %get3A_285, %mul3A_287 : vector<16xf32>
        %add3A_289 = arith.constant 7.600000e+01 : f32
        %add3A_290 = vector.broadcast %add3A_289 : f32 to vector<16xf32>
        %add3A_291 = arith.addf %mul3A_288, %add3A_290 : vector<16xf32>
        %get3A_292 = arith.index_cast %mul3A_284 : i32 to index
        %get3A_293 = tpu.vector_load %arg8[%get3A_292] {strides = array<i32>} : memref<1024xf32, #tpu.memory_space<vmem>>, vector<16xf32>,
        %mul3A_294 = arith.constant 7.600000e+01 : f32
        %mul3A_295 = vector.broadcast %mul3A_294 : f32 to vector<16xf32>
        %mul3A_296 = arith.mulf %get3A_293, %mul3A_295 : vector<16xf32>
        %add3A_297 = arith.constant 7.600000e+01 : f32
        %add3A_298 = vector.broadcast %add3A_297 : f32 to vector<16xf32>
        %add3A_299 = arith.addf %mul3A_296, %add3A_298 : vector<16xf32>
        %convert_element_type3A = arith.fptosi %add3A_291 : vector<16xf32> to vector<16xi32>
        %convert_element_type3A_300 = arith.fptosi %add3A_299 : vector<16xf32> to vector<16xi32>
        %convert_element_type3A_301 = arith.sitofp %convert_element_type3A : vector<16xi32> to vector<16xf32>
        %sub3A = arith.subf %add3A_291, %convert_element_type3A_301 : vector<16xf32>
        %convert_element_type3A_302 = arith.sitofp %convert_element_type3A_300 : vector<16xi32> to vector<16xf32>
        %sub3A_303 = arith.subf %add3A_299, %convert_element_type3A_302 : vector<16xf32>
        %mul3A_304 = arith.constant 160 : i32
        %mul3A_305 = vector.broadcast %mul3A_304 : i32 to vector<16xi32>
        %mul3A_306 = arith.muli %convert_element_type3A_300, %mul3A_305 : vector<16xi32>
        %add3A_307 = arith.addi %mul3A_306, %convert_element_type3A : vector<16xi32>
        %add3A_308 = arith.constant 28320 : i32
        %add3A_309 = vector.broadcast %add3A_308 : i32 to vector<16xi32>
        %add3A_310 = arith.addi %add3A_307, %add3A_309 : vector<16xi32>
        %gather3A = tpu.vector_load_idx %arg9[%add3A_310] : memref<53248xi32, #tpu.memory_space<vmem>>[vector<16xi32>], vector<16xi32>,
        %add3A_311 = arith.constant 1 : i32
        %add3A_312 = vector.broadcast %add3A_311 : i32 to vector<16xi32>
        %add3A_313 = arith.addi %add3A_310, %add3A_312 : vector<16xi32>
        %gather3A_314 = tpu.vector_load_idx %arg9[%add3A_313] : memref<53248xi32, #tpu.memory_space<vmem>>[vector<16xi32>], vector<16xi32>,
        %add3A_315 = arith.constant 160 : i32
        %add3A_316 = vector.broadcast %add3A_315 : i32 to vector<16xi32>
        %add3A_317 = arith.addi %add3A_310, %add3A_316 : vector<16xi32>
        %gather3A_318 = tpu.vector_load_idx %arg9[%add3A_317] : memref<53248xi32, #tpu.memory_space<vmem>>[vector<16xi32>], vector<16xi32>,
        %add3A_319 = arith.constant 161 : i32
        %add3A_320 = vector.broadcast %add3A_319 : i32 to vector<16xi32>
        %add3A_321 = arith.addi %add3A_310, %add3A_320 : vector<16xi32>
        %gather3A_322 = tpu.vector_load_idx %arg9[%add3A_321] : memref<53248xi32, #tpu.memory_space<vmem>>[vector<16xi32>], vector<16xi32>,
        %shift_left3A = arith.constant 16 : i32
        %shift_left3A_323 = vector.broadcast %shift_left3A : i32 to vector<16xi32>
        %shift_left3A_324 = arith.shli %gather3A, %shift_left3A_323 : vector<16xi32>
        %bitcast3A = vector.bitcast %shift_left3A_324 : vector<16xi32> to vector<16xf32>
        %shift_left3A_325 = arith.constant 16 : i32
        %shift_left3A_326 = vector.broadcast %shift_left3A_325 : i32 to vector<16xi32>
        %shift_left3A_327 = arith.shli %gather3A_314, %shift_left3A_326 : vector<16xi32>
        %bitcast3A_328 = vector.bitcast %shift_left3A_327 : vector<16xi32> to vector<16xf32>
        %shift_left3A_329 = arith.constant 16 : i32
        %shift_left3A_330 = vector.broadcast %shift_left3A_329 : i32 to vector<16xi32>
        %shift_left3A_331 = arith.shli %gather3A_318, %shift_left3A_330 : vector<16xi32>
        %bitcast3A_332 = vector.bitcast %shift_left3A_331 : vector<16xi32> to vector<16xf32>
        %shift_left3A_333 = arith.constant 16 : i32
        %shift_left3A_334 = vector.broadcast %shift_left3A_333 : i32 to vector<16xi32>
        %shift_left3A_335 = arith.shli %gather3A_322, %shift_left3A_334 : vector<16xi32>
        %bitcast3A_336 = vector.bitcast %shift_left3A_335 : vector<16xi32> to vector<16xf32>
        %and3A = vector.broadcast %scan3A : i32 to vector<16xi32>
        %and3A_337 = arith.andi %gather3A, %and3A : vector<16xi32>
        %bitcast3A_338 = vector.bitcast %and3A_337 : vector<16xi32> to vector<16xf32>
        %and3A_339 = vector.broadcast %scan3A : i32 to vector<16xi32>
        %and3A_340 = arith.andi %gather3A_314, %and3A_339 : vector<16xi32>
        %bitcast3A_341 = vector.bitcast %and3A_340 : vector<16xi32> to vector<16xf32>
        %and3A_342 = vector.broadcast %scan3A : i32 to vector<16xi32>
        %and3A_343 = arith.andi %gather3A_318, %and3A_342 : vector<16xi32>
        %bitcast3A_344 = vector.bitcast %and3A_343 : vector<16xi32> to vector<16xf32>
        %and3A_345 = vector.broadcast %scan3A : i32 to vector<16xi32>
        %and3A_346 = arith.andi %gather3A_322, %and3A_345 : vector<16xi32>
        %bitcast3A_347 = vector.bitcast %and3A_346 : vector<16xi32> to vector<16xf32>
        %sub3A_348 = arith.subf %bitcast3A_328, %bitcast3A : vector<16xf32>
        %mul3A_349 = arith.mulf %sub3A, %sub3A_348 : vector<16xf32>
        %add3A_350 = arith.addf %bitcast3A, %mul3A_349 : vector<16xf32>
        %sub3A_351 = arith.subf %bitcast3A_336, %bitcast3A_332 : vector<16xf32>
        %mul3A_352 = arith.mulf %sub3A, %sub3A_351 : vector<16xf32>
        %add3A_353 = arith.addf %bitcast3A_332, %mul3A_352 : vector<16xf32>
        %sub3A_354 = arith.subf %add3A_353, %add3A_350 : vector<16xf32>
        %mul3A_355 = arith.mulf %sub3A_303, %sub3A_354 : vector<16xf32>
        %add3A_356 = arith.addf %add3A_350, %mul3A_355 : vector<16xf32>
        %sub3A_357 = arith.subf %bitcast3A_341, %bitcast3A_338 : vector<16xf32>
        %mul3A_358 = arith.mulf %sub3A, %sub3A_357 : vector<16xf32>
        %add3A_359 = arith.addf %bitcast3A_338, %mul3A_358 : vector<16xf32>
        %sub3A_360 = arith.subf %bitcast3A_347, %bitcast3A_344 : vector<16xf32>
        %mul3A_361 = arith.mulf %sub3A, %sub3A_360 : vector<16xf32>
        %add3A_362 = arith.addf %bitcast3A_344, %mul3A_361 : vector<16xf32>
        %sub3A_363 = arith.subf %add3A_362, %add3A_359 : vector<16xf32>
        %mul3A_364 = arith.mulf %sub3A_303, %sub3A_363 : vector<16xf32>
        %add3A_365 = arith.addf %add3A_359, %mul3A_364 : vector<16xf32>
        %mul3A_366 = arith.constant 512 : i32
        %mul3A_367 = arith.muli %add3A_282, %mul3A_366 : i32
        %add3A_368 = vector.broadcast %mul3A_367 : i32 to vector<16xi32>
        %add3A_369 = arith.addi %add3A_368, %mul3A_6 : vector<16xi32>
        %add3A_370 = arith.constant 14 : i32
        %add3A_371 = vector.broadcast %add3A_370 : i32 to vector<16xi32>
        %add3A_372 = arith.addi %add3A_369, %add3A_371 : vector<16xi32>
        tpu.vector_store_idx %arg18[%add3A_372], %add3A_356 : memref<32768xf32, #tpu.memory_space<vmem>>[vector<16xi32>], vector<16xf32>,
        %add3A_373 = arith.constant 1 : i32
        %add3A_374 = vector.broadcast %add3A_373 : i32 to vector<16xi32>
        %add3A_375 = arith.addi %add3A_372, %add3A_374 : vector<16xi32>
        tpu.vector_store_idx %arg18[%add3A_375], %add3A_365 : memref<32768xf32, #tpu.memory_space<vmem>>[vector<16xi32>], vector<16xf32>,
      }
      %scan3A_177 = arith.constant 64 : i32
      %dma_wait3A_178 = arith.constant 0 : i32
      %dma_wait3A_179 = tpu.memref_slice %arg4[%dma_wait3A_178] : memref<8388608xi32, #tpu.memory_space<hbm>> -> memref<8388608xi32, #tpu.memory_space<hbm>>
      tpu.wait_indirect_dma semaphore(%arg19 : memref<!tpu.dma_semaphore, #tpu.memory_space<semaphore_mem>>) src(%dma_wait3A_179 : memref<8388608xi32, #tpu.memory_space<hbm>>) dst(%arg12 : memref<4096xi32, #tpu.memory_space<vmem>>)
      %scan3A_180 = arith.constant 0 : i32
      %scan3A_181 = arith.constant 64 : i32
      %scan3A_182 = arith.addi %scan3A_180, %scan3A_181 : i32
      %scan3A_183 = arith.constant 1 : i32
      scf.for %scan3A_278 = %scan3A_180 to %scan3A_182 step %scan3A_183  : i32 {
        %mul3A_279 = arith.constant 1 : i32
        %mul3A_280 = arith.muli %scan3A_278, %mul3A_279 : i32
        %add3A_281 = arith.constant 0 : i32
        %add3A_282 = arith.addi %add3A_281, %mul3A_280 : i32
        %mul3A_283 = arith.constant 16 : i32
        %mul3A_284 = arith.muli %add3A_282, %mul3A_283 : i32
        %get3A = arith.index_cast %mul3A_284 : i32 to index
        %get3A_285 = tpu.vector_load %arg14[%get3A] {strides = array<i32>} : memref<1024xf32, #tpu.memory_space<vmem>>, vector<16xf32>,
        %get3A_286 = arith.index_cast %mul3A_284 : i32 to index
        %get3A_287 = tpu.vector_load %arg16[%get3A_286] {strides = array<i32>} : memref<1024xf32, #tpu.memory_space<vmem>>, vector<16xf32>,
        %mul3A_288 = arith.constant 16 : i32
        %mul3A_289 = arith.muli %add3A_282, %mul3A_288 : i32
        %add3A_290 = arith.constant 0 : i32
        %add3A_291 = arith.addi %add3A_290, %mul3A_289 : i32
        %get3A_292 = arith.index_cast %add3A_291 : i32 to index
        %get3A_293 = tpu.vector_load %arg12[%get3A_292] {strides = array<i32>} : memref<4096xi32, #tpu.memory_space<vmem>>, vector<16xi32>,
        %mul3A_294 = arith.constant 16 : i32
        %mul3A_295 = arith.muli %add3A_282, %mul3A_294 : i32
        %add3A_296 = arith.constant 1024 : i32
        %add3A_297 = arith.addi %add3A_296, %mul3A_295 : i32
        %get3A_298 = arith.index_cast %add3A_297 : i32 to index
        %get3A_299 = tpu.vector_load %arg12[%get3A_298] {strides = array<i32>} : memref<4096xi32, #tpu.memory_space<vmem>>, vector<16xi32>,
        %mul3A_300 = arith.constant 16 : i32
        %mul3A_301 = arith.muli %add3A_282, %mul3A_300 : i32
        %add3A_302 = arith.constant 2048 : i32
        %add3A_303 = arith.addi %add3A_302, %mul3A_301 : i32
        %get3A_304 = arith.index_cast %add3A_303 : i32 to index
        %get3A_305 = tpu.vector_load %arg12[%get3A_304] {strides = array<i32>} : memref<4096xi32, #tpu.memory_space<vmem>>, vector<16xi32>,
        %mul3A_306 = arith.constant 16 : i32
        %mul3A_307 = arith.muli %add3A_282, %mul3A_306 : i32
        %add3A_308 = arith.constant 3072 : i32
        %add3A_309 = arith.addi %add3A_308, %mul3A_307 : i32
        %get3A_310 = arith.index_cast %add3A_309 : i32 to index
        %get3A_311 = tpu.vector_load %arg12[%get3A_310] {strides = array<i32>} : memref<4096xi32, #tpu.memory_space<vmem>>, vector<16xi32>,
        %shift_left3A = arith.constant 16 : i32
        %shift_left3A_312 = vector.broadcast %shift_left3A : i32 to vector<16xi32>
        %shift_left3A_313 = arith.shli %get3A_293, %shift_left3A_312 : vector<16xi32>
        %bitcast3A = vector.bitcast %shift_left3A_313 : vector<16xi32> to vector<16xf32>
        %shift_left3A_314 = arith.constant 16 : i32
        %shift_left3A_315 = vector.broadcast %shift_left3A_314 : i32 to vector<16xi32>
        %shift_left3A_316 = arith.shli %get3A_299, %shift_left3A_315 : vector<16xi32>
        %bitcast3A_317 = vector.bitcast %shift_left3A_316 : vector<16xi32> to vector<16xf32>
        %shift_left3A_318 = arith.constant 16 : i32
        %shift_left3A_319 = vector.broadcast %shift_left3A_318 : i32 to vector<16xi32>
        %shift_left3A_320 = arith.shli %get3A_305, %shift_left3A_319 : vector<16xi32>
        %bitcast3A_321 = vector.bitcast %shift_left3A_320 : vector<16xi32> to vector<16xf32>
        %shift_left3A_322 = arith.constant 16 : i32
        %shift_left3A_323 = vector.broadcast %shift_left3A_322 : i32 to vector<16xi32>
        %shift_left3A_324 = arith.shli %get3A_311, %shift_left3A_323 : vector<16xi32>
        %bitcast3A_325 = vector.bitcast %shift_left3A_324 : vector<16xi32> to vector<16xf32>
        %and3A = vector.broadcast %scan3A : i32 to vector<16xi32>
        %and3A_326 = arith.andi %get3A_293, %and3A : vector<16xi32>
        %bitcast3A_327 = vector.bitcast %and3A_326 : vector<16xi32> to vector<16xf32>
        %and3A_328 = vector.broadcast %scan3A : i32 to vector<16xi32>
        %and3A_329 = arith.andi %get3A_299, %and3A_328 : vector<16xi32>
        %bitcast3A_330 = vector.bitcast %and3A_329 : vector<16xi32> to vector<16xf32>
        %and3A_331 = vector.broadcast %scan3A : i32 to vector<16xi32>
        %and3A_332 = arith.andi %get3A_305, %and3A_331 : vector<16xi32>
        %bitcast3A_333 = vector.bitcast %and3A_332 : vector<16xi32> to vector<16xf32>
        %and3A_334 = vector.broadcast %scan3A : i32 to vector<16xi32>
        %and3A_335 = arith.andi %get3A_311, %and3A_334 : vector<16xi32>
        %bitcast3A_336 = vector.bitcast %and3A_335 : vector<16xi32> to vector<16xf32>
        %sub3A = arith.subf %bitcast3A_317, %bitcast3A : vector<16xf32>
        %mul3A_337 = arith.mulf %get3A_285, %sub3A : vector<16xf32>
        %add3A_338 = arith.addf %bitcast3A, %mul3A_337 : vector<16xf32>
        %sub3A_339 = arith.subf %bitcast3A_325, %bitcast3A_321 : vector<16xf32>
        %mul3A_340 = arith.mulf %get3A_285, %sub3A_339 : vector<16xf32>
        %add3A_341 = arith.addf %bitcast3A_321, %mul3A_340 : vector<16xf32>
        %sub3A_342 = arith.subf %add3A_341, %add3A_338 : vector<16xf32>
        %mul3A_343 = arith.mulf %get3A_287, %sub3A_342 : vector<16xf32>
        %add3A_344 = arith.addf %add3A_338, %mul3A_343 : vector<16xf32>
        %sub3A_345 = arith.subf %bitcast3A_330, %bitcast3A_327 : vector<16xf32>
        %mul3A_346 = arith.mulf %get3A_285, %sub3A_345 : vector<16xf32>
        %add3A_347 = arith.addf %bitcast3A_327, %mul3A_346 : vector<16xf32>
        %sub3A_348 = arith.subf %bitcast3A_336, %bitcast3A_333 : vector<16xf32>
        %mul3A_349 = arith.mulf %get3A_285, %sub3A_348 : vector<16xf32>
        %add3A_350 = arith.addf %bitcast3A_333, %mul3A_349 : vector<16xf32>
        %sub3A_351 = arith.subf %add3A_350, %add3A_347 : vector<16xf32>
        %mul3A_352 = arith.mulf %get3A_287, %sub3A_351 : vector<16xf32>
        %add3A_353 = arith.addf %add3A_347, %mul3A_352 : vector<16xf32>
        %mul3A_354 = arith.constant 512 : i32
        %mul3A_355 = arith.muli %add3A_282, %mul3A_354 : i32
        %add3A_356 = vector.broadcast %mul3A_355 : i32 to vector<16xi32>
        %add3A_357 = arith.addi %add3A_356, %mul3A_6 : vector<16xi32>
        %add3A_358 = arith.constant 16 : i32
        %add3A_359 = vector.broadcast %add3A_358 : i32 to vector<16xi32>
        %add3A_360 = arith.addi %add3A_357, %add3A_359 : vector<16xi32>
        tpu.vector_store_idx %arg18[%add3A_360], %add3A_344 : memref<32768xf32, #tpu.memory_space<vmem>>[vector<16xi32>], vector<16xf32>,
        %add3A_361 = arith.constant 1 : i32
        %add3A_362 = vector.broadcast %add3A_361 : i32 to vector<16xi32>
        %add3A_363 = arith.addi %add3A_360, %add3A_362 : vector<16xi32>
        tpu.vector_store_idx %arg18[%add3A_363], %add3A_353 : memref<32768xf32, #tpu.memory_space<vmem>>[vector<16xi32>], vector<16xf32>,
      }
      %scan3A_184 = arith.constant 64 : i32
      %scan3A_185 = arith.constant 0 : i32
      %scan3A_186 = arith.constant 64 : i32
      %scan3A_187 = arith.addi %scan3A_185, %scan3A_186 : i32
      %scan3A_188 = arith.constant 1 : i32
      scf.for %scan3A_278 = %scan3A_185 to %scan3A_187 step %scan3A_188  : i32 {
        %mul3A_279 = arith.constant 1 : i32
        %mul3A_280 = arith.muli %scan3A_278, %mul3A_279 : i32
        %add3A_281 = arith.constant 0 : i32
        %add3A_282 = arith.addi %add3A_281, %mul3A_280 : i32
        %mul3A_283 = arith.constant 16 : i32
        %mul3A_284 = arith.muli %add3A_282, %mul3A_283 : i32
        %get3A = arith.index_cast %mul3A_284 : i32 to index
        %get3A_285 = tpu.vector_load %arg7[%get3A] {strides = array<i32>} : memref<1024xf32, #tpu.memory_space<vmem>>, vector<16xf32>,
        %mul3A_286 = arith.constant 2.000000e+02 : f32
        %mul3A_287 = vector.broadcast %mul3A_286 : f32 to vector<16xf32>
        %mul3A_288 = arith.mulf %get3A_285, %mul3A_287 : vector<16xf32>
        %add3A_289 = arith.constant 2.000000e+02 : f32
        %add3A_290 = vector.broadcast %add3A_289 : f32 to vector<16xf32>
        %add3A_291 = arith.addf %mul3A_288, %add3A_290 : vector<16xf32>
        %get3A_292 = arith.index_cast %mul3A_284 : i32 to index
        %get3A_293 = tpu.vector_load %arg8[%get3A_292] {strides = array<i32>} : memref<1024xf32, #tpu.memory_space<vmem>>, vector<16xf32>,
        %mul3A_294 = arith.constant 2.000000e+02 : f32
        %mul3A_295 = vector.broadcast %mul3A_294 : f32 to vector<16xf32>
        %mul3A_296 = arith.mulf %get3A_293, %mul3A_295 : vector<16xf32>
        %add3A_297 = arith.constant 2.000000e+02 : f32
        %add3A_298 = vector.broadcast %add3A_297 : f32 to vector<16xf32>
        %add3A_299 = arith.addf %mul3A_296, %add3A_298 : vector<16xf32>
        %convert_element_type3A = arith.fptosi %add3A_291 : vector<16xf32> to vector<16xi32>
        %convert_element_type3A_300 = arith.fptosi %add3A_299 : vector<16xf32> to vector<16xi32>
        %convert_element_type3A_301 = arith.sitofp %convert_element_type3A : vector<16xi32> to vector<16xf32>
        %sub3A = arith.subf %add3A_291, %convert_element_type3A_301 : vector<16xf32>
        %swap3A = arith.index_cast %mul3A_284 : i32 to index
        %swap3A_302 = tpu.vector_load %arg14[%swap3A] {strides = array<i32>} : memref<1024xf32, #tpu.memory_space<vmem>>, vector<16xf32>,
        tpu.vector_store %arg14[%swap3A], %sub3A {strides = array<i32>} : memref<1024xf32, #tpu.memory_space<vmem>>, vector<16xf32>,
        %convert_element_type3A_303 = arith.sitofp %convert_element_type3A_300 : vector<16xi32> to vector<16xf32>
        %sub3A_304 = arith.subf %add3A_299, %convert_element_type3A_303 : vector<16xf32>
        %swap3A_305 = arith.index_cast %mul3A_284 : i32 to index
        %swap3A_306 = tpu.vector_load %arg16[%swap3A_305] {strides = array<i32>} : memref<1024xf32, #tpu.memory_space<vmem>>, vector<16xf32>,
        tpu.vector_store %arg16[%swap3A_305], %sub3A_304 {strides = array<i32>} : memref<1024xf32, #tpu.memory_space<vmem>>, vector<16xf32>,
        %mul3A_307 = arith.constant -1640531535 : i32
        %mul3A_308 = vector.broadcast %mul3A_307 : i32 to vector<16xi32>
        %mul3A_309 = arith.muli %convert_element_type3A, %mul3A_308 : vector<16xi32>
        %add3A_310 = arith.constant -1640531535 : i32
        %add3A_311 = vector.broadcast %add3A_310 : i32 to vector<16xi32>
        %add3A_312 = arith.addi %mul3A_309, %add3A_311 : vector<16xi32>
        %mul3A_313 = arith.constant 805459861 : i32
        %mul3A_314 = vector.broadcast %mul3A_313 : i32 to vector<16xi32>
        %mul3A_315 = arith.muli %convert_element_type3A_300, %mul3A_314 : vector<16xi32>
        %add3A_316 = arith.constant 805459861 : i32
        %add3A_317 = vector.broadcast %add3A_316 : i32 to vector<16xi32>
        %add3A_318 = arith.addi %mul3A_315, %add3A_317 : vector<16xi32>
        %xor3A = arith.xori %mul3A_309, %mul3A_315 : vector<16xi32>
        %and3A = arith.constant 524287 : i32
        %and3A_319 = vector.broadcast %and3A : i32 to vector<16xi32>
        %and3A_320 = arith.andi %xor3A, %and3A_319 : vector<16xi32>
        %add3A_321 = arith.constant 5242880 : i32
        %add3A_322 = vector.broadcast %add3A_321 : i32 to vector<16xi32>
        %add3A_323 = arith.addi %and3A_320, %add3A_322 : vector<16xi32>
        %mul3A_324 = arith.constant 16 : i32
        %mul3A_325 = arith.muli %add3A_282, %mul3A_324 : i32
        %add3A_326 = arith.constant 0 : i32
        %add3A_327 = arith.addi %add3A_326, %mul3A_325 : i32
        %swap3A_328 = arith.index_cast %add3A_327 : i32 to index
        %swap3A_329 = tpu.vector_load %arg10[%swap3A_328] {strides = array<i32>} : memref<4096xi32, #tpu.memory_space<vmem>>, vector<16xi32>,
        tpu.vector_store %arg10[%swap3A_328], %add3A_323 {strides = array<i32>} : memref<4096xi32, #tpu.memory_space<vmem>>, vector<16xi32>,
        %xor3A_330 = arith.xori %add3A_312, %mul3A_315 : vector<16xi32>
        %and3A_331 = arith.constant 524287 : i32
        %and3A_332 = vector.broadcast %and3A_331 : i32 to vector<16xi32>
        %and3A_333 = arith.andi %xor3A_330, %and3A_332 : vector<16xi32>
        %add3A_334 = arith.constant 5242880 : i32
        %add3A_335 = vector.broadcast %add3A_334 : i32 to vector<16xi32>
        %add3A_336 = arith.addi %and3A_333, %add3A_335 : vector<16xi32>
        %mul3A_337 = arith.constant 16 : i32
        %mul3A_338 = arith.muli %add3A_282, %mul3A_337 : i32
        %add3A_339 = arith.constant 1024 : i32
        %add3A_340 = arith.addi %add3A_339, %mul3A_338 : i32
        %swap3A_341 = arith.index_cast %add3A_340 : i32 to index
        %swap3A_342 = tpu.vector_load %arg10[%swap3A_341] {strides = array<i32>} : memref<4096xi32, #tpu.memory_space<vmem>>, vector<16xi32>,
        tpu.vector_store %arg10[%swap3A_341], %add3A_336 {strides = array<i32>} : memref<4096xi32, #tpu.memory_space<vmem>>, vector<16xi32>,
        %xor3A_343 = arith.xori %mul3A_309, %add3A_318 : vector<16xi32>
        %and3A_344 = arith.constant 524287 : i32
        %and3A_345 = vector.broadcast %and3A_344 : i32 to vector<16xi32>
        %and3A_346 = arith.andi %xor3A_343, %and3A_345 : vector<16xi32>
        %add3A_347 = arith.constant 5242880 : i32
        %add3A_348 = vector.broadcast %add3A_347 : i32 to vector<16xi32>
        %add3A_349 = arith.addi %and3A_346, %add3A_348 : vector<16xi32>
        %mul3A_350 = arith.constant 16 : i32
        %mul3A_351 = arith.muli %add3A_282, %mul3A_350 : i32
        %add3A_352 = arith.constant 2048 : i32
        %add3A_353 = arith.addi %add3A_352, %mul3A_351 : i32
        %swap3A_354 = arith.index_cast %add3A_353 : i32 to index
        %swap3A_355 = tpu.vector_load %arg10[%swap3A_354] {strides = array<i32>} : memref<4096xi32, #tpu.memory_space<vmem>>, vector<16xi32>,
        tpu.vector_store %arg10[%swap3A_354], %add3A_349 {strides = array<i32>} : memref<4096xi32, #tpu.memory_space<vmem>>, vector<16xi32>,
        %xor3A_356 = arith.xori %add3A_312, %add3A_318 : vector<16xi32>
        %and3A_357 = arith.constant 524287 : i32
        %and3A_358 = vector.broadcast %and3A_357 : i32 to vector<16xi32>
        %and3A_359 = arith.andi %xor3A_356, %and3A_358 : vector<16xi32>
        %add3A_360 = arith.constant 5242880 : i32
        %add3A_361 = vector.broadcast %add3A_360 : i32 to vector<16xi32>
        %add3A_362 = arith.addi %and3A_359, %add3A_361 : vector<16xi32>
        %mul3A_363 = arith.constant 16 : i32
        %mul3A_364 = arith.muli %add3A_282, %mul3A_363 : i32
        %add3A_365 = arith.constant 3072 : i32
        %add3A_366 = arith.addi %add3A_365, %mul3A_364 : i32
        %swap3A_367 = arith.index_cast %add3A_366 : i32 to index
        %swap3A_368 = tpu.vector_load %arg10[%swap3A_367] {strides = array<i32>} : memref<4096xi32, #tpu.memory_space<vmem>>, vector<16xi32>,
        tpu.vector_store %arg10[%swap3A_367], %add3A_362 {strides = array<i32>} : memref<4096xi32, #tpu.memory_space<vmem>>, vector<16xi32>,
      }
      %scan3A_189 = arith.constant 64 : i32
      %dma_start3A_190 = arith.constant 0 : i32
      %dma_start3A_191 = tpu.memref_slice %arg4[%dma_start3A_190] : memref<8388608xi32, #tpu.memory_space<hbm>> -> memref<8388608xi32, #tpu.memory_space<hbm>>
      tpu.enqueue_indirect_dma source(%dma_start3A_191 : memref<8388608xi32, #tpu.memory_space<hbm>>) target(%arg12 : memref<4096xi32, #tpu.memory_space<vmem>>) offsets(%arg10 : memref<4096xi32, #tpu.memory_space<vmem>>) semaphore(%arg19 : memref<!tpu.dma_semaphore, #tpu.memory_space<semaphore_mem>>)
      %dma_wait3A_192 = arith.constant 0 : i32
      %dma_wait3A_193 = tpu.memref_slice %arg4[%dma_wait3A_192] : memref<8388608xi32, #tpu.memory_space<hbm>> -> memref<8388608xi32, #tpu.memory_space<hbm>>
      tpu.wait_indirect_dma semaphore(%arg20 : memref<!tpu.dma_semaphore, #tpu.memory_space<semaphore_mem>>) src(%dma_wait3A_193 : memref<8388608xi32, #tpu.memory_space<hbm>>) dst(%arg13 : memref<4096xi32, #tpu.memory_space<vmem>>)
      %scan3A_194 = arith.constant 0 : i32
      %scan3A_195 = arith.constant 64 : i32
      %scan3A_196 = arith.addi %scan3A_194, %scan3A_195 : i32
      %scan3A_197 = arith.constant 1 : i32
      scf.for %scan3A_278 = %scan3A_194 to %scan3A_196 step %scan3A_197  : i32 {
        %mul3A_279 = arith.constant 1 : i32
        %mul3A_280 = arith.muli %scan3A_278, %mul3A_279 : i32
        %add3A_281 = arith.constant 0 : i32
        %add3A_282 = arith.addi %add3A_281, %mul3A_280 : i32
        %mul3A_283 = arith.constant 16 : i32
        %mul3A_284 = arith.muli %add3A_282, %mul3A_283 : i32
        %get3A = arith.index_cast %mul3A_284 : i32 to index
        %get3A_285 = tpu.vector_load %arg15[%get3A] {strides = array<i32>} : memref<1024xf32, #tpu.memory_space<vmem>>, vector<16xf32>,
        %get3A_286 = arith.index_cast %mul3A_284 : i32 to index
        %get3A_287 = tpu.vector_load %arg17[%get3A_286] {strides = array<i32>} : memref<1024xf32, #tpu.memory_space<vmem>>, vector<16xf32>,
        %mul3A_288 = arith.constant 16 : i32
        %mul3A_289 = arith.muli %add3A_282, %mul3A_288 : i32
        %add3A_290 = arith.constant 0 : i32
        %add3A_291 = arith.addi %add3A_290, %mul3A_289 : i32
        %get3A_292 = arith.index_cast %add3A_291 : i32 to index
        %get3A_293 = tpu.vector_load %arg13[%get3A_292] {strides = array<i32>} : memref<4096xi32, #tpu.memory_space<vmem>>, vector<16xi32>,
        %mul3A_294 = arith.constant 16 : i32
        %mul3A_295 = arith.muli %add3A_282, %mul3A_294 : i32
        %add3A_296 = arith.constant 1024 : i32
        %add3A_297 = arith.addi %add3A_296, %mul3A_295 : i32
        %get3A_298 = arith.index_cast %add3A_297 : i32 to index
        %get3A_299 = tpu.vector_load %arg13[%get3A_298] {strides = array<i32>} : memref<4096xi32, #tpu.memory_space<vmem>>, vector<16xi32>,
        %mul3A_300 = arith.constant 16 : i32
        %mul3A_301 = arith.muli %add3A_282, %mul3A_300 : i32
        %add3A_302 = arith.constant 2048 : i32
        %add3A_303 = arith.addi %add3A_302, %mul3A_301 : i32
        %get3A_304 = arith.index_cast %add3A_303 : i32 to index
        %get3A_305 = tpu.vector_load %arg13[%get3A_304] {strides = array<i32>} : memref<4096xi32, #tpu.memory_space<vmem>>, vector<16xi32>,
        %mul3A_306 = arith.constant 16 : i32
        %mul3A_307 = arith.muli %add3A_282, %mul3A_306 : i32
        %add3A_308 = arith.constant 3072 : i32
        %add3A_309 = arith.addi %add3A_308, %mul3A_307 : i32
        %get3A_310 = arith.index_cast %add3A_309 : i32 to index
        %get3A_311 = tpu.vector_load %arg13[%get3A_310] {strides = array<i32>} : memref<4096xi32, #tpu.memory_space<vmem>>, vector<16xi32>,
        %shift_left3A = arith.constant 16 : i32
        %shift_left3A_312 = vector.broadcast %shift_left3A : i32 to vector<16xi32>
        %shift_left3A_313 = arith.shli %get3A_293, %shift_left3A_312 : vector<16xi32>
        %bitcast3A = vector.bitcast %shift_left3A_313 : vector<16xi32> to vector<16xf32>
        %shift_left3A_314 = arith.constant 16 : i32
        %shift_left3A_315 = vector.broadcast %shift_left3A_314 : i32 to vector<16xi32>
        %shift_left3A_316 = arith.shli %get3A_299, %shift_left3A_315 : vector<16xi32>
        %bitcast3A_317 = vector.bitcast %shift_left3A_316 : vector<16xi32> to vector<16xf32>
        %shift_left3A_318 = arith.constant 16 : i32
        %shift_left3A_319 = vector.broadcast %shift_left3A_318 : i32 to vector<16xi32>
        %shift_left3A_320 = arith.shli %get3A_305, %shift_left3A_319 : vector<16xi32>
        %bitcast3A_321 = vector.bitcast %shift_left3A_320 : vector<16xi32> to vector<16xf32>
        %shift_left3A_322 = arith.constant 16 : i32
        %shift_left3A_323 = vector.broadcast %shift_left3A_322 : i32 to vector<16xi32>
        %shift_left3A_324 = arith.shli %get3A_311, %shift_left3A_323 : vector<16xi32>
        %bitcast3A_325 = vector.bitcast %shift_left3A_324 : vector<16xi32> to vector<16xf32>
        %and3A = vector.broadcast %scan3A : i32 to vector<16xi32>
        %and3A_326 = arith.andi %get3A_293, %and3A : vector<16xi32>
        %bitcast3A_327 = vector.bitcast %and3A_326 : vector<16xi32> to vector<16xf32>
        %and3A_328 = vector.broadcast %scan3A : i32 to vector<16xi32>
        %and3A_329 = arith.andi %get3A_299, %and3A_328 : vector<16xi32>
        %bitcast3A_330 = vector.bitcast %and3A_329 : vector<16xi32> to vector<16xf32>
        %and3A_331 = vector.broadcast %scan3A : i32 to vector<16xi32>
        %and3A_332 = arith.andi %get3A_305, %and3A_331 : vector<16xi32>
        %bitcast3A_333 = vector.bitcast %and3A_332 : vector<16xi32> to vector<16xf32>
        %and3A_334 = vector.broadcast %scan3A : i32 to vector<16xi32>
        %and3A_335 = arith.andi %get3A_311, %and3A_334 : vector<16xi32>
        %bitcast3A_336 = vector.bitcast %and3A_335 : vector<16xi32> to vector<16xf32>
        %sub3A = arith.subf %bitcast3A_317, %bitcast3A : vector<16xf32>
        %mul3A_337 = arith.mulf %get3A_285, %sub3A : vector<16xf32>
        %add3A_338 = arith.addf %bitcast3A, %mul3A_337 : vector<16xf32>
        %sub3A_339 = arith.subf %bitcast3A_325, %bitcast3A_321 : vector<16xf32>
        %mul3A_340 = arith.mulf %get3A_285, %sub3A_339 : vector<16xf32>
        %add3A_341 = arith.addf %bitcast3A_321, %mul3A_340 : vector<16xf32>
        %sub3A_342 = arith.subf %add3A_341, %add3A_338 : vector<16xf32>
        %mul3A_343 = arith.mulf %get3A_287, %sub3A_342 : vector<16xf32>
        %add3A_344 = arith.addf %add3A_338, %mul3A_343 : vector<16xf32>
        %sub3A_345 = arith.subf %bitcast3A_330, %bitcast3A_327 : vector<16xf32>
        %mul3A_346 = arith.mulf %get3A_285, %sub3A_345 : vector<16xf32>
        %add3A_347 = arith.addf %bitcast3A_327, %mul3A_346 : vector<16xf32>
        %sub3A_348 = arith.subf %bitcast3A_336, %bitcast3A_333 : vector<16xf32>
        %mul3A_349 = arith.mulf %get3A_285, %sub3A_348 : vector<16xf32>
        %add3A_350 = arith.addf %bitcast3A_333, %mul3A_349 : vector<16xf32>
        %sub3A_351 = arith.subf %add3A_350, %add3A_347 : vector<16xf32>
        %mul3A_352 = arith.mulf %get3A_287, %sub3A_351 : vector<16xf32>
        %add3A_353 = arith.addf %add3A_347, %mul3A_352 : vector<16xf32>
        %mul3A_354 = arith.constant 512 : i32
        %mul3A_355 = arith.muli %add3A_282, %mul3A_354 : i32
        %add3A_356 = vector.broadcast %mul3A_355 : i32 to vector<16xi32>
        %add3A_357 = arith.addi %add3A_356, %mul3A_6 : vector<16xi32>
        %add3A_358 = arith.constant 18 : i32
        %add3A_359 = vector.broadcast %add3A_358 : i32 to vector<16xi32>
        %add3A_360 = arith.addi %add3A_357, %add3A_359 : vector<16xi32>
        tpu.vector_store_idx %arg18[%add3A_360], %add3A_344 : memref<32768xf32, #tpu.memory_space<vmem>>[vector<16xi32>], vector<16xf32>,
        %add3A_361 = arith.constant 1 : i32
        %add3A_362 = vector.broadcast %add3A_361 : i32 to vector<16xi32>
        %add3A_363 = arith.addi %add3A_360, %add3A_362 : vector<16xi32>
        tpu.vector_store_idx %arg18[%add3A_363], %add3A_353 : memref<32768xf32, #tpu.memory_space<vmem>>[vector<16xi32>], vector<16xf32>,
      }
      %scan3A_198 = arith.constant 64 : i32
      %scan3A_199 = arith.constant 0 : i32
      %scan3A_200 = arith.constant 64 : i32
      %scan3A_201 = arith.addi %scan3A_199, %scan3A_200 : i32
      %scan3A_202 = arith.constant 1 : i32
      scf.for %scan3A_278 = %scan3A_199 to %scan3A_201 step %scan3A_202  : i32 {
        %mul3A_279 = arith.constant 1 : i32
        %mul3A_280 = arith.muli %scan3A_278, %mul3A_279 : i32
        %add3A_281 = arith.constant 0 : i32
        %add3A_282 = arith.addi %add3A_281, %mul3A_280 : i32
        %mul3A_283 = arith.constant 16 : i32
        %mul3A_284 = arith.muli %add3A_282, %mul3A_283 : i32
        %get3A = arith.index_cast %mul3A_284 : i32 to index
        %get3A_285 = tpu.vector_load %arg7[%get3A] {strides = array<i32>} : memref<1024xf32, #tpu.memory_space<vmem>>, vector<16xf32>,
        %mul3A_286 = arith.constant 2.765000e+02 : f32
        %mul3A_287 = vector.broadcast %mul3A_286 : f32 to vector<16xf32>
        %mul3A_288 = arith.mulf %get3A_285, %mul3A_287 : vector<16xf32>
        %add3A_289 = arith.constant 2.765000e+02 : f32
        %add3A_290 = vector.broadcast %add3A_289 : f32 to vector<16xf32>
        %add3A_291 = arith.addf %mul3A_288, %add3A_290 : vector<16xf32>
        %get3A_292 = arith.index_cast %mul3A_284 : i32 to index
        %get3A_293 = tpu.vector_load %arg8[%get3A_292] {strides = array<i32>} : memref<1024xf32, #tpu.memory_space<vmem>>, vector<16xf32>,
        %mul3A_294 = arith.constant 2.765000e+02 : f32
        %mul3A_295 = vector.broadcast %mul3A_294 : f32 to vector<16xf32>
        %mul3A_296 = arith.mulf %get3A_293, %mul3A_295 : vector<16xf32>
        %add3A_297 = arith.constant 2.765000e+02 : f32
        %add3A_298 = vector.broadcast %add3A_297 : f32 to vector<16xf32>
        %add3A_299 = arith.addf %mul3A_296, %add3A_298 : vector<16xf32>
        %convert_element_type3A = arith.fptosi %add3A_291 : vector<16xf32> to vector<16xi32>
        %convert_element_type3A_300 = arith.fptosi %add3A_299 : vector<16xf32> to vector<16xi32>
        %convert_element_type3A_301 = arith.sitofp %convert_element_type3A : vector<16xi32> to vector<16xf32>
        %sub3A = arith.subf %add3A_291, %convert_element_type3A_301 : vector<16xf32>
        %swap3A = arith.index_cast %mul3A_284 : i32 to index
        %swap3A_302 = tpu.vector_load %arg15[%swap3A] {strides = array<i32>} : memref<1024xf32, #tpu.memory_space<vmem>>, vector<16xf32>,
        tpu.vector_store %arg15[%swap3A], %sub3A {strides = array<i32>} : memref<1024xf32, #tpu.memory_space<vmem>>, vector<16xf32>,
        %convert_element_type3A_303 = arith.sitofp %convert_element_type3A_300 : vector<16xi32> to vector<16xf32>
        %sub3A_304 = arith.subf %add3A_299, %convert_element_type3A_303 : vector<16xf32>
        %swap3A_305 = arith.index_cast %mul3A_284 : i32 to index
        %swap3A_306 = tpu.vector_load %arg17[%swap3A_305] {strides = array<i32>} : memref<1024xf32, #tpu.memory_space<vmem>>, vector<16xf32>,
        tpu.vector_store %arg17[%swap3A_305], %sub3A_304 {strides = array<i32>} : memref<1024xf32, #tpu.memory_space<vmem>>, vector<16xf32>,
        %mul3A_307 = arith.constant -1640531535 : i32
        %mul3A_308 = vector.broadcast %mul3A_307 : i32 to vector<16xi32>
        %mul3A_309 = arith.muli %convert_element_type3A, %mul3A_308 : vector<16xi32>
        %add3A_310 = arith.constant -1640531535 : i32
        %add3A_311 = vector.broadcast %add3A_310 : i32 to vector<16xi32>
        %add3A_312 = arith.addi %mul3A_309, %add3A_311 : vector<16xi32>
        %mul3A_313 = arith.constant 805459861 : i32
        %mul3A_314 = vector.broadcast %mul3A_313 : i32 to vector<16xi32>
        %mul3A_315 = arith.muli %convert_element_type3A_300, %mul3A_314 : vector<16xi32>
        %add3A_316 = arith.constant 805459861 : i32
        %add3A_317 = vector.broadcast %add3A_316 : i32 to vector<16xi32>
        %add3A_318 = arith.addi %mul3A_315, %add3A_317 : vector<16xi32>
        %xor3A = arith.xori %mul3A_309, %mul3A_315 : vector<16xi32>
        %and3A = arith.constant 524287 : i32
        %and3A_319 = vector.broadcast %and3A : i32 to vector<16xi32>
        %and3A_320 = arith.andi %xor3A, %and3A_319 : vector<16xi32>
        %add3A_321 = arith.constant 5767168 : i32
        %add3A_322 = vector.broadcast %add3A_321 : i32 to vector<16xi32>
        %add3A_323 = arith.addi %and3A_320, %add3A_322 : vector<16xi32>
        %mul3A_324 = arith.constant 16 : i32
        %mul3A_325 = arith.muli %add3A_282, %mul3A_324 : i32
        %add3A_326 = arith.constant 0 : i32
        %add3A_327 = arith.addi %add3A_326, %mul3A_325 : i32
        %swap3A_328 = arith.index_cast %add3A_327 : i32 to index
        %swap3A_329 = tpu.vector_load %arg11[%swap3A_328] {strides = array<i32>} : memref<4096xi32, #tpu.memory_space<vmem>>, vector<16xi32>,
        tpu.vector_store %arg11[%swap3A_328], %add3A_323 {strides = array<i32>} : memref<4096xi32, #tpu.memory_space<vmem>>, vector<16xi32>,
        %xor3A_330 = arith.xori %add3A_312, %mul3A_315 : vector<16xi32>
        %and3A_331 = arith.constant 524287 : i32
        %and3A_332 = vector.broadcast %and3A_331 : i32 to vector<16xi32>
        %and3A_333 = arith.andi %xor3A_330, %and3A_332 : vector<16xi32>
        %add3A_334 = arith.constant 5767168 : i32
        %add3A_335 = vector.broadcast %add3A_334 : i32 to vector<16xi32>
        %add3A_336 = arith.addi %and3A_333, %add3A_335 : vector<16xi32>
        %mul3A_337 = arith.constant 16 : i32
        %mul3A_338 = arith.muli %add3A_282, %mul3A_337 : i32
        %add3A_339 = arith.constant 1024 : i32
        %add3A_340 = arith.addi %add3A_339, %mul3A_338 : i32
        %swap3A_341 = arith.index_cast %add3A_340 : i32 to index
        %swap3A_342 = tpu.vector_load %arg11[%swap3A_341] {strides = array<i32>} : memref<4096xi32, #tpu.memory_space<vmem>>, vector<16xi32>,
        tpu.vector_store %arg11[%swap3A_341], %add3A_336 {strides = array<i32>} : memref<4096xi32, #tpu.memory_space<vmem>>, vector<16xi32>,
        %xor3A_343 = arith.xori %mul3A_309, %add3A_318 : vector<16xi32>
        %and3A_344 = arith.constant 524287 : i32
        %and3A_345 = vector.broadcast %and3A_344 : i32 to vector<16xi32>
        %and3A_346 = arith.andi %xor3A_343, %and3A_345 : vector<16xi32>
        %add3A_347 = arith.constant 5767168 : i32
        %add3A_348 = vector.broadcast %add3A_347 : i32 to vector<16xi32>
        %add3A_349 = arith.addi %and3A_346, %add3A_348 : vector<16xi32>
        %mul3A_350 = arith.constant 16 : i32
        %mul3A_351 = arith.muli %add3A_282, %mul3A_350 : i32
        %add3A_352 = arith.constant 2048 : i32
        %add3A_353 = arith.addi %add3A_352, %mul3A_351 : i32
        %swap3A_354 = arith.index_cast %add3A_353 : i32 to index
        %swap3A_355 = tpu.vector_load %arg11[%swap3A_354] {strides = array<i32>} : memref<4096xi32, #tpu.memory_space<vmem>>, vector<16xi32>,
        tpu.vector_store %arg11[%swap3A_354], %add3A_349 {strides = array<i32>} : memref<4096xi32, #tpu.memory_space<vmem>>, vector<16xi32>,
        %xor3A_356 = arith.xori %add3A_312, %add3A_318 : vector<16xi32>
        %and3A_357 = arith.constant 524287 : i32
        %and3A_358 = vector.broadcast %and3A_357 : i32 to vector<16xi32>
        %and3A_359 = arith.andi %xor3A_356, %and3A_358 : vector<16xi32>
        %add3A_360 = arith.constant 5767168 : i32
        %add3A_361 = vector.broadcast %add3A_360 : i32 to vector<16xi32>
        %add3A_362 = arith.addi %and3A_359, %add3A_361 : vector<16xi32>
        %mul3A_363 = arith.constant 16 : i32
        %mul3A_364 = arith.muli %add3A_282, %mul3A_363 : i32
        %add3A_365 = arith.constant 3072 : i32
        %add3A_366 = arith.addi %add3A_365, %mul3A_364 : i32
        %swap3A_367 = arith.index_cast %add3A_366 : i32 to index
        %swap3A_368 = tpu.vector_load %arg11[%swap3A_367] {strides = array<i32>} : memref<4096xi32, #tpu.memory_space<vmem>>, vector<16xi32>,
        tpu.vector_store %arg11[%swap3A_367], %add3A_362 {strides = array<i32>} : memref<4096xi32, #tpu.memory_space<vmem>>, vector<16xi32>,
      }
      %scan3A_203 = arith.constant 64 : i32
      %dma_start3A_204 = arith.constant 0 : i32
      %dma_start3A_205 = tpu.memref_slice %arg4[%dma_start3A_204] : memref<8388608xi32, #tpu.memory_space<hbm>> -> memref<8388608xi32, #tpu.memory_space<hbm>>
      tpu.enqueue_indirect_dma source(%dma_start3A_205 : memref<8388608xi32, #tpu.memory_space<hbm>>) target(%arg13 : memref<4096xi32, #tpu.memory_space<vmem>>) offsets(%arg11 : memref<4096xi32, #tpu.memory_space<vmem>>) semaphore(%arg20 : memref<!tpu.dma_semaphore, #tpu.memory_space<semaphore_mem>>)
      %dma_wait3A_206 = arith.constant 0 : i32
      %dma_wait3A_207 = tpu.memref_slice %arg4[%dma_wait3A_206] : memref<8388608xi32, #tpu.memory_space<hbm>> -> memref<8388608xi32, #tpu.memory_space<hbm>>
      tpu.wait_indirect_dma semaphore(%arg19 : memref<!tpu.dma_semaphore, #tpu.memory_space<semaphore_mem>>) src(%dma_wait3A_207 : memref<8388608xi32, #tpu.memory_space<hbm>>) dst(%arg12 : memref<4096xi32, #tpu.memory_space<vmem>>)
      %scan3A_208 = arith.constant 0 : i32
      %scan3A_209 = arith.constant 64 : i32
      %scan3A_210 = arith.addi %scan3A_208, %scan3A_209 : i32
      %scan3A_211 = arith.constant 1 : i32
      scf.for %scan3A_278 = %scan3A_208 to %scan3A_210 step %scan3A_211  : i32 {
        %mul3A_279 = arith.constant 1 : i32
        %mul3A_280 = arith.muli %scan3A_278, %mul3A_279 : i32
        %add3A_281 = arith.constant 0 : i32
        %add3A_282 = arith.addi %add3A_281, %mul3A_280 : i32
        %mul3A_283 = arith.constant 16 : i32
        %mul3A_284 = arith.muli %add3A_282, %mul3A_283 : i32
        %get3A = arith.index_cast %mul3A_284 : i32 to index
        %get3A_285 = tpu.vector_load %arg14[%get3A] {strides = array<i32>} : memref<1024xf32, #tpu.memory_space<vmem>>, vector<16xf32>,
        %get3A_286 = arith.index_cast %mul3A_284 : i32 to index
        %get3A_287 = tpu.vector_load %arg16[%get3A_286] {strides = array<i32>} : memref<1024xf32, #tpu.memory_space<vmem>>, vector<16xf32>,
        %mul3A_288 = arith.constant 16 : i32
        %mul3A_289 = arith.muli %add3A_282, %mul3A_288 : i32
        %add3A_290 = arith.constant 0 : i32
        %add3A_291 = arith.addi %add3A_290, %mul3A_289 : i32
        %get3A_292 = arith.index_cast %add3A_291 : i32 to index
        %get3A_293 = tpu.vector_load %arg12[%get3A_292] {strides = array<i32>} : memref<4096xi32, #tpu.memory_space<vmem>>, vector<16xi32>,
        %mul3A_294 = arith.constant 16 : i32
        %mul3A_295 = arith.muli %add3A_282, %mul3A_294 : i32
        %add3A_296 = arith.constant 1024 : i32
        %add3A_297 = arith.addi %add3A_296, %mul3A_295 : i32
        %get3A_298 = arith.index_cast %add3A_297 : i32 to index
        %get3A_299 = tpu.vector_load %arg12[%get3A_298] {strides = array<i32>} : memref<4096xi32, #tpu.memory_space<vmem>>, vector<16xi32>,
        %mul3A_300 = arith.constant 16 : i32
        %mul3A_301 = arith.muli %add3A_282, %mul3A_300 : i32
        %add3A_302 = arith.constant 2048 : i32
        %add3A_303 = arith.addi %add3A_302, %mul3A_301 : i32
        %get3A_304 = arith.index_cast %add3A_303 : i32 to index
        %get3A_305 = tpu.vector_load %arg12[%get3A_304] {strides = array<i32>} : memref<4096xi32, #tpu.memory_space<vmem>>, vector<16xi32>,
        %mul3A_306 = arith.constant 16 : i32
        %mul3A_307 = arith.muli %add3A_282, %mul3A_306 : i32
        %add3A_308 = arith.constant 3072 : i32
        %add3A_309 = arith.addi %add3A_308, %mul3A_307 : i32
        %get3A_310 = arith.index_cast %add3A_309 : i32 to index
        %get3A_311 = tpu.vector_load %arg12[%get3A_310] {strides = array<i32>} : memref<4096xi32, #tpu.memory_space<vmem>>, vector<16xi32>,
        %shift_left3A = arith.constant 16 : i32
        %shift_left3A_312 = vector.broadcast %shift_left3A : i32 to vector<16xi32>
        %shift_left3A_313 = arith.shli %get3A_293, %shift_left3A_312 : vector<16xi32>
        %bitcast3A = vector.bitcast %shift_left3A_313 : vector<16xi32> to vector<16xf32>
        %shift_left3A_314 = arith.constant 16 : i32
        %shift_left3A_315 = vector.broadcast %shift_left3A_314 : i32 to vector<16xi32>
        %shift_left3A_316 = arith.shli %get3A_299, %shift_left3A_315 : vector<16xi32>
        %bitcast3A_317 = vector.bitcast %shift_left3A_316 : vector<16xi32> to vector<16xf32>
        %shift_left3A_318 = arith.constant 16 : i32
        %shift_left3A_319 = vector.broadcast %shift_left3A_318 : i32 to vector<16xi32>
        %shift_left3A_320 = arith.shli %get3A_305, %shift_left3A_319 : vector<16xi32>
        %bitcast3A_321 = vector.bitcast %shift_left3A_320 : vector<16xi32> to vector<16xf32>
        %shift_left3A_322 = arith.constant 16 : i32
        %shift_left3A_323 = vector.broadcast %shift_left3A_322 : i32 to vector<16xi32>
        %shift_left3A_324 = arith.shli %get3A_311, %shift_left3A_323 : vector<16xi32>
        %bitcast3A_325 = vector.bitcast %shift_left3A_324 : vector<16xi32> to vector<16xf32>
        %and3A = vector.broadcast %scan3A : i32 to vector<16xi32>
        %and3A_326 = arith.andi %get3A_293, %and3A : vector<16xi32>
        %bitcast3A_327 = vector.bitcast %and3A_326 : vector<16xi32> to vector<16xf32>
        %and3A_328 = vector.broadcast %scan3A : i32 to vector<16xi32>
        %and3A_329 = arith.andi %get3A_299, %and3A_328 : vector<16xi32>
        %bitcast3A_330 = vector.bitcast %and3A_329 : vector<16xi32> to vector<16xf32>
        %and3A_331 = vector.broadcast %scan3A : i32 to vector<16xi32>
        %and3A_332 = arith.andi %get3A_305, %and3A_331 : vector<16xi32>
        %bitcast3A_333 = vector.bitcast %and3A_332 : vector<16xi32> to vector<16xf32>
        %and3A_334 = vector.broadcast %scan3A : i32 to vector<16xi32>
        %and3A_335 = arith.andi %get3A_311, %and3A_334 : vector<16xi32>
        %bitcast3A_336 = vector.bitcast %and3A_335 : vector<16xi32> to vector<16xf32>
        %sub3A = arith.subf %bitcast3A_317, %bitcast3A : vector<16xf32>
        %mul3A_337 = arith.mulf %get3A_285, %sub3A : vector<16xf32>
        %add3A_338 = arith.addf %bitcast3A, %mul3A_337 : vector<16xf32>
        %sub3A_339 = arith.subf %bitcast3A_325, %bitcast3A_321 : vector<16xf32>
        %mul3A_340 = arith.mulf %get3A_285, %sub3A_339 : vector<16xf32>
        %add3A_341 = arith.addf %bitcast3A_321, %mul3A_340 : vector<16xf32>
        %sub3A_342 = arith.subf %add3A_341, %add3A_338 : vector<16xf32>
        %mul3A_343 = arith.mulf %get3A_287, %sub3A_342 : vector<16xf32>
        %add3A_344 = arith.addf %add3A_338, %mul3A_343 : vector<16xf32>
        %sub3A_345 = arith.subf %bitcast3A_330, %bitcast3A_327 : vector<16xf32>
        %mul3A_346 = arith.mulf %get3A_285, %sub3A_345 : vector<16xf32>
        %add3A_347 = arith.addf %bitcast3A_327, %mul3A_346 : vector<16xf32>
        %sub3A_348 = arith.subf %bitcast3A_336, %bitcast3A_333 : vector<16xf32>
        %mul3A_349 = arith.mulf %get3A_285, %sub3A_348 : vector<16xf32>
        %add3A_350 = arith.addf %bitcast3A_333, %mul3A_349 : vector<16xf32>
        %sub3A_351 = arith.subf %add3A_350, %add3A_347 : vector<16xf32>
        %mul3A_352 = arith.mulf %get3A_287, %sub3A_351 : vector<16xf32>
        %add3A_353 = arith.addf %add3A_347, %mul3A_352 : vector<16xf32>
        %mul3A_354 = arith.constant 512 : i32
        %mul3A_355 = arith.muli %add3A_282, %mul3A_354 : i32
        %add3A_356 = vector.broadcast %mul3A_355 : i32 to vector<16xi32>
        %add3A_357 = arith.addi %add3A_356, %mul3A_6 : vector<16xi32>
        %add3A_358 = arith.constant 20 : i32
        %add3A_359 = vector.broadcast %add3A_358 : i32 to vector<16xi32>
        %add3A_360 = arith.addi %add3A_357, %add3A_359 : vector<16xi32>
        tpu.vector_store_idx %arg18[%add3A_360], %add3A_344 : memref<32768xf32, #tpu.memory_space<vmem>>[vector<16xi32>], vector<16xf32>,
        %add3A_361 = arith.constant 1 : i32
        %add3A_362 = vector.broadcast %add3A_361 : i32 to vector<16xi32>
        %add3A_363 = arith.addi %add3A_360, %add3A_362 : vector<16xi32>
        tpu.vector_store_idx %arg18[%add3A_363], %add3A_353 : memref<32768xf32, #tpu.memory_space<vmem>>[vector<16xi32>], vector<16xf32>,
      }
      %scan3A_212 = arith.constant 64 : i32
      %scan3A_213 = arith.constant 0 : i32
      %scan3A_214 = arith.constant 64 : i32
      %scan3A_215 = arith.addi %scan3A_213, %scan3A_214 : i32
      %scan3A_216 = arith.constant 1 : i32
      scf.for %scan3A_278 = %scan3A_213 to %scan3A_215 step %scan3A_216  : i32 {
        %mul3A_279 = arith.constant 1 : i32
        %mul3A_280 = arith.muli %scan3A_278, %mul3A_279 : i32
        %add3A_281 = arith.constant 0 : i32
        %add3A_282 = arith.addi %add3A_281, %mul3A_280 : i32
        %mul3A_283 = arith.constant 16 : i32
        %mul3A_284 = arith.muli %add3A_282, %mul3A_283 : i32
        %get3A = arith.index_cast %mul3A_284 : i32 to index
        %get3A_285 = tpu.vector_load %arg7[%get3A] {strides = array<i32>} : memref<1024xf32, #tpu.memory_space<vmem>>, vector<16xf32>,
        %mul3A_286 = arith.constant 3.815000e+02 : f32
        %mul3A_287 = vector.broadcast %mul3A_286 : f32 to vector<16xf32>
        %mul3A_288 = arith.mulf %get3A_285, %mul3A_287 : vector<16xf32>
        %add3A_289 = arith.constant 3.815000e+02 : f32
        %add3A_290 = vector.broadcast %add3A_289 : f32 to vector<16xf32>
        %add3A_291 = arith.addf %mul3A_288, %add3A_290 : vector<16xf32>
        %get3A_292 = arith.index_cast %mul3A_284 : i32 to index
        %get3A_293 = tpu.vector_load %arg8[%get3A_292] {strides = array<i32>} : memref<1024xf32, #tpu.memory_space<vmem>>, vector<16xf32>,
        %mul3A_294 = arith.constant 3.815000e+02 : f32
        %mul3A_295 = vector.broadcast %mul3A_294 : f32 to vector<16xf32>
        %mul3A_296 = arith.mulf %get3A_293, %mul3A_295 : vector<16xf32>
        %add3A_297 = arith.constant 3.815000e+02 : f32
        %add3A_298 = vector.broadcast %add3A_297 : f32 to vector<16xf32>
        %add3A_299 = arith.addf %mul3A_296, %add3A_298 : vector<16xf32>
        %convert_element_type3A = arith.fptosi %add3A_291 : vector<16xf32> to vector<16xi32>
        %convert_element_type3A_300 = arith.fptosi %add3A_299 : vector<16xf32> to vector<16xi32>
        %convert_element_type3A_301 = arith.sitofp %convert_element_type3A : vector<16xi32> to vector<16xf32>
        %sub3A = arith.subf %add3A_291, %convert_element_type3A_301 : vector<16xf32>
        %swap3A = arith.index_cast %mul3A_284 : i32 to index
        %swap3A_302 = tpu.vector_load %arg14[%swap3A] {strides = array<i32>} : memref<1024xf32, #tpu.memory_space<vmem>>, vector<16xf32>,
        tpu.vector_store %arg14[%swap3A], %sub3A {strides = array<i32>} : memref<1024xf32, #tpu.memory_space<vmem>>, vector<16xf32>,
        %convert_element_type3A_303 = arith.sitofp %convert_element_type3A_300 : vector<16xi32> to vector<16xf32>
        %sub3A_304 = arith.subf %add3A_299, %convert_element_type3A_303 : vector<16xf32>
        %swap3A_305 = arith.index_cast %mul3A_284 : i32 to index
        %swap3A_306 = tpu.vector_load %arg16[%swap3A_305] {strides = array<i32>} : memref<1024xf32, #tpu.memory_space<vmem>>, vector<16xf32>,
        tpu.vector_store %arg16[%swap3A_305], %sub3A_304 {strides = array<i32>} : memref<1024xf32, #tpu.memory_space<vmem>>, vector<16xf32>,
        %mul3A_307 = arith.constant -1640531535 : i32
        %mul3A_308 = vector.broadcast %mul3A_307 : i32 to vector<16xi32>
        %mul3A_309 = arith.muli %convert_element_type3A, %mul3A_308 : vector<16xi32>
        %add3A_310 = arith.constant -1640531535 : i32
        %add3A_311 = vector.broadcast %add3A_310 : i32 to vector<16xi32>
        %add3A_312 = arith.addi %mul3A_309, %add3A_311 : vector<16xi32>
        %mul3A_313 = arith.constant 805459861 : i32
        %mul3A_314 = vector.broadcast %mul3A_313 : i32 to vector<16xi32>
        %mul3A_315 = arith.muli %convert_element_type3A_300, %mul3A_314 : vector<16xi32>
        %add3A_316 = arith.constant 805459861 : i32
        %add3A_317 = vector.broadcast %add3A_316 : i32 to vector<16xi32>
        %add3A_318 = arith.addi %mul3A_315, %add3A_317 : vector<16xi32>
        %xor3A = arith.xori %mul3A_309, %mul3A_315 : vector<16xi32>
        %and3A = arith.constant 524287 : i32
        %and3A_319 = vector.broadcast %and3A : i32 to vector<16xi32>
        %and3A_320 = arith.andi %xor3A, %and3A_319 : vector<16xi32>
        %add3A_321 = arith.constant 6291456 : i32
        %add3A_322 = vector.broadcast %add3A_321 : i32 to vector<16xi32>
        %add3A_323 = arith.addi %and3A_320, %add3A_322 : vector<16xi32>
        %mul3A_324 = arith.constant 16 : i32
        %mul3A_325 = arith.muli %add3A_282, %mul3A_324 : i32
        %add3A_326 = arith.constant 0 : i32
        %add3A_327 = arith.addi %add3A_326, %mul3A_325 : i32
        %swap3A_328 = arith.index_cast %add3A_327 : i32 to index
        %swap3A_329 = tpu.vector_load %arg10[%swap3A_328] {strides = array<i32>} : memref<4096xi32, #tpu.memory_space<vmem>>, vector<16xi32>,
        tpu.vector_store %arg10[%swap3A_328], %add3A_323 {strides = array<i32>} : memref<4096xi32, #tpu.memory_space<vmem>>, vector<16xi32>,
        %xor3A_330 = arith.xori %add3A_312, %mul3A_315 : vector<16xi32>
        %and3A_331 = arith.constant 524287 : i32
        %and3A_332 = vector.broadcast %and3A_331 : i32 to vector<16xi32>
        %and3A_333 = arith.andi %xor3A_330, %and3A_332 : vector<16xi32>
        %add3A_334 = arith.constant 6291456 : i32
        %add3A_335 = vector.broadcast %add3A_334 : i32 to vector<16xi32>
        %add3A_336 = arith.addi %and3A_333, %add3A_335 : vector<16xi32>
        %mul3A_337 = arith.constant 16 : i32
        %mul3A_338 = arith.muli %add3A_282, %mul3A_337 : i32
        %add3A_339 = arith.constant 1024 : i32
        %add3A_340 = arith.addi %add3A_339, %mul3A_338 : i32
        %swap3A_341 = arith.index_cast %add3A_340 : i32 to index
        %swap3A_342 = tpu.vector_load %arg10[%swap3A_341] {strides = array<i32>} : memref<4096xi32, #tpu.memory_space<vmem>>, vector<16xi32>,
        tpu.vector_store %arg10[%swap3A_341], %add3A_336 {strides = array<i32>} : memref<4096xi32, #tpu.memory_space<vmem>>, vector<16xi32>,
        %xor3A_343 = arith.xori %mul3A_309, %add3A_318 : vector<16xi32>
        %and3A_344 = arith.constant 524287 : i32
        %and3A_345 = vector.broadcast %and3A_344 : i32 to vector<16xi32>
        %and3A_346 = arith.andi %xor3A_343, %and3A_345 : vector<16xi32>
        %add3A_347 = arith.constant 6291456 : i32
        %add3A_348 = vector.broadcast %add3A_347 : i32 to vector<16xi32>
        %add3A_349 = arith.addi %and3A_346, %add3A_348 : vector<16xi32>
        %mul3A_350 = arith.constant 16 : i32
        %mul3A_351 = arith.muli %add3A_282, %mul3A_350 : i32
        %add3A_352 = arith.constant 2048 : i32
        %add3A_353 = arith.addi %add3A_352, %mul3A_351 : i32
        %swap3A_354 = arith.index_cast %add3A_353 : i32 to index
        %swap3A_355 = tpu.vector_load %arg10[%swap3A_354] {strides = array<i32>} : memref<4096xi32, #tpu.memory_space<vmem>>, vector<16xi32>,
        tpu.vector_store %arg10[%swap3A_354], %add3A_349 {strides = array<i32>} : memref<4096xi32, #tpu.memory_space<vmem>>, vector<16xi32>,
        %xor3A_356 = arith.xori %add3A_312, %add3A_318 : vector<16xi32>
        %and3A_357 = arith.constant 524287 : i32
        %and3A_358 = vector.broadcast %and3A_357 : i32 to vector<16xi32>
        %and3A_359 = arith.andi %xor3A_356, %and3A_358 : vector<16xi32>
        %add3A_360 = arith.constant 6291456 : i32
        %add3A_361 = vector.broadcast %add3A_360 : i32 to vector<16xi32>
        %add3A_362 = arith.addi %and3A_359, %add3A_361 : vector<16xi32>
        %mul3A_363 = arith.constant 16 : i32
        %mul3A_364 = arith.muli %add3A_282, %mul3A_363 : i32
        %add3A_365 = arith.constant 3072 : i32
        %add3A_366 = arith.addi %add3A_365, %mul3A_364 : i32
        %swap3A_367 = arith.index_cast %add3A_366 : i32 to index
        %swap3A_368 = tpu.vector_load %arg10[%swap3A_367] {strides = array<i32>} : memref<4096xi32, #tpu.memory_space<vmem>>, vector<16xi32>,
        tpu.vector_store %arg10[%swap3A_367], %add3A_362 {strides = array<i32>} : memref<4096xi32, #tpu.memory_space<vmem>>, vector<16xi32>,
      }
      %scan3A_217 = arith.constant 64 : i32
      %dma_start3A_218 = arith.constant 0 : i32
      %dma_start3A_219 = tpu.memref_slice %arg4[%dma_start3A_218] : memref<8388608xi32, #tpu.memory_space<hbm>> -> memref<8388608xi32, #tpu.memory_space<hbm>>
      tpu.enqueue_indirect_dma source(%dma_start3A_219 : memref<8388608xi32, #tpu.memory_space<hbm>>) target(%arg12 : memref<4096xi32, #tpu.memory_space<vmem>>) offsets(%arg10 : memref<4096xi32, #tpu.memory_space<vmem>>) semaphore(%arg19 : memref<!tpu.dma_semaphore, #tpu.memory_space<semaphore_mem>>)
      %dma_wait3A_220 = arith.constant 0 : i32
      %dma_wait3A_221 = tpu.memref_slice %arg4[%dma_wait3A_220] : memref<8388608xi32, #tpu.memory_space<hbm>> -> memref<8388608xi32, #tpu.memory_space<hbm>>
      tpu.wait_indirect_dma semaphore(%arg20 : memref<!tpu.dma_semaphore, #tpu.memory_space<semaphore_mem>>) src(%dma_wait3A_221 : memref<8388608xi32, #tpu.memory_space<hbm>>) dst(%arg13 : memref<4096xi32, #tpu.memory_space<vmem>>)
      %scan3A_222 = arith.constant 0 : i32
      %scan3A_223 = arith.constant 64 : i32
      %scan3A_224 = arith.addi %scan3A_222, %scan3A_223 : i32
      %scan3A_225 = arith.constant 1 : i32
      scf.for %scan3A_278 = %scan3A_222 to %scan3A_224 step %scan3A_225  : i32 {
        %mul3A_279 = arith.constant 1 : i32
        %mul3A_280 = arith.muli %scan3A_278, %mul3A_279 : i32
        %add3A_281 = arith.constant 0 : i32
        %add3A_282 = arith.addi %add3A_281, %mul3A_280 : i32
        %mul3A_283 = arith.constant 16 : i32
        %mul3A_284 = arith.muli %add3A_282, %mul3A_283 : i32
        %get3A = arith.index_cast %mul3A_284 : i32 to index
        %get3A_285 = tpu.vector_load %arg15[%get3A] {strides = array<i32>} : memref<1024xf32, #tpu.memory_space<vmem>>, vector<16xf32>,
        %get3A_286 = arith.index_cast %mul3A_284 : i32 to index
        %get3A_287 = tpu.vector_load %arg17[%get3A_286] {strides = array<i32>} : memref<1024xf32, #tpu.memory_space<vmem>>, vector<16xf32>,
        %mul3A_288 = arith.constant 16 : i32
        %mul3A_289 = arith.muli %add3A_282, %mul3A_288 : i32
        %add3A_290 = arith.constant 0 : i32
        %add3A_291 = arith.addi %add3A_290, %mul3A_289 : i32
        %get3A_292 = arith.index_cast %add3A_291 : i32 to index
        %get3A_293 = tpu.vector_load %arg13[%get3A_292] {strides = array<i32>} : memref<4096xi32, #tpu.memory_space<vmem>>, vector<16xi32>,
        %mul3A_294 = arith.constant 16 : i32
        %mul3A_295 = arith.muli %add3A_282, %mul3A_294 : i32
        %add3A_296 = arith.constant 1024 : i32
        %add3A_297 = arith.addi %add3A_296, %mul3A_295 : i32
        %get3A_298 = arith.index_cast %add3A_297 : i32 to index
        %get3A_299 = tpu.vector_load %arg13[%get3A_298] {strides = array<i32>} : memref<4096xi32, #tpu.memory_space<vmem>>, vector<16xi32>,
        %mul3A_300 = arith.constant 16 : i32
        %mul3A_301 = arith.muli %add3A_282, %mul3A_300 : i32
        %add3A_302 = arith.constant 2048 : i32
        %add3A_303 = arith.addi %add3A_302, %mul3A_301 : i32
        %get3A_304 = arith.index_cast %add3A_303 : i32 to index
        %get3A_305 = tpu.vector_load %arg13[%get3A_304] {strides = array<i32>} : memref<4096xi32, #tpu.memory_space<vmem>>, vector<16xi32>,
        %mul3A_306 = arith.constant 16 : i32
        %mul3A_307 = arith.muli %add3A_282, %mul3A_306 : i32
        %add3A_308 = arith.constant 3072 : i32
        %add3A_309 = arith.addi %add3A_308, %mul3A_307 : i32
        %get3A_310 = arith.index_cast %add3A_309 : i32 to index
        %get3A_311 = tpu.vector_load %arg13[%get3A_310] {strides = array<i32>} : memref<4096xi32, #tpu.memory_space<vmem>>, vector<16xi32>,
        %shift_left3A = arith.constant 16 : i32
        %shift_left3A_312 = vector.broadcast %shift_left3A : i32 to vector<16xi32>
        %shift_left3A_313 = arith.shli %get3A_293, %shift_left3A_312 : vector<16xi32>
        %bitcast3A = vector.bitcast %shift_left3A_313 : vector<16xi32> to vector<16xf32>
        %shift_left3A_314 = arith.constant 16 : i32
        %shift_left3A_315 = vector.broadcast %shift_left3A_314 : i32 to vector<16xi32>
        %shift_left3A_316 = arith.shli %get3A_299, %shift_left3A_315 : vector<16xi32>
        %bitcast3A_317 = vector.bitcast %shift_left3A_316 : vector<16xi32> to vector<16xf32>
        %shift_left3A_318 = arith.constant 16 : i32
        %shift_left3A_319 = vector.broadcast %shift_left3A_318 : i32 to vector<16xi32>
        %shift_left3A_320 = arith.shli %get3A_305, %shift_left3A_319 : vector<16xi32>
        %bitcast3A_321 = vector.bitcast %shift_left3A_320 : vector<16xi32> to vector<16xf32>
        %shift_left3A_322 = arith.constant 16 : i32
        %shift_left3A_323 = vector.broadcast %shift_left3A_322 : i32 to vector<16xi32>
        %shift_left3A_324 = arith.shli %get3A_311, %shift_left3A_323 : vector<16xi32>
        %bitcast3A_325 = vector.bitcast %shift_left3A_324 : vector<16xi32> to vector<16xf32>
        %and3A = vector.broadcast %scan3A : i32 to vector<16xi32>
        %and3A_326 = arith.andi %get3A_293, %and3A : vector<16xi32>
        %bitcast3A_327 = vector.bitcast %and3A_326 : vector<16xi32> to vector<16xf32>
        %and3A_328 = vector.broadcast %scan3A : i32 to vector<16xi32>
        %and3A_329 = arith.andi %get3A_299, %and3A_328 : vector<16xi32>
        %bitcast3A_330 = vector.bitcast %and3A_329 : vector<16xi32> to vector<16xf32>
        %and3A_331 = vector.broadcast %scan3A : i32 to vector<16xi32>
        %and3A_332 = arith.andi %get3A_305, %and3A_331 : vector<16xi32>
        %bitcast3A_333 = vector.bitcast %and3A_332 : vector<16xi32> to vector<16xf32>
        %and3A_334 = vector.broadcast %scan3A : i32 to vector<16xi32>
        %and3A_335 = arith.andi %get3A_311, %and3A_334 : vector<16xi32>
        %bitcast3A_336 = vector.bitcast %and3A_335 : vector<16xi32> to vector<16xf32>
        %sub3A = arith.subf %bitcast3A_317, %bitcast3A : vector<16xf32>
        %mul3A_337 = arith.mulf %get3A_285, %sub3A : vector<16xf32>
        %add3A_338 = arith.addf %bitcast3A, %mul3A_337 : vector<16xf32>
        %sub3A_339 = arith.subf %bitcast3A_325, %bitcast3A_321 : vector<16xf32>
        %mul3A_340 = arith.mulf %get3A_285, %sub3A_339 : vector<16xf32>
        %add3A_341 = arith.addf %bitcast3A_321, %mul3A_340 : vector<16xf32>
        %sub3A_342 = arith.subf %add3A_341, %add3A_338 : vector<16xf32>
        %mul3A_343 = arith.mulf %get3A_287, %sub3A_342 : vector<16xf32>
        %add3A_344 = arith.addf %add3A_338, %mul3A_343 : vector<16xf32>
        %sub3A_345 = arith.subf %bitcast3A_330, %bitcast3A_327 : vector<16xf32>
        %mul3A_346 = arith.mulf %get3A_285, %sub3A_345 : vector<16xf32>
        %add3A_347 = arith.addf %bitcast3A_327, %mul3A_346 : vector<16xf32>
        %sub3A_348 = arith.subf %bitcast3A_336, %bitcast3A_333 : vector<16xf32>
        %mul3A_349 = arith.mulf %get3A_285, %sub3A_348 : vector<16xf32>
        %add3A_350 = arith.addf %bitcast3A_333, %mul3A_349 : vector<16xf32>
        %sub3A_351 = arith.subf %add3A_350, %add3A_347 : vector<16xf32>
        %mul3A_352 = arith.mulf %get3A_287, %sub3A_351 : vector<16xf32>
        %add3A_353 = arith.addf %add3A_347, %mul3A_352 : vector<16xf32>
        %mul3A_354 = arith.constant 512 : i32
        %mul3A_355 = arith.muli %add3A_282, %mul3A_354 : i32
        %add3A_356 = vector.broadcast %mul3A_355 : i32 to vector<16xi32>
        %add3A_357 = arith.addi %add3A_356, %mul3A_6 : vector<16xi32>
        %add3A_358 = arith.constant 22 : i32
        %add3A_359 = vector.broadcast %add3A_358 : i32 to vector<16xi32>
        %add3A_360 = arith.addi %add3A_357, %add3A_359 : vector<16xi32>
        tpu.vector_store_idx %arg18[%add3A_360], %add3A_344 : memref<32768xf32, #tpu.memory_space<vmem>>[vector<16xi32>], vector<16xf32>,
        %add3A_361 = arith.constant 1 : i32
        %add3A_362 = vector.broadcast %add3A_361 : i32 to vector<16xi32>
        %add3A_363 = arith.addi %add3A_360, %add3A_362 : vector<16xi32>
        tpu.vector_store_idx %arg18[%add3A_363], %add3A_353 : memref<32768xf32, #tpu.memory_space<vmem>>[vector<16xi32>], vector<16xf32>,
      }
      %scan3A_226 = arith.constant 64 : i32
      %scan3A_227 = arith.constant 0 : i32
      %scan3A_228 = arith.constant 64 : i32
      %scan3A_229 = arith.addi %scan3A_227, %scan3A_228 : i32
      %scan3A_230 = arith.constant 1 : i32
      scf.for %scan3A_278 = %scan3A_227 to %scan3A_229 step %scan3A_230  : i32 {
        %mul3A_279 = arith.constant 1 : i32
        %mul3A_280 = arith.muli %scan3A_278, %mul3A_279 : i32
        %add3A_281 = arith.constant 0 : i32
        %add3A_282 = arith.addi %add3A_281, %mul3A_280 : i32
        %mul3A_283 = arith.constant 16 : i32
        %mul3A_284 = arith.muli %add3A_282, %mul3A_283 : i32
        %get3A = arith.index_cast %mul3A_284 : i32 to index
        %get3A_285 = tpu.vector_load %arg7[%get3A] {strides = array<i32>} : memref<1024xf32, #tpu.memory_space<vmem>>, vector<16xf32>,
        %mul3A_286 = arith.constant 5.265000e+02 : f32
        %mul3A_287 = vector.broadcast %mul3A_286 : f32 to vector<16xf32>
        %mul3A_288 = arith.mulf %get3A_285, %mul3A_287 : vector<16xf32>
        %add3A_289 = arith.constant 5.265000e+02 : f32
        %add3A_290 = vector.broadcast %add3A_289 : f32 to vector<16xf32>
        %add3A_291 = arith.addf %mul3A_288, %add3A_290 : vector<16xf32>
        %get3A_292 = arith.index_cast %mul3A_284 : i32 to index
        %get3A_293 = tpu.vector_load %arg8[%get3A_292] {strides = array<i32>} : memref<1024xf32, #tpu.memory_space<vmem>>, vector<16xf32>,
        %mul3A_294 = arith.constant 5.265000e+02 : f32
        %mul3A_295 = vector.broadcast %mul3A_294 : f32 to vector<16xf32>
        %mul3A_296 = arith.mulf %get3A_293, %mul3A_295 : vector<16xf32>
        %add3A_297 = arith.constant 5.265000e+02 : f32
        %add3A_298 = vector.broadcast %add3A_297 : f32 to vector<16xf32>
        %add3A_299 = arith.addf %mul3A_296, %add3A_298 : vector<16xf32>
        %convert_element_type3A = arith.fptosi %add3A_291 : vector<16xf32> to vector<16xi32>
        %convert_element_type3A_300 = arith.fptosi %add3A_299 : vector<16xf32> to vector<16xi32>
        %convert_element_type3A_301 = arith.sitofp %convert_element_type3A : vector<16xi32> to vector<16xf32>
        %sub3A = arith.subf %add3A_291, %convert_element_type3A_301 : vector<16xf32>
        %swap3A = arith.index_cast %mul3A_284 : i32 to index
        %swap3A_302 = tpu.vector_load %arg15[%swap3A] {strides = array<i32>} : memref<1024xf32, #tpu.memory_space<vmem>>, vector<16xf32>,
        tpu.vector_store %arg15[%swap3A], %sub3A {strides = array<i32>} : memref<1024xf32, #tpu.memory_space<vmem>>, vector<16xf32>,
        %convert_element_type3A_303 = arith.sitofp %convert_element_type3A_300 : vector<16xi32> to vector<16xf32>
        %sub3A_304 = arith.subf %add3A_299, %convert_element_type3A_303 : vector<16xf32>
        %swap3A_305 = arith.index_cast %mul3A_284 : i32 to index
        %swap3A_306 = tpu.vector_load %arg17[%swap3A_305] {strides = array<i32>} : memref<1024xf32, #tpu.memory_space<vmem>>, vector<16xf32>,
        tpu.vector_store %arg17[%swap3A_305], %sub3A_304 {strides = array<i32>} : memref<1024xf32, #tpu.memory_space<vmem>>, vector<16xf32>,
        %mul3A_307 = arith.constant -1640531535 : i32
        %mul3A_308 = vector.broadcast %mul3A_307 : i32 to vector<16xi32>
        %mul3A_309 = arith.muli %convert_element_type3A, %mul3A_308 : vector<16xi32>
        %add3A_310 = arith.constant -1640531535 : i32
        %add3A_311 = vector.broadcast %add3A_310 : i32 to vector<16xi32>
        %add3A_312 = arith.addi %mul3A_309, %add3A_311 : vector<16xi32>
        %mul3A_313 = arith.constant 805459861 : i32
        %mul3A_314 = vector.broadcast %mul3A_313 : i32 to vector<16xi32>
        %mul3A_315 = arith.muli %convert_element_type3A_300, %mul3A_314 : vector<16xi32>
        %add3A_316 = arith.constant 805459861 : i32
        %add3A_317 = vector.broadcast %add3A_316 : i32 to vector<16xi32>
        %add3A_318 = arith.addi %mul3A_315, %add3A_317 : vector<16xi32>
        %xor3A = arith.xori %mul3A_309, %mul3A_315 : vector<16xi32>
        %and3A = arith.constant 524287 : i32
        %and3A_319 = vector.broadcast %and3A : i32 to vector<16xi32>
        %and3A_320 = arith.andi %xor3A, %and3A_319 : vector<16xi32>
        %add3A_321 = arith.constant 6815744 : i32
        %add3A_322 = vector.broadcast %add3A_321 : i32 to vector<16xi32>
        %add3A_323 = arith.addi %and3A_320, %add3A_322 : vector<16xi32>
        %mul3A_324 = arith.constant 16 : i32
        %mul3A_325 = arith.muli %add3A_282, %mul3A_324 : i32
        %add3A_326 = arith.constant 0 : i32
        %add3A_327 = arith.addi %add3A_326, %mul3A_325 : i32
        %swap3A_328 = arith.index_cast %add3A_327 : i32 to index
        %swap3A_329 = tpu.vector_load %arg11[%swap3A_328] {strides = array<i32>} : memref<4096xi32, #tpu.memory_space<vmem>>, vector<16xi32>,
        tpu.vector_store %arg11[%swap3A_328], %add3A_323 {strides = array<i32>} : memref<4096xi32, #tpu.memory_space<vmem>>, vector<16xi32>,
        %xor3A_330 = arith.xori %add3A_312, %mul3A_315 : vector<16xi32>
        %and3A_331 = arith.constant 524287 : i32
        %and3A_332 = vector.broadcast %and3A_331 : i32 to vector<16xi32>
        %and3A_333 = arith.andi %xor3A_330, %and3A_332 : vector<16xi32>
        %add3A_334 = arith.constant 6815744 : i32
        %add3A_335 = vector.broadcast %add3A_334 : i32 to vector<16xi32>
        %add3A_336 = arith.addi %and3A_333, %add3A_335 : vector<16xi32>
        %mul3A_337 = arith.constant 16 : i32
        %mul3A_338 = arith.muli %add3A_282, %mul3A_337 : i32
        %add3A_339 = arith.constant 1024 : i32
        %add3A_340 = arith.addi %add3A_339, %mul3A_338 : i32
        %swap3A_341 = arith.index_cast %add3A_340 : i32 to index
        %swap3A_342 = tpu.vector_load %arg11[%swap3A_341] {strides = array<i32>} : memref<4096xi32, #tpu.memory_space<vmem>>, vector<16xi32>,
        tpu.vector_store %arg11[%swap3A_341], %add3A_336 {strides = array<i32>} : memref<4096xi32, #tpu.memory_space<vmem>>, vector<16xi32>,
        %xor3A_343 = arith.xori %mul3A_309, %add3A_318 : vector<16xi32>
        %and3A_344 = arith.constant 524287 : i32
        %and3A_345 = vector.broadcast %and3A_344 : i32 to vector<16xi32>
        %and3A_346 = arith.andi %xor3A_343, %and3A_345 : vector<16xi32>
        %add3A_347 = arith.constant 6815744 : i32
        %add3A_348 = vector.broadcast %add3A_347 : i32 to vector<16xi32>
        %add3A_349 = arith.addi %and3A_346, %add3A_348 : vector<16xi32>
        %mul3A_350 = arith.constant 16 : i32
        %mul3A_351 = arith.muli %add3A_282, %mul3A_350 : i32
        %add3A_352 = arith.constant 2048 : i32
        %add3A_353 = arith.addi %add3A_352, %mul3A_351 : i32
        %swap3A_354 = arith.index_cast %add3A_353 : i32 to index
        %swap3A_355 = tpu.vector_load %arg11[%swap3A_354] {strides = array<i32>} : memref<4096xi32, #tpu.memory_space<vmem>>, vector<16xi32>,
        tpu.vector_store %arg11[%swap3A_354], %add3A_349 {strides = array<i32>} : memref<4096xi32, #tpu.memory_space<vmem>>, vector<16xi32>,
        %xor3A_356 = arith.xori %add3A_312, %add3A_318 : vector<16xi32>
        %and3A_357 = arith.constant 524287 : i32
        %and3A_358 = vector.broadcast %and3A_357 : i32 to vector<16xi32>
        %and3A_359 = arith.andi %xor3A_356, %and3A_358 : vector<16xi32>
        %add3A_360 = arith.constant 6815744 : i32
        %add3A_361 = vector.broadcast %add3A_360 : i32 to vector<16xi32>
        %add3A_362 = arith.addi %and3A_359, %add3A_361 : vector<16xi32>
        %mul3A_363 = arith.constant 16 : i32
        %mul3A_364 = arith.muli %add3A_282, %mul3A_363 : i32
        %add3A_365 = arith.constant 3072 : i32
        %add3A_366 = arith.addi %add3A_365, %mul3A_364 : i32
        %swap3A_367 = arith.index_cast %add3A_366 : i32 to index
        %swap3A_368 = tpu.vector_load %arg11[%swap3A_367] {strides = array<i32>} : memref<4096xi32, #tpu.memory_space<vmem>>, vector<16xi32>,
        tpu.vector_store %arg11[%swap3A_367], %add3A_362 {strides = array<i32>} : memref<4096xi32, #tpu.memory_space<vmem>>, vector<16xi32>,
      }
      %scan3A_231 = arith.constant 64 : i32
      %dma_start3A_232 = arith.constant 0 : i32
      %dma_start3A_233 = tpu.memref_slice %arg4[%dma_start3A_232] : memref<8388608xi32, #tpu.memory_space<hbm>> -> memref<8388608xi32, #tpu.memory_space<hbm>>
      tpu.enqueue_indirect_dma source(%dma_start3A_233 : memref<8388608xi32, #tpu.memory_space<hbm>>) target(%arg13 : memref<4096xi32, #tpu.memory_space<vmem>>) offsets(%arg11 : memref<4096xi32, #tpu.memory_space<vmem>>) semaphore(%arg20 : memref<!tpu.dma_semaphore, #tpu.memory_space<semaphore_mem>>)
      %dma_wait3A_234 = arith.constant 0 : i32
      %dma_wait3A_235 = tpu.memref_slice %arg4[%dma_wait3A_234] : memref<8388608xi32, #tpu.memory_space<hbm>> -> memref<8388608xi32, #tpu.memory_space<hbm>>
      tpu.wait_indirect_dma semaphore(%arg19 : memref<!tpu.dma_semaphore, #tpu.memory_space<semaphore_mem>>) src(%dma_wait3A_235 : memref<8388608xi32, #tpu.memory_space<hbm>>) dst(%arg12 : memref<4096xi32, #tpu.memory_space<vmem>>)
      %scan3A_236 = arith.constant 0 : i32
      %scan3A_237 = arith.constant 64 : i32
      %scan3A_238 = arith.addi %scan3A_236, %scan3A_237 : i32
      %scan3A_239 = arith.constant 1 : i32
      scf.for %scan3A_278 = %scan3A_236 to %scan3A_238 step %scan3A_239  : i32 {
        %mul3A_279 = arith.constant 1 : i32
        %mul3A_280 = arith.muli %scan3A_278, %mul3A_279 : i32
        %add3A_281 = arith.constant 0 : i32
        %add3A_282 = arith.addi %add3A_281, %mul3A_280 : i32
        %mul3A_283 = arith.constant 16 : i32
        %mul3A_284 = arith.muli %add3A_282, %mul3A_283 : i32
        %get3A = arith.index_cast %mul3A_284 : i32 to index
        %get3A_285 = tpu.vector_load %arg14[%get3A] {strides = array<i32>} : memref<1024xf32, #tpu.memory_space<vmem>>, vector<16xf32>,
        %get3A_286 = arith.index_cast %mul3A_284 : i32 to index
        %get3A_287 = tpu.vector_load %arg16[%get3A_286] {strides = array<i32>} : memref<1024xf32, #tpu.memory_space<vmem>>, vector<16xf32>,
        %mul3A_288 = arith.constant 16 : i32
        %mul3A_289 = arith.muli %add3A_282, %mul3A_288 : i32
        %add3A_290 = arith.constant 0 : i32
        %add3A_291 = arith.addi %add3A_290, %mul3A_289 : i32
        %get3A_292 = arith.index_cast %add3A_291 : i32 to index
        %get3A_293 = tpu.vector_load %arg12[%get3A_292] {strides = array<i32>} : memref<4096xi32, #tpu.memory_space<vmem>>, vector<16xi32>,
        %mul3A_294 = arith.constant 16 : i32
        %mul3A_295 = arith.muli %add3A_282, %mul3A_294 : i32
        %add3A_296 = arith.constant 1024 : i32
        %add3A_297 = arith.addi %add3A_296, %mul3A_295 : i32
        %get3A_298 = arith.index_cast %add3A_297 : i32 to index
        %get3A_299 = tpu.vector_load %arg12[%get3A_298] {strides = array<i32>} : memref<4096xi32, #tpu.memory_space<vmem>>, vector<16xi32>,
        %mul3A_300 = arith.constant 16 : i32
        %mul3A_301 = arith.muli %add3A_282, %mul3A_300 : i32
        %add3A_302 = arith.constant 2048 : i32
        %add3A_303 = arith.addi %add3A_302, %mul3A_301 : i32
        %get3A_304 = arith.index_cast %add3A_303 : i32 to index
        %get3A_305 = tpu.vector_load %arg12[%get3A_304] {strides = array<i32>} : memref<4096xi32, #tpu.memory_space<vmem>>, vector<16xi32>,
        %mul3A_306 = arith.constant 16 : i32
        %mul3A_307 = arith.muli %add3A_282, %mul3A_306 : i32
        %add3A_308 = arith.constant 3072 : i32
        %add3A_309 = arith.addi %add3A_308, %mul3A_307 : i32
        %get3A_310 = arith.index_cast %add3A_309 : i32 to index
        %get3A_311 = tpu.vector_load %arg12[%get3A_310] {strides = array<i32>} : memref<4096xi32, #tpu.memory_space<vmem>>, vector<16xi32>,
        %shift_left3A = arith.constant 16 : i32
        %shift_left3A_312 = vector.broadcast %shift_left3A : i32 to vector<16xi32>
        %shift_left3A_313 = arith.shli %get3A_293, %shift_left3A_312 : vector<16xi32>
        %bitcast3A = vector.bitcast %shift_left3A_313 : vector<16xi32> to vector<16xf32>
        %shift_left3A_314 = arith.constant 16 : i32
        %shift_left3A_315 = vector.broadcast %shift_left3A_314 : i32 to vector<16xi32>
        %shift_left3A_316 = arith.shli %get3A_299, %shift_left3A_315 : vector<16xi32>
        %bitcast3A_317 = vector.bitcast %shift_left3A_316 : vector<16xi32> to vector<16xf32>
        %shift_left3A_318 = arith.constant 16 : i32
        %shift_left3A_319 = vector.broadcast %shift_left3A_318 : i32 to vector<16xi32>
        %shift_left3A_320 = arith.shli %get3A_305, %shift_left3A_319 : vector<16xi32>
        %bitcast3A_321 = vector.bitcast %shift_left3A_320 : vector<16xi32> to vector<16xf32>
        %shift_left3A_322 = arith.constant 16 : i32
        %shift_left3A_323 = vector.broadcast %shift_left3A_322 : i32 to vector<16xi32>
        %shift_left3A_324 = arith.shli %get3A_311, %shift_left3A_323 : vector<16xi32>
        %bitcast3A_325 = vector.bitcast %shift_left3A_324 : vector<16xi32> to vector<16xf32>
        %and3A = vector.broadcast %scan3A : i32 to vector<16xi32>
        %and3A_326 = arith.andi %get3A_293, %and3A : vector<16xi32>
        %bitcast3A_327 = vector.bitcast %and3A_326 : vector<16xi32> to vector<16xf32>
        %and3A_328 = vector.broadcast %scan3A : i32 to vector<16xi32>
        %and3A_329 = arith.andi %get3A_299, %and3A_328 : vector<16xi32>
        %bitcast3A_330 = vector.bitcast %and3A_329 : vector<16xi32> to vector<16xf32>
        %and3A_331 = vector.broadcast %scan3A : i32 to vector<16xi32>
        %and3A_332 = arith.andi %get3A_305, %and3A_331 : vector<16xi32>
        %bitcast3A_333 = vector.bitcast %and3A_332 : vector<16xi32> to vector<16xf32>
        %and3A_334 = vector.broadcast %scan3A : i32 to vector<16xi32>
        %and3A_335 = arith.andi %get3A_311, %and3A_334 : vector<16xi32>
        %bitcast3A_336 = vector.bitcast %and3A_335 : vector<16xi32> to vector<16xf32>
        %sub3A = arith.subf %bitcast3A_317, %bitcast3A : vector<16xf32>
        %mul3A_337 = arith.mulf %get3A_285, %sub3A : vector<16xf32>
        %add3A_338 = arith.addf %bitcast3A, %mul3A_337 : vector<16xf32>
        %sub3A_339 = arith.subf %bitcast3A_325, %bitcast3A_321 : vector<16xf32>
        %mul3A_340 = arith.mulf %get3A_285, %sub3A_339 : vector<16xf32>
        %add3A_341 = arith.addf %bitcast3A_321, %mul3A_340 : vector<16xf32>
        %sub3A_342 = arith.subf %add3A_341, %add3A_338 : vector<16xf32>
        %mul3A_343 = arith.mulf %get3A_287, %sub3A_342 : vector<16xf32>
        %add3A_344 = arith.addf %add3A_338, %mul3A_343 : vector<16xf32>
        %sub3A_345 = arith.subf %bitcast3A_330, %bitcast3A_327 : vector<16xf32>
        %mul3A_346 = arith.mulf %get3A_285, %sub3A_345 : vector<16xf32>
        %add3A_347 = arith.addf %bitcast3A_327, %mul3A_346 : vector<16xf32>
        %sub3A_348 = arith.subf %bitcast3A_336, %bitcast3A_333 : vector<16xf32>
        %mul3A_349 = arith.mulf %get3A_285, %sub3A_348 : vector<16xf32>
        %add3A_350 = arith.addf %bitcast3A_333, %mul3A_349 : vector<16xf32>
        %sub3A_351 = arith.subf %add3A_350, %add3A_347 : vector<16xf32>
        %mul3A_352 = arith.mulf %get3A_287, %sub3A_351 : vector<16xf32>
        %add3A_353 = arith.addf %add3A_347, %mul3A_352 : vector<16xf32>
        %mul3A_354 = arith.constant 512 : i32
        %mul3A_355 = arith.muli %add3A_282, %mul3A_354 : i32
        %add3A_356 = vector.broadcast %mul3A_355 : i32 to vector<16xi32>
        %add3A_357 = arith.addi %add3A_356, %mul3A_6 : vector<16xi32>
        %add3A_358 = arith.constant 24 : i32
        %add3A_359 = vector.broadcast %add3A_358 : i32 to vector<16xi32>
        %add3A_360 = arith.addi %add3A_357, %add3A_359 : vector<16xi32>
        tpu.vector_store_idx %arg18[%add3A_360], %add3A_344 : memref<32768xf32, #tpu.memory_space<vmem>>[vector<16xi32>], vector<16xf32>,
        %add3A_361 = arith.constant 1 : i32
        %add3A_362 = vector.broadcast %add3A_361 : i32 to vector<16xi32>
        %add3A_363 = arith.addi %add3A_360, %add3A_362 : vector<16xi32>
        tpu.vector_store_idx %arg18[%add3A_363], %add3A_353 : memref<32768xf32, #tpu.memory_space<vmem>>[vector<16xi32>], vector<16xf32>,
      }
      %scan3A_240 = arith.constant 64 : i32
      %scan3A_241 = arith.constant 0 : i32
      %scan3A_242 = arith.constant 64 : i32
      %scan3A_243 = arith.addi %scan3A_241, %scan3A_242 : i32
      %scan3A_244 = arith.constant 1 : i32
      scf.for %scan3A_278 = %scan3A_241 to %scan3A_243 step %scan3A_244  : i32 {
        %mul3A_279 = arith.constant 1 : i32
        %mul3A_280 = arith.muli %scan3A_278, %mul3A_279 : i32
        %add3A_281 = arith.constant 0 : i32
        %add3A_282 = arith.addi %add3A_281, %mul3A_280 : i32
        %mul3A_283 = arith.constant 16 : i32
        %mul3A_284 = arith.muli %add3A_282, %mul3A_283 : i32
        %get3A = arith.index_cast %mul3A_284 : i32 to index
        %get3A_285 = tpu.vector_load %arg7[%get3A] {strides = array<i32>} : memref<1024xf32, #tpu.memory_space<vmem>>, vector<16xf32>,
        %mul3A_286 = arith.constant 7.265000e+02 : f32
        %mul3A_287 = vector.broadcast %mul3A_286 : f32 to vector<16xf32>
        %mul3A_288 = arith.mulf %get3A_285, %mul3A_287 : vector<16xf32>
        %add3A_289 = arith.constant 7.265000e+02 : f32
        %add3A_290 = vector.broadcast %add3A_289 : f32 to vector<16xf32>
        %add3A_291 = arith.addf %mul3A_288, %add3A_290 : vector<16xf32>
        %get3A_292 = arith.index_cast %mul3A_284 : i32 to index
        %get3A_293 = tpu.vector_load %arg8[%get3A_292] {strides = array<i32>} : memref<1024xf32, #tpu.memory_space<vmem>>, vector<16xf32>,
        %mul3A_294 = arith.constant 7.265000e+02 : f32
        %mul3A_295 = vector.broadcast %mul3A_294 : f32 to vector<16xf32>
        %mul3A_296 = arith.mulf %get3A_293, %mul3A_295 : vector<16xf32>
        %add3A_297 = arith.constant 7.265000e+02 : f32
        %add3A_298 = vector.broadcast %add3A_297 : f32 to vector<16xf32>
        %add3A_299 = arith.addf %mul3A_296, %add3A_298 : vector<16xf32>
        %convert_element_type3A = arith.fptosi %add3A_291 : vector<16xf32> to vector<16xi32>
        %convert_element_type3A_300 = arith.fptosi %add3A_299 : vector<16xf32> to vector<16xi32>
        %convert_element_type3A_301 = arith.sitofp %convert_element_type3A : vector<16xi32> to vector<16xf32>
        %sub3A = arith.subf %add3A_291, %convert_element_type3A_301 : vector<16xf32>
        %swap3A = arith.index_cast %mul3A_284 : i32 to index
        %swap3A_302 = tpu.vector_load %arg14[%swap3A] {strides = array<i32>} : memref<1024xf32, #tpu.memory_space<vmem>>, vector<16xf32>,
        tpu.vector_store %arg14[%swap3A], %sub3A {strides = array<i32>} : memref<1024xf32, #tpu.memory_space<vmem>>, vector<16xf32>,
        %convert_element_type3A_303 = arith.sitofp %convert_element_type3A_300 : vector<16xi32> to vector<16xf32>
        %sub3A_304 = arith.subf %add3A_299, %convert_element_type3A_303 : vector<16xf32>
        %swap3A_305 = arith.index_cast %mul3A_284 : i32 to index
        %swap3A_306 = tpu.vector_load %arg16[%swap3A_305] {strides = array<i32>} : memref<1024xf32, #tpu.memory_space<vmem>>, vector<16xf32>,
        tpu.vector_store %arg16[%swap3A_305], %sub3A_304 {strides = array<i32>} : memref<1024xf32, #tpu.memory_space<vmem>>, vector<16xf32>,
        %mul3A_307 = arith.constant -1640531535 : i32
        %mul3A_308 = vector.broadcast %mul3A_307 : i32 to vector<16xi32>
        %mul3A_309 = arith.muli %convert_element_type3A, %mul3A_308 : vector<16xi32>
        %add3A_310 = arith.constant -1640531535 : i32
        %add3A_311 = vector.broadcast %add3A_310 : i32 to vector<16xi32>
        %add3A_312 = arith.addi %mul3A_309, %add3A_311 : vector<16xi32>
        %mul3A_313 = arith.constant 805459861 : i32
        %mul3A_314 = vector.broadcast %mul3A_313 : i32 to vector<16xi32>
        %mul3A_315 = arith.muli %convert_element_type3A_300, %mul3A_314 : vector<16xi32>
        %add3A_316 = arith.constant 805459861 : i32
        %add3A_317 = vector.broadcast %add3A_316 : i32 to vector<16xi32>
        %add3A_318 = arith.addi %mul3A_315, %add3A_317 : vector<16xi32>
        %xor3A = arith.xori %mul3A_309, %mul3A_315 : vector<16xi32>
        %and3A = arith.constant 524287 : i32
        %and3A_319 = vector.broadcast %and3A : i32 to vector<16xi32>
        %and3A_320 = arith.andi %xor3A, %and3A_319 : vector<16xi32>
        %add3A_321 = arith.constant 7340032 : i32
        %add3A_322 = vector.broadcast %add3A_321 : i32 to vector<16xi32>
        %add3A_323 = arith.addi %and3A_320, %add3A_322 : vector<16xi32>
        %mul3A_324 = arith.constant 16 : i32
        %mul3A_325 = arith.muli %add3A_282, %mul3A_324 : i32
        %add3A_326 = arith.constant 0 : i32
        %add3A_327 = arith.addi %add3A_326, %mul3A_325 : i32
        %swap3A_328 = arith.index_cast %add3A_327 : i32 to index
        %swap3A_329 = tpu.vector_load %arg10[%swap3A_328] {strides = array<i32>} : memref<4096xi32, #tpu.memory_space<vmem>>, vector<16xi32>,
        tpu.vector_store %arg10[%swap3A_328], %add3A_323 {strides = array<i32>} : memref<4096xi32, #tpu.memory_space<vmem>>, vector<16xi32>,
        %xor3A_330 = arith.xori %add3A_312, %mul3A_315 : vector<16xi32>
        %and3A_331 = arith.constant 524287 : i32
        %and3A_332 = vector.broadcast %and3A_331 : i32 to vector<16xi32>
        %and3A_333 = arith.andi %xor3A_330, %and3A_332 : vector<16xi32>
        %add3A_334 = arith.constant 7340032 : i32
        %add3A_335 = vector.broadcast %add3A_334 : i32 to vector<16xi32>
        %add3A_336 = arith.addi %and3A_333, %add3A_335 : vector<16xi32>
        %mul3A_337 = arith.constant 16 : i32
        %mul3A_338 = arith.muli %add3A_282, %mul3A_337 : i32
        %add3A_339 = arith.constant 1024 : i32
        %add3A_340 = arith.addi %add3A_339, %mul3A_338 : i32
        %swap3A_341 = arith.index_cast %add3A_340 : i32 to index
        %swap3A_342 = tpu.vector_load %arg10[%swap3A_341] {strides = array<i32>} : memref<4096xi32, #tpu.memory_space<vmem>>, vector<16xi32>,
        tpu.vector_store %arg10[%swap3A_341], %add3A_336 {strides = array<i32>} : memref<4096xi32, #tpu.memory_space<vmem>>, vector<16xi32>,
        %xor3A_343 = arith.xori %mul3A_309, %add3A_318 : vector<16xi32>
        %and3A_344 = arith.constant 524287 : i32
        %and3A_345 = vector.broadcast %and3A_344 : i32 to vector<16xi32>
        %and3A_346 = arith.andi %xor3A_343, %and3A_345 : vector<16xi32>
        %add3A_347 = arith.constant 7340032 : i32
        %add3A_348 = vector.broadcast %add3A_347 : i32 to vector<16xi32>
        %add3A_349 = arith.addi %and3A_346, %add3A_348 : vector<16xi32>
        %mul3A_350 = arith.constant 16 : i32
        %mul3A_351 = arith.muli %add3A_282, %mul3A_350 : i32
        %add3A_352 = arith.constant 2048 : i32
        %add3A_353 = arith.addi %add3A_352, %mul3A_351 : i32
        %swap3A_354 = arith.index_cast %add3A_353 : i32 to index
        %swap3A_355 = tpu.vector_load %arg10[%swap3A_354] {strides = array<i32>} : memref<4096xi32, #tpu.memory_space<vmem>>, vector<16xi32>,
        tpu.vector_store %arg10[%swap3A_354], %add3A_349 {strides = array<i32>} : memref<4096xi32, #tpu.memory_space<vmem>>, vector<16xi32>,
        %xor3A_356 = arith.xori %add3A_312, %add3A_318 : vector<16xi32>
        %and3A_357 = arith.constant 524287 : i32
        %and3A_358 = vector.broadcast %and3A_357 : i32 to vector<16xi32>
        %and3A_359 = arith.andi %xor3A_356, %and3A_358 : vector<16xi32>
        %add3A_360 = arith.constant 7340032 : i32
        %add3A_361 = vector.broadcast %add3A_360 : i32 to vector<16xi32>
        %add3A_362 = arith.addi %and3A_359, %add3A_361 : vector<16xi32>
        %mul3A_363 = arith.constant 16 : i32
        %mul3A_364 = arith.muli %add3A_282, %mul3A_363 : i32
        %add3A_365 = arith.constant 3072 : i32
        %add3A_366 = arith.addi %add3A_365, %mul3A_364 : i32
        %swap3A_367 = arith.index_cast %add3A_366 : i32 to index
        %swap3A_368 = tpu.vector_load %arg10[%swap3A_367] {strides = array<i32>} : memref<4096xi32, #tpu.memory_space<vmem>>, vector<16xi32>,
        tpu.vector_store %arg10[%swap3A_367], %add3A_362 {strides = array<i32>} : memref<4096xi32, #tpu.memory_space<vmem>>, vector<16xi32>,
      }
      %scan3A_245 = arith.constant 64 : i32
      %dma_start3A_246 = arith.constant 0 : i32
      %dma_start3A_247 = tpu.memref_slice %arg4[%dma_start3A_246] : memref<8388608xi32, #tpu.memory_space<hbm>> -> memref<8388608xi32, #tpu.memory_space<hbm>>
      tpu.enqueue_indirect_dma source(%dma_start3A_247 : memref<8388608xi32, #tpu.memory_space<hbm>>) target(%arg12 : memref<4096xi32, #tpu.memory_space<vmem>>) offsets(%arg10 : memref<4096xi32, #tpu.memory_space<vmem>>) semaphore(%arg19 : memref<!tpu.dma_semaphore, #tpu.memory_space<semaphore_mem>>)
      %dma_wait3A_248 = arith.constant 0 : i32
      %dma_wait3A_249 = tpu.memref_slice %arg4[%dma_wait3A_248] : memref<8388608xi32, #tpu.memory_space<hbm>> -> memref<8388608xi32, #tpu.memory_space<hbm>>
      tpu.wait_indirect_dma semaphore(%arg20 : memref<!tpu.dma_semaphore, #tpu.memory_space<semaphore_mem>>) src(%dma_wait3A_249 : memref<8388608xi32, #tpu.memory_space<hbm>>) dst(%arg13 : memref<4096xi32, #tpu.memory_space<vmem>>)
      %scan3A_250 = arith.constant 0 : i32
      %scan3A_251 = arith.constant 64 : i32
      %scan3A_252 = arith.addi %scan3A_250, %scan3A_251 : i32
      %scan3A_253 = arith.constant 1 : i32
      scf.for %scan3A_278 = %scan3A_250 to %scan3A_252 step %scan3A_253  : i32 {
        %mul3A_279 = arith.constant 1 : i32
        %mul3A_280 = arith.muli %scan3A_278, %mul3A_279 : i32
        %add3A_281 = arith.constant 0 : i32
        %add3A_282 = arith.addi %add3A_281, %mul3A_280 : i32
        %mul3A_283 = arith.constant 16 : i32
        %mul3A_284 = arith.muli %add3A_282, %mul3A_283 : i32
        %get3A = arith.index_cast %mul3A_284 : i32 to index
        %get3A_285 = tpu.vector_load %arg15[%get3A] {strides = array<i32>} : memref<1024xf32, #tpu.memory_space<vmem>>, vector<16xf32>,
        %get3A_286 = arith.index_cast %mul3A_284 : i32 to index
        %get3A_287 = tpu.vector_load %arg17[%get3A_286] {strides = array<i32>} : memref<1024xf32, #tpu.memory_space<vmem>>, vector<16xf32>,
        %mul3A_288 = arith.constant 16 : i32
        %mul3A_289 = arith.muli %add3A_282, %mul3A_288 : i32
        %add3A_290 = arith.constant 0 : i32
        %add3A_291 = arith.addi %add3A_290, %mul3A_289 : i32
        %get3A_292 = arith.index_cast %add3A_291 : i32 to index
        %get3A_293 = tpu.vector_load %arg13[%get3A_292] {strides = array<i32>} : memref<4096xi32, #tpu.memory_space<vmem>>, vector<16xi32>,
        %mul3A_294 = arith.constant 16 : i32
        %mul3A_295 = arith.muli %add3A_282, %mul3A_294 : i32
        %add3A_296 = arith.constant 1024 : i32
        %add3A_297 = arith.addi %add3A_296, %mul3A_295 : i32
        %get3A_298 = arith.index_cast %add3A_297 : i32 to index
        %get3A_299 = tpu.vector_load %arg13[%get3A_298] {strides = array<i32>} : memref<4096xi32, #tpu.memory_space<vmem>>, vector<16xi32>,
        %mul3A_300 = arith.constant 16 : i32
        %mul3A_301 = arith.muli %add3A_282, %mul3A_300 : i32
        %add3A_302 = arith.constant 2048 : i32
        %add3A_303 = arith.addi %add3A_302, %mul3A_301 : i32
        %get3A_304 = arith.index_cast %add3A_303 : i32 to index
        %get3A_305 = tpu.vector_load %arg13[%get3A_304] {strides = array<i32>} : memref<4096xi32, #tpu.memory_space<vmem>>, vector<16xi32>,
        %mul3A_306 = arith.constant 16 : i32
        %mul3A_307 = arith.muli %add3A_282, %mul3A_306 : i32
        %add3A_308 = arith.constant 3072 : i32
        %add3A_309 = arith.addi %add3A_308, %mul3A_307 : i32
        %get3A_310 = arith.index_cast %add3A_309 : i32 to index
        %get3A_311 = tpu.vector_load %arg13[%get3A_310] {strides = array<i32>} : memref<4096xi32, #tpu.memory_space<vmem>>, vector<16xi32>,
        %shift_left3A = arith.constant 16 : i32
        %shift_left3A_312 = vector.broadcast %shift_left3A : i32 to vector<16xi32>
        %shift_left3A_313 = arith.shli %get3A_293, %shift_left3A_312 : vector<16xi32>
        %bitcast3A = vector.bitcast %shift_left3A_313 : vector<16xi32> to vector<16xf32>
        %shift_left3A_314 = arith.constant 16 : i32
        %shift_left3A_315 = vector.broadcast %shift_left3A_314 : i32 to vector<16xi32>
        %shift_left3A_316 = arith.shli %get3A_299, %shift_left3A_315 : vector<16xi32>
        %bitcast3A_317 = vector.bitcast %shift_left3A_316 : vector<16xi32> to vector<16xf32>
        %shift_left3A_318 = arith.constant 16 : i32
        %shift_left3A_319 = vector.broadcast %shift_left3A_318 : i32 to vector<16xi32>
        %shift_left3A_320 = arith.shli %get3A_305, %shift_left3A_319 : vector<16xi32>
        %bitcast3A_321 = vector.bitcast %shift_left3A_320 : vector<16xi32> to vector<16xf32>
        %shift_left3A_322 = arith.constant 16 : i32
        %shift_left3A_323 = vector.broadcast %shift_left3A_322 : i32 to vector<16xi32>
        %shift_left3A_324 = arith.shli %get3A_311, %shift_left3A_323 : vector<16xi32>
        %bitcast3A_325 = vector.bitcast %shift_left3A_324 : vector<16xi32> to vector<16xf32>
        %and3A = vector.broadcast %scan3A : i32 to vector<16xi32>
        %and3A_326 = arith.andi %get3A_293, %and3A : vector<16xi32>
        %bitcast3A_327 = vector.bitcast %and3A_326 : vector<16xi32> to vector<16xf32>
        %and3A_328 = vector.broadcast %scan3A : i32 to vector<16xi32>
        %and3A_329 = arith.andi %get3A_299, %and3A_328 : vector<16xi32>
        %bitcast3A_330 = vector.bitcast %and3A_329 : vector<16xi32> to vector<16xf32>
        %and3A_331 = vector.broadcast %scan3A : i32 to vector<16xi32>
        %and3A_332 = arith.andi %get3A_305, %and3A_331 : vector<16xi32>
        %bitcast3A_333 = vector.bitcast %and3A_332 : vector<16xi32> to vector<16xf32>
        %and3A_334 = vector.broadcast %scan3A : i32 to vector<16xi32>
        %and3A_335 = arith.andi %get3A_311, %and3A_334 : vector<16xi32>
        %bitcast3A_336 = vector.bitcast %and3A_335 : vector<16xi32> to vector<16xf32>
        %sub3A = arith.subf %bitcast3A_317, %bitcast3A : vector<16xf32>
        %mul3A_337 = arith.mulf %get3A_285, %sub3A : vector<16xf32>
        %add3A_338 = arith.addf %bitcast3A, %mul3A_337 : vector<16xf32>
        %sub3A_339 = arith.subf %bitcast3A_325, %bitcast3A_321 : vector<16xf32>
        %mul3A_340 = arith.mulf %get3A_285, %sub3A_339 : vector<16xf32>
        %add3A_341 = arith.addf %bitcast3A_321, %mul3A_340 : vector<16xf32>
        %sub3A_342 = arith.subf %add3A_341, %add3A_338 : vector<16xf32>
        %mul3A_343 = arith.mulf %get3A_287, %sub3A_342 : vector<16xf32>
        %add3A_344 = arith.addf %add3A_338, %mul3A_343 : vector<16xf32>
        %sub3A_345 = arith.subf %bitcast3A_330, %bitcast3A_327 : vector<16xf32>
        %mul3A_346 = arith.mulf %get3A_285, %sub3A_345 : vector<16xf32>
        %add3A_347 = arith.addf %bitcast3A_327, %mul3A_346 : vector<16xf32>
        %sub3A_348 = arith.subf %bitcast3A_336, %bitcast3A_333 : vector<16xf32>
        %mul3A_349 = arith.mulf %get3A_285, %sub3A_348 : vector<16xf32>
        %add3A_350 = arith.addf %bitcast3A_333, %mul3A_349 : vector<16xf32>
        %sub3A_351 = arith.subf %add3A_350, %add3A_347 : vector<16xf32>
        %mul3A_352 = arith.mulf %get3A_287, %sub3A_351 : vector<16xf32>
        %add3A_353 = arith.addf %add3A_347, %mul3A_352 : vector<16xf32>
        %mul3A_354 = arith.constant 512 : i32
        %mul3A_355 = arith.muli %add3A_282, %mul3A_354 : i32
        %add3A_356 = vector.broadcast %mul3A_355 : i32 to vector<16xi32>
        %add3A_357 = arith.addi %add3A_356, %mul3A_6 : vector<16xi32>
        %add3A_358 = arith.constant 26 : i32
        %add3A_359 = vector.broadcast %add3A_358 : i32 to vector<16xi32>
        %add3A_360 = arith.addi %add3A_357, %add3A_359 : vector<16xi32>
        tpu.vector_store_idx %arg18[%add3A_360], %add3A_344 : memref<32768xf32, #tpu.memory_space<vmem>>[vector<16xi32>], vector<16xf32>,
        %add3A_361 = arith.constant 1 : i32
        %add3A_362 = vector.broadcast %add3A_361 : i32 to vector<16xi32>
        %add3A_363 = arith.addi %add3A_360, %add3A_362 : vector<16xi32>
        tpu.vector_store_idx %arg18[%add3A_363], %add3A_353 : memref<32768xf32, #tpu.memory_space<vmem>>[vector<16xi32>], vector<16xf32>,
      }
      %scan3A_254 = arith.constant 64 : i32
      %scan3A_255 = arith.constant 0 : i32
      %scan3A_256 = arith.constant 64 : i32
      %scan3A_257 = arith.addi %scan3A_255, %scan3A_256 : i32
      %scan3A_258 = arith.constant 1 : i32
      scf.for %scan3A_278 = %scan3A_255 to %scan3A_257 step %scan3A_258  : i32 {
        %mul3A_279 = arith.constant 1 : i32
        %mul3A_280 = arith.muli %scan3A_278, %mul3A_279 : i32
        %add3A_281 = arith.constant 0 : i32
        %add3A_282 = arith.addi %add3A_281, %mul3A_280 : i32
        %mul3A_283 = arith.constant 16 : i32
        %mul3A_284 = arith.muli %add3A_282, %mul3A_283 : i32
        %get3A = arith.index_cast %mul3A_284 : i32 to index
        %get3A_285 = tpu.vector_load %arg7[%get3A] {strides = array<i32>} : memref<1024xf32, #tpu.memory_space<vmem>>, vector<16xf32>,
        %mul3A_286 = arith.constant 1.002500e+03 : f32
        %mul3A_287 = vector.broadcast %mul3A_286 : f32 to vector<16xf32>
        %mul3A_288 = arith.mulf %get3A_285, %mul3A_287 : vector<16xf32>
        %add3A_289 = arith.constant 1.002500e+03 : f32
        %add3A_290 = vector.broadcast %add3A_289 : f32 to vector<16xf32>
        %add3A_291 = arith.addf %mul3A_288, %add3A_290 : vector<16xf32>
        %get3A_292 = arith.index_cast %mul3A_284 : i32 to index
        %get3A_293 = tpu.vector_load %arg8[%get3A_292] {strides = array<i32>} : memref<1024xf32, #tpu.memory_space<vmem>>, vector<16xf32>,
        %mul3A_294 = arith.constant 1.002500e+03 : f32
        %mul3A_295 = vector.broadcast %mul3A_294 : f32 to vector<16xf32>
        %mul3A_296 = arith.mulf %get3A_293, %mul3A_295 : vector<16xf32>
        %add3A_297 = arith.constant 1.002500e+03 : f32
        %add3A_298 = vector.broadcast %add3A_297 : f32 to vector<16xf32>
        %add3A_299 = arith.addf %mul3A_296, %add3A_298 : vector<16xf32>
        %convert_element_type3A = arith.fptosi %add3A_291 : vector<16xf32> to vector<16xi32>
        %convert_element_type3A_300 = arith.fptosi %add3A_299 : vector<16xf32> to vector<16xi32>
        %convert_element_type3A_301 = arith.sitofp %convert_element_type3A : vector<16xi32> to vector<16xf32>
        %sub3A = arith.subf %add3A_291, %convert_element_type3A_301 : vector<16xf32>
        %swap3A = arith.index_cast %mul3A_284 : i32 to index
        %swap3A_302 = tpu.vector_load %arg15[%swap3A] {strides = array<i32>} : memref<1024xf32, #tpu.memory_space<vmem>>, vector<16xf32>,
        tpu.vector_store %arg15[%swap3A], %sub3A {strides = array<i32>} : memref<1024xf32, #tpu.memory_space<vmem>>, vector<16xf32>,
        %convert_element_type3A_303 = arith.sitofp %convert_element_type3A_300 : vector<16xi32> to vector<16xf32>
        %sub3A_304 = arith.subf %add3A_299, %convert_element_type3A_303 : vector<16xf32>
        %swap3A_305 = arith.index_cast %mul3A_284 : i32 to index
        %swap3A_306 = tpu.vector_load %arg17[%swap3A_305] {strides = array<i32>} : memref<1024xf32, #tpu.memory_space<vmem>>, vector<16xf32>,
        tpu.vector_store %arg17[%swap3A_305], %sub3A_304 {strides = array<i32>} : memref<1024xf32, #tpu.memory_space<vmem>>, vector<16xf32>,
        %mul3A_307 = arith.constant -1640531535 : i32
        %mul3A_308 = vector.broadcast %mul3A_307 : i32 to vector<16xi32>
        %mul3A_309 = arith.muli %convert_element_type3A, %mul3A_308 : vector<16xi32>
        %add3A_310 = arith.constant -1640531535 : i32
        %add3A_311 = vector.broadcast %add3A_310 : i32 to vector<16xi32>
        %add3A_312 = arith.addi %mul3A_309, %add3A_311 : vector<16xi32>
        %mul3A_313 = arith.constant 805459861 : i32
        %mul3A_314 = vector.broadcast %mul3A_313 : i32 to vector<16xi32>
        %mul3A_315 = arith.muli %convert_element_type3A_300, %mul3A_314 : vector<16xi32>
        %add3A_316 = arith.constant 805459861 : i32
        %add3A_317 = vector.broadcast %add3A_316 : i32 to vector<16xi32>
        %add3A_318 = arith.addi %mul3A_315, %add3A_317 : vector<16xi32>
        %xor3A = arith.xori %mul3A_309, %mul3A_315 : vector<16xi32>
        %and3A = arith.constant 524287 : i32
        %and3A_319 = vector.broadcast %and3A : i32 to vector<16xi32>
        %and3A_320 = arith.andi %xor3A, %and3A_319 : vector<16xi32>
        %add3A_321 = arith.constant 7864320 : i32
        %add3A_322 = vector.broadcast %add3A_321 : i32 to vector<16xi32>
        %add3A_323 = arith.addi %and3A_320, %add3A_322 : vector<16xi32>
        %mul3A_324 = arith.constant 16 : i32
        %mul3A_325 = arith.muli %add3A_282, %mul3A_324 : i32
        %add3A_326 = arith.constant 0 : i32
        %add3A_327 = arith.addi %add3A_326, %mul3A_325 : i32
        %swap3A_328 = arith.index_cast %add3A_327 : i32 to index
        %swap3A_329 = tpu.vector_load %arg11[%swap3A_328] {strides = array<i32>} : memref<4096xi32, #tpu.memory_space<vmem>>, vector<16xi32>,
        tpu.vector_store %arg11[%swap3A_328], %add3A_323 {strides = array<i32>} : memref<4096xi32, #tpu.memory_space<vmem>>, vector<16xi32>,
        %xor3A_330 = arith.xori %add3A_312, %mul3A_315 : vector<16xi32>
        %and3A_331 = arith.constant 524287 : i32
        %and3A_332 = vector.broadcast %and3A_331 : i32 to vector<16xi32>
        %and3A_333 = arith.andi %xor3A_330, %and3A_332 : vector<16xi32>
        %add3A_334 = arith.constant 7864320 : i32
        %add3A_335 = vector.broadcast %add3A_334 : i32 to vector<16xi32>
        %add3A_336 = arith.addi %and3A_333, %add3A_335 : vector<16xi32>
        %mul3A_337 = arith.constant 16 : i32
        %mul3A_338 = arith.muli %add3A_282, %mul3A_337 : i32
        %add3A_339 = arith.constant 1024 : i32
        %add3A_340 = arith.addi %add3A_339, %mul3A_338 : i32
        %swap3A_341 = arith.index_cast %add3A_340 : i32 to index
        %swap3A_342 = tpu.vector_load %arg11[%swap3A_341] {strides = array<i32>} : memref<4096xi32, #tpu.memory_space<vmem>>, vector<16xi32>,
        tpu.vector_store %arg11[%swap3A_341], %add3A_336 {strides = array<i32>} : memref<4096xi32, #tpu.memory_space<vmem>>, vector<16xi32>,
        %xor3A_343 = arith.xori %mul3A_309, %add3A_318 : vector<16xi32>
        %and3A_344 = arith.constant 524287 : i32
        %and3A_345 = vector.broadcast %and3A_344 : i32 to vector<16xi32>
        %and3A_346 = arith.andi %xor3A_343, %and3A_345 : vector<16xi32>
        %add3A_347 = arith.constant 7864320 : i32
        %add3A_348 = vector.broadcast %add3A_347 : i32 to vector<16xi32>
        %add3A_349 = arith.addi %and3A_346, %add3A_348 : vector<16xi32>
        %mul3A_350 = arith.constant 16 : i32
        %mul3A_351 = arith.muli %add3A_282, %mul3A_350 : i32
        %add3A_352 = arith.constant 2048 : i32
        %add3A_353 = arith.addi %add3A_352, %mul3A_351 : i32
        %swap3A_354 = arith.index_cast %add3A_353 : i32 to index
        %swap3A_355 = tpu.vector_load %arg11[%swap3A_354] {strides = array<i32>} : memref<4096xi32, #tpu.memory_space<vmem>>, vector<16xi32>,
        tpu.vector_store %arg11[%swap3A_354], %add3A_349 {strides = array<i32>} : memref<4096xi32, #tpu.memory_space<vmem>>, vector<16xi32>,
        %xor3A_356 = arith.xori %add3A_312, %add3A_318 : vector<16xi32>
        %and3A_357 = arith.constant 524287 : i32
        %and3A_358 = vector.broadcast %and3A_357 : i32 to vector<16xi32>
        %and3A_359 = arith.andi %xor3A_356, %and3A_358 : vector<16xi32>
        %add3A_360 = arith.constant 7864320 : i32
        %add3A_361 = vector.broadcast %add3A_360 : i32 to vector<16xi32>
        %add3A_362 = arith.addi %and3A_359, %add3A_361 : vector<16xi32>
        %mul3A_363 = arith.constant 16 : i32
        %mul3A_364 = arith.muli %add3A_282, %mul3A_363 : i32
        %add3A_365 = arith.constant 3072 : i32
        %add3A_366 = arith.addi %add3A_365, %mul3A_364 : i32
        %swap3A_367 = arith.index_cast %add3A_366 : i32 to index
        %swap3A_368 = tpu.vector_load %arg11[%swap3A_367] {strides = array<i32>} : memref<4096xi32, #tpu.memory_space<vmem>>, vector<16xi32>,
        tpu.vector_store %arg11[%swap3A_367], %add3A_362 {strides = array<i32>} : memref<4096xi32, #tpu.memory_space<vmem>>, vector<16xi32>,
      }
      %scan3A_259 = arith.constant 64 : i32
      %dma_start3A_260 = arith.constant 0 : i32
      %dma_start3A_261 = tpu.memref_slice %arg4[%dma_start3A_260] : memref<8388608xi32, #tpu.memory_space<hbm>> -> memref<8388608xi32, #tpu.memory_space<hbm>>
      tpu.enqueue_indirect_dma source(%dma_start3A_261 : memref<8388608xi32, #tpu.memory_space<hbm>>) target(%arg13 : memref<4096xi32, #tpu.memory_space<vmem>>) offsets(%arg11 : memref<4096xi32, #tpu.memory_space<vmem>>) semaphore(%arg20 : memref<!tpu.dma_semaphore, #tpu.memory_space<semaphore_mem>>)
      %dma_wait3A_262 = arith.constant 0 : i32
      %dma_wait3A_263 = tpu.memref_slice %arg4[%dma_wait3A_262] : memref<8388608xi32, #tpu.memory_space<hbm>> -> memref<8388608xi32, #tpu.memory_space<hbm>>
      tpu.wait_indirect_dma semaphore(%arg19 : memref<!tpu.dma_semaphore, #tpu.memory_space<semaphore_mem>>) src(%dma_wait3A_263 : memref<8388608xi32, #tpu.memory_space<hbm>>) dst(%arg12 : memref<4096xi32, #tpu.memory_space<vmem>>)
      %scan3A_264 = arith.constant 0 : i32
      %scan3A_265 = arith.constant 64 : i32
      %scan3A_266 = arith.addi %scan3A_264, %scan3A_265 : i32
      %scan3A_267 = arith.constant 1 : i32
      scf.for %scan3A_278 = %scan3A_264 to %scan3A_266 step %scan3A_267  : i32 {
        %mul3A_279 = arith.constant 1 : i32
        %mul3A_280 = arith.muli %scan3A_278, %mul3A_279 : i32
        %add3A_281 = arith.constant 0 : i32
        %add3A_282 = arith.addi %add3A_281, %mul3A_280 : i32
        %mul3A_283 = arith.constant 16 : i32
        %mul3A_284 = arith.muli %add3A_282, %mul3A_283 : i32
        %get3A = arith.index_cast %mul3A_284 : i32 to index
        %get3A_285 = tpu.vector_load %arg14[%get3A] {strides = array<i32>} : memref<1024xf32, #tpu.memory_space<vmem>>, vector<16xf32>,
        %get3A_286 = arith.index_cast %mul3A_284 : i32 to index
        %get3A_287 = tpu.vector_load %arg16[%get3A_286] {strides = array<i32>} : memref<1024xf32, #tpu.memory_space<vmem>>, vector<16xf32>,
        %mul3A_288 = arith.constant 16 : i32
        %mul3A_289 = arith.muli %add3A_282, %mul3A_288 : i32
        %add3A_290 = arith.constant 0 : i32
        %add3A_291 = arith.addi %add3A_290, %mul3A_289 : i32
        %get3A_292 = arith.index_cast %add3A_291 : i32 to index
        %get3A_293 = tpu.vector_load %arg12[%get3A_292] {strides = array<i32>} : memref<4096xi32, #tpu.memory_space<vmem>>, vector<16xi32>,
        %mul3A_294 = arith.constant 16 : i32
        %mul3A_295 = arith.muli %add3A_282, %mul3A_294 : i32
        %add3A_296 = arith.constant 1024 : i32
        %add3A_297 = arith.addi %add3A_296, %mul3A_295 : i32
        %get3A_298 = arith.index_cast %add3A_297 : i32 to index
        %get3A_299 = tpu.vector_load %arg12[%get3A_298] {strides = array<i32>} : memref<4096xi32, #tpu.memory_space<vmem>>, vector<16xi32>,
        %mul3A_300 = arith.constant 16 : i32
        %mul3A_301 = arith.muli %add3A_282, %mul3A_300 : i32
        %add3A_302 = arith.constant 2048 : i32
        %add3A_303 = arith.addi %add3A_302, %mul3A_301 : i32
        %get3A_304 = arith.index_cast %add3A_303 : i32 to index
        %get3A_305 = tpu.vector_load %arg12[%get3A_304] {strides = array<i32>} : memref<4096xi32, #tpu.memory_space<vmem>>, vector<16xi32>,
        %mul3A_306 = arith.constant 16 : i32
        %mul3A_307 = arith.muli %add3A_282, %mul3A_306 : i32
        %add3A_308 = arith.constant 3072 : i32
        %add3A_309 = arith.addi %add3A_308, %mul3A_307 : i32
        %get3A_310 = arith.index_cast %add3A_309 : i32 to index
        %get3A_311 = tpu.vector_load %arg12[%get3A_310] {strides = array<i32>} : memref<4096xi32, #tpu.memory_space<vmem>>, vector<16xi32>,
        %shift_left3A = arith.constant 16 : i32
        %shift_left3A_312 = vector.broadcast %shift_left3A : i32 to vector<16xi32>
        %shift_left3A_313 = arith.shli %get3A_293, %shift_left3A_312 : vector<16xi32>
        %bitcast3A = vector.bitcast %shift_left3A_313 : vector<16xi32> to vector<16xf32>
        %shift_left3A_314 = arith.constant 16 : i32
        %shift_left3A_315 = vector.broadcast %shift_left3A_314 : i32 to vector<16xi32>
        %shift_left3A_316 = arith.shli %get3A_299, %shift_left3A_315 : vector<16xi32>
        %bitcast3A_317 = vector.bitcast %shift_left3A_316 : vector<16xi32> to vector<16xf32>
        %shift_left3A_318 = arith.constant 16 : i32
        %shift_left3A_319 = vector.broadcast %shift_left3A_318 : i32 to vector<16xi32>
        %shift_left3A_320 = arith.shli %get3A_305, %shift_left3A_319 : vector<16xi32>
        %bitcast3A_321 = vector.bitcast %shift_left3A_320 : vector<16xi32> to vector<16xf32>
        %shift_left3A_322 = arith.constant 16 : i32
        %shift_left3A_323 = vector.broadcast %shift_left3A_322 : i32 to vector<16xi32>
        %shift_left3A_324 = arith.shli %get3A_311, %shift_left3A_323 : vector<16xi32>
        %bitcast3A_325 = vector.bitcast %shift_left3A_324 : vector<16xi32> to vector<16xf32>
        %and3A = vector.broadcast %scan3A : i32 to vector<16xi32>
        %and3A_326 = arith.andi %get3A_293, %and3A : vector<16xi32>
        %bitcast3A_327 = vector.bitcast %and3A_326 : vector<16xi32> to vector<16xf32>
        %and3A_328 = vector.broadcast %scan3A : i32 to vector<16xi32>
        %and3A_329 = arith.andi %get3A_299, %and3A_328 : vector<16xi32>
        %bitcast3A_330 = vector.bitcast %and3A_329 : vector<16xi32> to vector<16xf32>
        %and3A_331 = vector.broadcast %scan3A : i32 to vector<16xi32>
        %and3A_332 = arith.andi %get3A_305, %and3A_331 : vector<16xi32>
        %bitcast3A_333 = vector.bitcast %and3A_332 : vector<16xi32> to vector<16xf32>
        %and3A_334 = vector.broadcast %scan3A : i32 to vector<16xi32>
        %and3A_335 = arith.andi %get3A_311, %and3A_334 : vector<16xi32>
        %bitcast3A_336 = vector.bitcast %and3A_335 : vector<16xi32> to vector<16xf32>
        %sub3A = arith.subf %bitcast3A_317, %bitcast3A : vector<16xf32>
        %mul3A_337 = arith.mulf %get3A_285, %sub3A : vector<16xf32>
        %add3A_338 = arith.addf %bitcast3A, %mul3A_337 : vector<16xf32>
        %sub3A_339 = arith.subf %bitcast3A_325, %bitcast3A_321 : vector<16xf32>
        %mul3A_340 = arith.mulf %get3A_285, %sub3A_339 : vector<16xf32>
        %add3A_341 = arith.addf %bitcast3A_321, %mul3A_340 : vector<16xf32>
        %sub3A_342 = arith.subf %add3A_341, %add3A_338 : vector<16xf32>
        %mul3A_343 = arith.mulf %get3A_287, %sub3A_342 : vector<16xf32>
        %add3A_344 = arith.addf %add3A_338, %mul3A_343 : vector<16xf32>
        %sub3A_345 = arith.subf %bitcast3A_330, %bitcast3A_327 : vector<16xf32>
        %mul3A_346 = arith.mulf %get3A_285, %sub3A_345 : vector<16xf32>
        %add3A_347 = arith.addf %bitcast3A_327, %mul3A_346 : vector<16xf32>
        %sub3A_348 = arith.subf %bitcast3A_336, %bitcast3A_333 : vector<16xf32>
        %mul3A_349 = arith.mulf %get3A_285, %sub3A_348 : vector<16xf32>
        %add3A_350 = arith.addf %bitcast3A_333, %mul3A_349 : vector<16xf32>
        %sub3A_351 = arith.subf %add3A_350, %add3A_347 : vector<16xf32>
        %mul3A_352 = arith.mulf %get3A_287, %sub3A_351 : vector<16xf32>
        %add3A_353 = arith.addf %add3A_347, %mul3A_352 : vector<16xf32>
        %mul3A_354 = arith.constant 512 : i32
        %mul3A_355 = arith.muli %add3A_282, %mul3A_354 : i32
        %add3A_356 = vector.broadcast %mul3A_355 : i32 to vector<16xi32>
        %add3A_357 = arith.addi %add3A_356, %mul3A_6 : vector<16xi32>
        %add3A_358 = arith.constant 28 : i32
        %add3A_359 = vector.broadcast %add3A_358 : i32 to vector<16xi32>
        %add3A_360 = arith.addi %add3A_357, %add3A_359 : vector<16xi32>
        tpu.vector_store_idx %arg18[%add3A_360], %add3A_344 : memref<32768xf32, #tpu.memory_space<vmem>>[vector<16xi32>], vector<16xf32>,
        %add3A_361 = arith.constant 1 : i32
        %add3A_362 = vector.broadcast %add3A_361 : i32 to vector<16xi32>
        %add3A_363 = arith.addi %add3A_360, %add3A_362 : vector<16xi32>
        tpu.vector_store_idx %arg18[%add3A_363], %add3A_353 : memref<32768xf32, #tpu.memory_space<vmem>>[vector<16xi32>], vector<16xf32>,
      }
      %scan3A_268 = arith.constant 64 : i32
      %dma_wait3A_269 = arith.constant 0 : i32
      %dma_wait3A_270 = tpu.memref_slice %arg4[%dma_wait3A_269] : memref<8388608xi32, #tpu.memory_space<hbm>> -> memref<8388608xi32, #tpu.memory_space<hbm>>
      tpu.wait_indirect_dma semaphore(%arg20 : memref<!tpu.dma_semaphore, #tpu.memory_space<semaphore_mem>>) src(%dma_wait3A_270 : memref<8388608xi32, #tpu.memory_space<hbm>>) dst(%arg13 : memref<4096xi32, #tpu.memory_space<vmem>>)
      %scan3A_271 = arith.constant 0 : i32
      %scan3A_272 = arith.constant 64 : i32
      %scan3A_273 = arith.addi %scan3A_271, %scan3A_272 : i32
      %scan3A_274 = arith.constant 1 : i32
      scf.for %scan3A_278 = %scan3A_271 to %scan3A_273 step %scan3A_274  : i32 {
        %mul3A_279 = arith.constant 1 : i32
        %mul3A_280 = arith.muli %scan3A_278, %mul3A_279 : i32
        %add3A_281 = arith.constant 0 : i32
        %add3A_282 = arith.addi %add3A_281, %mul3A_280 : i32
        %mul3A_283 = arith.constant 16 : i32
        %mul3A_284 = arith.muli %add3A_282, %mul3A_283 : i32
        %get3A = arith.index_cast %mul3A_284 : i32 to index
        %get3A_285 = tpu.vector_load %arg15[%get3A] {strides = array<i32>} : memref<1024xf32, #tpu.memory_space<vmem>>, vector<16xf32>,
        %get3A_286 = arith.index_cast %mul3A_284 : i32 to index
        %get3A_287 = tpu.vector_load %arg17[%get3A_286] {strides = array<i32>} : memref<1024xf32, #tpu.memory_space<vmem>>, vector<16xf32>,
        %mul3A_288 = arith.constant 16 : i32
        %mul3A_289 = arith.muli %add3A_282, %mul3A_288 : i32
        %add3A_290 = arith.constant 0 : i32
        %add3A_291 = arith.addi %add3A_290, %mul3A_289 : i32
        %get3A_292 = arith.index_cast %add3A_291 : i32 to index
        %get3A_293 = tpu.vector_load %arg13[%get3A_292] {strides = array<i32>} : memref<4096xi32, #tpu.memory_space<vmem>>, vector<16xi32>,
        %mul3A_294 = arith.constant 16 : i32
        %mul3A_295 = arith.muli %add3A_282, %mul3A_294 : i32
        %add3A_296 = arith.constant 1024 : i32
        %add3A_297 = arith.addi %add3A_296, %mul3A_295 : i32
        %get3A_298 = arith.index_cast %add3A_297 : i32 to index
        %get3A_299 = tpu.vector_load %arg13[%get3A_298] {strides = array<i32>} : memref<4096xi32, #tpu.memory_space<vmem>>, vector<16xi32>,
        %mul3A_300 = arith.constant 16 : i32
        %mul3A_301 = arith.muli %add3A_282, %mul3A_300 : i32
        %add3A_302 = arith.constant 2048 : i32
        %add3A_303 = arith.addi %add3A_302, %mul3A_301 : i32
        %get3A_304 = arith.index_cast %add3A_303 : i32 to index
        %get3A_305 = tpu.vector_load %arg13[%get3A_304] {strides = array<i32>} : memref<4096xi32, #tpu.memory_space<vmem>>, vector<16xi32>,
        %mul3A_306 = arith.constant 16 : i32
        %mul3A_307 = arith.muli %add3A_282, %mul3A_306 : i32
        %add3A_308 = arith.constant 3072 : i32
        %add3A_309 = arith.addi %add3A_308, %mul3A_307 : i32
        %get3A_310 = arith.index_cast %add3A_309 : i32 to index
        %get3A_311 = tpu.vector_load %arg13[%get3A_310] {strides = array<i32>} : memref<4096xi32, #tpu.memory_space<vmem>>, vector<16xi32>,
        %shift_left3A = arith.constant 16 : i32
        %shift_left3A_312 = vector.broadcast %shift_left3A : i32 to vector<16xi32>
        %shift_left3A_313 = arith.shli %get3A_293, %shift_left3A_312 : vector<16xi32>
        %bitcast3A = vector.bitcast %shift_left3A_313 : vector<16xi32> to vector<16xf32>
        %shift_left3A_314 = arith.constant 16 : i32
        %shift_left3A_315 = vector.broadcast %shift_left3A_314 : i32 to vector<16xi32>
        %shift_left3A_316 = arith.shli %get3A_299, %shift_left3A_315 : vector<16xi32>
        %bitcast3A_317 = vector.bitcast %shift_left3A_316 : vector<16xi32> to vector<16xf32>
        %shift_left3A_318 = arith.constant 16 : i32
        %shift_left3A_319 = vector.broadcast %shift_left3A_318 : i32 to vector<16xi32>
        %shift_left3A_320 = arith.shli %get3A_305, %shift_left3A_319 : vector<16xi32>
        %bitcast3A_321 = vector.bitcast %shift_left3A_320 : vector<16xi32> to vector<16xf32>
        %shift_left3A_322 = arith.constant 16 : i32
        %shift_left3A_323 = vector.broadcast %shift_left3A_322 : i32 to vector<16xi32>
        %shift_left3A_324 = arith.shli %get3A_311, %shift_left3A_323 : vector<16xi32>
        %bitcast3A_325 = vector.bitcast %shift_left3A_324 : vector<16xi32> to vector<16xf32>
        %and3A = vector.broadcast %scan3A : i32 to vector<16xi32>
        %and3A_326 = arith.andi %get3A_293, %and3A : vector<16xi32>
        %bitcast3A_327 = vector.bitcast %and3A_326 : vector<16xi32> to vector<16xf32>
        %and3A_328 = vector.broadcast %scan3A : i32 to vector<16xi32>
        %and3A_329 = arith.andi %get3A_299, %and3A_328 : vector<16xi32>
        %bitcast3A_330 = vector.bitcast %and3A_329 : vector<16xi32> to vector<16xf32>
        %and3A_331 = vector.broadcast %scan3A : i32 to vector<16xi32>
        %and3A_332 = arith.andi %get3A_305, %and3A_331 : vector<16xi32>
        %bitcast3A_333 = vector.bitcast %and3A_332 : vector<16xi32> to vector<16xf32>
        %and3A_334 = vector.broadcast %scan3A : i32 to vector<16xi32>
        %and3A_335 = arith.andi %get3A_311, %and3A_334 : vector<16xi32>
        %bitcast3A_336 = vector.bitcast %and3A_335 : vector<16xi32> to vector<16xf32>
        %sub3A = arith.subf %bitcast3A_317, %bitcast3A : vector<16xf32>
        %mul3A_337 = arith.mulf %get3A_285, %sub3A : vector<16xf32>
        %add3A_338 = arith.addf %bitcast3A, %mul3A_337 : vector<16xf32>
        %sub3A_339 = arith.subf %bitcast3A_325, %bitcast3A_321 : vector<16xf32>
        %mul3A_340 = arith.mulf %get3A_285, %sub3A_339 : vector<16xf32>
        %add3A_341 = arith.addf %bitcast3A_321, %mul3A_340 : vector<16xf32>
        %sub3A_342 = arith.subf %add3A_341, %add3A_338 : vector<16xf32>
        %mul3A_343 = arith.mulf %get3A_287, %sub3A_342 : vector<16xf32>
        %add3A_344 = arith.addf %add3A_338, %mul3A_343 : vector<16xf32>
        %sub3A_345 = arith.subf %bitcast3A_330, %bitcast3A_327 : vector<16xf32>
        %mul3A_346 = arith.mulf %get3A_285, %sub3A_345 : vector<16xf32>
        %add3A_347 = arith.addf %bitcast3A_327, %mul3A_346 : vector<16xf32>
        %sub3A_348 = arith.subf %bitcast3A_336, %bitcast3A_333 : vector<16xf32>
        %mul3A_349 = arith.mulf %get3A_285, %sub3A_348 : vector<16xf32>
        %add3A_350 = arith.addf %bitcast3A_333, %mul3A_349 : vector<16xf32>
        %sub3A_351 = arith.subf %add3A_350, %add3A_347 : vector<16xf32>
        %mul3A_352 = arith.mulf %get3A_287, %sub3A_351 : vector<16xf32>
        %add3A_353 = arith.addf %add3A_347, %mul3A_352 : vector<16xf32>
        %mul3A_354 = arith.constant 512 : i32
        %mul3A_355 = arith.muli %add3A_282, %mul3A_354 : i32
        %add3A_356 = vector.broadcast %mul3A_355 : i32 to vector<16xi32>
        %add3A_357 = arith.addi %add3A_356, %mul3A_6 : vector<16xi32>
        %add3A_358 = arith.constant 30 : i32
        %add3A_359 = vector.broadcast %add3A_358 : i32 to vector<16xi32>
        %add3A_360 = arith.addi %add3A_357, %add3A_359 : vector<16xi32>
        tpu.vector_store_idx %arg18[%add3A_360], %add3A_344 : memref<32768xf32, #tpu.memory_space<vmem>>[vector<16xi32>], vector<16xf32>,
        %add3A_361 = arith.constant 1 : i32
        %add3A_362 = vector.broadcast %add3A_361 : i32 to vector<16xi32>
        %add3A_363 = arith.addi %add3A_360, %add3A_362 : vector<16xi32>
        tpu.vector_store_idx %arg18[%add3A_363], %add3A_353 : memref<32768xf32, #tpu.memory_space<vmem>>[vector<16xi32>], vector<16xf32>,
      }
      %scan3A_275 = arith.constant 64 : i32
      %mul3A_276 = arith.constant 32 : i32
      %mul3A_277 = arith.muli %add3A_123, %mul3A_276 : i32
      "tpu.region"() ({
        %run_scoped3A = tpu.sem_alloc : memref<!tpu.dma_semaphore, #tpu.memory_space<semaphore_mem>>
        %dma_start3A_278 = tpu.memref_slice %arg6[%mul3A_277] : memref<33554432xf32, #tpu.memory_space<hbm>> -> memref<32768xf32, #tpu.memory_space<hbm>>
        %dma_start3A_279 = tpu.memref_slice %arg6[%mul3A_277] : memref<33554432xf32, #tpu.memory_space<hbm>> -> memref<32768xf32, #tpu.memory_space<hbm>>
        tpu.enqueue_dma source(%arg18 : memref<32768xf32, #tpu.memory_space<vmem>>) target(%dma_start3A_279 : memref<32768xf32, #tpu.memory_space<hbm>>) target_semaphore(%run_scoped3A : memref<!tpu.dma_semaphore, #tpu.memory_space<semaphore_mem>>)
        %dma_wait3A_280 = tpu.memref_slice %arg6[%mul3A_277] : memref<33554432xf32, #tpu.memory_space<hbm>> -> memref<32768xf32, #tpu.memory_space<hbm>>
        %dma_wait3A_281 = tpu.memref_slice %arg6[%mul3A_277] : memref<33554432xf32, #tpu.memory_space<hbm>> -> memref<32768xf32, #tpu.memory_space<hbm>>
        tpu.wait_dma2 semaphore(%run_scoped3A : memref<!tpu.dma_semaphore, #tpu.memory_space<semaphore_mem>>) src(%arg18 : memref<32768xf32, #tpu.memory_space<vmem>>) dst(%dma_wait3A_281 : memref<32768xf32, #tpu.memory_space<hbm>>)
        tpu.yield
      }) : () -> ()
    }
    %scan3A_113 = arith.constant 32 : i32
    return
  }
}

</mosaic_0001>

<sc_bundles>
// kernel: kernel.3.cloned.1.call-start
scs
__scs_entry_jumppad:
0x0: {  	(pc) =	sbr.rel $0x88, $3  }
0x1: {  	(tag) =	ssettag $0x0;
	lr =	simm.s32 $0x1  }
0x2: {  	[smem:$0x3F9F] =	sst lr;
	_ =	strace $0xD0000000  }
0x3: {  	_ = 	snop  }
0x4: {  	_ = 	snop  }
0x5: {  	_ = 	snop  }
0x6: {  	_ = 	snop  }
0x7: {  	_ = 	snop  }
__scs_overlays_trampoline_lowered:
0x8: {  	[smem:$0x3FAE] =	sst s0  }
0x9: {  	[smem:$0x3FAF] =	sst s1  }
0xa: {  	[smem:$0x3FB0] =	sst s2  }
0xb: {  	[smem:$0x3FB1] =	sst s3  }
0xc: {  	[smem:$0x3FB2] =	sst s4  }
0xd: {  	[smem:$0x3FB3] =	sst s5  }
0xe: {  	[smem:$0x3FB4] =	sst s6  }
0xf: {  	[smem:$0x3FB5] =	sst s7  }
0x10: {  	[smem:$0x3FB6] =	sst s8  }
0x11: {  	[smem:$0x3FB7] =	sst s9;
	s0 =	simm.s32 @!p0 $0x0  }
0x12: {  	s1 =	sld [smem:$0x3F9D];
	s0 =	simm.s32 @p0 $0x1  }
0x13: {  	[smem:$0x3FB8] =	sst s0;
	s0 =	simm.s32 @!p1 $0x0  }
0x14: {  	s2 =	sld [smem:$0x3F9C];
	s0 =	simm.s32 @p1 $0x1  }
0x15: {  	[smem:$0x3FB9] =	sst s0;
	s0 =	simm.s32 @!p2 $0x0  }
0x16: {  	s3 =	sld [smem:$0x3FDB];
	s0 =	simm.s32 @p2 $0x1  }
0x17: {  	s4 =	simm.s32 $0x1BF5;
	[smem:$0x3FBB] =	sst s0  }
0x18: {  	s0 =	sld [smem:$0x3F9E];
	_ =	swait.ge [sflag:s4], $0x0  }
0x19: {  	s7 =	sld [smem:$0x3F9F]  }
0x1a: {  	s8 =	sadd.s32 $0xFFFFE003, lr  }
0x1b: {  	s9 =	sadd.s32 $0xFFFFFEF7, lr;
	s5 =	simm.s32 $0xFFFFFFFF;
	p2 =	slt.u32 s8, $0xFFFFF086  }
0x1c: {  	p1 =	slt.u32 s9, $0xF7A;
	s5 =	simm.s32 @!p2 $0x0  }
0x1d: {  	s5 =	simm.s32 @p1 $0x1;
	p0 =	seq.s32 s7, s2  }
0x1e: {  	s7 =	smul.u32 @!p0 $0xF7A, s2;
	p2 =	seq.s32 @!p0 s5, $0x0  }
0x1f: {  	s9 =	smul.u32 $0xF7A, s1;
	s8 =	simm.s32 @!p0 $0x1BF5;
	p2 =	por !p2, p0  }
0x20: {  	[sflag:s8] =	ssyncset.s32 @!p0 $0xFFFFF086;
	s6 =	sadd.s32 @!p0 s3, s7;
	s7 =	simm.s32 @!p0 $0x108  }
0x21: {  	s3 =	sadd.s32 s3, s9;
	s6 =	sadd.s32 @!p0 $0x88, s6;
	s7 =	simm.s32 @p2 $0x1082  }
0x22: {  	[simem:s7], [sflag:s8] =	dma.local @!p0 [hbm:s6], $0xF7A  }
0x23: {  	s9 =	sor.u32 $0xD0000000, s2;
	s6 =	simm.s32 $0x108;
	_ =	swait.ge @!p0 [sflag:s8], $0x0  }
0x24: {  	s3 =	sadd.s32 $0x88, s3;
	s6 =	simm.s32 @!p1 $0x1082;
	[sflag:s4] =	ssyncset.s32 $0xFFFFF086  }
0x25: {  	[simem:s6], [sflag:s4] =	dma.local [hbm:s3], $0xF7A  }
0x26: {  	[smem:$0x3F9F] =	sst s1;
	(tag) =	ssettag s2;
	_ =	strace s9  }
0x27: {  	s1 =	sld [smem:$0x3FAF]  }
0x28: {  	s2 =	sld [smem:$0x3FB0]  }
0x29: {  	s4 =	sld [smem:$0x3FB2]  }
0x2a: {  	p0 =	seq.s32 s5, $0x0;
	s5 =	sld [smem:$0x3FB3]  }
0x2b: {  	s6 =	sld [smem:$0x3FB4]  }
0x2c: {  	s7 =	sld [smem:$0x3FB5]  }
0x2d: {  	s3 =	simm.s32 $0x108;
	s8 =	sld [smem:$0x3FB6]  }
0x2e: {  	s3 =	simm.s32 @!p0 $0x1082;
	s9 =	sld [smem:$0x3FB7]  }
0x2f: {  	lr =	sadd.s32 s0, s3;
	s0 =	sld [smem:$0x3FAE]  }
0x30: {  	s3 =	sld [smem:$0x3FB1]  }
0x31: {  	[smem:$0x3FBA] =	sst s10  }
0x32: {  	s10 =	sld [smem:$0x3FB8];
	_ =	sdelay $0x3  }
0x33: {  	p0 =	seq.s32 s10, $0x1;
	s10 =	sld [smem:$0x3FBA];
	_ =	sdelay $0x3  }
0x34: {  	[smem:$0x3FBA] =	sst s10  }
0x35: {  	s10 =	sld [smem:$0x3FB9];
	_ =	sdelay $0x3  }
0x36: {  	p1 =	seq.s32 s10, $0x1;
	s10 =	sld [smem:$0x3FBA];
	_ =	sdelay $0x3  }
0x37: {  	[smem:$0x3FBA] =	sst s10  }
0x38: {  	s10 =	sld [smem:$0x3FBB]  }
0x39: {  	_ = 	snop;
	(pc) =	sbr.ind lr, $3  }
0x3a: {  	_ = 	snop  }
0x3b: {  	_ = 	snop  }
0x3c: {  	p2 =	seq.s32 s10, $0x1;
	s10 =	sld [smem:$0x3FBA]  }
0x3d: {  	_ =	shalt  }
0x3e: {  	_ =	shalt  }
0x3f: {  	_ =	shalt  }
0x40: {  	_ =	shalt  }
0x41: {  	_ =	shalt  }
0x42: {  	_ =	shalt  }
0x43: {  	_ =	shalt  }
0x44: {  	_ =	shalt  }
0x45: {  	_ =	shalt  }
0x46: {  	_ =	shalt  }
0x47: {  	_ =	shalt  }
0x48: {  	_ =	shalt  }
0x49: {  	_ =	shalt  }
0x4a: {  	_ =	shalt  }
0x4b: {  	_ =	shalt  }
0x4c: {  	_ =	shalt  }
0x4d: {  	_ =	shalt  }
0x4e: {  	_ =	shalt  }
0x4f: {  	_ =	shalt  }
0x50: {  	_ =	shalt  }
0x51: {  	_ =	shalt  }
0x52: {  	_ =	shalt  }
0x53: {  	_ =	shalt  }
0x54: {  	_ =	shalt  }
0x55: {  	_ =	shalt  }
0x56: {  	_ =	shalt  }
0x57: {  	_ =	shalt  }
0x58: {  	_ =	shalt  }
0x59: {  	_ =	shalt  }
0x5a: {  	_ =	shalt  }
0x5b: {  	_ =	shalt  }
0x5c: {  	_ =	shalt  }
0x5d: {  	_ =	shalt  }
0x5e: {  	_ =	shalt  }
0x5f: {  	_ =	shalt  }
0x60: {  	_ =	shalt  }
0x61: {  	_ =	shalt  }
0x62: {  	_ =	shalt  }
0x63: {  	_ =	shalt  }
0x64: {  	_ =	shalt  }
0x65: {  	_ =	shalt  }
0x66: {  	_ =	shalt  }
0x67: {  	_ =	shalt  }
0x68: {  	_ =	shalt  }
0x69: {  	_ =	shalt  }
0x6a: {  	_ =	shalt  }
0x6b: {  	_ =	shalt  }
0x6c: {  	_ =	shalt  }
0x6d: {  	_ =	shalt  }
0x6e: {  	_ =	shalt  }
0x6f: {  	_ =	shalt  }
0x70: {  	_ =	shalt  }
0x71: {  	_ =	shalt  }
0x72: {  	_ =	shalt  }
0x73: {  	_ =	shalt  }
0x74: {  	_ =	shalt  }
0x75: {  	_ =	shalt  }
0x76: {  	_ =	shalt  }
0x77: {  	_ =	shalt  }
0x78: {  	_ =	shalt  }
0x79: {  	_ =	shalt  }
0x7a: {  	_ =	shalt  }
0x7b: {  	_ =	shalt  }
0x7c: {  	_ =	shalt  }
0x7d: {  	_ =	shalt  }
0x7e: {  	_ =	shalt  }
0x7f: {  	_ =	shalt  }
0x80: {  	_ =	shalt  }
0x81: {  	_ =	shalt  }
0x82: {  	_ =	shalt  }
0x83: {  	_ =	shalt  }
0x84: {  	_ =	shalt  }
0x85: {  	_ =	shalt  }
0x86: {  	_ =	shalt  }
0x87: {  	_ =	shalt  }
.Lfunc_end0:
.L_simem_size_0:
called_computation.2_lowered:
.L_overlay_start_0:
0x88: {  	s2 =	sld [smem:$0x3FD9]  }
0x89: {  	s3 =	sld [smem:$0x3FFE];
	_ =	sdelay $0x1  }
0x8a: {  	s1 =	srdreg.scid  }
0x8b: {  	s0 =	sand.u32 $0x1, s1  }
0x8c: {  	s17 =	sshll.u32 s0, $0xA;
	s2 =	sadd.s32 s3, s2  }
0x8d: {  	s2 =	sadd.s32 s2, s17  }
0x8e: {  	[smem:$0x3FC6] =	sst s2  }
0x8f: {  	_ = 	snop  }
0x90: {  	s2 =	sld [smem:$0x3FD0];
	(tm) =	ssettm $0x1  }
0x91: {  	s18 =	sld [smem:$0x3FFB];
	_ =	sdelay $0x3  }
0x92: {  	_ =	strace s18  }
0x93: {  	s3 =	sld [smem:$0x3FFC];
	_ =	sdelay $0x3  }
0x94: {  	_ =	strace s3  }
0x95: {  	s3 =	sld [smem:$0x3FFD];
	_ =	sdelay $0x3  }
0x96: {  	_ =	strace s3  }
0x97: {  	_ =	strace $0x8FFFFFFF  }
0x98: {  	s19 =	sld [smem:$0x3FDB];
	_ =	sdelay $0x1  }
0x99: {  	s4 =	simm.s32 $_scs_section_size  }
0x9a: {  	s5 =	simm.s32 $_size__tile_overlayer_lowered;
	s6 =	simm.s32 $_tile_overlayer_lowered  }
0x9b: {  	s22 =	simm.s32 $0x1BFF;
	s21 =	sshll.u32 s6, $0x1;
	s3 =	sadd.s32 s4, s19  }
0x9c: {  	s7 =	simm.s32 $0x0;
	s20 =	sshll.u32 s5, $0x1;
	s5 =	sadd.s32 s21, s3  }
0x9d: {  	[timem:s7], [sflag:s22] =	dma.local [hbm:s5], s20  }
0x9e: {  	_ =	swait.ge [sflag:s22], s20  }
0x9f: {  	s4 =	ssub.s32 $0x0, s20;
	[sflag:s22] =	ssyncset.done $0x0  }
0xa0: {  	[sflag:s22] =	ssyncadd.s32 s4;
	_ =	sdelay $0x1  }
0xa1: {  	s23 =	simm.s32 $0x1B8B  }
0xa2: {  	_ =	swait.ge [sflag:s23], $0x1  }
0xa3: {  	[sflag:s23] =	ssyncset.done $0x0  }
0xa4: {  	s25 =	simm.s32 $0x1B8E;
	s24 =	sld [smem:$0x3FFE];
	[sflag:s23] =	ssyncadd.s32 $0xFFFFFFFF  }
0xa5: {  	s26 =	simm.s32 $execute0_lowered;
	[smem:$0x3FD2] =	sst s25  }
0xa6: {  	s5 =	sshll.u32 s26, $0x1;
	_ =	strace $0x80000049;
	[dreg:$0x1] =	wrdreg $0xFFFFFFFF  }
0xa7: {  	s28 =	simm.s32 $_size_execute0_lowered;
	s3 =	sadd.s32 s3, s5;
	[dreg:$0x0] =	wrdreg $0x0  }
0xa8: {  	s5 =	sshll.u32 s28, $0x1;
	[dreg:$0x2] =	wrdreg s3  }
0xa9: {  	[dreg:$0x3] =	wrdreg s5  }
0xaa: {  	[dreg:$0x4] =	wrdreg $0xC0  }
0xab: {  	_ =	task [dreg:s7], $0x5FFFF  }
0xac: {  	[dreg:$0x1] =	wrdreg $0xFFFFFFFF  }
0xad: {  	[dreg:$0x0] =	wrdreg $0x60  }
0xae: {  	[dreg:$0x2] =	wrdreg s24  }
0xaf: {  	[dreg:$0x3] =	wrdreg s2  }
0xb0: {  	[dreg:$0x4] =	wrdreg $0x9  }
0xb1: {  	_ =	task.clear_ibuf [dreg:s7], $0x5FFFF;
	_ =	strace $0x90000049  }
0xb2: {  	s29 =	simm.s32 $0x9;
	_ =	strace $0x8000004B  }
0xb3: {  	_ =	swait.ge [sflag:s29], $0x1  }
0xb4: {  	[sflag:s29] =	ssyncadd.s32 $0xFFFFFFFF  }
0xb5: {  	_ =	strace $0x9000004B  }
0xb6: {  	_ =	sfence  }
0xb7: {  	s30 =	sld [smem:$0x0];
	_ =	sdelay $0x2  }
0xb8: {  	s31 =	sshll.u32 s1, $0xD;
	s1 =	sshrl.u32 s1, $0x2  }
0xb9: {  	s3 =	sand.u32 $0x4000, s31;
	s1 =	sadd.s32 s1, s30  }
0xba: {  	s0 =	sor.u32 s3, s0;
	s1 =	sshll.u32 s1, $0x11  }
0xbb: {  	s0 =	sor.u32 s1, s0  }
0xbc: {  	s0 =	sadd.s32 $0x8F2B, s0  }
0xbd: {  	[sflag:s0] =	ssyncadd.remote.s32 $0x1  }
0xbe: {  	_ =	sfence.sel $0xFFFF  }
0xbf: {  	[dreg:$0x0] =	wrdreg $0xFFFFFFFF;
	(pc) =	sbr.abs _section_cstart, $3  }
0xc0: {  	[dreg:$0x1] =	wrdreg $0xFFFFFFFF  }
0xc1: {  	_ =	task.clear_ibuf [dreg:s7], $0x2FFFF;
	_ =	strace $0x9FFFFFFF  }
0xc2: {  	(tm) =	ssettm $0x7FFFFFFF  }
0xc3: {  	_ =	shalt  }
tec
execute0_lowered:
.L_overlay_start_1:
0x0: {  	(tag) =	ssettag $0x1  }
0x1: {  	s0 =	rddreg [dreg:$0x0]  }
0x2: {  	s1 =	rddreg [dreg:$0x1];
	s2 =	simm.s32 $0x0  }
0x3: {  	[smem:$0x7FF] =	sst s2;
	s4 =	sadd.s32 $0x141400, s0  }
0x4: {  	s7 =	sadd.s32 $0x141600, s0;
	_ =	strace $0x8000004A;
	[dreg:$0x3] =	wrdreg s4  }
0x5: {  	s14 =	srdreg.scid;
	s15 =	sadd.s32 $0x141800, s0;
	[dreg:$0x4] =	wrdreg s7  }
0x6: {  	s9 =	stileid.u32;
	s16 =	sadd.s32 $0x141A00, s0;
	[dreg:$0x5] =	wrdreg s15  }
0x7: {  	s29 =	simm.s32 $0x1;
	s8 =	sadd.s32 $0x141C00, s0;
	[dreg:$0x6] =	wrdreg s16  }
0x8: {  	s31 =	simm.s32 $0x2;
	s18 =	sadd.s32 $0x141E00, s0;
	[dreg:$0x7] =	wrdreg s8  }
0x9: {  	s28 =	simm.s32 $0xF800;
	s10 =	sadd.s32 $0x142000, s0;
	[dreg:$0x8] =	wrdreg s18  }
0xa: {  	s30 =	simm.s32 $0x10800;
	s20 =	sadd.s32 $0x142200, s0;
	[dreg:$0x9] =	wrdreg s10  }
0xb: {  	s3 =	sadd.s32 $0x121400, s0;
	s21 =	sadd.s32 $0x142400, s0;
	[dreg:$0xa] =	wrdreg s20  }
0xc: {  	s5 =	sadd.s32 $0x101400, s0;
	s22 =	sadd.s32 $0x142600, s0;
	[dreg:$0xb] =	wrdreg s21  }
0xd: {  	s6 =	sadd.s32 $0x1400, s0;
	s23 =	sadd.s32 $0x142800, s0;
	[dreg:$0xc] =	wrdreg s22  }
0xe: {  	s24 =	sshll.u32 s9, $0x10;
	s25 =	sadd.s32 $0x142A00, s0;
	[dreg:$0xd] =	wrdreg s23  }
0xf: {  	v0 =	vlaneseq.u32;
	s0 =	sadd.s32 $0x142C00, s0;
	s4 =	sand.u32 $0x1, s14;
	[dreg:$0xe] =	wrdreg s25  }
0x10: {  	v1 =	vand.u32 $0x3, v0;
	v0 =	vmul.u32 $0x20, v0;
	[dreg:$0xf] =	wrdreg s0;
	s22 =	simm.s32 $0xD800;
	s17 =	ssub.s32 $0x2, s4  }
0x11: {  	s23 =	simm.s32 $0x3;
	s25 =	simm.s32 $0x800;
	s19 =	sshrl.u32 s17, $0x1  }
0x12: {  	v1 =	vmul.u32 $0x20, v1;
	s0 =	simm.s32 $0x12800;
	s4 =	sshll.u32 s4, $0xF;
	v3 =	vor.u32 $0x1, v0;
	v4 =	vor.u32 $0x2, v0;
	s7 =	ssub.s32 s17, s19  }
0x13: {  	v6 =	vor.u32 $0x3, v0;
	v7 =	vor.u32 $0x4, v0;
	v9 =	vor.u32 $0x5, v0;
	s20 =	sor.u32 s4, s24;
	s24 =	simm.s32 $0x1000;
	s26 =	smax.u32 s7, $0x1  }
0x14: {  	v2 =	vor.u32 $0xFFFFFF80, v1;
	v5 =	vor.u32 $0xFFFFFF82, v1;
	v8 =	vor.u32 $0xFFFFFF84, v1;
	s4 =	simm.s32 $0x0;
	[dreg:$0x10] =	wrdreg s26;
	s26 =	simm.s32 $0xE800  }
.LBB2_1:
0x15: {  	s7 =	rddreg [dreg:$0x3]  }
0x16: {  	[tilespmem:s22], [sflag:$0x3] =	stream.linear.gather [hbm4b:s7+s2], $0x1000, $0x38;
	[tilespmem:$0x1A800] =	vst v63  }
0x17: {  	_ =	swait.ge [sflag:s23], $0x1000  }
0x18: {  	[sflag:s23] =	ssyncset.done $0x0  }
0x19: {  	[sflag:s23] =	ssyncadd.s32 $0xFFFFF000  }
0x1a: {  	[tilespmem:s25], [sflag:$0x1] =	stream.indirect.gather [hbm4b:s6+s24], $0x1, s22, s24, $0xb8;
	[tilespmem:$0x1A800] =	vst v63  }
0x1b: {  	s10 =	rddreg [dreg:$0x4]  }
0x1c: {  	[tilespmem:s26], [sflag:$0x3] =	stream.linear.gather [hbm4b:s10+s2], $0x1000, $0x38;
	[tilespmem:$0x1A800] =	vst v63  }
0x1d: {  	_ =	swait.ge [sflag:s23], $0x1000  }
0x1e: {  	[sflag:s23] =	ssyncset.done $0x0  }
0x1f: {  	s11 =	simm.s32 $0x1800;
	[sflag:s23] =	ssyncadd.s32 $0xFFFFF000  }
0x20: {  	[tilespmem:s11], [sflag:$0x2] =	stream.indirect.gather [hbm4b:s6+s24], $0x1, s26, s24, $0xb8;
	[tilespmem:$0x1A800] =	vst v63  }
0x21: {  	_ =	swait.ge [sflag:s29], $0x1000  }
0x22: {  	[sflag:s29] =	ssyncset.done $0x0  }
0x23: {  	s12 =	rddreg [dreg:$0x5];
	[sflag:s29] =	ssyncadd.s32 $0xFFFFF000  }
0x24: {  	[tilespmem:s22], [sflag:$0x3] =	stream.linear.gather [hbm4b:s12+s2], $0x1000, $0x38;
	[tilespmem:$0x1A800] =	vst v63  }
0x25: {  	_ =	swait.ge [sflag:s23], $0x1000  }
0x26: {  	[sflag:s23] =	ssyncset.done $0x0  }
0x27: {  	s13 =	simm.s32 $0x2800;
	[sflag:s23] =	ssyncadd.s32 $0xFFFFF000  }
0x28: {  	[tilespmem:s13], [sflag:$0x1] =	stream.indirect.gather [hbm4b:s6+s24], $0x1, s22, s24, $0xb8;
	[tilespmem:$0x1A800] =	vst v63  }
0x29: {  	_ =	swait.ge [sflag:s31], $0x1000  }
0x2a: {  	[sflag:s31] =	ssyncset.done $0x0  }
0x2b: {  	s14 =	rddreg [dreg:$0x6];
	[sflag:s31] =	ssyncadd.s32 $0xFFFFF000  }
0x2c: {  	[tilespmem:s26], [sflag:$0x3] =	stream.linear.gather [hbm4b:s14+s2], $0x1000, $0x38;
	[tilespmem:$0x1A800] =	vst v63  }
0x2d: {  	_ =	swait.ge [sflag:s23], $0x1000  }
0x2e: {  	[sflag:s23] =	ssyncset.done $0x0  }
0x2f: {  	s15 =	simm.s32 $0x3800;
	[sflag:s23] =	ssyncadd.s32 $0xFFFFF000  }
0x30: {  	[tilespmem:s15], [sflag:$0x2] =	stream.indirect.gather [hbm4b:s6+s24], $0x1, s26, s24, $0xb8;
	[tilespmem:$0x1A800] =	vst v63  }
0x31: {  	_ =	swait.ge [sflag:s29], $0x1000  }
0x32: {  	[sflag:s29] =	ssyncset.done $0x0  }
0x33: {  	s16 =	rddreg [dreg:$0x7];
	[sflag:s29] =	ssyncadd.s32 $0xFFFFF000  }
0x34: {  	[tilespmem:s22], [sflag:$0x3] =	stream.linear.gather [hbm4b:s16+s2], $0x1000, $0x38;
	[tilespmem:$0x1A800] =	vst v63  }
0x35: {  	_ =	swait.ge [sflag:s23], $0x1000  }
0x36: {  	[sflag:s23] =	ssyncset.done $0x0  }
0x37: {  	s17 =	simm.s32 $0x4800;
	[sflag:s23] =	ssyncadd.s32 $0xFFFFF000  }
0x38: {  	[tilespmem:s17], [sflag:$0x1] =	stream.indirect.gather [hbm4b:s6+s24], $0x1, s22, s24, $0xb8;
	[tilespmem:$0x1A800] =	vst v63  }
0x39: {  	_ =	swait.ge [sflag:s31], $0x1000  }
0x3a: {  	[sflag:s31] =	ssyncset.done $0x0  }
0x3b: {  	s18 =	rddreg [dreg:$0x8];
	[sflag:s31] =	ssyncadd.s32 $0xFFFFF000  }
0x3c: {  	[tilespmem:s26], [sflag:$0x3] =	stream.linear.gather [hbm4b:s18+s2], $0x1000, $0x38;
	[tilespmem:$0x1A800] =	vst v63  }
0x3d: {  	_ =	swait.ge [sflag:s23], $0x1000  }
0x3e: {  	[sflag:s23] =	ssyncset.done $0x0  }
0x3f: {  	s19 =	simm.s32 $0x5800;
	[sflag:s23] =	ssyncadd.s32 $0xFFFFF000  }
0x40: {  	[tilespmem:s19], [sflag:$0x2] =	stream.indirect.gather [hbm4b:s6+s24], $0x1, s26, s24, $0xb8;
	[tilespmem:$0x1A800] =	vst v63  }
0x41: {  	_ =	swait.ge [sflag:s29], $0x1000  }
0x42: {  	[sflag:s29] =	ssyncset.done $0x0  }
0x43: {  	s21 =	rddreg [dreg:$0x9];
	[sflag:s29] =	ssyncadd.s32 $0xFFFFF000  }
0x44: {  	[tilespmem:s22], [sflag:$0x3] =	stream.linear.gather [hbm4b:s21+s2], $0x1000, $0x38;
	[tilespmem:$0x1A800] =	vst v63  }
0x45: {  	_ =	swait.ge [sflag:s23], $0x1000  }
0x46: {  	[sflag:s23] =	ssyncset.done $0x0  }
0x47: {  	s8 =	simm.s32 $0x6800;
	[sflag:s23] =	ssyncadd.s32 $0xFFFFF000  }
0x48: {  	[tilespmem:s8], [sflag:$0x1] =	stream.indirect.gather [hbm4b:s6+s24], $0x1, s22, s24, $0xb8;
	[tilespmem:$0x1A800] =	vst v63  }
0x49: {  	_ =	swait.ge [sflag:s31], $0x1000  }
0x4a: {  	[sflag:s31] =	ssyncset.done $0x0  }
0x4b: {  	s9 =	rddreg [dreg:$0xa];
	[sflag:s31] =	ssyncadd.s32 $0xFFFFF000  }
0x4c: {  	[tilespmem:s26], [sflag:$0x3] =	stream.linear.gather [hbm4b:s9+s2], $0x1000, $0x38;
	[tilespmem:$0x1A800] =	vst v63  }
0x4d: {  	_ =	swait.ge [sflag:s23], $0x1000  }
0x4e: {  	[sflag:s23] =	ssyncset.done $0x0  }
0x4f: {  	s10 =	simm.s32 $0x7800;
	[sflag:s23] =	ssyncadd.s32 $0xFFFFF000  }
0x50: {  	[tilespmem:s10], [sflag:$0x2] =	stream.indirect.gather [hbm4b:s6+s24], $0x1, s26, s24, $0xb8;
	[tilespmem:$0x1A800] =	vst v63  }
0x51: {  	_ =	swait.ge [sflag:s29], $0x1000  }
0x52: {  	[sflag:s29] =	ssyncset.done $0x0  }
0x53: {  	s11 =	rddreg [dreg:$0xb];
	[sflag:s29] =	ssyncadd.s32 $0xFFFFF000  }
0x54: {  	[tilespmem:s22], [sflag:$0x3] =	stream.linear.gather [hbm4b:s11+s2], $0x1000, $0x38;
	[tilespmem:$0x1A800] =	vst v63  }
0x55: {  	_ =	swait.ge [sflag:s23], $0x1000  }
0x56: {  	[sflag:s23] =	ssyncset.done $0x0  }
0x57: {  	s12 =	simm.s32 $0x8800;
	[sflag:s23] =	ssyncadd.s32 $0xFFFFF000  }
0x58: {  	[tilespmem:s12], [sflag:$0x1] =	stream.indirect.gather [hbm4b:s6+s24], $0x1, s22, s24, $0xb8;
	[tilespmem:$0x1A800] =	vst v63  }
0x59: {  	_ =	swait.ge [sflag:s31], $0x1000  }
0x5a: {  	[sflag:s31] =	ssyncset.done $0x0  }
0x5b: {  	s13 =	rddreg [dreg:$0xc];
	[sflag:s31] =	ssyncadd.s32 $0xFFFFF000  }
0x5c: {  	[tilespmem:s26], [sflag:$0x3] =	stream.linear.gather [hbm4b:s13+s2], $0x1000, $0x38;
	[tilespmem:$0x1A800] =	vst v63  }
0x5d: {  	_ =	swait.ge [sflag:s23], $0x1000  }
0x5e: {  	[sflag:s23] =	ssyncset.done $0x0  }
0x5f: {  	s14 =	simm.s32 $0x9800;
	[sflag:s23] =	ssyncadd.s32 $0xFFFFF000  }
0x60: {  	[tilespmem:s14], [sflag:$0x2] =	stream.indirect.gather [hbm4b:s6+s24], $0x1, s26, s24, $0xb8;
	[tilespmem:$0x1A800] =	vst v63  }
0x61: {  	_ =	swait.ge [sflag:s29], $0x1000  }
0x62: {  	[sflag:s29] =	ssyncset.done $0x0  }
0x63: {  	s15 =	rddreg [dreg:$0xd];
	[sflag:s29] =	ssyncadd.s32 $0xFFFFF000  }
0x64: {  	[tilespmem:s22], [sflag:$0x3] =	stream.linear.gather [hbm4b:s15+s2], $0x1000, $0x38;
	[tilespmem:$0x1A800] =	vst v63  }
0x65: {  	_ =	swait.ge [sflag:s23], $0x1000  }
0x66: {  	[sflag:s23] =	ssyncset.done $0x0  }
0x67: {  	s16 =	simm.s32 $0xA800;
	[sflag:s23] =	ssyncadd.s32 $0xFFFFF000  }
0x68: {  	[tilespmem:s16], [sflag:$0x1] =	stream.indirect.gather [hbm4b:s6+s24], $0x1, s22, s24, $0xb8;
	[tilespmem:$0x1A800] =	vst v63  }
0x69: {  	_ =	swait.ge [sflag:s31], $0x1000  }
0x6a: {  	[sflag:s31] =	ssyncset.done $0x0  }
0x6b: {  	s17 =	rddreg [dreg:$0xe];
	[sflag:s31] =	ssyncadd.s32 $0xFFFFF000  }
0x6c: {  	[tilespmem:s26], [sflag:$0x3] =	stream.linear.gather [hbm4b:s17+s2], $0x1000, $0x38;
	[tilespmem:$0x1A800] =	vst v63  }
0x6d: {  	_ =	swait.ge [sflag:s23], $0x1000  }
0x6e: {  	[sflag:s23] =	ssyncset.done $0x0  }
0x6f: {  	s18 =	simm.s32 $0xB800;
	[sflag:s23] =	ssyncadd.s32 $0xFFFFF000  }
0x70: {  	[tilespmem:s18], [sflag:$0x2] =	stream.indirect.gather [hbm4b:s6+s24], $0x1, s26, s24, $0xb8;
	[tilespmem:$0x1A800] =	vst v63  }
0x71: {  	_ =	swait.ge [sflag:s29], $0x1000  }
0x72: {  	[sflag:s29] =	ssyncset.done $0x0  }
0x73: {  	s19 =	rddreg [dreg:$0xf];
	[sflag:s29] =	ssyncadd.s32 $0xFFFFF000  }
0x74: {  	[tilespmem:s22], [sflag:$0x3] =	stream.linear.gather [hbm4b:s19+s2], $0x1000, $0x38;
	[tilespmem:$0x1A800] =	vst v63  }
0x75: {  	_ =	swait.ge [sflag:s23], $0x1000  }
0x76: {  	[sflag:s23] =	ssyncset.done $0x0  }
0x77: {  	s21 =	simm.s32 $0xC800;
	[sflag:s23] =	ssyncadd.s32 $0xFFFFF000  }
0x78: {  	[tilespmem:s21], [sflag:$0x1] =	stream.indirect.gather [hbm4b:s6+s24], $0x1, s22, s24, $0xb8;
	[tilespmem:$0x1A800] =	vst v63  }
0x79: {  	_ =	swait.ge [sflag:s31], $0x1000  }
0x7a: {  	[sflag:s31] =	ssyncset.done $0x0  }
0x7b: {  	[sflag:s31] =	ssyncadd.s32 $0xFFFFF000  }
0x7c: {  	_ =	swait.ge [sflag:s29], $0x1000  }
0x7d: {  	[sflag:s29] =	ssyncset.done $0x0  }
0x7e: {  	s7 =	simm.s32 $0x0;
	[sflag:s29] =	ssyncadd.s32 $0xFFFFF000  }
.LBB2_2:
0x7f: {  	s8 =	sshll.u32 s7, $0xA  }
0x80: {  	s8 =	sadd.s32 s20, s8  }
0x81: {  	s9 =	sshrl.u32 s8, $0x3  }
0x82: {  	s12 =	simm.s32 $0x0;
	s10 =	sadd.s32 s3, s9  }
0x83: {  	[tilespmem:s12], [sflag:$0x3] =	stream.linear.gather [hbm4b:s10+s12], $0x400, $0x38;
	[tilespmem:$0x1A800] =	vst v63  }
0x84: {  	_ =	swait.ge [sflag:s23], $0x400  }
0x85: {  	[sflag:s23] =	ssyncset.done $0x0  }
0x86: {  	s14 =	simm.s32 $0x400;
	s9 =	sadd.s32 s5, s9;
	[sflag:s23] =	ssyncadd.s32 $0xFFFFFC00  }
0x87: {  	[tilespmem:s14], [sflag:$0x3] =	stream.linear.gather [hbm4b:s9+s12], $0x400, $0x38;
	[tilespmem:$0x1A800] =	vst v63  }
0x88: {  	_ =	swait.ge [sflag:s23], $0x400  }
0x89: {  	[sflag:s23] =	ssyncset.done $0x0  }
0x8a: {  	[sflag:s23] =	ssyncadd.s32 $0xFFFFFC00  }
0x8b: {  	v11 =	vld [tilespmem:s12+$0x0]  }
0x8c: {  	s15 =	simm.s32 $0x11800;
	s16 =	simm.s32 $0x10;
	v10 =	vld [tilespmem:s14+$0x0]  }
0x8d: {  	s17 =	simm.s32 $0x12010;
	s18 =	simm.s32 $0xD810;
	s13 =	simm.s32 $0x11800  }
0x8e: {  	s11 =	simm.s32 $0x0;
	s10 =	simm.s32 $0x12000;
	s9 =	simm.s32 $0xD800  }
.LBB2_3:
0x8f: {  	s12 =	sadd.s32 $0x10, s12;
	s14 =	sadd.s32 $0x10, s14;
	s15 =	sadd.s32 $0x10, s15  }
0x90: {  	p0 =	sne.s32 s16, $0x3F0;
	s19 =	smov.u32 s16;
	s16 =	sadd.s32 $0x10, s16;
	v11 =	vmul.f32 $1.050000000e+02, v11  }
0x91: {  	v10 =	vmul.f32 $1.050000000e+02, v10  }
0x92: {  	v11 =	vadd.f32 $1.050000000e+02, v11  }
0x93: {  	v10 =	vadd.f32 $1.050000000e+02, v10  }
0x94: {  	v12 =	vtrunc.f32 v11  }
0x95: {  	v12 =	vcvt.f32.s32 v12;
	v13 =	vtrunc.f32 v10  }
0x96: {  	v13 =	vcvt.f32.s32 v13  }
0x97: {  	v14 =	vcvt.s32.f32 v12  }
0x98: {  	v12 =	vmul.u32 $0x9E3779B1, v12;
	v15 =	vcvt.s32.f32 v13;
	v13 =	vmul.u32 $0x30025795, v13  }
0x99: {  	v11 =	vsub.f32 v11, v14  }
0x9a: {  	v10 =	vsub.f32 v10, v15;
	v14 =	vadd.s32 $0x30025795, v13;
	v15 =	vxor.u32 v12, v13  }
0x9b: {  	[tilespmem:s13+$0x0] =	vst v11;
	v11 =	vadd.s32 $0x9E3779B1, v12;
	v15 =	vand.u32 $0x7FFFF, v15;
	v12 =	vxor.u32 v12, v14;
	s13 =	smov.u32 s15  }
0x9c: {  	[tilespmem:s10+$0x0] =	vst v10;
	v10 =	vor.u32 $0x400000, v15;
	v13 =	vxor.u32 v13, v11;
	v12 =	vand.u32 $0x7FFFF, v12;
	s10 =	smov.u32 s17  }
0x9d: {  	s21 =	sand.u32 $0x3F0, s11;
	s11 =	smov.u32 s19;
	v11 =	vxor.u32 v11, v14;
	[tilespmem:s9+$0x0] =	vst v10;
	v10 =	vand.u32 $0x7FFFF, v13;
	v12 =	vor.u32 $0x400000, v12;
	s9 =	smov.u32 s18  }
0x9e: {  	v11 =	vand.u32 $0x7FFFF, v11;
	v10 =	vor.u32 $0x400000, v10;
	[tilespmem:s21+$0xE000] =	vst v12  }
0x9f: {  	[tilespmem:s21+$0xDC00] =	vst v10;
	v10 =	vor.u32 $0x400000, v11  }
.Ltmp0:
0xa0: {  	[tilespmem:s21+$0xE400] =	vst v10;
	(pc) =	sbr.rel @p0 .LBB2_3-.Ltmp0, $3  }
0xa1: {  	v11 =	vld [tilespmem:s12+$0x0]  }
0xa2: {  	v10 =	vld [tilespmem:s14+$0x0];
	_ =	sdelay $0x1  }
0xa3: {  	s17 =	sadd.s32 $0x10, s17;
	s18 =	sadd.s32 $0x10, s18  }
0xa4: {  	_ = 	snop  }
0xa5: {  	v11 =	vmul.f32 $1.050000000e+02, v11  }
0xa6: {  	v10 =	vmul.f32 $1.050000000e+02, v10  }
0xa7: {  	v11 =	vadd.f32 $1.050000000e+02, v11  }
0xa8: {  	v10 =	vadd.f32 $1.050000000e+02, v10  }
0xa9: {  	v12 =	vtrunc.f32 v11  }
0xaa: {  	v12 =	vcvt.f32.s32 v12;
	v13 =	vtrunc.f32 v10  }
0xab: {  	v13 =	vcvt.f32.s32 v13  }
0xac: {  	v14 =	vcvt.s32.f32 v12  }
0xad: {  	v12 =	vmul.u32 $0x9E3779B1, v12;
	v15 =	vcvt.s32.f32 v13;
	v13 =	vmul.u32 $0x30025795, v13  }
0xae: {  	v11 =	vsub.f32 v11, v14  }
0xaf: {  	v10 =	vsub.f32 v10, v15;
	v62 =	vadd.s32 $0x30025795, v13;
	v63 =	vxor.u32 v12, v13  }
0xb0: {  	[tilespmem:s13+$0x0] =	vst v11;
	v11 =	vadd.s32 $0x9E3779B1, v12;
	v15 =	vand.u32 $0x7FFFF, v63;
	v12 =	vxor.u32 v12, v62  }
0xb1: {  	[tilespmem:s10+$0x0] =	vst v10;
	v10 =	vor.u32 $0x400000, v15;
	v13 =	vxor.u32 v13, v11;
	v12 =	vand.u32 $0x7FFFF, v12  }
0xb2: {  	s21 =	sand.u32 $0x3F0, s11;
	v11 =	vxor.u32 v11, v62;
	[tilespmem:s9+$0x0] =	vst v10;
	v10 =	vand.u32 $0x7FFFF, v13;
	v12 =	vor.u32 $0x400000, v12  }
0xb3: {  	v11 =	vand.u32 $0x7FFFF, v11;
	v10 =	vor.u32 $0x400000, v10;
	[tilespmem:s21+$0xE000] =	vst v12  }
0xb4: {  	[tilespmem:s21+$0xDC00] =	vst v10;
	v10 =	vor.u32 $0x400000, v11  }
0xb5: {  	s13 =	simm.s32 $0x0;
	[tilespmem:s21+$0xE400] =	vst v10  }
0xb6: {  	[tilespmem:s28], [sflag:$0x1] =	stream.indirect.gather [hbm4b:s6+s24], $0x1, s22, s24, $0xb8;
	[tilespmem:$0x1A800] =	vst v63  }
0xb7: {  	s14 =	simm.s32 $0x400;
	v11 =	vld [tilespmem:s13+$0x0]  }
0xb8: {  	s15 =	simm.s32 $0x11C00;
	s16 =	simm.s32 $0x10;
	v10 =	vld [tilespmem:s14+$0x0]  }
0xb9: {  	s17 =	simm.s32 $0x12410;
	s18 =	simm.s32 $0xE810;
	s12 =	simm.s32 $0x11C00  }
0xba: {  	s11 =	simm.s32 $0x0;
	s10 =	simm.s32 $0x12400;
	s9 =	simm.s32 $0xE800  }
.LBB2_5:
0xbb: {  	s13 =	sadd.s32 $0x10, s13;
	s14 =	sadd.s32 $0x10, s14;
	s15 =	sadd.s32 $0x10, s15  }
0xbc: {  	p0 =	sne.s32 s16, $0x3F0;
	s19 =	smov.u32 s16;
	s16 =	sadd.s32 $0x10, s16;
	v11 =	vmul.f32 $1.450000000e+02, v11  }
0xbd: {  	v10 =	vmul.f32 $1.450000000e+02, v10  }
0xbe: {  	v11 =	vadd.f32 $1.450000000e+02, v11  }
0xbf: {  	v10 =	vadd.f32 $1.450000000e+02, v10  }
0xc0: {  	v12 =	vtrunc.f32 v11  }
0xc1: {  	v12 =	vcvt.f32.s32 v12;
	v13 =	vtrunc.f32 v10  }
0xc2: {  	v13 =	vcvt.f32.s32 v13  }
0xc3: {  	v14 =	vcvt.s32.f32 v12  }
0xc4: {  	v12 =	vmul.u32 $0x9E3779B1, v12;
	v15 =	vcvt.s32.f32 v13;
	v13 =	vmul.u32 $0x30025795, v13  }
0xc5: {  	v11 =	vsub.f32 v11, v14  }
0xc6: {  	v10 =	vsub.f32 v10, v15;
	v14 =	vadd.s32 $0x30025795, v13;
	v15 =	vxor.u32 v12, v13  }
0xc7: {  	[tilespmem:s12+$0x0] =	vst v11;
	v11 =	vadd.s32 $0x9E3779B1, v12;
	v15 =	vand.u32 $0x7FFFF, v15;
	v12 =	vxor.u32 v12, v14;
	s12 =	smov.u32 s15  }
0xc8: {  	[tilespmem:s10+$0x0] =	vst v10;
	v10 =	vor.u32 $0x480000, v15;
	v13 =	vxor.u32 v13, v11;
	v12 =	vand.u32 $0x7FFFF, v12;
	s10 =	smov.u32 s17  }
0xc9: {  	s21 =	sand.u32 $0x3F0, s11;
	s11 =	smov.u32 s19;
	v11 =	vxor.u32 v11, v14;
	[tilespmem:s9+$0x0] =	vst v10;
	v10 =	vand.u32 $0x7FFFF, v13;
	v12 =	vor.u32 $0x480000, v12;
	s9 =	smov.u32 s18  }
0xca: {  	v11 =	vand.u32 $0x7FFFF, v11;
	v10 =	vor.u32 $0x480000, v10;
	[tilespmem:s21+$0xF000] =	vst v12  }
0xcb: {  	[tilespmem:s21+$0xEC00] =	vst v10;
	v10 =	vor.u32 $0x480000, v11  }
.Ltmp1:
0xcc: {  	[tilespmem:s21+$0xF400] =	vst v10;
	(pc) =	sbr.rel @p0 .LBB2_5-.Ltmp1, $3  }
0xcd: {  	v11 =	vld [tilespmem:s13+$0x0]  }
0xce: {  	v10 =	vld [tilespmem:s14+$0x0];
	_ =	sdelay $0x1  }
0xcf: {  	s17 =	sadd.s32 $0x10, s17;
	s18 =	sadd.s32 $0x10, s18  }
0xd0: {  	_ = 	snop  }
0xd1: {  	v11 =	vmul.f32 $1.450000000e+02, v11  }
0xd2: {  	v10 =	vmul.f32 $1.450000000e+02, v10  }
0xd3: {  	v11 =	vadd.f32 $1.450000000e+02, v11  }
0xd4: {  	v10 =	vadd.f32 $1.450000000e+02, v10  }
0xd5: {  	v12 =	vtrunc.f32 v11  }
0xd6: {  	v12 =	vcvt.f32.s32 v12;
	v13 =	vtrunc.f32 v10  }
0xd7: {  	v13 =	vcvt.f32.s32 v13  }
0xd8: {  	v14 =	vcvt.s32.f32 v12  }
0xd9: {  	v12 =	vmul.u32 $0x9E3779B1, v12;
	v15 =	vcvt.s32.f32 v13;
	v13 =	vmul.u32 $0x30025795, v13  }
0xda: {  	v11 =	vsub.f32 v11, v14  }
0xdb: {  	v10 =	vsub.f32 v10, v15;
	v14 =	vadd.s32 $0x30025795, v13;
	v15 =	vxor.u32 v12, v13  }
0xdc: {  	[tilespmem:s12+$0x0] =	vst v11;
	v11 =	vadd.s32 $0x9E3779B1, v12;
	v15 =	vand.u32 $0x7FFFF, v15;
	v12 =	vxor.u32 v12, v14  }
0xdd: {  	[tilespmem:s10+$0x0] =	vst v10;
	v10 =	vor.u32 $0x480000, v15;
	v13 =	vxor.u32 v13, v11;
	v12 =	vand.u32 $0x7FFFF, v12  }
0xde: {  	s21 =	sand.u32 $0x3F0, s11;
	v11 =	vxor.u32 v11, v14;
	[tilespmem:s9+$0x0] =	vst v10;
	v10 =	vand.u32 $0x7FFFF, v13;
	v12 =	vor.u32 $0x480000, v12  }
0xdf: {  	v11 =	vand.u32 $0x7FFFF, v11;
	v10 =	vor.u32 $0x480000, v10;
	[tilespmem:s21+$0xF000] =	vst v12  }
0xe0: {  	[tilespmem:s21+$0xEC00] =	vst v10;
	v10 =	vor.u32 $0x480000, v11  }
0xe1: {  	s9 =	simm.s32 $0x400;
	[tilespmem:s21+$0xF400] =	vst v10  }
0xe2: {  	[tilespmem:s30], [sflag:$0x2] =	stream.indirect.gather [hbm4b:s6+s24], $0x1, s26, s24, $0xb8;
	[tilespmem:$0x1A800] =	vst v63  }
0xe3: {  	s10 =	simm.s32 $0x0;
	v10 =	vld [tilespmem:s9+$0x0]  }
0xe4: {  	v11 =	vld [tilespmem:s10+$0x0];
	_ =	sdelay $0x3  }
0xe5: {  	v10 =	vmul.f32 $8.000000000e+00, v10  }
0xe6: {  	v11 =	vmul.f32 $8.000000000e+00, v11  }
0xe7: {  	v12 =	vadd.f32 $8.000000000e+00, v10  }
0xe8: {  	v10 =	vadd.f32 $8.000000000e+00, v11  }
0xe9: {  	v11 =	vtrunc.f32 v12  }
0xea: {  	v13 =	vtrunc.f32 v10;
	v11 =	vcvt.f32.s32 v11  }
0xeb: {  	v13 =	vcvt.f32.s32 v13  }
0xec: {  	v14 =	vshll.u32 v11, $0x5  }
0xed: {  	v14 =	vadd.s32 v13, v14  }
0xee: {  	v15 =	vadd.s32 $0x21, v14  }
0xef: {  	v16 =	vadd.s32 $0x1, v14  }
0xf0: {  	v17 =	vadd.s32 $0x20, v14;
	_ =	sdelay $0x1  }
0xf1: {  	v14 =	vld.idx.msk [tilespmem:v14+s25+$0x0], $0xffff  }
0xf2: {  	v15 =	vld.idx.msk [tilespmem:v15+s25+$0x0], $0xffff  }
0xf3: {  	v16 =	vld.idx.msk [tilespmem:v16+s25+$0x0], $0xffff  }
0xf4: {  	v17 =	vld.idx.msk [tilespmem:v17+s25+$0x0], $0xffff  }
0xf5: {  	v13 =	vcvt.s32.f32 v13;
	_ =	sdelay $0x1  }
0xf6: {  	v10 =	vsub.f32 v10, v13;
	v13 =	vshll.u32 v14, $0x10  }
0xf7: {  	v14 =	vand.u32 $0xFFFF0000, v14;
	v18 =	vand.u32 $0xFFFF0000, v15;
	v19 =	vshll.u32 v16, $0x10  }
0xf8: {  	v15 =	vshll.u32 v15, $0x10;
	v16 =	vand.u32 $0xFFFF0000, v16;
	v20 =	vshll.u32 v17, $0x10  }
0xf9: {  	v17 =	vand.u32 $0xFFFF0000, v17;
	v19 =	vsub.f32 v19, v13;
	v15 =	vsub.f32 v15, v20  }
0xfa: {  	v11 =	vcvt.s32.f32 v11;
	v18 =	vsub.f32 v18, v17;
	v16 =	vsub.f32 v16, v14  }
0xfb: {  	v19 =	vmul.f32 v19, v10;
	v15 =	vmul.f32 v15, v10  }
0xfc: {  	v18 =	vmul.f32 v18, v10;
	v10 =	vmul.f32 v16, v10  }
0xfd: {  	v13 =	vadd.f32 v13, v19;
	v15 =	vadd.f32 v20, v15  }
0xfe: {  	v63 =	vsub.f32 v12, v11;
	v10 =	vadd.f32 v14, v10  }
0xff: {  	v14 =	vadd.f32 v17, v18;
	v11 =	vsub.f32 v15, v13  }
0x100: {  	v12 =	vor.u32 s10, v0  }
0x101: {  	v14 =	vsub.f32 v14, v10;
	v15 =	vmul.f32 v11, v63;
	v11 =	vand.u32 v2, v12  }
0x102: {  	v12 =	vor.u32 s10, v3  }
0x103: {  	v14 =	vmul.f32 v14, v63  }
0x104: {  	s11 =	simm.s32 $0x200;
	s13 =	simm.s32 $0x400;
	s12 =	simm.s32 $0x0;
	v13 =	vadd.f32 v15, v13  }
.LBB2_7:
0x105: {  	p0 =	sne.s32 s11, $0x7E00;
	v10 =	vadd.f32 v14, v10;
	s12 =	sadd.s32 $0x10, s12;
	s13 =	sadd.s32 $0x10, s13  }
0x106: {  	s14 =	smov.u32 s11;
	s11 =	sadd.s32 $0x200, s11;
	[tilespmem:v11+s0+$0x0] =	vst.idx.msk $0xffff, v13  }
0x107: {  	[tilespmem:v12+s0+$0x0] =	vst.idx.msk $0xffff, v10  }
0x108: {  	v10 =	vld [tilespmem:s13+$0x0]  }
0x109: {  	v11 =	vld [tilespmem:s12+$0x0];
	_ =	sdelay $0x3  }
0x10a: {  	v10 =	vmul.f32 $8.000000000e+00, v10  }
0x10b: {  	v11 =	vmul.f32 $8.000000000e+00, v11  }
0x10c: {  	v12 =	vadd.f32 $8.000000000e+00, v10  }
0x10d: {  	v10 =	vadd.f32 $8.000000000e+00, v11  }
0x10e: {  	v11 =	vtrunc.f32 v12  }
0x10f: {  	v13 =	vtrunc.f32 v10;
	v11 =	vcvt.f32.s32 v11  }
0x110: {  	v13 =	vcvt.f32.s32 v13  }
0x111: {  	v14 =	vcvt.s32.f32 v11;
	v11 =	vshll.u32 v11, $0x5  }
0x112: {  	v15 =	vcvt.s32.f32 v13;
	v11 =	vadd.s32 v13, v11  }
0x113: {  	v13 =	vadd.s32 $0x1, v11;
	v16 =	vadd.s32 $0x20, v11;
	v17 =	vadd.s32 $0x21, v11;
	_ =	sdelay $0x3  }
0x114: {  	v11 =	vld.idx.msk [tilespmem:v11+s25+$0x0], $0xffff  }
0x115: {  	v17 =	vld.idx.msk [tilespmem:v17+s25+$0x0], $0xffff  }
0x116: {  	v13 =	vld.idx.msk [tilespmem:v13+s25+$0x0], $0xffff  }
0x117: {  	v16 =	vld.idx.msk [tilespmem:v16+s25+$0x0], $0xffff;
	_ =	sdelay $0x3  }
0x118: {  	v10 =	vsub.f32 v10, v15;
	v15 =	vshll.u32 v11, $0x10;
	v18 =	vand.u32 $0xFFFF0000, v17  }
0x119: {  	v17 =	vshll.u32 v17, $0x10;
	v19 =	vshll.u32 v13, $0x10;
	v13 =	vand.u32 $0xFFFF0000, v13  }
0x11a: {  	v20 =	vshll.u32 v16, $0x10;
	v16 =	vand.u32 $0xFFFF0000, v16;
	v19 =	vsub.f32 v19, v15  }
0x11b: {  	v11 =	vand.u32 $0xFFFF0000, v11;
	v17 =	vsub.f32 v17, v20;
	v18 =	vsub.f32 v18, v16  }
0x11c: {  	v13 =	vsub.f32 v13, v11;
	v19 =	vmul.f32 v19, v10  }
0x11d: {  	v17 =	vmul.f32 v17, v10;
	v18 =	vmul.f32 v18, v10  }
0x11e: {  	v10 =	vmul.f32 v13, v10  }
0x11f: {  	v13 =	vadd.f32 v15, v19;
	v15 =	vadd.f32 v20, v17  }
0x120: {  	v10 =	vadd.f32 v11, v10;
	v11 =	vadd.f32 v16, v18  }
.Ltmp2:
0x121: {  	v14 =	vsub.f32 v12, v14;
	v12 =	vsub.f32 v15, v13;
	v15 =	vor.u32 s14, v0;
	(pc) =	sbr.rel @p0 .LBB2_7-.Ltmp2, $4  }
0x122: {  	v16 =	vsub.f32 v11, v10;
	v11 =	vand.u32 v2, v15  }
0x123: {  	v15 =	vmul.f32 v12, v14;
	v12 =	vor.u32 s14, v3  }
0x124: {  	v14 =	vmul.f32 v16, v14  }
0x125: {  	v13 =	vadd.f32 v15, v13  }
0x126: {  	_ =	sdelay $0x2  }
0x127: {  	v10 =	vadd.f32 v14, v10  }
0x128: {  	[tilespmem:v11+s0+$0x0] =	vst.idx.msk $0xffff, v13  }
0x129: {  	[tilespmem:v12+s0+$0x0] =	vst.idx.msk $0xffff, v10  }
0x12a: {  	v10 =	vld [tilespmem:s9+$0x0]  }
0x12b: {  	v11 =	vld [tilespmem:s10+$0x0];
	_ =	sdelay $0x3  }
0x12c: {  	v10 =	vmul.f32 $1.100000000e+01, v10  }
0x12d: {  	v11 =	vmul.f32 $1.100000000e+01, v11  }
0x12e: {  	v12 =	vadd.f32 $1.100000000e+01, v10  }
0x12f: {  	v10 =	vadd.f32 $1.100000000e+01, v11  }
0x130: {  	v11 =	vtrunc.f32 v12  }
0x131: {  	v13 =	vtrunc.f32 v10;
	v11 =	vcvt.f32.s32 v11  }
0x132: {  	v13 =	vcvt.f32.s32 v13  }
0x133: {  	v14 =	vshll.u32 v11, $0x5  }
0x134: {  	v14 =	vadd.s32 v13, v14  }
0x135: {  	v15 =	vadd.s32 $0x220, v14  }
0x136: {  	v16 =	vadd.s32 $0x240, v14  }
0x137: {  	v17 =	vadd.s32 $0x241, v14  }
0x138: {  	v14 =	vadd.s32 $0x221, v14;
	_ =	sdelay $0x1  }
0x139: {  	v15 =	vld.idx.msk [tilespmem:v15+s25+$0x0], $0xffff  }
0x13a: {  	v16 =	vld.idx.msk [tilespmem:v16+s25+$0x0], $0xffff  }
0x13b: {  	v17 =	vld.idx.msk [tilespmem:v17+s25+$0x0], $0xffff  }
0x13c: {  	v14 =	vld.idx.msk [tilespmem:v14+s25+$0x0], $0xffff  }
0x13d: {  	v13 =	vcvt.s32.f32 v13;
	_ =	sdelay $0x1  }
0x13e: {  	v10 =	vsub.f32 v10, v13;
	v13 =	vshll.u32 v15, $0x10  }
0x13f: {  	v15 =	vand.u32 $0xFFFF0000, v15;
	v18 =	vshll.u32 v16, $0x10;
	v19 =	vshll.u32 v17, $0x10  }
0x140: {  	v17 =	vand.u32 $0xFFFF0000, v17;
	v20 =	vshll.u32 v14, $0x10;
	v14 =	vand.u32 $0xFFFF0000, v14  }
0x141: {  	v16 =	vand.u32 $0xFFFF0000, v16;
	v19 =	vsub.f32 v19, v18;
	v20 =	vsub.f32 v20, v13  }
0x142: {  	v14 =	vsub.f32 v14, v15;
	v17 =	vsub.f32 v17, v16  }
0x143: {  	v19 =	vmul.f32 v19, v10;
	v20 =	vmul.f32 v20, v10  }
0x144: {  	v14 =	vmul.f32 v14, v10;
	v17 =	vmul.f32 v17, v10  }
0x145: {  	v21 =	vcvt.s32.f32 v11;
	v18 =	vadd.f32 v18, v19;
	v11 =	vadd.f32 v13, v20  }
0x146: {  	v10 =	vadd.f32 v15, v14;
	v13 =	vadd.f32 v16, v17  }
0x147: {  	v15 =	vsub.f32 v12, v21;
	v12 =	vor.u32 s10, v4;
	v14 =	vsub.f32 v18, v11  }
0x148: {  	v12 =	vand.u32 v5, v12;
	v16 =	vsub.f32 v13, v10  }
0x149: {  	v13 =	vor.u32 s10, v6;
	v14 =	vmul.f32 v14, v15  }
0x14a: {  	s13 =	simm.s32 $0x200;
	v15 =	vmul.f32 v16, v15  }
.LBB2_9:
0x14b: {  	p0 =	sne.s32 s13, $0x7E00;
	v11 =	vadd.f32 v14, v11;
	s10 =	sadd.s32 $0x10, s10;
	s9 =	sadd.s32 $0x10, s9  }
0x14c: {  	s11 =	smov.u32 s13;
	s13 =	sadd.s32 $0x200, s13;
	v10 =	vadd.f32 v15, v10  }
0x14d: {  	[tilespmem:v12+s0+$0x0] =	vst.idx.msk $0xffff, v11  }
0x14e: {  	[tilespmem:v13+s0+$0x0] =	vst.idx.msk $0xffff, v10  }
0x14f: {  	v10 =	vld [tilespmem:s9+$0x0]  }
0x150: {  	v11 =	vld [tilespmem:s10+$0x0];
	_ =	sdelay $0x3  }
0x151: {  	v10 =	vmul.f32 $1.100000000e+01, v10  }
0x152: {  	v11 =	vmul.f32 $1.100000000e+01, v11  }
0x153: {  	v12 =	vadd.f32 $1.100000000e+01, v10  }
0x154: {  	v10 =	vadd.f32 $1.100000000e+01, v11  }
0x155: {  	v11 =	vtrunc.f32 v12  }
0x156: {  	v13 =	vtrunc.f32 v10;
	v11 =	vcvt.f32.s32 v11  }
0x157: {  	v13 =	vcvt.f32.s32 v13  }
0x158: {  	v14 =	vcvt.s32.f32 v11;
	v11 =	vshll.u32 v11, $0x5  }
0x159: {  	v15 =	vcvt.s32.f32 v13;
	v11 =	vadd.s32 v13, v11  }
0x15a: {  	v13 =	vadd.s32 $0x220, v11;
	v16 =	vadd.s32 $0x221, v11;
	v17 =	vadd.s32 $0x240, v11  }
0x15b: {  	v11 =	vadd.s32 $0x241, v11;
	_ =	sdelay $0x3  }
0x15c: {  	v13 =	vld.idx.msk [tilespmem:v13+s25+$0x0], $0xffff  }
0x15d: {  	v17 =	vld.idx.msk [tilespmem:v17+s25+$0x0], $0xffff  }
0x15e: {  	v11 =	vld.idx.msk [tilespmem:v11+s25+$0x0], $0xffff  }
0x15f: {  	v16 =	vld.idx.msk [tilespmem:v16+s25+$0x0], $0xffff;
	_ =	sdelay $0x3  }
0x160: {  	v10 =	vsub.f32 v10, v15;
	v15 =	vshll.u32 v13, $0x10;
	v13 =	vand.u32 $0xFFFF0000, v13  }
0x161: {  	v18 =	vshll.u32 v17, $0x10;
	v19 =	vshll.u32 v11, $0x10;
	v11 =	vand.u32 $0xFFFF0000, v11  }
0x162: {  	v20 =	vshll.u32 v16, $0x10;
	v16 =	vand.u32 $0xFFFF0000, v16;
	v19 =	vsub.f32 v19, v18  }
0x163: {  	v17 =	vand.u32 $0xFFFF0000, v17;
	v20 =	vsub.f32 v20, v15;
	v16 =	vsub.f32 v16, v13  }
0x164: {  	v11 =	vsub.f32 v11, v17;
	v19 =	vmul.f32 v19, v10  }
0x165: {  	v20 =	vmul.f32 v20, v10;
	v16 =	vmul.f32 v16, v10  }
0x166: {  	v18 =	vadd.f32 v18, v19;
	v19 =	vmul.f32 v11, v10  }
0x167: {  	v11 =	vadd.f32 v15, v20  }
.Ltmp3:
0x168: {  	v10 =	vadd.f32 v13, v16;
	v13 =	vadd.f32 v17, v19;
	(pc) =	sbr.rel @p0 .LBB2_9-.Ltmp3, $4  }
0x169: {  	v15 =	vsub.f32 v12, v14;
	v12 =	vor.u32 s11, v4;
	v14 =	vsub.f32 v18, v11  }
0x16a: {  	v12 =	vand.u32 v5, v12;
	v16 =	vsub.f32 v13, v10  }
0x16b: {  	v13 =	vor.u32 s11, v6;
	v14 =	vmul.f32 v14, v15  }
0x16c: {  	s12 =	simm.s32 $0x400;
	s11 =	simm.s32 $0x0;
	v15 =	vmul.f32 v16, v15  }
0x16d: {  	_ =	sdelay $0x1  }
0x16e: {  	v11 =	vadd.f32 v14, v11  }
0x16f: {  	v10 =	vadd.f32 v15, v10  }
0x170: {  	[tilespmem:v12+s0+$0x0] =	vst.idx.msk $0xffff, v11  }
0x171: {  	[tilespmem:v13+s0+$0x0] =	vst.idx.msk $0xffff, v10  }
0x172: {  	v10 =	vld [tilespmem:s12+$0x0]  }
0x173: {  	v11 =	vld [tilespmem:s11+$0x0];
	_ =	sdelay $0x3  }
0x174: {  	v10 =	vmul.f32 $1.500000000e+01, v10  }
0x175: {  	v11 =	vmul.f32 $1.500000000e+01, v11  }
0x176: {  	v12 =	vadd.f32 $1.500000000e+01, v10  }
0x177: {  	v10 =	vadd.f32 $1.500000000e+01, v11  }
0x178: {  	v11 =	vtrunc.f32 v12  }
0x179: {  	v13 =	vtrunc.f32 v10;
	v11 =	vcvt.f32.s32 v11  }
0x17a: {  	v13 =	vcvt.f32.s32 v13  }
0x17b: {  	v14 =	vshll.u32 v11, $0x5  }
0x17c: {  	v14 =	vadd.s32 v13, v14  }
0x17d: {  	v15 =	vadd.s32 $0x500, v14  }
0x17e: {  	v16 =	vadd.s32 $0x520, v14  }
0x17f: {  	v17 =	vadd.s32 $0x521, v14  }
0x180: {  	v14 =	vadd.s32 $0x501, v14;
	_ =	sdelay $0x1  }
0x181: {  	v15 =	vld.idx.msk [tilespmem:v15+s25+$0x0], $0xffff  }
0x182: {  	v16 =	vld.idx.msk [tilespmem:v16+s25+$0x0], $0xffff  }
0x183: {  	v17 =	vld.idx.msk [tilespmem:v17+s25+$0x0], $0xffff  }
0x184: {  	v14 =	vld.idx.msk [tilespmem:v14+s25+$0x0], $0xffff  }
0x185: {  	v13 =	vcvt.s32.f32 v13;
	_ =	sdelay $0x1  }
0x186: {  	v10 =	vsub.f32 v10, v13;
	v13 =	vshll.u32 v15, $0x10  }
0x187: {  	v15 =	vand.u32 $0xFFFF0000, v15;
	v18 =	vshll.u32 v16, $0x10;
	v19 =	vshll.u32 v17, $0x10  }
0x188: {  	v17 =	vand.u32 $0xFFFF0000, v17;
	v20 =	vshll.u32 v14, $0x10;
	v14 =	vand.u32 $0xFFFF0000, v14  }
0x189: {  	v16 =	vand.u32 $0xFFFF0000, v16;
	v19 =	vsub.f32 v19, v18;
	v20 =	vsub.f32 v20, v13  }
0x18a: {  	v14 =	vsub.f32 v14, v15;
	v17 =	vsub.f32 v17, v16  }
0x18b: {  	v19 =	vmul.f32 v19, v10;
	v20 =	vmul.f32 v20, v10  }
0x18c: {  	v14 =	vmul.f32 v14, v10;
	v17 =	vmul.f32 v17, v10  }
0x18d: {  	v21 =	vcvt.s32.f32 v11;
	v18 =	vadd.f32 v18, v19;
	v11 =	vadd.f32 v13, v20  }
0x18e: {  	v10 =	vadd.f32 v15, v14;
	v13 =	vadd.f32 v16, v17  }
0x18f: {  	v15 =	vsub.f32 v12, v21;
	v12 =	vor.u32 s11, v7;
	v14 =	vsub.f32 v18, v11  }
0x190: {  	v12 =	vand.u32 v8, v12;
	v16 =	vsub.f32 v13, v10  }
0x191: {  	v13 =	vor.u32 s11, v9;
	v14 =	vmul.f32 v14, v15  }
0x192: {  	s9 =	simm.s32 $0x200;
	s10 =	simm.s32 $0x0;
	s13 =	simm.s32 $0x400;
	v15 =	vmul.f32 v16, v15  }
.LBB2_11:
0x193: {  	p0 =	sne.s32 s9, $0x7E00;
	v11 =	vadd.f32 v14, v11;
	s10 =	sadd.s32 $0x10, s10;
	s13 =	sadd.s32 $0x10, s13  }
0x194: {  	s14 =	smov.u32 s9;
	s9 =	sadd.s32 $0x200, s9;
	v10 =	vadd.f32 v15, v10  }
0x195: {  	[tilespmem:v12+s0+$0x0] =	vst.idx.msk $0xffff, v11  }
0x196: {  	[tilespmem:v13+s0+$0x0] =	vst.idx.msk $0xffff, v10  }
0x197: {  	v10 =	vld [tilespmem:s13+$0x0]  }
0x198: {  	v11 =	vld [tilespmem:s10+$0x0];
	_ =	sdelay $0x3  }
0x199: {  	v10 =	vmul.f32 $1.500000000e+01, v10  }
0x19a: {  	v11 =	vmul.f32 $1.500000000e+01, v11  }
0x19b: {  	v12 =	vadd.f32 $1.500000000e+01, v10  }
0x19c: {  	v10 =	vadd.f32 $1.500000000e+01, v11  }
0x19d: {  	v11 =	vtrunc.f32 v12  }
0x19e: {  	v13 =	vtrunc.f32 v10;
	v11 =	vcvt.f32.s32 v11  }
0x19f: {  	v13 =	vcvt.f32.s32 v13  }
0x1a0: {  	v14 =	vcvt.s32.f32 v11;
	v11 =	vshll.u32 v11, $0x5  }
0x1a1: {  	v15 =	vcvt.s32.f32 v13;
	v11 =	vadd.s32 v13, v11  }
0x1a2: {  	v13 =	vadd.s32 $0x500, v11;
	v16 =	vadd.s32 $0x501, v11;
	v17 =	vadd.s32 $0x520, v11  }
0x1a3: {  	v11 =	vadd.s32 $0x521, v11;
	_ =	sdelay $0x3  }
0x1a4: {  	v13 =	vld.idx.msk [tilespmem:v13+s25+$0x0], $0xffff  }
0x1a5: {  	v17 =	vld.idx.msk [tilespmem:v17+s25+$0x0], $0xffff  }
0x1a6: {  	v11 =	vld.idx.msk [tilespmem:v11+s25+$0x0], $0xffff  }
0x1a7: {  	v16 =	vld.idx.msk [tilespmem:v16+s25+$0x0], $0xffff;
	_ =	sdelay $0x3  }
0x1a8: {  	v10 =	vsub.f32 v10, v15;
	v15 =	vshll.u32 v13, $0x10;
	v13 =	vand.u32 $0xFFFF0000, v13  }
0x1a9: {  	v18 =	vshll.u32 v17, $0x10;
	v19 =	vshll.u32 v11, $0x10;
	v11 =	vand.u32 $0xFFFF0000, v11  }
0x1aa: {  	v20 =	vshll.u32 v16, $0x10;
	v16 =	vand.u32 $0xFFFF0000, v16;
	v19 =	vsub.f32 v19, v18  }
0x1ab: {  	v17 =	vand.u32 $0xFFFF0000, v17;
	v20 =	vsub.f32 v20, v15;
	v16 =	vsub.f32 v16, v13  }
0x1ac: {  	v11 =	vsub.f32 v11, v17;
	v19 =	vmul.f32 v19, v10  }
0x1ad: {  	v20 =	vmul.f32 v20, v10;
	v16 =	vmul.f32 v16, v10  }
0x1ae: {  	v18 =	vadd.f32 v18, v19;
	v19 =	vmul.f32 v11, v10  }
0x1af: {  	v11 =	vadd.f32 v15, v20  }
.Ltmp4:
0x1b0: {  	v10 =	vadd.f32 v13, v16;
	v13 =	vadd.f32 v17, v19;
	(pc) =	sbr.rel @p0 .LBB2_11-.Ltmp4, $4  }
0x1b1: {  	v15 =	vsub.f32 v12, v14;
	v12 =	vor.u32 s14, v7;
	v14 =	vsub.f32 v18, v11  }
0x1b2: {  	v12 =	vand.u32 v8, v12;
	v16 =	vsub.f32 v13, v10  }
0x1b3: {  	v13 =	vor.u32 s14, v9;
	v14 =	vmul.f32 v14, v15  }
0x1b4: {  	v15 =	vmul.f32 v16, v15  }
0x1b5: {  	_ =	sdelay $0x1  }
0x1b6: {  	v11 =	vadd.f32 v14, v11  }
0x1b7: {  	v10 =	vadd.f32 v15, v10  }
0x1b8: {  	[tilespmem:v12+s0+$0x0] =	vst.idx.msk $0xffff, v11  }
0x1b9: {  	[tilespmem:v13+s0+$0x0] =	vst.idx.msk $0xffff, v10  }
0x1ba: {  	v10 =	vld [tilespmem:s12+$0x0];
	_ =	sdelay $0x1  }
0x1bb: {  	v11 =	vld [tilespmem:s11+$0x0];
	_ =	sdelay $0x2  }
0x1bc: {  	v10 =	vmul.f32 $2.100000000e+01, v10;
	_ =	sdelay $0x1  }
0x1bd: {  	v11 =	vmul.f32 $2.100000000e+01, v11;
	v12 =	vadd.f32 $2.100000000e+01, v10;
	_ =	sdelay $0x1  }
0x1be: {  	v10 =	vadd.f32 $2.100000000e+01, v11;
	v11 =	vtrunc.f32 v12  }
0x1bf: {  	v11 =	vcvt.f32.s32 v11  }
0x1c0: {  	v13 =	vtrunc.f32 v10  }
0x1c1: {  	v13 =	vcvt.f32.s32 v13;
	v14 =	vmul.u32 $0x30, v11;
	_ =	sdelay $0x1  }
0x1c2: {  	v14 =	vadd.s32 v13, v14  }
0x1c3: {  	v15 =	vadd.s32 $0x8E0, v14  }
0x1c4: {  	v16 =	vadd.s32 $0x910, v14  }
0x1c5: {  	v17 =	vadd.s32 $0x911, v14  }
0x1c6: {  	v14 =	vadd.s32 $0x8E1, v14;
	_ =	sdelay $0x1  }
0x1c7: {  	v15 =	vld.idx.msk [tilespmem:v15+s25+$0x0], $0xffff  }
0x1c8: {  	v16 =	vld.idx.msk [tilespmem:v16+s25+$0x0], $0xffff  }
0x1c9: {  	v17 =	vld.idx.msk [tilespmem:v17+s25+$0x0], $0xffff  }
0x1ca: {  	v14 =	vld.idx.msk [tilespmem:v14+s25+$0x0], $0xffff  }
0x1cb: {  	v13 =	vcvt.s32.f32 v13;
	_ =	sdelay $0x1  }
0x1cc: {  	v10 =	vsub.f32 v10, v13;
	v13 =	vshll.u32 v15, $0x10;
	v15 =	vand.u32 $0xFFFF0000, v15  }
0x1cd: {  	v18 =	vshll.u32 v16, $0x10;
	v19 =	vshll.u32 v17, $0x10;
	v17 =	vand.u32 $0xFFFF0000, v17  }
0x1ce: {  	v20 =	vshll.u32 v14, $0x10;
	v14 =	vand.u32 $0xFFFF0000, v14;
	v19 =	vsub.f32 v19, v18  }
0x1cf: {  	v16 =	vand.u32 $0xFFFF0000, v16;
	v20 =	vsub.f32 v20, v13;
	v14 =	vsub.f32 v14, v15  }
0x1d0: {  	v17 =	vsub.f32 v17, v16;
	v19 =	vmul.f32 v19, v10  }
0x1d1: {  	v20 =	vmul.f32 v20, v10;
	v21 =	vmul.f32 v14, v10  }
0x1d2: {  	v10 =	vmul.f32 v17, v10;
	v17 =	vcvt.s32.f32 v11  }
0x1d3: {  	v11 =	vor.u32 $0x6, v0;
	v18 =	vadd.f32 v18, v19;
	v14 =	vadd.f32 v13, v20  }
0x1d4: {  	v13 =	vadd.f32 v15, v21;
	v15 =	vadd.f32 v16, v10;
	v10 =	vor.u32 $0xFFFFFF86, v1  }
0x1d5: {  	v19 =	vsub.f32 v12, v17;
	v12 =	vor.u32 s11, v11;
	v16 =	vsub.f32 v18, v14  }
0x1d6: {  	v18 =	vsub.f32 v15, v13;
	v15 =	vand.u32 v10, v12;
	v12 =	vor.u32 $0x7, v0  }
0x1d7: {  	v17 =	vmul.f32 v16, v19;
	v16 =	vor.u32 s11, v12  }
0x1d8: {  	s13 =	simm.s32 $0x200;
	v18 =	vmul.f32 v18, v19  }
.LBB2_13:
0x1d9: {  	p0 =	sne.s32 s13, $0x7E00;
	v14 =	vadd.f32 v17, v14;
	s11 =	sadd.s32 $0x10, s11;
	s12 =	sadd.s32 $0x10, s12  }
0x1da: {  	s9 =	smov.u32 s13;
	s13 =	sadd.s32 $0x200, s13;
	v13 =	vadd.f32 v18, v13  }
0x1db: {  	[tilespmem:v15+s0+$0x0] =	vst.idx.msk $0xffff, v14  }
0x1dc: {  	[tilespmem:v16+s0+$0x0] =	vst.idx.msk $0xffff, v13  }
0x1dd: {  	v13 =	vld [tilespmem:s12+$0x0];
	_ =	sdelay $0x1  }
0x1de: {  	v14 =	vld [tilespmem:s11+$0x0];
	_ =	sdelay $0x2  }
0x1df: {  	v13 =	vmul.f32 $2.100000000e+01, v13;
	_ =	sdelay $0x1  }
0x1e0: {  	v14 =	vmul.f32 $2.100000000e+01, v14;
	v15 =	vadd.f32 $2.100000000e+01, v13;
	_ =	sdelay $0x1  }
0x1e1: {  	v13 =	vadd.f32 $2.100000000e+01, v14;
	v14 =	vtrunc.f32 v15  }
0x1e2: {  	v14 =	vcvt.f32.s32 v14  }
0x1e3: {  	v16 =	vtrunc.f32 v13  }
0x1e4: {  	v16 =	vcvt.f32.s32 v16;
	v17 =	vcvt.s32.f32 v14;
	v14 =	vmul.u32 $0x30, v14;
	_ =	sdelay $0x1  }
0x1e5: {  	v18 =	vcvt.s32.f32 v16;
	v14 =	vadd.s32 v16, v14  }
0x1e6: {  	v16 =	vadd.s32 $0x8E0, v14;
	v19 =	vadd.s32 $0x8E1, v14;
	v20 =	vadd.s32 $0x910, v14  }
0x1e7: {  	v14 =	vadd.s32 $0x911, v14;
	_ =	sdelay $0x3  }
0x1e8: {  	v16 =	vld.idx.msk [tilespmem:v16+s25+$0x0], $0xffff  }
0x1e9: {  	v20 =	vld.idx.msk [tilespmem:v20+s25+$0x0], $0xffff  }
0x1ea: {  	v14 =	vld.idx.msk [tilespmem:v14+s25+$0x0], $0xffff  }
0x1eb: {  	v19 =	vld.idx.msk [tilespmem:v19+s25+$0x0], $0xffff;
	_ =	sdelay $0x3  }
0x1ec: {  	v13 =	vsub.f32 v13, v18;
	v18 =	vshll.u32 v16, $0x10;
	v16 =	vand.u32 $0xFFFF0000, v16  }
0x1ed: {  	v21 =	vshll.u32 v20, $0x10;
	v22 =	vshll.u32 v14, $0x10;
	v14 =	vand.u32 $0xFFFF0000, v14  }
0x1ee: {  	v23 =	vshll.u32 v19, $0x10;
	v19 =	vand.u32 $0xFFFF0000, v19;
	v22 =	vsub.f32 v22, v21  }
0x1ef: {  	v20 =	vand.u32 $0xFFFF0000, v20;
	v23 =	vsub.f32 v23, v18;
	v19 =	vsub.f32 v19, v16  }
0x1f0: {  	v14 =	vsub.f32 v14, v20;
	v22 =	vmul.f32 v22, v13  }
0x1f1: {  	v23 =	vmul.f32 v23, v13;
	v19 =	vmul.f32 v19, v13  }
0x1f2: {  	v21 =	vadd.f32 v21, v22;
	v22 =	vmul.f32 v14, v13  }
0x1f3: {  	v14 =	vadd.f32 v18, v23  }
.Ltmp5:
0x1f4: {  	v13 =	vadd.f32 v16, v19;
	v16 =	vadd.f32 v20, v22;
	(pc) =	sbr.rel @p0 .LBB2_13-.Ltmp5, $4  }
0x1f5: {  	v18 =	vsub.f32 v15, v17;
	v15 =	vor.u32 s9, v11;
	v17 =	vsub.f32 v21, v14  }
0x1f6: {  	v15 =	vand.u32 v10, v15;
	v19 =	vsub.f32 v16, v13  }
0x1f7: {  	v16 =	vor.u32 s9, v12;
	v17 =	vmul.f32 v17, v18  }
0x1f8: {  	s10 =	simm.s32 $0x400;
	s9 =	simm.s32 $0x0;
	v18 =	vmul.f32 v19, v18  }
0x1f9: {  	_ =	sdelay $0x1  }
0x1fa: {  	v10 =	vadd.f32 v17, v14  }
0x1fb: {  	v11 =	vadd.f32 v18, v13  }
0x1fc: {  	[tilespmem:v15+s0+$0x0] =	vst.idx.msk $0xffff, v10  }
0x1fd: {  	[tilespmem:v16+s0+$0x0] =	vst.idx.msk $0xffff, v11  }
0x1fe: {  	v10 =	vld [tilespmem:s10+$0x0]  }
0x1ff: {  	v11 =	vld [tilespmem:s9+$0x0];
	_ =	sdelay $0x3  }
0x200: {  	v10 =	vmul.f32 $2.900000000e+01, v10  }
0x201: {  	v11 =	vmul.f32 $2.900000000e+01, v11  }
0x202: {  	v12 =	vadd.f32 $2.900000000e+01, v10  }
0x203: {  	v10 =	vadd.f32 $2.900000000e+01, v11  }
0x204: {  	v11 =	vtrunc.f32 v12  }
0x205: {  	v13 =	vtrunc.f32 v10;
	v11 =	vcvt.f32.s32 v11  }
0x206: {  	v13 =	vcvt.f32.s32 v13  }
0x207: {  	v14 =	vshll.u32 v11, $0x6  }
0x208: {  	v14 =	vadd.s32 v13, v14  }
0x209: {  	v15 =	vadd.s32 $0x10F0, v14  }
0x20a: {  	v16 =	vadd.s32 $0x1130, v14  }
0x20b: {  	v17 =	vadd.s32 $0x1131, v14  }
0x20c: {  	v14 =	vadd.s32 $0x10F1, v14;
	_ =	sdelay $0x1  }
0x20d: {  	v15 =	vld.idx.msk [tilespmem:v15+s25+$0x0], $0xffff  }
0x20e: {  	v16 =	vld.idx.msk [tilespmem:v16+s25+$0x0], $0xffff  }
0x20f: {  	v17 =	vld.idx.msk [tilespmem:v17+s25+$0x0], $0xffff  }
0x210: {  	v14 =	vld.idx.msk [tilespmem:v14+s25+$0x0], $0xffff  }
0x211: {  	v13 =	vcvt.s32.f32 v13;
	_ =	sdelay $0x1  }
0x212: {  	v10 =	vsub.f32 v10, v13;
	v13 =	vshll.u32 v15, $0x10;
	v15 =	vand.u32 $0xFFFF0000, v15  }
0x213: {  	v18 =	vshll.u32 v16, $0x10;
	v19 =	vshll.u32 v17, $0x10;
	v17 =	vand.u32 $0xFFFF0000, v17  }
0x214: {  	v20 =	vshll.u32 v14, $0x10;
	v14 =	vand.u32 $0xFFFF0000, v14;
	v19 =	vsub.f32 v19, v18  }
0x215: {  	v16 =	vand.u32 $0xFFFF0000, v16;
	v20 =	vsub.f32 v20, v13;
	v14 =	vsub.f32 v14, v15  }
0x216: {  	v17 =	vsub.f32 v17, v16;
	v19 =	vmul.f32 v19, v10  }
0x217: {  	v20 =	vmul.f32 v20, v10;
	v21 =	vmul.f32 v14, v10  }
0x218: {  	v10 =	vmul.f32 v17, v10;
	v17 =	vcvt.s32.f32 v11  }
0x219: {  	v11 =	vor.u32 $0x8, v0;
	v18 =	vadd.f32 v18, v19;
	v14 =	vadd.f32 v13, v20  }
0x21a: {  	v13 =	vadd.f32 v15, v21;
	v15 =	vadd.f32 v16, v10;
	v10 =	vor.u32 $0xFFFFFF88, v1  }
0x21b: {  	v19 =	vsub.f32 v12, v17;
	v12 =	vor.u32 s9, v11;
	v16 =	vsub.f32 v18, v14  }
0x21c: {  	v18 =	vsub.f32 v15, v13;
	v15 =	vand.u32 v10, v12;
	v12 =	vor.u32 $0x9, v0  }
0x21d: {  	v17 =	vmul.f32 v16, v19;
	v16 =	vor.u32 s9, v12  }
0x21e: {  	s11 =	simm.s32 $0x200;
	s12 =	simm.s32 $0x0;
	s13 =	simm.s32 $0x400;
	v18 =	vmul.f32 v18, v19  }
.LBB2_15:
0x21f: {  	p0 =	sne.s32 s11, $0x7E00;
	v14 =	vadd.f32 v17, v14;
	s12 =	sadd.s32 $0x10, s12;
	s13 =	sadd.s32 $0x10, s13  }
0x220: {  	s14 =	smov.u32 s11;
	s11 =	sadd.s32 $0x200, s11;
	v13 =	vadd.f32 v18, v13  }
0x221: {  	[tilespmem:v15+s0+$0x0] =	vst.idx.msk $0xffff, v14  }
0x222: {  	[tilespmem:v16+s0+$0x0] =	vst.idx.msk $0xffff, v13  }
0x223: {  	v13 =	vld [tilespmem:s13+$0x0]  }
0x224: {  	v14 =	vld [tilespmem:s12+$0x0];
	_ =	sdelay $0x3  }
0x225: {  	v13 =	vmul.f32 $2.900000000e+01, v13  }
0x226: {  	v14 =	vmul.f32 $2.900000000e+01, v14  }
0x227: {  	v15 =	vadd.f32 $2.900000000e+01, v13  }
0x228: {  	v13 =	vadd.f32 $2.900000000e+01, v14  }
0x229: {  	v14 =	vtrunc.f32 v15  }
0x22a: {  	v16 =	vtrunc.f32 v13;
	v14 =	vcvt.f32.s32 v14  }
0x22b: {  	v16 =	vcvt.f32.s32 v16  }
0x22c: {  	v17 =	vcvt.s32.f32 v14;
	v14 =	vshll.u32 v14, $0x6  }
0x22d: {  	v18 =	vcvt.s32.f32 v16;
	v14 =	vadd.s32 v16, v14  }
0x22e: {  	v16 =	vadd.s32 $0x10F0, v14;
	v19 =	vadd.s32 $0x10F1, v14;
	v20 =	vadd.s32 $0x1130, v14  }
0x22f: {  	v14 =	vadd.s32 $0x1131, v14;
	_ =	sdelay $0x3  }
0x230: {  	v16 =	vld.idx.msk [tilespmem:v16+s25+$0x0], $0xffff  }
0x231: {  	v20 =	vld.idx.msk [tilespmem:v20+s25+$0x0], $0xffff  }
0x232: {  	v14 =	vld.idx.msk [tilespmem:v14+s25+$0x0], $0xffff  }
0x233: {  	v19 =	vld.idx.msk [tilespmem:v19+s25+$0x0], $0xffff;
	_ =	sdelay $0x3  }
0x234: {  	v13 =	vsub.f32 v13, v18;
	v18 =	vshll.u32 v16, $0x10;
	v16 =	vand.u32 $0xFFFF0000, v16  }
0x235: {  	v21 =	vshll.u32 v20, $0x10;
	v22 =	vshll.u32 v14, $0x10;
	v14 =	vand.u32 $0xFFFF0000, v14  }
0x236: {  	v23 =	vshll.u32 v19, $0x10;
	v19 =	vand.u32 $0xFFFF0000, v19;
	v22 =	vsub.f32 v22, v21  }
0x237: {  	v20 =	vand.u32 $0xFFFF0000, v20;
	v23 =	vsub.f32 v23, v18;
	v19 =	vsub.f32 v19, v16  }
0x238: {  	v14 =	vsub.f32 v14, v20;
	v22 =	vmul.f32 v22, v13  }
0x239: {  	v23 =	vmul.f32 v23, v13;
	v19 =	vmul.f32 v19, v13  }
0x23a: {  	v21 =	vadd.f32 v21, v22;
	v22 =	vmul.f32 v14, v13  }
0x23b: {  	v14 =	vadd.f32 v18, v23  }
.Ltmp6:
0x23c: {  	v13 =	vadd.f32 v16, v19;
	v16 =	vadd.f32 v20, v22;
	(pc) =	sbr.rel @p0 .LBB2_15-.Ltmp6, $4  }
0x23d: {  	v18 =	vsub.f32 v15, v17;
	v15 =	vor.u32 s14, v11;
	v17 =	vsub.f32 v21, v14  }
0x23e: {  	v15 =	vand.u32 v10, v15;
	v19 =	vsub.f32 v16, v13  }
0x23f: {  	v16 =	vor.u32 s14, v12;
	v17 =	vmul.f32 v17, v18  }
0x240: {  	v18 =	vmul.f32 v19, v18  }
0x241: {  	_ =	sdelay $0x1  }
0x242: {  	v10 =	vadd.f32 v17, v14  }
0x243: {  	v11 =	vadd.f32 v18, v13  }
0x244: {  	[tilespmem:v15+s0+$0x0] =	vst.idx.msk $0xffff, v10  }
0x245: {  	[tilespmem:v16+s0+$0x0] =	vst.idx.msk $0xffff, v11  }
0x246: {  	v10 =	vld [tilespmem:s10+$0x0];
	_ =	sdelay $0x1  }
0x247: {  	v11 =	vld [tilespmem:s9+$0x0];
	_ =	sdelay $0x2  }
0x248: {  	v10 =	vmul.f32 $4.000000000e+01, v10;
	_ =	sdelay $0x1  }
0x249: {  	v11 =	vmul.f32 $4.000000000e+01, v11;
	v12 =	vadd.f32 $4.000000000e+01, v10;
	_ =	sdelay $0x1  }
0x24a: {  	v10 =	vadd.f32 $4.000000000e+01, v11;
	v11 =	vtrunc.f32 v12  }
0x24b: {  	v11 =	vcvt.f32.s32 v11  }
0x24c: {  	v13 =	vtrunc.f32 v10  }
0x24d: {  	v13 =	vcvt.f32.s32 v13;
	v14 =	vmul.u32 $0x60, v11;
	_ =	sdelay $0x1  }
0x24e: {  	v14 =	vadd.s32 v13, v14  }
0x24f: {  	v15 =	vadd.s32 $0x1FB0, v14  }
0x250: {  	v16 =	vadd.s32 $0x2010, v14  }
0x251: {  	v17 =	vadd.s32 $0x2011, v14  }
0x252: {  	v14 =	vadd.s32 $0x1FB1, v14;
	_ =	sdelay $0x1  }
0x253: {  	v15 =	vld.idx.msk [tilespmem:v15+s25+$0x0], $0xffff  }
0x254: {  	v16 =	vld.idx.msk [tilespmem:v16+s25+$0x0], $0xffff  }
0x255: {  	v17 =	vld.idx.msk [tilespmem:v17+s25+$0x0], $0xffff  }
0x256: {  	v14 =	vld.idx.msk [tilespmem:v14+s25+$0x0], $0xffff  }
0x257: {  	v13 =	vcvt.s32.f32 v13;
	_ =	sdelay $0x1  }
0x258: {  	v10 =	vsub.f32 v10, v13;
	v13 =	vshll.u32 v15, $0x10;
	v15 =	vand.u32 $0xFFFF0000, v15  }
0x259: {  	v18 =	vshll.u32 v16, $0x10;
	v19 =	vshll.u32 v17, $0x10;
	v17 =	vand.u32 $0xFFFF0000, v17  }
0x25a: {  	v20 =	vshll.u32 v14, $0x10;
	v14 =	vand.u32 $0xFFFF0000, v14;
	v19 =	vsub.f32 v19, v18  }
0x25b: {  	v16 =	vand.u32 $0xFFFF0000, v16;
	v20 =	vsub.f32 v20, v13;
	v14 =	vsub.f32 v14, v15  }
0x25c: {  	v17 =	vsub.f32 v17, v16;
	v19 =	vmul.f32 v19, v10  }
0x25d: {  	v20 =	vmul.f32 v20, v10;
	v21 =	vmul.f32 v14, v10  }
0x25e: {  	v10 =	vmul.f32 v17, v10;
	v17 =	vcvt.s32.f32 v11  }
0x25f: {  	v11 =	vor.u32 $0xA, v0;
	v18 =	vadd.f32 v18, v19;
	v14 =	vadd.f32 v13, v20  }
0x260: {  	v13 =	vadd.f32 v15, v21;
	v15 =	vadd.f32 v16, v10;
	v10 =	vor.u32 $0xFFFFFF8A, v1  }
0x261: {  	v19 =	vsub.f32 v12, v17;
	v12 =	vor.u32 s9, v11;
	v16 =	vsub.f32 v18, v14  }
0x262: {  	v18 =	vsub.f32 v15, v13;
	v15 =	vand.u32 v10, v12;
	v12 =	vor.u32 $0xB, v0  }
0x263: {  	v17 =	vmul.f32 v16, v19;
	v16 =	vor.u32 s9, v12  }
0x264: {  	s13 =	simm.s32 $0x200;
	v18 =	vmul.f32 v18, v19  }
.LBB2_17:
0x265: {  	p0 =	sne.s32 s13, $0x7E00;
	v14 =	vadd.f32 v17, v14;
	s9 =	sadd.s32 $0x10, s9;
	s10 =	sadd.s32 $0x10, s10  }
0x266: {  	s11 =	smov.u32 s13;
	s13 =	sadd.s32 $0x200, s13;
	v13 =	vadd.f32 v18, v13  }
0x267: {  	[tilespmem:v15+s0+$0x0] =	vst.idx.msk $0xffff, v14  }
0x268: {  	[tilespmem:v16+s0+$0x0] =	vst.idx.msk $0xffff, v13  }
0x269: {  	v13 =	vld [tilespmem:s10+$0x0];
	_ =	sdelay $0x1  }
0x26a: {  	v14 =	vld [tilespmem:s9+$0x0];
	_ =	sdelay $0x2  }
0x26b: {  	v13 =	vmul.f32 $4.000000000e+01, v13;
	_ =	sdelay $0x1  }
0x26c: {  	v14 =	vmul.f32 $4.000000000e+01, v14;
	v15 =	vadd.f32 $4.000000000e+01, v13;
	_ =	sdelay $0x1  }
0x26d: {  	v13 =	vadd.f32 $4.000000000e+01, v14;
	v14 =	vtrunc.f32 v15  }
0x26e: {  	v14 =	vcvt.f32.s32 v14  }
0x26f: {  	v16 =	vtrunc.f32 v13  }
0x270: {  	v16 =	vcvt.f32.s32 v16;
	v17 =	vcvt.s32.f32 v14;
	v14 =	vmul.u32 $0x60, v14;
	_ =	sdelay $0x1  }
0x271: {  	v18 =	vcvt.s32.f32 v16;
	v14 =	vadd.s32 v16, v14  }
0x272: {  	v16 =	vadd.s32 $0x1FB0, v14;
	v19 =	vadd.s32 $0x1FB1, v14;
	v20 =	vadd.s32 $0x2010, v14  }
0x273: {  	v14 =	vadd.s32 $0x2011, v14;
	_ =	sdelay $0x3  }
0x274: {  	v16 =	vld.idx.msk [tilespmem:v16+s25+$0x0], $0xffff  }
0x275: {  	v20 =	vld.idx.msk [tilespmem:v20+s25+$0x0], $0xffff  }
0x276: {  	v14 =	vld.idx.msk [tilespmem:v14+s25+$0x0], $0xffff  }
0x277: {  	v19 =	vld.idx.msk [tilespmem:v19+s25+$0x0], $0xffff;
	_ =	sdelay $0x3  }
0x278: {  	v13 =	vsub.f32 v13, v18;
	v18 =	vshll.u32 v16, $0x10;
	v16 =	vand.u32 $0xFFFF0000, v16  }
0x279: {  	v21 =	vshll.u32 v20, $0x10;
	v22 =	vshll.u32 v14, $0x10;
	v14 =	vand.u32 $0xFFFF0000, v14  }
0x27a: {  	v23 =	vshll.u32 v19, $0x10;
	v19 =	vand.u32 $0xFFFF0000, v19;
	v22 =	vsub.f32 v22, v21  }
0x27b: {  	v20 =	vand.u32 $0xFFFF0000, v20;
	v23 =	vsub.f32 v23, v18;
	v19 =	vsub.f32 v19, v16  }
0x27c: {  	v14 =	vsub.f32 v14, v20;
	v22 =	vmul.f32 v22, v13  }
0x27d: {  	v23 =	vmul.f32 v23, v13;
	v19 =	vmul.f32 v19, v13  }
0x27e: {  	v21 =	vadd.f32 v21, v22;
	v22 =	vmul.f32 v14, v13  }
0x27f: {  	v14 =	vadd.f32 v18, v23  }
.Ltmp7:
0x280: {  	v13 =	vadd.f32 v16, v19;
	v16 =	vadd.f32 v20, v22;
	(pc) =	sbr.rel @p0 .LBB2_17-.Ltmp7, $4  }
0x281: {  	v18 =	vsub.f32 v15, v17;
	v15 =	vor.u32 s11, v11;
	v17 =	vsub.f32 v21, v14  }
0x282: {  	v15 =	vand.u32 v10, v15;
	v19 =	vsub.f32 v16, v13  }
0x283: {  	v16 =	vor.u32 s11, v12;
	v17 =	vmul.f32 v17, v18  }
0x284: {  	s12 =	simm.s32 $0x400;
	s11 =	simm.s32 $0x0;
	v18 =	vmul.f32 v19, v18  }
0x285: {  	_ =	sdelay $0x1  }
0x286: {  	v10 =	vadd.f32 v17, v14  }
0x287: {  	v11 =	vadd.f32 v18, v13  }
0x288: {  	[tilespmem:v15+s0+$0x0] =	vst.idx.msk $0xffff, v10  }
0x289: {  	[tilespmem:v16+s0+$0x0] =	vst.idx.msk $0xffff, v11  }
0x28a: {  	v10 =	vld [tilespmem:s12+$0x0];
	_ =	sdelay $0x1  }
0x28b: {  	v11 =	vld [tilespmem:s11+$0x0];
	_ =	sdelay $0x2  }
0x28c: {  	v10 =	vmul.f32 $5.500000000e+01, v10;
	_ =	sdelay $0x1  }
0x28d: {  	v11 =	vmul.f32 $5.500000000e+01, v11;
	v12 =	vadd.f32 $5.500000000e+01, v10;
	_ =	sdelay $0x1  }
0x28e: {  	v10 =	vadd.f32 $5.500000000e+01, v11;
	v11 =	vtrunc.f32 v12  }
0x28f: {  	v11 =	vcvt.f32.s32 v11  }
0x290: {  	v13 =	vtrunc.f32 v10  }
0x291: {  	v13 =	vcvt.f32.s32 v13;
	v14 =	vmul.u32 $0x70, v11;
	_ =	sdelay $0x1  }
0x292: {  	v14 =	vadd.s32 v13, v14  }
0x293: {  	v15 =	vadd.s32 $0x3E10, v14  }
0x294: {  	v16 =	vadd.s32 $0x3E80, v14  }
0x295: {  	v17 =	vadd.s32 $0x3E81, v14  }
0x296: {  	v14 =	vadd.s32 $0x3E11, v14;
	_ =	sdelay $0x1  }
0x297: {  	v15 =	vld.idx.msk [tilespmem:v15+s25+$0x0], $0xffff  }
0x298: {  	v16 =	vld.idx.msk [tilespmem:v16+s25+$0x0], $0xffff  }
0x299: {  	v17 =	vld.idx.msk [tilespmem:v17+s25+$0x0], $0xffff  }
0x29a: {  	v14 =	vld.idx.msk [tilespmem:v14+s25+$0x0], $0xffff  }
0x29b: {  	v13 =	vcvt.s32.f32 v13;
	_ =	sdelay $0x1  }
0x29c: {  	v10 =	vsub.f32 v10, v13;
	v13 =	vshll.u32 v15, $0x10;
	v15 =	vand.u32 $0xFFFF0000, v15  }
0x29d: {  	v18 =	vshll.u32 v16, $0x10;
	v19 =	vshll.u32 v17, $0x10;
	v17 =	vand.u32 $0xFFFF0000, v17  }
0x29e: {  	v20 =	vshll.u32 v14, $0x10;
	v14 =	vand.u32 $0xFFFF0000, v14;
	v19 =	vsub.f32 v19, v18  }
0x29f: {  	v16 =	vand.u32 $0xFFFF0000, v16;
	v20 =	vsub.f32 v20, v13;
	v14 =	vsub.f32 v14, v15  }
0x2a0: {  	v17 =	vsub.f32 v17, v16;
	v19 =	vmul.f32 v19, v10  }
0x2a1: {  	v20 =	vmul.f32 v20, v10;
	v21 =	vmul.f32 v14, v10  }
0x2a2: {  	v10 =	vmul.f32 v17, v10;
	v17 =	vcvt.s32.f32 v11  }
0x2a3: {  	v11 =	vor.u32 $0xC, v0;
	v18 =	vadd.f32 v18, v19;
	v14 =	vadd.f32 v13, v20  }
0x2a4: {  	v13 =	vadd.f32 v15, v21;
	v15 =	vadd.f32 v16, v10;
	v10 =	vor.u32 $0xFFFFFF8C, v1  }
0x2a5: {  	v19 =	vsub.f32 v12, v17;
	v12 =	vor.u32 s11, v11;
	v16 =	vsub.f32 v18, v14  }
0x2a6: {  	v18 =	vsub.f32 v15, v13;
	v15 =	vand.u32 v10, v12;
	v12 =	vor.u32 $0xD, v0  }
0x2a7: {  	v17 =	vmul.f32 v16, v19;
	v16 =	vor.u32 s11, v12  }
0x2a8: {  	s9 =	simm.s32 $0x200;
	s10 =	simm.s32 $0x0;
	s13 =	simm.s32 $0x400;
	v18 =	vmul.f32 v18, v19  }
.LBB2_19:
0x2a9: {  	p0 =	sne.s32 s9, $0x7E00;
	v14 =	vadd.f32 v17, v14;
	s10 =	sadd.s32 $0x10, s10;
	s13 =	sadd.s32 $0x10, s13  }
0x2aa: {  	s14 =	smov.u32 s9;
	s9 =	sadd.s32 $0x200, s9;
	v13 =	vadd.f32 v18, v13  }
0x2ab: {  	[tilespmem:v15+s0+$0x0] =	vst.idx.msk $0xffff, v14  }
0x2ac: {  	[tilespmem:v16+s0+$0x0] =	vst.idx.msk $0xffff, v13  }
0x2ad: {  	v13 =	vld [tilespmem:s13+$0x0];
	_ =	sdelay $0x1  }
0x2ae: {  	v14 =	vld [tilespmem:s10+$0x0];
	_ =	sdelay $0x2  }
0x2af: {  	v13 =	vmul.f32 $5.500000000e+01, v13;
	_ =	sdelay $0x1  }
0x2b0: {  	v14 =	vmul.f32 $5.500000000e+01, v14;
	v15 =	vadd.f32 $5.500000000e+01, v13;
	_ =	sdelay $0x1  }
0x2b1: {  	v13 =	vadd.f32 $5.500000000e+01, v14;
	v14 =	vtrunc.f32 v15  }
0x2b2: {  	v14 =	vcvt.f32.s32 v14  }
0x2b3: {  	v16 =	vtrunc.f32 v13  }
0x2b4: {  	v16 =	vcvt.f32.s32 v16;
	v17 =	vcvt.s32.f32 v14;
	v14 =	vmul.u32 $0x70, v14;
	_ =	sdelay $0x1  }
0x2b5: {  	v18 =	vcvt.s32.f32 v16;
	v14 =	vadd.s32 v16, v14  }
0x2b6: {  	v16 =	vadd.s32 $0x3E10, v14;
	v19 =	vadd.s32 $0x3E11, v14;
	v20 =	vadd.s32 $0x3E80, v14  }
0x2b7: {  	v14 =	vadd.s32 $0x3E81, v14;
	_ =	sdelay $0x3  }
0x2b8: {  	v16 =	vld.idx.msk [tilespmem:v16+s25+$0x0], $0xffff  }
0x2b9: {  	v20 =	vld.idx.msk [tilespmem:v20+s25+$0x0], $0xffff  }
0x2ba: {  	v14 =	vld.idx.msk [tilespmem:v14+s25+$0x0], $0xffff  }
0x2bb: {  	v19 =	vld.idx.msk [tilespmem:v19+s25+$0x0], $0xffff;
	_ =	sdelay $0x3  }
0x2bc: {  	v13 =	vsub.f32 v13, v18;
	v18 =	vshll.u32 v16, $0x10;
	v16 =	vand.u32 $0xFFFF0000, v16  }
0x2bd: {  	v21 =	vshll.u32 v20, $0x10;
	v22 =	vshll.u32 v14, $0x10;
	v14 =	vand.u32 $0xFFFF0000, v14  }
0x2be: {  	v23 =	vshll.u32 v19, $0x10;
	v19 =	vand.u32 $0xFFFF0000, v19;
	v22 =	vsub.f32 v22, v21  }
0x2bf: {  	v20 =	vand.u32 $0xFFFF0000, v20;
	v23 =	vsub.f32 v23, v18;
	v19 =	vsub.f32 v19, v16  }
0x2c0: {  	v14 =	vsub.f32 v14, v20;
	v22 =	vmul.f32 v22, v13  }
0x2c1: {  	v23 =	vmul.f32 v23, v13;
	v19 =	vmul.f32 v19, v13  }
0x2c2: {  	v21 =	vadd.f32 v21, v22;
	v22 =	vmul.f32 v14, v13  }
0x2c3: {  	v14 =	vadd.f32 v18, v23  }
.Ltmp8:
0x2c4: {  	v13 =	vadd.f32 v16, v19;
	v16 =	vadd.f32 v20, v22;
	(pc) =	sbr.rel @p0 .LBB2_19-.Ltmp8, $4  }
0x2c5: {  	v18 =	vsub.f32 v15, v17;
	v15 =	vor.u32 s14, v11;
	v17 =	vsub.f32 v21, v14  }
0x2c6: {  	v15 =	vand.u32 v10, v15;
	v19 =	vsub.f32 v16, v13  }
0x2c7: {  	v16 =	vor.u32 s14, v12;
	v17 =	vmul.f32 v17, v18  }
0x2c8: {  	v18 =	vmul.f32 v19, v18  }
0x2c9: {  	_ =	sdelay $0x1  }
0x2ca: {  	v10 =	vadd.f32 v17, v14  }
0x2cb: {  	v11 =	vadd.f32 v18, v13  }
0x2cc: {  	[tilespmem:v15+s0+$0x0] =	vst.idx.msk $0xffff, v10  }
0x2cd: {  	[tilespmem:v16+s0+$0x0] =	vst.idx.msk $0xffff, v11  }
0x2ce: {  	v10 =	vld [tilespmem:s12+$0x0];
	_ =	sdelay $0x1  }
0x2cf: {  	v11 =	vld [tilespmem:s11+$0x0];
	_ =	sdelay $0x2  }
0x2d0: {  	v10 =	vmul.f32 $7.600000000e+01, v10;
	_ =	sdelay $0x1  }
0x2d1: {  	v11 =	vmul.f32 $7.600000000e+01, v11;
	v12 =	vadd.f32 $7.600000000e+01, v10;
	_ =	sdelay $0x1  }
0x2d2: {  	v10 =	vadd.f32 $7.600000000e+01, v11;
	v11 =	vtrunc.f32 v12  }
0x2d3: {  	v11 =	vcvt.f32.s32 v11  }
0x2d4: {  	v13 =	vtrunc.f32 v10  }
0x2d5: {  	v13 =	vcvt.f32.s32 v13;
	v14 =	vmul.u32 $0xA0, v11;
	_ =	sdelay $0x1  }
0x2d6: {  	v14 =	vadd.s32 v13, v14  }
0x2d7: {  	v15 =	vadd.s32 $0x6EA0, v14  }
0x2d8: {  	v16 =	vadd.s32 $0x6F40, v14  }
0x2d9: {  	v17 =	vadd.s32 $0x6F41, v14  }
0x2da: {  	v14 =	vadd.s32 $0x6EA1, v14;
	_ =	sdelay $0x1  }
0x2db: {  	v15 =	vld.idx.msk [tilespmem:v15+s25+$0x0], $0xffff  }
0x2dc: {  	v16 =	vld.idx.msk [tilespmem:v16+s25+$0x0], $0xffff  }
0x2dd: {  	v17 =	vld.idx.msk [tilespmem:v17+s25+$0x0], $0xffff  }
0x2de: {  	v14 =	vld.idx.msk [tilespmem:v14+s25+$0x0], $0xffff  }
0x2df: {  	v13 =	vcvt.s32.f32 v13;
	_ =	sdelay $0x1  }
0x2e0: {  	v10 =	vsub.f32 v10, v13;
	v13 =	vshll.u32 v15, $0x10;
	v15 =	vand.u32 $0xFFFF0000, v15  }
0x2e1: {  	v18 =	vshll.u32 v16, $0x10;
	v19 =	vshll.u32 v17, $0x10;
	v17 =	vand.u32 $0xFFFF0000, v17  }
0x2e2: {  	v20 =	vshll.u32 v14, $0x10;
	v14 =	vand.u32 $0xFFFF0000, v14;
	v19 =	vsub.f32 v19, v18  }
0x2e3: {  	v16 =	vand.u32 $0xFFFF0000, v16;
	v20 =	vsub.f32 v20, v13;
	v14 =	vsub.f32 v14, v15  }
0x2e4: {  	v17 =	vsub.f32 v17, v16;
	v19 =	vmul.f32 v19, v10  }
0x2e5: {  	v20 =	vmul.f32 v20, v10;
	v21 =	vmul.f32 v14, v10  }
0x2e6: {  	v10 =	vmul.f32 v17, v10;
	v17 =	vcvt.s32.f32 v11  }
0x2e7: {  	v11 =	vor.u32 $0xE, v0;
	v18 =	vadd.f32 v18, v19;
	v14 =	vadd.f32 v13, v20  }
0x2e8: {  	v13 =	vadd.f32 v15, v21;
	v15 =	vadd.f32 v16, v10;
	v10 =	vor.u32 $0xFFFFFF8E, v1  }
0x2e9: {  	v19 =	vsub.f32 v12, v17;
	v12 =	vor.u32 s11, v11;
	v16 =	vsub.f32 v18, v14  }
0x2ea: {  	v18 =	vsub.f32 v15, v13;
	v15 =	vand.u32 v10, v12;
	v12 =	vor.u32 $0xF, v0  }
0x2eb: {  	v17 =	vmul.f32 v16, v19;
	v16 =	vor.u32 s11, v12  }
0x2ec: {  	s9 =	simm.s32 $0x200;
	v18 =	vmul.f32 v18, v19  }
.LBB2_21:
0x2ed: {  	p0 =	sne.s32 s9, $0x7E00;
	v14 =	vadd.f32 v17, v14;
	s11 =	sadd.s32 $0x10, s11;
	s12 =	sadd.s32 $0x10, s12  }
0x2ee: {  	s10 =	smov.u32 s9;
	s9 =	sadd.s32 $0x200, s9;
	v13 =	vadd.f32 v18, v13  }
0x2ef: {  	[tilespmem:v15+s0+$0x0] =	vst.idx.msk $0xffff, v14  }
0x2f0: {  	[tilespmem:v16+s0+$0x0] =	vst.idx.msk $0xffff, v13  }
0x2f1: {  	v13 =	vld [tilespmem:s12+$0x0];
	_ =	sdelay $0x1  }
0x2f2: {  	v14 =	vld [tilespmem:s11+$0x0];
	_ =	sdelay $0x2  }
0x2f3: {  	v13 =	vmul.f32 $7.600000000e+01, v13;
	_ =	sdelay $0x1  }
0x2f4: {  	v14 =	vmul.f32 $7.600000000e+01, v14;
	v15 =	vadd.f32 $7.600000000e+01, v13;
	_ =	sdelay $0x1  }
0x2f5: {  	v13 =	vadd.f32 $7.600000000e+01, v14;
	v14 =	vtrunc.f32 v15  }
0x2f6: {  	v14 =	vcvt.f32.s32 v14  }
0x2f7: {  	v16 =	vtrunc.f32 v13  }
0x2f8: {  	v16 =	vcvt.f32.s32 v16;
	v17 =	vcvt.s32.f32 v14;
	v14 =	vmul.u32 $0xA0, v14;
	_ =	sdelay $0x1  }
0x2f9: {  	v18 =	vcvt.s32.f32 v16;
	v14 =	vadd.s32 v16, v14  }
0x2fa: {  	v16 =	vadd.s32 $0x6EA0, v14;
	v19 =	vadd.s32 $0x6EA1, v14;
	v20 =	vadd.s32 $0x6F40, v14  }
0x2fb: {  	v14 =	vadd.s32 $0x6F41, v14;
	_ =	sdelay $0x3  }
0x2fc: {  	v16 =	vld.idx.msk [tilespmem:v16+s25+$0x0], $0xffff  }
0x2fd: {  	v20 =	vld.idx.msk [tilespmem:v20+s25+$0x0], $0xffff  }
0x2fe: {  	v14 =	vld.idx.msk [tilespmem:v14+s25+$0x0], $0xffff  }
0x2ff: {  	v19 =	vld.idx.msk [tilespmem:v19+s25+$0x0], $0xffff;
	_ =	sdelay $0x3  }
0x300: {  	v13 =	vsub.f32 v13, v18;
	v18 =	vshll.u32 v16, $0x10;
	v16 =	vand.u32 $0xFFFF0000, v16  }
0x301: {  	v21 =	vshll.u32 v20, $0x10;
	v22 =	vshll.u32 v14, $0x10;
	v14 =	vand.u32 $0xFFFF0000, v14  }
0x302: {  	v23 =	vshll.u32 v19, $0x10;
	v19 =	vand.u32 $0xFFFF0000, v19;
	v22 =	vsub.f32 v22, v21  }
0x303: {  	v20 =	vand.u32 $0xFFFF0000, v20;
	v23 =	vsub.f32 v23, v18;
	v19 =	vsub.f32 v19, v16  }
0x304: {  	v14 =	vsub.f32 v14, v20;
	v22 =	vmul.f32 v22, v13  }
0x305: {  	v23 =	vmul.f32 v23, v13;
	v19 =	vmul.f32 v19, v13  }
0x306: {  	v21 =	vadd.f32 v21, v22;
	v22 =	vmul.f32 v14, v13  }
0x307: {  	v14 =	vadd.f32 v18, v23  }
.Ltmp9:
0x308: {  	v13 =	vadd.f32 v16, v19;
	v16 =	vadd.f32 v20, v22;
	(pc) =	sbr.rel @p0 .LBB2_21-.Ltmp9, $4  }
0x309: {  	v18 =	vsub.f32 v15, v17;
	v15 =	vor.u32 s10, v11;
	v17 =	vsub.f32 v21, v14  }
0x30a: {  	v15 =	vand.u32 v10, v15;
	v19 =	vsub.f32 v16, v13  }
0x30b: {  	v16 =	vor.u32 s10, v12;
	v17 =	vmul.f32 v17, v18  }
0x30c: {  	v18 =	vmul.f32 v19, v18  }
0x30d: {  	_ =	sdelay $0x1  }
0x30e: {  	v10 =	vadd.f32 v17, v14  }
0x30f: {  	v11 =	vadd.f32 v18, v13  }
0x310: {  	[tilespmem:v15+s0+$0x0] =	vst.idx.msk $0xffff, v10  }
0x311: {  	[tilespmem:v16+s0+$0x0] =	vst.idx.msk $0xffff, v11  }
0x312: {  	_ =	swait.ge [sflag:s29], $0x1000  }
0x313: {  	[sflag:s29] =	ssyncset.done $0x0  }
0x314: {  	s9 =	simm.s32 $0x0;
	s10 =	simm.s32 $0xF800;
	[sflag:s29] =	ssyncadd.s32 $0xFFFFF000  }
0x315: {  	s21 =	sand.u32 $0x3F0, s9;
	v10 =	vld [tilespmem:s10+$0x0]  }
0x316: {  	v11 =	vld [tilespmem:s21+$0xFC00]  }
0x317: {  	v12 =	vld [tilespmem:s21+$0x10000]  }
0x318: {  	v13 =	vld [tilespmem:s21+$0x10400];
	_ =	sdelay $0x1  }
0x319: {  	s11 =	simm.s32 $0x11800  }
0x31a: {  	v15 =	vld [tilespmem:s11+$0x0];
	v14 =	vand.u32 $0xFFFF0000, v10  }
0x31b: {  	v16 =	vand.u32 $0xFFFF0000, v11;
	v10 =	vshll.u32 v10, $0x10;
	v17 =	vand.u32 $0xFFFF0000, v12  }
0x31c: {  	v11 =	vshll.u32 v11, $0x10;
	v12 =	vshll.u32 v12, $0x10;
	v18 =	vshll.u32 v13, $0x10  }
0x31d: {  	v13 =	vand.u32 $0xFFFF0000, v13;
	v11 =	vsub.f32 v11, v10;
	v18 =	vsub.f32 v18, v12  }
0x31e: {  	v16 =	vsub.f32 v16, v14;
	v13 =	vsub.f32 v13, v17  }
0x31f: {  	s10 =	simm.s32 $0x12000;
	v11 =	vmul.f32 v11, v15;
	v18 =	vmul.f32 v18, v15  }
0x320: {  	v19 =	vld [tilespmem:s10+$0x0];
	v16 =	vmul.f32 v16, v15;
	v13 =	vmul.f32 v13, v15  }
0x321: {  	v15 =	vadd.f32 v10, v11;
	v11 =	vadd.f32 v12, v18  }
0x322: {  	v14 =	vadd.f32 v14, v16;
	v12 =	vadd.f32 v17, v13;
	v10 =	vor.u32 $0x10, v0  }
0x323: {  	v16 =	vor.u32 s9, v10;
	v13 =	vsub.f32 v11, v15;
	v11 =	vor.u32 $0xFFFFFF90, v1  }
0x324: {  	v17 =	vsub.f32 v12, v14;
	v12 =	vor.u32 $0x11, v0;
	v16 =	vand.u32 v11, v16  }
0x325: {  	v18 =	vor.u32 s9, v12;
	v13 =	vmul.f32 v13, v19  }
0x326: {  	v17 =	vmul.f32 v17, v19  }
0x327: {  	v13 =	vadd.f32 v13, v15  }
0x328: {  	v14 =	vadd.f32 v17, v14  }
0x329: {  	[tilespmem:v16+s0+$0x0] =	vst.idx.msk $0xffff, v13  }
0x32a: {  	s12 =	simm.s32 $0x10;
	s15 =	simm.s32 $0xF810;
	[tilespmem:v18+s0+$0x0] =	vst.idx.msk $0xffff, v14  }
0x32b: {  	s13 =	sand.u32 $0x3F0, s12;
	v13 =	vld [tilespmem:s15+$0x0]  }
0x32c: {  	v14 =	vld [tilespmem:s13+$0xFC00]  }
0x32d: {  	s16 =	simm.s32 $0x20;
	v16 =	vld [tilespmem:s13+$0x10000]  }
0x32e: {  	s17 =	simm.s32 $0x11800;
	s14 =	simm.s32 $0x12000;
	v15 =	vld [tilespmem:s13+$0x10400];
	s13 =	simm.s32 $0x0  }
.LBB2_23:
0x32f: {  	p0 =	sne.s32 s16, $0x3F0  }
0x330: {  	s17 =	sadd.s32 $0x10, s17;
	v17 =	vand.u32 $0xFFFF0000, v13  }
0x331: {  	v18 =	vld [tilespmem:s17+$0x0];
	v19 =	vand.u32 $0xFFFF0000, v14  }
0x332: {  	v13 =	vshll.u32 v13, $0x10;
	v20 =	vand.u32 $0xFFFF0000, v16  }
0x333: {  	v14 =	vshll.u32 v14, $0x10;
	v16 =	vshll.u32 v16, $0x10;
	v21 =	vshll.u32 v15, $0x10  }
0x334: {  	v14 =	vsub.f32 v14, v13;
	v15 =	vand.u32 $0xFFFF0000, v15;
	v21 =	vsub.f32 v21, v16  }
0x335: {  	v19 =	vsub.f32 v19, v17;
	v15 =	vsub.f32 v15, v20  }
0x336: {  	s14 =	sadd.s32 $0x10, s14;
	v14 =	vmul.f32 v14, v18;
	v21 =	vmul.f32 v21, v18  }
0x337: {  	v19 =	vmul.f32 v19, v18;
	v15 =	vmul.f32 v15, v18;
	v22 =	vld [tilespmem:s14+$0x0]  }
0x338: {  	v13 =	vadd.f32 v13, v14;
	v14 =	vadd.f32 v16, v21  }
0x339: {  	s13 =	sadd.s32 $0x200, s13;
	v16 =	vadd.f32 v17, v19;
	v15 =	vadd.f32 v20, v15  }
0x33a: {  	v17 =	vor.u32 s13, v10;
	v14 =	vsub.f32 v14, v13  }
0x33b: {  	v17 =	vand.u32 v11, v17;
	v15 =	vsub.f32 v15, v16  }
0x33c: {  	v18 =	vor.u32 s13, v12;
	v14 =	vmul.f32 v14, v22  }
0x33d: {  	v15 =	vmul.f32 v15, v22  }
0x33e: {  	v13 =	vadd.f32 v14, v13  }
0x33f: {  	v14 =	vadd.f32 v15, v16  }
0x340: {  	[tilespmem:v17+s0+$0x0] =	vst.idx.msk $0xffff, v13  }
.Ltmp10:
0x341: {  	s15 =	sadd.s32 $0x10, s15;
	[tilespmem:v18+s0+$0x0] =	vst.idx.msk $0xffff, v14;
	(pc) =	sbr.rel @p0 .LBB2_23-.Ltmp10, $4  }
0x342: {  	s18 =	sand.u32 $0x3F0, s16;
	v13 =	vld [tilespmem:s15+$0x0]  }
0x343: {  	v14 =	vld [tilespmem:s18+$0xFC00]  }
0x344: {  	v16 =	vld [tilespmem:s18+$0x10000]  }
0x345: {  	s16 =	sadd.s32 $0x10, s16;
	v15 =	vld [tilespmem:s18+$0x10400]  }
0x346: {  	_ = 	snop  }
0x347: {  	s15 =	sadd.s32 $0x10, s17  }
0x348: {  	v17 =	vand.u32 $0xFFFF0000, v13;
	v18 =	vld [tilespmem:s15+$0x0]  }
0x349: {  	v56 =	vshll.u32 v13, $0x10;
	v19 =	vand.u32 $0xFFFF0000, v14;
	v57 =	vshll.u32 v14, $0x10  }
0x34a: {  	v20 =	vand.u32 $0xFFFF0000, v16;
	v58 =	vshll.u32 v16, $0x10;
	v21 =	vshll.u32 v15, $0x10  }
0x34b: {  	v14 =	vsub.f32 v57, v56;
	v59 =	vand.u32 $0xFFFF0000, v15;
	v21 =	vsub.f32 v21, v58  }
0x34c: {  	v19 =	vsub.f32 v19, v17;
	v15 =	vsub.f32 v59, v20  }
0x34d: {  	s14 =	sadd.s32 $0x10, s14;
	v14 =	vmul.f32 v14, v18;
	v21 =	vmul.f32 v21, v18  }
0x34e: {  	v22 =	vld [tilespmem:s14+$0x0];
	v19 =	vmul.f32 v19, v18;
	v15 =	vmul.f32 v15, v18  }
0x34f: {  	v13 =	vadd.f32 v56, v14;
	v60 =	vadd.f32 v58, v21  }
0x350: {  	s13 =	sadd.s32 $0x200, s13;
	v61 =	vadd.f32 v17, v19;
	v15 =	vadd.f32 v20, v15  }
0x351: {  	v10 =	vor.u32 s13, v10;
	v14 =	vsub.f32 v60, v13  }
0x352: {  	v10 =	vand.u32 v11, v10;
	v15 =	vsub.f32 v15, v61  }
0x353: {  	v12 =	vor.u32 s13, v12;
	v11 =	vmul.f32 v14, v22  }
0x354: {  	v62 =	vmul.f32 v15, v22  }
0x355: {  	v11 =	vadd.f32 v11, v13  }
0x356: {  	v63 =	vadd.f32 v62, v61  }
0x357: {  	[tilespmem:v10+s0+$0x0] =	vst.idx.msk $0xffff, v11  }
0x358: {  	[tilespmem:v12+s0+$0x0] =	vst.idx.msk $0xffff, v63  }
0x359: {  	s16 =	simm.s32 $0x400;
	v11 =	vld [tilespmem:s9+$0x0]  }
0x35a: {  	v10 =	vld [tilespmem:s16+$0x0]  }
0x35b: {  	s17 =	simm.s32 $0x12010;
	s18 =	simm.s32 $0xD810  }
0x35c: {  	s13 =	simm.s32 $0xD800;
	s15 =	simm.s32 $0x11800;
	s14 =	simm.s32 $0x0  }
.LBB2_25:
0x35d: {  	s9 =	sadd.s32 $0x10, s9;
	s16 =	sadd.s32 $0x10, s16;
	s11 =	sadd.s32 $0x10, s11  }
0x35e: {  	p0 =	sne.s32 s12, $0x3F0;
	s19 =	smov.u32 s12;
	s12 =	sadd.s32 $0x10, s12;
	v11 =	vmul.f32 $2.000000000e+02, v11  }
0x35f: {  	v10 =	vmul.f32 $2.000000000e+02, v10  }
0x360: {  	v11 =	vadd.f32 $2.000000000e+02, v11  }
0x361: {  	v10 =	vadd.f32 $2.000000000e+02, v10  }
0x362: {  	v12 =	vtrunc.f32 v11  }
0x363: {  	v12 =	vcvt.f32.s32 v12;
	v13 =	vtrunc.f32 v10  }
0x364: {  	v13 =	vcvt.f32.s32 v13  }
0x365: {  	v14 =	vcvt.s32.f32 v12  }
0x366: {  	v12 =	vmul.u32 $0x9E3779B1, v12;
	v15 =	vcvt.s32.f32 v13;
	v13 =	vmul.u32 $0x30025795, v13  }
0x367: {  	v11 =	vsub.f32 v11, v14  }
0x368: {  	v10 =	vsub.f32 v10, v15;
	v14 =	vadd.s32 $0x30025795, v13;
	v15 =	vxor.u32 v12, v13  }
0x369: {  	[tilespmem:s15+$0x0] =	vst v11;
	v11 =	vadd.s32 $0x9E3779B1, v12;
	v15 =	vand.u32 $0x7FFFF, v15;
	v12 =	vxor.u32 v12, v14;
	s15 =	smov.u32 s11  }
0x36a: {  	[tilespmem:s10+$0x0] =	vst v10;
	v10 =	vor.u32 $0x500000, v15;
	v13 =	vxor.u32 v13, v11;
	v12 =	vand.u32 $0x7FFFF, v12;
	s10 =	smov.u32 s17  }
0x36b: {  	s21 =	sand.u32 $0x3F0, s14;
	s14 =	smov.u32 s19;
	v11 =	vxor.u32 v11, v14;
	[tilespmem:s13+$0x0] =	vst v10;
	v10 =	vand.u32 $0x7FFFF, v13;
	v12 =	vor.u32 $0x500000, v12;
	s13 =	smov.u32 s18  }
0x36c: {  	v11 =	vand.u32 $0x7FFFF, v11;
	v10 =	vor.u32 $0x500000, v10;
	[tilespmem:s21+$0xE000] =	vst v12  }
0x36d: {  	[tilespmem:s21+$0xDC00] =	vst v10;
	v10 =	vor.u32 $0x500000, v11  }
.Ltmp11:
0x36e: {  	[tilespmem:s21+$0xE400] =	vst v10;
	(pc) =	sbr.rel @p0 .LBB2_25-.Ltmp11, $3  }
0x36f: {  	v11 =	vld [tilespmem:s9+$0x0]  }
0x370: {  	v10 =	vld [tilespmem:s16+$0x0];
	_ =	sdelay $0x1  }
0x371: {  	s17 =	sadd.s32 $0x10, s17;
	s18 =	sadd.s32 $0x10, s18  }
0x372: {  	_ = 	snop  }
0x373: {  	v11 =	vmul.f32 $2.000000000e+02, v11  }
0x374: {  	v10 =	vmul.f32 $2.000000000e+02, v10  }
0x375: {  	v11 =	vadd.f32 $2.000000000e+02, v11  }
0x376: {  	v10 =	vadd.f32 $2.000000000e+02, v10  }
0x377: {  	v12 =	vtrunc.f32 v11  }
0x378: {  	v12 =	vcvt.f32.s32 v12;
	v13 =	vtrunc.f32 v10  }
0x379: {  	v13 =	vcvt.f32.s32 v13  }
0x37a: {  	v14 =	vcvt.s32.f32 v12  }
0x37b: {  	v12 =	vmul.u32 $0x9E3779B1, v12;
	v15 =	vcvt.s32.f32 v13;
	v13 =	vmul.u32 $0x30025795, v13  }
0x37c: {  	v11 =	vsub.f32 v11, v14  }
0x37d: {  	v10 =	vsub.f32 v10, v15;
	v14 =	vadd.s32 $0x30025795, v13;
	v15 =	vxor.u32 v12, v13  }
0x37e: {  	[tilespmem:s15+$0x0] =	vst v11;
	v11 =	vadd.s32 $0x9E3779B1, v12;
	v15 =	vand.u32 $0x7FFFF, v15;
	v12 =	vxor.u32 v12, v14  }
0x37f: {  	[tilespmem:s10+$0x0] =	vst v10;
	v10 =	vor.u32 $0x500000, v15;
	v13 =	vxor.u32 v13, v11;
	v12 =	vand.u32 $0x7FFFF, v12  }
0x380: {  	s9 =	sand.u32 $0x3F0, s14;
	v11 =	vxor.u32 v11, v14;
	[tilespmem:s13+$0x0] =	vst v10;
	v10 =	vand.u32 $0x7FFFF, v13;
	v12 =	vor.u32 $0x500000, v12  }
0x381: {  	v11 =	vand.u32 $0x7FFFF, v11;
	v10 =	vor.u32 $0x500000, v10;
	[tilespmem:s9+$0xE000] =	vst v12  }
0x382: {  	[tilespmem:s9+$0xDC00] =	vst v10;
	v10 =	vor.u32 $0x500000, v11  }
0x383: {  	[tilespmem:s9+$0xE400] =	vst v10  }
0x384: {  	[tilespmem:s28], [sflag:$0x1] =	stream.indirect.gather [hbm4b:s6+s24], $0x1, s22, s24, $0xb8;
	[tilespmem:$0x1A800] =	vst v63  }
0x385: {  	_ =	swait.ge [sflag:s31], $0x1000  }
0x386: {  	[sflag:s31] =	ssyncset.done $0x0  }
0x387: {  	s18 =	simm.s32 $0x10800;
	s9 =	simm.s32 $0x0;
	[sflag:s31] =	ssyncadd.s32 $0xFFFFF000  }
0x388: {  	s19 =	sand.u32 $0x3F0, s9;
	v10 =	vld [tilespmem:s18+$0x0]  }
0x389: {  	v11 =	vld [tilespmem:s19+$0x10C00]  }
0x38a: {  	v12 =	vld [tilespmem:s19+$0x11000]  }
0x38b: {  	v13 =	vld [tilespmem:s19+$0x11400];
	_ =	sdelay $0x1  }
0x38c: {  	s11 =	simm.s32 $0x11C00  }
0x38d: {  	v15 =	vld [tilespmem:s11+$0x0];
	v14 =	vand.u32 $0xFFFF0000, v10  }
0x38e: {  	v16 =	vand.u32 $0xFFFF0000, v11;
	v10 =	vshll.u32 v10, $0x10;
	v17 =	vand.u32 $0xFFFF0000, v12  }
0x38f: {  	v11 =	vshll.u32 v11, $0x10;
	v12 =	vshll.u32 v12, $0x10;
	v18 =	vshll.u32 v13, $0x10  }
0x390: {  	v13 =	vand.u32 $0xFFFF0000, v13;
	v11 =	vsub.f32 v11, v10;
	v18 =	vsub.f32 v18, v12  }
0x391: {  	v16 =	vsub.f32 v16, v14;
	v13 =	vsub.f32 v13, v17  }
0x392: {  	s10 =	simm.s32 $0x12400;
	v11 =	vmul.f32 v11, v15;
	v18 =	vmul.f32 v18, v15  }
0x393: {  	v19 =	vld [tilespmem:s10+$0x0];
	v16 =	vmul.f32 v16, v15;
	v13 =	vmul.f32 v13, v15  }
0x394: {  	v15 =	vadd.f32 v10, v11;
	v11 =	vadd.f32 v12, v18  }
0x395: {  	v14 =	vadd.f32 v14, v16;
	v12 =	vadd.f32 v17, v13;
	v10 =	vor.u32 $0x12, v0  }
0x396: {  	v16 =	vor.u32 s9, v10;
	v13 =	vsub.f32 v11, v15;
	v11 =	vor.u32 $0xFFFFFF92, v1  }
0x397: {  	v17 =	vsub.f32 v12, v14;
	v12 =	vor.u32 $0x13, v0;
	v16 =	vand.u32 v11, v16  }
0x398: {  	v18 =	vor.u32 s9, v12;
	v13 =	vmul.f32 v13, v19  }
0x399: {  	v17 =	vmul.f32 v17, v19  }
0x39a: {  	v13 =	vadd.f32 v13, v15  }
0x39b: {  	v14 =	vadd.f32 v17, v14  }
0x39c: {  	[tilespmem:v16+s0+$0x0] =	vst.idx.msk $0xffff, v13  }
0x39d: {  	s12 =	simm.s32 $0x10;
	s15 =	simm.s32 $0x10810;
	[tilespmem:v18+s0+$0x0] =	vst.idx.msk $0xffff, v14  }
0x39e: {  	s21 =	sand.u32 $0x3F0, s12;
	v13 =	vld [tilespmem:s15+$0x0]  }
0x39f: {  	v14 =	vld [tilespmem:s21+$0x10C00]  }
0x3a0: {  	s16 =	simm.s32 $0x20;
	v16 =	vld [tilespmem:s21+$0x11000]  }
0x3a1: {  	s17 =	simm.s32 $0x11C00;
	s14 =	simm.s32 $0x12400;
	s13 =	simm.s32 $0x0;
	v15 =	vld [tilespmem:s21+$0x11400]  }
.LBB2_27:
0x3a2: {  	p0 =	sne.s32 s16, $0x3F0  }
0x3a3: {  	s17 =	sadd.s32 $0x10, s17;
	v17 =	vand.u32 $0xFFFF0000, v13  }
0x3a4: {  	v18 =	vld [tilespmem:s17+$0x0];
	v19 =	vand.u32 $0xFFFF0000, v14  }
0x3a5: {  	v13 =	vshll.u32 v13, $0x10;
	v20 =	vand.u32 $0xFFFF0000, v16  }
0x3a6: {  	v14 =	vshll.u32 v14, $0x10;
	v16 =	vshll.u32 v16, $0x10;
	v21 =	vshll.u32 v15, $0x10  }
0x3a7: {  	v14 =	vsub.f32 v14, v13;
	v15 =	vand.u32 $0xFFFF0000, v15;
	v21 =	vsub.f32 v21, v16  }
0x3a8: {  	v19 =	vsub.f32 v19, v17;
	v15 =	vsub.f32 v15, v20  }
0x3a9: {  	s14 =	sadd.s32 $0x10, s14;
	v14 =	vmul.f32 v14, v18;
	v21 =	vmul.f32 v21, v18  }
0x3aa: {  	v19 =	vmul.f32 v19, v18;
	v15 =	vmul.f32 v15, v18;
	v22 =	vld [tilespmem:s14+$0x0]  }
0x3ab: {  	v13 =	vadd.f32 v13, v14;
	v14 =	vadd.f32 v16, v21  }
0x3ac: {  	s13 =	sadd.s32 $0x200, s13;
	v16 =	vadd.f32 v17, v19;
	v15 =	vadd.f32 v20, v15  }
0x3ad: {  	v17 =	vor.u32 s13, v10;
	v14 =	vsub.f32 v14, v13  }
0x3ae: {  	v17 =	vand.u32 v11, v17;
	v15 =	vsub.f32 v15, v16  }
0x3af: {  	v18 =	vor.u32 s13, v12;
	v14 =	vmul.f32 v14, v22  }
0x3b0: {  	v15 =	vmul.f32 v15, v22  }
0x3b1: {  	v13 =	vadd.f32 v14, v13  }
0x3b2: {  	v14 =	vadd.f32 v15, v16  }
0x3b3: {  	[tilespmem:v17+s0+$0x0] =	vst.idx.msk $0xffff, v13  }
.Ltmp12:
0x3b4: {  	s15 =	sadd.s32 $0x10, s15;
	[tilespmem:v18+s0+$0x0] =	vst.idx.msk $0xffff, v14;
	(pc) =	sbr.rel @p0 .LBB2_27-.Ltmp12, $4  }
0x3b5: {  	s18 =	sand.u32 $0x3F0, s16;
	v13 =	vld [tilespmem:s15+$0x0]  }
0x3b6: {  	v14 =	vld [tilespmem:s18+$0x10C00]  }
0x3b7: {  	v16 =	vld [tilespmem:s18+$0x11000]  }
0x3b8: {  	s16 =	sadd.s32 $0x10, s16;
	v15 =	vld [tilespmem:s18+$0x11400]  }
0x3b9: {  	_ = 	snop  }
0x3ba: {  	s15 =	sadd.s32 $0x10, s17  }
0x3bb: {  	v17 =	vand.u32 $0xFFFF0000, v13;
	v18 =	vld [tilespmem:s15+$0x0]  }
0x3bc: {  	v56 =	vshll.u32 v13, $0x10;
	v19 =	vand.u32 $0xFFFF0000, v14;
	v57 =	vshll.u32 v14, $0x10  }
0x3bd: {  	v20 =	vand.u32 $0xFFFF0000, v16;
	v58 =	vshll.u32 v16, $0x10;
	v21 =	vshll.u32 v15, $0x10  }
0x3be: {  	v14 =	vsub.f32 v57, v56;
	v59 =	vand.u32 $0xFFFF0000, v15;
	v21 =	vsub.f32 v21, v58  }
0x3bf: {  	v19 =	vsub.f32 v19, v17;
	v15 =	vsub.f32 v59, v20  }
0x3c0: {  	s14 =	sadd.s32 $0x10, s14;
	v14 =	vmul.f32 v14, v18;
	v21 =	vmul.f32 v21, v18  }
0x3c1: {  	v22 =	vld [tilespmem:s14+$0x0];
	v19 =	vmul.f32 v19, v18;
	v15 =	vmul.f32 v15, v18  }
0x3c2: {  	v13 =	vadd.f32 v56, v14;
	v60 =	vadd.f32 v58, v21  }
0x3c3: {  	s13 =	sadd.s32 $0x200, s13;
	v61 =	vadd.f32 v17, v19;
	v15 =	vadd.f32 v20, v15  }
0x3c4: {  	v10 =	vor.u32 s13, v10;
	v14 =	vsub.f32 v60, v13  }
0x3c5: {  	v10 =	vand.u32 v11, v10;
	v15 =	vsub.f32 v15, v61  }
0x3c6: {  	v12 =	vor.u32 s13, v12;
	v11 =	vmul.f32 v14, v22  }
0x3c7: {  	v62 =	vmul.f32 v15, v22  }
0x3c8: {  	v11 =	vadd.f32 v11, v13  }
0x3c9: {  	v63 =	vadd.f32 v62, v61  }
0x3ca: {  	[tilespmem:v10+s0+$0x0] =	vst.idx.msk $0xffff, v11  }
0x3cb: {  	[tilespmem:v12+s0+$0x0] =	vst.idx.msk $0xffff, v63  }
0x3cc: {  	s16 =	simm.s32 $0x400;
	v11 =	vld [tilespmem:s9+$0x0]  }
0x3cd: {  	v10 =	vld [tilespmem:s16+$0x0]  }
0x3ce: {  	s17 =	simm.s32 $0x12410;
	s18 =	simm.s32 $0xE810  }
0x3cf: {  	s13 =	simm.s32 $0xE800;
	s15 =	simm.s32 $0x11C00;
	s14 =	simm.s32 $0x0  }
.LBB2_29:
0x3d0: {  	s9 =	sadd.s32 $0x10, s9;
	s16 =	sadd.s32 $0x10, s16;
	s11 =	sadd.s32 $0x10, s11  }
0x3d1: {  	p0 =	sne.s32 s12, $0x3F0;
	s19 =	smov.u32 s12;
	s12 =	sadd.s32 $0x10, s12;
	v11 =	vmul.f32 $2.765000000e+02, v11  }
0x3d2: {  	v10 =	vmul.f32 $2.765000000e+02, v10  }
0x3d3: {  	v11 =	vadd.f32 $2.765000000e+02, v11  }
0x3d4: {  	v10 =	vadd.f32 $2.765000000e+02, v10  }
0x3d5: {  	v12 =	vtrunc.f32 v11  }
0x3d6: {  	v12 =	vcvt.f32.s32 v12;
	v13 =	vtrunc.f32 v10  }
0x3d7: {  	v13 =	vcvt.f32.s32 v13  }
0x3d8: {  	v14 =	vcvt.s32.f32 v12  }
0x3d9: {  	v12 =	vmul.u32 $0x9E3779B1, v12;
	v15 =	vcvt.s32.f32 v13;
	v13 =	vmul.u32 $0x30025795, v13  }
0x3da: {  	v11 =	vsub.f32 v11, v14  }
0x3db: {  	v10 =	vsub.f32 v10, v15;
	v14 =	vadd.s32 $0x30025795, v13;
	v15 =	vxor.u32 v12, v13  }
0x3dc: {  	[tilespmem:s15+$0x0] =	vst v11;
	v11 =	vadd.s32 $0x9E3779B1, v12;
	v15 =	vand.u32 $0x7FFFF, v15;
	v12 =	vxor.u32 v12, v14;
	s15 =	smov.u32 s11  }
0x3dd: {  	[tilespmem:s10+$0x0] =	vst v10;
	v10 =	vor.u32 $0x580000, v15;
	v13 =	vxor.u32 v13, v11;
	v12 =	vand.u32 $0x7FFFF, v12;
	s10 =	smov.u32 s17  }
0x3de: {  	s21 =	sand.u32 $0x3F0, s14;
	s14 =	smov.u32 s19;
	v11 =	vxor.u32 v11, v14;
	[tilespmem:s13+$0x0] =	vst v10;
	v10 =	vand.u32 $0x7FFFF, v13;
	v12 =	vor.u32 $0x580000, v12;
	s13 =	smov.u32 s18  }
0x3df: {  	v11 =	vand.u32 $0x7FFFF, v11;
	v10 =	vor.u32 $0x580000, v10;
	[tilespmem:s21+$0xF000] =	vst v12  }
0x3e0: {  	[tilespmem:s21+$0xEC00] =	vst v10;
	v10 =	vor.u32 $0x580000, v11  }
.Ltmp13:
0x3e1: {  	[tilespmem:s21+$0xF400] =	vst v10;
	(pc) =	sbr.rel @p0 .LBB2_29-.Ltmp13, $3  }
0x3e2: {  	v11 =	vld [tilespmem:s9+$0x0]  }
0x3e3: {  	v10 =	vld [tilespmem:s16+$0x0];
	_ =	sdelay $0x1  }
0x3e4: {  	s17 =	sadd.s32 $0x10, s17;
	s18 =	sadd.s32 $0x10, s18  }
0x3e5: {  	_ = 	snop  }
0x3e6: {  	v11 =	vmul.f32 $2.765000000e+02, v11  }
0x3e7: {  	v10 =	vmul.f32 $2.765000000e+02, v10  }
0x3e8: {  	v11 =	vadd.f32 $2.765000000e+02, v11  }
0x3e9: {  	v10 =	vadd.f32 $2.765000000e+02, v10  }
0x3ea: {  	v12 =	vtrunc.f32 v11  }
0x3eb: {  	v12 =	vcvt.f32.s32 v12;
	v13 =	vtrunc.f32 v10  }
0x3ec: {  	v13 =	vcvt.f32.s32 v13  }
0x3ed: {  	v14 =	vcvt.s32.f32 v12  }
0x3ee: {  	v12 =	vmul.u32 $0x9E3779B1, v12;
	v15 =	vcvt.s32.f32 v13;
	v13 =	vmul.u32 $0x30025795, v13  }
0x3ef: {  	v11 =	vsub.f32 v11, v14  }
0x3f0: {  	v10 =	vsub.f32 v10, v15;
	v14 =	vadd.s32 $0x30025795, v13;
	v15 =	vxor.u32 v12, v13  }
0x3f1: {  	[tilespmem:s15+$0x0] =	vst v11;
	v11 =	vadd.s32 $0x9E3779B1, v12;
	v15 =	vand.u32 $0x7FFFF, v15;
	v12 =	vxor.u32 v12, v14  }
0x3f2: {  	[tilespmem:s10+$0x0] =	vst v10;
	v10 =	vor.u32 $0x580000, v15;
	v13 =	vxor.u32 v13, v11;
	v12 =	vand.u32 $0x7FFFF, v12  }
0x3f3: {  	s9 =	sand.u32 $0x3F0, s14;
	v11 =	vxor.u32 v11, v14;
	[tilespmem:s13+$0x0] =	vst v10;
	v10 =	vand.u32 $0x7FFFF, v13;
	v12 =	vor.u32 $0x580000, v12  }
0x3f4: {  	v11 =	vand.u32 $0x7FFFF, v11;
	v10 =	vor.u32 $0x580000, v10;
	[tilespmem:s9+$0xF000] =	vst v12  }
0x3f5: {  	[tilespmem:s9+$0xEC00] =	vst v10;
	v10 =	vor.u32 $0x580000, v11  }
0x3f6: {  	[tilespmem:s9+$0xF400] =	vst v10  }
0x3f7: {  	[tilespmem:s30], [sflag:$0x2] =	stream.indirect.gather [hbm4b:s6+s24], $0x1, s26, s24, $0xb8;
	[tilespmem:$0x1A800] =	vst v63  }
0x3f8: {  	_ =	swait.ge [sflag:s29], $0x1000  }
0x3f9: {  	[sflag:s29] =	ssyncset.done $0x0  }
0x3fa: {  	s18 =	simm.s32 $0xF800;
	s9 =	simm.s32 $0x0;
	[sflag:s29] =	ssyncadd.s32 $0xFFFFF000  }
0x3fb: {  	s19 =	sand.u32 $0x3F0, s9;
	v10 =	vld [tilespmem:s18+$0x0]  }
0x3fc: {  	v11 =	vld [tilespmem:s19+$0xFC00]  }
0x3fd: {  	v12 =	vld [tilespmem:s19+$0x10000]  }
0x3fe: {  	v13 =	vld [tilespmem:s19+$0x10400];
	_ =	sdelay $0x1  }
0x3ff: {  	s11 =	simm.s32 $0x11800  }
0x400: {  	v15 =	vld [tilespmem:s11+$0x0];
	v14 =	vand.u32 $0xFFFF0000, v10  }
0x401: {  	v16 =	vand.u32 $0xFFFF0000, v11;
	v10 =	vshll.u32 v10, $0x10;
	v17 =	vand.u32 $0xFFFF0000, v12  }
0x402: {  	v11 =	vshll.u32 v11, $0x10;
	v12 =	vshll.u32 v12, $0x10;
	v18 =	vshll.u32 v13, $0x10  }
0x403: {  	v13 =	vand.u32 $0xFFFF0000, v13;
	v11 =	vsub.f32 v11, v10;
	v18 =	vsub.f32 v18, v12  }
0x404: {  	v16 =	vsub.f32 v16, v14;
	v13 =	vsub.f32 v13, v17  }
0x405: {  	s10 =	simm.s32 $0x12000;
	v11 =	vmul.f32 v11, v15;
	v18 =	vmul.f32 v18, v15  }
0x406: {  	v19 =	vld [tilespmem:s10+$0x0];
	v16 =	vmul.f32 v16, v15;
	v13 =	vmul.f32 v13, v15  }
0x407: {  	v15 =	vadd.f32 v10, v11;
	v11 =	vadd.f32 v12, v18  }
0x408: {  	v14 =	vadd.f32 v14, v16;
	v12 =	vadd.f32 v17, v13;
	v10 =	vor.u32 $0x14, v0  }
0x409: {  	v16 =	vor.u32 s9, v10;
	v13 =	vsub.f32 v11, v15;
	v11 =	vor.u32 $0xFFFFFF94, v1  }
0x40a: {  	v17 =	vsub.f32 v12, v14;
	v12 =	vor.u32 $0x15, v0;
	v16 =	vand.u32 v11, v16  }
0x40b: {  	v18 =	vor.u32 s9, v12;
	v13 =	vmul.f32 v13, v19  }
0x40c: {  	v17 =	vmul.f32 v17, v19  }
0x40d: {  	v13 =	vadd.f32 v13, v15  }
0x40e: {  	v14 =	vadd.f32 v17, v14  }
0x40f: {  	[tilespmem:v16+s0+$0x0] =	vst.idx.msk $0xffff, v13  }
0x410: {  	s12 =	simm.s32 $0x10;
	s15 =	simm.s32 $0xF810;
	[tilespmem:v18+s0+$0x0] =	vst.idx.msk $0xffff, v14  }
0x411: {  	s21 =	sand.u32 $0x3F0, s12;
	v13 =	vld [tilespmem:s15+$0x0]  }
0x412: {  	v14 =	vld [tilespmem:s21+$0xFC00]  }
0x413: {  	s16 =	simm.s32 $0x20;
	v16 =	vld [tilespmem:s21+$0x10000]  }
0x414: {  	s17 =	simm.s32 $0x11800;
	s14 =	simm.s32 $0x12000;
	s13 =	simm.s32 $0x0;
	v15 =	vld [tilespmem:s21+$0x10400]  }
.LBB2_31:
0x415: {  	p0 =	sne.s32 s16, $0x3F0  }
0x416: {  	s17 =	sadd.s32 $0x10, s17;
	v17 =	vand.u32 $0xFFFF0000, v13  }
0x417: {  	v18 =	vld [tilespmem:s17+$0x0];
	v19 =	vand.u32 $0xFFFF0000, v14  }
0x418: {  	v13 =	vshll.u32 v13, $0x10;
	v20 =	vand.u32 $0xFFFF0000, v16  }
0x419: {  	v14 =	vshll.u32 v14, $0x10;
	v16 =	vshll.u32 v16, $0x10;
	v21 =	vshll.u32 v15, $0x10  }
0x41a: {  	v14 =	vsub.f32 v14, v13;
	v15 =	vand.u32 $0xFFFF0000, v15;
	v21 =	vsub.f32 v21, v16  }
0x41b: {  	v19 =	vsub.f32 v19, v17;
	v15 =	vsub.f32 v15, v20  }
0x41c: {  	s14 =	sadd.s32 $0x10, s14;
	v14 =	vmul.f32 v14, v18;
	v21 =	vmul.f32 v21, v18  }
0x41d: {  	v19 =	vmul.f32 v19, v18;
	v15 =	vmul.f32 v15, v18;
	v22 =	vld [tilespmem:s14+$0x0]  }
0x41e: {  	v13 =	vadd.f32 v13, v14;
	v14 =	vadd.f32 v16, v21  }
0x41f: {  	s13 =	sadd.s32 $0x200, s13;
	v16 =	vadd.f32 v17, v19;
	v15 =	vadd.f32 v20, v15  }
0x420: {  	v17 =	vor.u32 s13, v10;
	v14 =	vsub.f32 v14, v13  }
0x421: {  	v17 =	vand.u32 v11, v17;
	v15 =	vsub.f32 v15, v16  }
0x422: {  	v18 =	vor.u32 s13, v12;
	v14 =	vmul.f32 v14, v22  }
0x423: {  	v15 =	vmul.f32 v15, v22  }
0x424: {  	v13 =	vadd.f32 v14, v13  }
0x425: {  	v14 =	vadd.f32 v15, v16  }
0x426: {  	[tilespmem:v17+s0+$0x0] =	vst.idx.msk $0xffff, v13  }
.Ltmp14:
0x427: {  	s15 =	sadd.s32 $0x10, s15;
	[tilespmem:v18+s0+$0x0] =	vst.idx.msk $0xffff, v14;
	(pc) =	sbr.rel @p0 .LBB2_31-.Ltmp14, $4  }
0x428: {  	s18 =	sand.u32 $0x3F0, s16;
	v13 =	vld [tilespmem:s15+$0x0]  }
0x429: {  	v14 =	vld [tilespmem:s18+$0xFC00]  }
0x42a: {  	v16 =	vld [tilespmem:s18+$0x10000]  }
0x42b: {  	s16 =	sadd.s32 $0x10, s16;
	v15 =	vld [tilespmem:s18+$0x10400]  }
0x42c: {  	_ = 	snop  }
0x42d: {  	s15 =	sadd.s32 $0x10, s17  }
0x42e: {  	v17 =	vand.u32 $0xFFFF0000, v13;
	v18 =	vld [tilespmem:s15+$0x0]  }
0x42f: {  	v56 =	vshll.u32 v13, $0x10;
	v19 =	vand.u32 $0xFFFF0000, v14;
	v57 =	vshll.u32 v14, $0x10  }
0x430: {  	v20 =	vand.u32 $0xFFFF0000, v16;
	v58 =	vshll.u32 v16, $0x10;
	v21 =	vshll.u32 v15, $0x10  }
0x431: {  	v14 =	vsub.f32 v57, v56;
	v59 =	vand.u32 $0xFFFF0000, v15;
	v21 =	vsub.f32 v21, v58  }
0x432: {  	v19 =	vsub.f32 v19, v17;
	v15 =	vsub.f32 v59, v20  }
0x433: {  	s14 =	sadd.s32 $0x10, s14;
	v14 =	vmul.f32 v14, v18;
	v21 =	vmul.f32 v21, v18  }
0x434: {  	v22 =	vld [tilespmem:s14+$0x0];
	v19 =	vmul.f32 v19, v18;
	v15 =	vmul.f32 v15, v18  }
0x435: {  	v13 =	vadd.f32 v56, v14;
	v60 =	vadd.f32 v58, v21  }
0x436: {  	s13 =	sadd.s32 $0x200, s13;
	v61 =	vadd.f32 v17, v19;
	v15 =	vadd.f32 v20, v15  }
0x437: {  	v10 =	vor.u32 s13, v10;
	v14 =	vsub.f32 v60, v13  }
0x438: {  	v10 =	vand.u32 v11, v10;
	v15 =	vsub.f32 v15, v61  }
0x439: {  	v12 =	vor.u32 s13, v12;
	v11 =	vmul.f32 v14, v22  }
0x43a: {  	v62 =	vmul.f32 v15, v22  }
0x43b: {  	v11 =	vadd.f32 v11, v13  }
0x43c: {  	v63 =	vadd.f32 v62, v61  }
0x43d: {  	[tilespmem:v10+s0+$0x0] =	vst.idx.msk $0xffff, v11  }
0x43e: {  	[tilespmem:v12+s0+$0x0] =	vst.idx.msk $0xffff, v63  }
0x43f: {  	s16 =	simm.s32 $0x400;
	v11 =	vld [tilespmem:s9+$0x0]  }
0x440: {  	v10 =	vld [tilespmem:s16+$0x0]  }
0x441: {  	s17 =	simm.s32 $0x12010;
	s18 =	simm.s32 $0xD810  }
0x442: {  	s13 =	simm.s32 $0xD800;
	s15 =	simm.s32 $0x11800;
	s14 =	simm.s32 $0x0  }
.LBB2_33:
0x443: {  	s9 =	sadd.s32 $0x10, s9;
	s16 =	sadd.s32 $0x10, s16;
	s11 =	sadd.s32 $0x10, s11  }
0x444: {  	p0 =	sne.s32 s12, $0x3F0;
	s19 =	smov.u32 s12;
	s12 =	sadd.s32 $0x10, s12;
	v11 =	vmul.f32 $3.815000000e+02, v11  }
0x445: {  	v10 =	vmul.f32 $3.815000000e+02, v10  }
0x446: {  	v11 =	vadd.f32 $3.815000000e+02, v11  }
0x447: {  	v10 =	vadd.f32 $3.815000000e+02, v10  }
0x448: {  	v12 =	vtrunc.f32 v11  }
0x449: {  	v12 =	vcvt.f32.s32 v12;
	v13 =	vtrunc.f32 v10  }
0x44a: {  	v13 =	vcvt.f32.s32 v13  }
0x44b: {  	v14 =	vcvt.s32.f32 v12  }
0x44c: {  	v12 =	vmul.u32 $0x9E3779B1, v12;
	v15 =	vcvt.s32.f32 v13;
	v13 =	vmul.u32 $0x30025795, v13  }
0x44d: {  	v11 =	vsub.f32 v11, v14  }
0x44e: {  	v10 =	vsub.f32 v10, v15;
	v14 =	vadd.s32 $0x30025795, v13;
	v15 =	vxor.u32 v12, v13  }
0x44f: {  	[tilespmem:s15+$0x0] =	vst v11;
	v11 =	vadd.s32 $0x9E3779B1, v12;
	v15 =	vand.u32 $0x7FFFF, v15;
	v12 =	vxor.u32 v12, v14;
	s15 =	smov.u32 s11  }
0x450: {  	[tilespmem:s10+$0x0] =	vst v10;
	v10 =	vor.u32 $0x600000, v15;
	v13 =	vxor.u32 v13, v11;
	v12 =	vand.u32 $0x7FFFF, v12;
	s10 =	smov.u32 s17  }
0x451: {  	s21 =	sand.u32 $0x3F0, s14;
	s14 =	smov.u32 s19;
	v11 =	vxor.u32 v11, v14;
	[tilespmem:s13+$0x0] =	vst v10;
	v10 =	vand.u32 $0x7FFFF, v13;
	v12 =	vor.u32 $0x600000, v12;
	s13 =	smov.u32 s18  }
0x452: {  	v11 =	vand.u32 $0x7FFFF, v11;
	v10 =	vor.u32 $0x600000, v10;
	[tilespmem:s21+$0xE000] =	vst v12  }
0x453: {  	[tilespmem:s21+$0xDC00] =	vst v10;
	v10 =	vor.u32 $0x600000, v11  }
.Ltmp15:
0x454: {  	[tilespmem:s21+$0xE400] =	vst v10;
	(pc) =	sbr.rel @p0 .LBB2_33-.Ltmp15, $3  }
0x455: {  	v11 =	vld [tilespmem:s9+$0x0]  }
0x456: {  	v10 =	vld [tilespmem:s16+$0x0];
	_ =	sdelay $0x1  }
0x457: {  	s17 =	sadd.s32 $0x10, s17;
	s18 =	sadd.s32 $0x10, s18  }
0x458: {  	_ = 	snop  }
0x459: {  	v11 =	vmul.f32 $3.815000000e+02, v11  }
0x45a: {  	v10 =	vmul.f32 $3.815000000e+02, v10  }
0x45b: {  	v11 =	vadd.f32 $3.815000000e+02, v11  }
0x45c: {  	v10 =	vadd.f32 $3.815000000e+02, v10  }
0x45d: {  	v12 =	vtrunc.f32 v11  }
0x45e: {  	v12 =	vcvt.f32.s32 v12;
	v13 =	vtrunc.f32 v10  }
0x45f: {  	v13 =	vcvt.f32.s32 v13  }
0x460: {  	v14 =	vcvt.s32.f32 v12  }
0x461: {  	v12 =	vmul.u32 $0x9E3779B1, v12;
	v15 =	vcvt.s32.f32 v13;
	v13 =	vmul.u32 $0x30025795, v13  }
0x462: {  	v11 =	vsub.f32 v11, v14  }
0x463: {  	v10 =	vsub.f32 v10, v15;
	v14 =	vadd.s32 $0x30025795, v13;
	v15 =	vxor.u32 v12, v13  }
0x464: {  	[tilespmem:s15+$0x0] =	vst v11;
	v11 =	vadd.s32 $0x9E3779B1, v12;
	v15 =	vand.u32 $0x7FFFF, v15;
	v12 =	vxor.u32 v12, v14  }
0x465: {  	[tilespmem:s10+$0x0] =	vst v10;
	v10 =	vor.u32 $0x600000, v15;
	v13 =	vxor.u32 v13, v11;
	v12 =	vand.u32 $0x7FFFF, v12  }
0x466: {  	s9 =	sand.u32 $0x3F0, s14;
	v11 =	vxor.u32 v11, v14;
	[tilespmem:s13+$0x0] =	vst v10;
	v10 =	vand.u32 $0x7FFFF, v13;
	v12 =	vor.u32 $0x600000, v12  }
0x467: {  	v11 =	vand.u32 $0x7FFFF, v11;
	v10 =	vor.u32 $0x600000, v10;
	[tilespmem:s9+$0xE000] =	vst v12  }
0x468: {  	[tilespmem:s9+$0xDC00] =	vst v10;
	v10 =	vor.u32 $0x600000, v11  }
0x469: {  	[tilespmem:s9+$0xE400] =	vst v10  }
0x46a: {  	[tilespmem:s28], [sflag:$0x1] =	stream.indirect.gather [hbm4b:s6+s24], $0x1, s22, s24, $0xb8;
	[tilespmem:$0x1A800] =	vst v63  }
0x46b: {  	_ =	swait.ge [sflag:s31], $0x1000  }
0x46c: {  	[sflag:s31] =	ssyncset.done $0x0  }
0x46d: {  	s18 =	simm.s32 $0x10800;
	s9 =	simm.s32 $0x0;
	[sflag:s31] =	ssyncadd.s32 $0xFFFFF000  }
0x46e: {  	s19 =	sand.u32 $0x3F0, s9;
	v10 =	vld [tilespmem:s18+$0x0]  }
0x46f: {  	v11 =	vld [tilespmem:s19+$0x10C00]  }
0x470: {  	v12 =	vld [tilespmem:s19+$0x11000]  }
0x471: {  	v13 =	vld [tilespmem:s19+$0x11400];
	_ =	sdelay $0x1  }
0x472: {  	s11 =	simm.s32 $0x11C00  }
0x473: {  	v15 =	vld [tilespmem:s11+$0x0];
	v14 =	vand.u32 $0xFFFF0000, v10  }
0x474: {  	v16 =	vand.u32 $0xFFFF0000, v11;
	v10 =	vshll.u32 v10, $0x10;
	v17 =	vand.u32 $0xFFFF0000, v12  }
0x475: {  	v11 =	vshll.u32 v11, $0x10;
	v12 =	vshll.u32 v12, $0x10;
	v18 =	vshll.u32 v13, $0x10  }
0x476: {  	v13 =	vand.u32 $0xFFFF0000, v13;
	v11 =	vsub.f32 v11, v10;
	v18 =	vsub.f32 v18, v12  }
0x477: {  	v16 =	vsub.f32 v16, v14;
	v13 =	vsub.f32 v13, v17  }
0x478: {  	s10 =	simm.s32 $0x12400;
	v11 =	vmul.f32 v11, v15;
	v18 =	vmul.f32 v18, v15  }
0x479: {  	v19 =	vld [tilespmem:s10+$0x0];
	v16 =	vmul.f32 v16, v15;
	v13 =	vmul.f32 v13, v15  }
0x47a: {  	v15 =	vadd.f32 v10, v11;
	v11 =	vadd.f32 v12, v18  }
0x47b: {  	v14 =	vadd.f32 v14, v16;
	v12 =	vadd.f32 v17, v13;
	v10 =	vor.u32 $0x16, v0  }
0x47c: {  	v16 =	vor.u32 s9, v10;
	v13 =	vsub.f32 v11, v15;
	v11 =	vor.u32 $0xFFFFFF96, v1  }
0x47d: {  	v17 =	vsub.f32 v12, v14;
	v12 =	vor.u32 $0x17, v0;
	v16 =	vand.u32 v11, v16  }
0x47e: {  	v18 =	vor.u32 s9, v12;
	v13 =	vmul.f32 v13, v19  }
0x47f: {  	v17 =	vmul.f32 v17, v19  }
0x480: {  	v13 =	vadd.f32 v13, v15  }
0x481: {  	v14 =	vadd.f32 v17, v14  }
0x482: {  	[tilespmem:v16+s0+$0x0] =	vst.idx.msk $0xffff, v13  }
0x483: {  	s12 =	simm.s32 $0x10;
	s15 =	simm.s32 $0x10810;
	[tilespmem:v18+s0+$0x0] =	vst.idx.msk $0xffff, v14  }
0x484: {  	s21 =	sand.u32 $0x3F0, s12;
	v13 =	vld [tilespmem:s15+$0x0]  }
0x485: {  	v14 =	vld [tilespmem:s21+$0x10C00]  }
0x486: {  	s16 =	simm.s32 $0x20;
	v16 =	vld [tilespmem:s21+$0x11000]  }
0x487: {  	s17 =	simm.s32 $0x11C00;
	s14 =	simm.s32 $0x12400;
	s13 =	simm.s32 $0x0;
	v15 =	vld [tilespmem:s21+$0x11400]  }
.LBB2_35:
0x488: {  	p0 =	sne.s32 s16, $0x3F0  }
0x489: {  	s17 =	sadd.s32 $0x10, s17;
	v17 =	vand.u32 $0xFFFF0000, v13  }
0x48a: {  	v18 =	vld [tilespmem:s17+$0x0];
	v19 =	vand.u32 $0xFFFF0000, v14  }
0x48b: {  	v13 =	vshll.u32 v13, $0x10;
	v20 =	vand.u32 $0xFFFF0000, v16  }
0x48c: {  	v14 =	vshll.u32 v14, $0x10;
	v16 =	vshll.u32 v16, $0x10;
	v21 =	vshll.u32 v15, $0x10  }
0x48d: {  	v14 =	vsub.f32 v14, v13;
	v15 =	vand.u32 $0xFFFF0000, v15;
	v21 =	vsub.f32 v21, v16  }
0x48e: {  	v19 =	vsub.f32 v19, v17;
	v15 =	vsub.f32 v15, v20  }
0x48f: {  	s14 =	sadd.s32 $0x10, s14;
	v14 =	vmul.f32 v14, v18;
	v21 =	vmul.f32 v21, v18  }
0x490: {  	v19 =	vmul.f32 v19, v18;
	v15 =	vmul.f32 v15, v18;
	v22 =	vld [tilespmem:s14+$0x0]  }
0x491: {  	v13 =	vadd.f32 v13, v14;
	v14 =	vadd.f32 v16, v21  }
0x492: {  	s13 =	sadd.s32 $0x200, s13;
	v16 =	vadd.f32 v17, v19;
	v15 =	vadd.f32 v20, v15  }
0x493: {  	v17 =	vor.u32 s13, v10;
	v14 =	vsub.f32 v14, v13  }
0x494: {  	v17 =	vand.u32 v11, v17;
	v15 =	vsub.f32 v15, v16  }
0x495: {  	v18 =	vor.u32 s13, v12;
	v14 =	vmul.f32 v14, v22  }
0x496: {  	v15 =	vmul.f32 v15, v22  }
0x497: {  	v13 =	vadd.f32 v14, v13  }
0x498: {  	v14 =	vadd.f32 v15, v16  }
0x499: {  	[tilespmem:v17+s0+$0x0] =	vst.idx.msk $0xffff, v13  }
.Ltmp16:
0x49a: {  	s15 =	sadd.s32 $0x10, s15;
	[tilespmem:v18+s0+$0x0] =	vst.idx.msk $0xffff, v14;
	(pc) =	sbr.rel @p0 .LBB2_35-.Ltmp16, $4  }
0x49b: {  	s18 =	sand.u32 $0x3F0, s16;
	v13 =	vld [tilespmem:s15+$0x0]  }
0x49c: {  	v14 =	vld [tilespmem:s18+$0x10C00]  }
0x49d: {  	v16 =	vld [tilespmem:s18+$0x11000]  }
0x49e: {  	s16 =	sadd.s32 $0x10, s16;
	v15 =	vld [tilespmem:s18+$0x11400]  }
0x49f: {  	_ = 	snop  }
0x4a0: {  	s15 =	sadd.s32 $0x10, s17  }
0x4a1: {  	v17 =	vand.u32 $0xFFFF0000, v13;
	v18 =	vld [tilespmem:s15+$0x0]  }
0x4a2: {  	v56 =	vshll.u32 v13, $0x10;
	v19 =	vand.u32 $0xFFFF0000, v14;
	v57 =	vshll.u32 v14, $0x10  }
0x4a3: {  	v20 =	vand.u32 $0xFFFF0000, v16;
	v58 =	vshll.u32 v16, $0x10;
	v21 =	vshll.u32 v15, $0x10  }
0x4a4: {  	v14 =	vsub.f32 v57, v56;
	v59 =	vand.u32 $0xFFFF0000, v15;
	v21 =	vsub.f32 v21, v58  }
0x4a5: {  	v19 =	vsub.f32 v19, v17;
	v15 =	vsub.f32 v59, v20  }
0x4a6: {  	s14 =	sadd.s32 $0x10, s14;
	v14 =	vmul.f32 v14, v18;
	v21 =	vmul.f32 v21, v18  }
0x4a7: {  	v22 =	vld [tilespmem:s14+$0x0];
	v19 =	vmul.f32 v19, v18;
	v15 =	vmul.f32 v15, v18  }
0x4a8: {  	v13 =	vadd.f32 v56, v14;
	v60 =	vadd.f32 v58, v21  }
0x4a9: {  	s13 =	sadd.s32 $0x200, s13;
	v61 =	vadd.f32 v17, v19;
	v15 =	vadd.f32 v20, v15  }
0x4aa: {  	v10 =	vor.u32 s13, v10;
	v14 =	vsub.f32 v60, v13  }
0x4ab: {  	v10 =	vand.u32 v11, v10;
	v15 =	vsub.f32 v15, v61  }
0x4ac: {  	v12 =	vor.u32 s13, v12;
	v11 =	vmul.f32 v14, v22  }
0x4ad: {  	v62 =	vmul.f32 v15, v22  }
0x4ae: {  	v11 =	vadd.f32 v11, v13  }
0x4af: {  	v63 =	vadd.f32 v62, v61  }
0x4b0: {  	[tilespmem:v10+s0+$0x0] =	vst.idx.msk $0xffff, v11  }
0x4b1: {  	[tilespmem:v12+s0+$0x0] =	vst.idx.msk $0xffff, v63  }
0x4b2: {  	s16 =	simm.s32 $0x400;
	v11 =	vld [tilespmem:s9+$0x0]  }
0x4b3: {  	v10 =	vld [tilespmem:s16+$0x0]  }
0x4b4: {  	s17 =	simm.s32 $0x12410;
	s18 =	simm.s32 $0xE810  }
0x4b5: {  	s13 =	simm.s32 $0xE800;
	s15 =	simm.s32 $0x11C00;
	s14 =	simm.s32 $0x0  }
.LBB2_37:
0x4b6: {  	s9 =	sadd.s32 $0x10, s9;
	s16 =	sadd.s32 $0x10, s16;
	s11 =	sadd.s32 $0x10, s11  }
0x4b7: {  	p0 =	sne.s32 s12, $0x3F0;
	s19 =	smov.u32 s12;
	s12 =	sadd.s32 $0x10, s12;
	v11 =	vmul.f32 $5.265000000e+02, v11  }
0x4b8: {  	v10 =	vmul.f32 $5.265000000e+02, v10  }
0x4b9: {  	v11 =	vadd.f32 $5.265000000e+02, v11  }
0x4ba: {  	v10 =	vadd.f32 $5.265000000e+02, v10  }
0x4bb: {  	v12 =	vtrunc.f32 v11  }
0x4bc: {  	v12 =	vcvt.f32.s32 v12;
	v13 =	vtrunc.f32 v10  }
0x4bd: {  	v13 =	vcvt.f32.s32 v13  }
0x4be: {  	v14 =	vcvt.s32.f32 v12  }
0x4bf: {  	v12 =	vmul.u32 $0x9E3779B1, v12;
	v15 =	vcvt.s32.f32 v13;
	v13 =	vmul.u32 $0x30025795, v13  }
0x4c0: {  	v11 =	vsub.f32 v11, v14  }
0x4c1: {  	v10 =	vsub.f32 v10, v15;
	v14 =	vadd.s32 $0x30025795, v13;
	v15 =	vxor.u32 v12, v13  }
0x4c2: {  	[tilespmem:s15+$0x0] =	vst v11;
	v11 =	vadd.s32 $0x9E3779B1, v12;
	v15 =	vand.u32 $0x7FFFF, v15;
	v12 =	vxor.u32 v12, v14;
	s15 =	smov.u32 s11  }
0x4c3: {  	[tilespmem:s10+$0x0] =	vst v10;
	v10 =	vor.u32 $0x680000, v15;
	v13 =	vxor.u32 v13, v11;
	v12 =	vand.u32 $0x7FFFF, v12;
	s10 =	smov.u32 s17  }
0x4c4: {  	s21 =	sand.u32 $0x3F0, s14;
	s14 =	smov.u32 s19;
	v11 =	vxor.u32 v11, v14;
	[tilespmem:s13+$0x0] =	vst v10;
	v10 =	vand.u32 $0x7FFFF, v13;
	v12 =	vor.u32 $0x680000, v12;
	s13 =	smov.u32 s18  }
0x4c5: {  	v11 =	vand.u32 $0x7FFFF, v11;
	v10 =	vor.u32 $0x680000, v10;
	[tilespmem:s21+$0xF000] =	vst v12  }
0x4c6: {  	[tilespmem:s21+$0xEC00] =	vst v10;
	v10 =	vor.u32 $0x680000, v11  }
.Ltmp17:
0x4c7: {  	[tilespmem:s21+$0xF400] =	vst v10;
	(pc) =	sbr.rel @p0 .LBB2_37-.Ltmp17, $3  }
0x4c8: {  	v11 =	vld [tilespmem:s9+$0x0]  }
0x4c9: {  	v10 =	vld [tilespmem:s16+$0x0];
	_ =	sdelay $0x1  }
0x4ca: {  	s17 =	sadd.s32 $0x10, s17;
	s18 =	sadd.s32 $0x10, s18  }
0x4cb: {  	_ = 	snop  }
0x4cc: {  	v11 =	vmul.f32 $5.265000000e+02, v11  }
0x4cd: {  	v10 =	vmul.f32 $5.265000000e+02, v10  }
0x4ce: {  	v11 =	vadd.f32 $5.265000000e+02, v11  }
0x4cf: {  	v10 =	vadd.f32 $5.265000000e+02, v10  }
0x4d0: {  	v12 =	vtrunc.f32 v11  }
0x4d1: {  	v12 =	vcvt.f32.s32 v12;
	v13 =	vtrunc.f32 v10  }
0x4d2: {  	v13 =	vcvt.f32.s32 v13  }
0x4d3: {  	v14 =	vcvt.s32.f32 v12  }
0x4d4: {  	v12 =	vmul.u32 $0x9E3779B1, v12;
	v15 =	vcvt.s32.f32 v13;
	v13 =	vmul.u32 $0x30025795, v13  }
0x4d5: {  	v11 =	vsub.f32 v11, v14  }
0x4d6: {  	v10 =	vsub.f32 v10, v15;
	v14 =	vadd.s32 $0x30025795, v13;
	v15 =	vxor.u32 v12, v13  }
0x4d7: {  	[tilespmem:s15+$0x0] =	vst v11;
	v11 =	vadd.s32 $0x9E3779B1, v12;
	v15 =	vand.u32 $0x7FFFF, v15;
	v12 =	vxor.u32 v12, v14  }
0x4d8: {  	[tilespmem:s10+$0x0] =	vst v10;
	v10 =	vor.u32 $0x680000, v15;
	v13 =	vxor.u32 v13, v11;
	v12 =	vand.u32 $0x7FFFF, v12  }
0x4d9: {  	s9 =	sand.u32 $0x3F0, s14;
	v11 =	vxor.u32 v11, v14;
	[tilespmem:s13+$0x0] =	vst v10;
	v10 =	vand.u32 $0x7FFFF, v13;
	v12 =	vor.u32 $0x680000, v12  }
0x4da: {  	v11 =	vand.u32 $0x7FFFF, v11;
	v10 =	vor.u32 $0x680000, v10;
	[tilespmem:s9+$0xF000] =	vst v12  }
0x4db: {  	[tilespmem:s9+$0xEC00] =	vst v10;
	v10 =	vor.u32 $0x680000, v11  }
0x4dc: {  	[tilespmem:s9+$0xF400] =	vst v10  }
0x4dd: {  	[tilespmem:s30], [sflag:$0x2] =	stream.indirect.gather [hbm4b:s6+s24], $0x1, s26, s24, $0xb8;
	[tilespmem:$0x1A800] =	vst v63  }
0x4de: {  	_ =	swait.ge [sflag:s29], $0x1000  }
0x4df: {  	[sflag:s29] =	ssyncset.done $0x0  }
0x4e0: {  	s18 =	simm.s32 $0xF800;
	s9 =	simm.s32 $0x0;
	[sflag:s29] =	ssyncadd.s32 $0xFFFFF000  }
0x4e1: {  	s19 =	sand.u32 $0x3F0, s9;
	v10 =	vld [tilespmem:s18+$0x0]  }
0x4e2: {  	v11 =	vld [tilespmem:s19+$0xFC00]  }
0x4e3: {  	v12 =	vld [tilespmem:s19+$0x10000]  }
0x4e4: {  	v13 =	vld [tilespmem:s19+$0x10400];
	_ =	sdelay $0x1  }
0x4e5: {  	s11 =	simm.s32 $0x11800  }
0x4e6: {  	v15 =	vld [tilespmem:s11+$0x0];
	v14 =	vand.u32 $0xFFFF0000, v10  }
0x4e7: {  	v16 =	vand.u32 $0xFFFF0000, v11;
	v10 =	vshll.u32 v10, $0x10;
	v17 =	vand.u32 $0xFFFF0000, v12  }
0x4e8: {  	v11 =	vshll.u32 v11, $0x10;
	v12 =	vshll.u32 v12, $0x10;
	v18 =	vshll.u32 v13, $0x10  }
0x4e9: {  	v13 =	vand.u32 $0xFFFF0000, v13;
	v11 =	vsub.f32 v11, v10;
	v18 =	vsub.f32 v18, v12  }
0x4ea: {  	v16 =	vsub.f32 v16, v14;
	v13 =	vsub.f32 v13, v17  }
0x4eb: {  	s10 =	simm.s32 $0x12000;
	v11 =	vmul.f32 v11, v15;
	v18 =	vmul.f32 v18, v15  }
0x4ec: {  	v19 =	vld [tilespmem:s10+$0x0];
	v16 =	vmul.f32 v16, v15;
	v13 =	vmul.f32 v13, v15  }
0x4ed: {  	v15 =	vadd.f32 v10, v11;
	v11 =	vadd.f32 v12, v18  }
0x4ee: {  	v14 =	vadd.f32 v14, v16;
	v12 =	vadd.f32 v17, v13;
	v10 =	vor.u32 $0x18, v0  }
0x4ef: {  	v16 =	vor.u32 s9, v10;
	v13 =	vsub.f32 v11, v15;
	v11 =	vor.u32 $0xFFFFFF98, v1  }
0x4f0: {  	v17 =	vsub.f32 v12, v14;
	v12 =	vor.u32 $0x19, v0;
	v16 =	vand.u32 v11, v16  }
0x4f1: {  	v18 =	vor.u32 s9, v12;
	v13 =	vmul.f32 v13, v19  }
0x4f2: {  	v17 =	vmul.f32 v17, v19  }
0x4f3: {  	v13 =	vadd.f32 v13, v15  }
0x4f4: {  	v14 =	vadd.f32 v17, v14  }
0x4f5: {  	[tilespmem:v16+s0+$0x0] =	vst.idx.msk $0xffff, v13  }
0x4f6: {  	s12 =	simm.s32 $0x10;
	s15 =	simm.s32 $0xF810;
	[tilespmem:v18+s0+$0x0] =	vst.idx.msk $0xffff, v14  }
0x4f7: {  	s21 =	sand.u32 $0x3F0, s12;
	v13 =	vld [tilespmem:s15+$0x0]  }
0x4f8: {  	v14 =	vld [tilespmem:s21+$0xFC00]  }
0x4f9: {  	s16 =	simm.s32 $0x20;
	v16 =	vld [tilespmem:s21+$0x10000]  }
0x4fa: {  	s17 =	simm.s32 $0x11800;
	s14 =	simm.s32 $0x12000;
	s13 =	simm.s32 $0x0;
	v15 =	vld [tilespmem:s21+$0x10400]  }
.LBB2_39:
0x4fb: {  	p0 =	sne.s32 s16, $0x3F0  }
0x4fc: {  	s17 =	sadd.s32 $0x10, s17;
	v17 =	vand.u32 $0xFFFF0000, v13  }
0x4fd: {  	v18 =	vld [tilespmem:s17+$0x0];
	v19 =	vand.u32 $0xFFFF0000, v14  }
0x4fe: {  	v13 =	vshll.u32 v13, $0x10;
	v20 =	vand.u32 $0xFFFF0000, v16  }
0x4ff: {  	v14 =	vshll.u32 v14, $0x10;
	v16 =	vshll.u32 v16, $0x10;
	v21 =	vshll.u32 v15, $0x10  }
0x500: {  	v14 =	vsub.f32 v14, v13;
	v15 =	vand.u32 $0xFFFF0000, v15;
	v21 =	vsub.f32 v21, v16  }
0x501: {  	v19 =	vsub.f32 v19, v17;
	v15 =	vsub.f32 v15, v20  }
0x502: {  	s14 =	sadd.s32 $0x10, s14;
	v14 =	vmul.f32 v14, v18;
	v21 =	vmul.f32 v21, v18  }
0x503: {  	v19 =	vmul.f32 v19, v18;
	v15 =	vmul.f32 v15, v18;
	v22 =	vld [tilespmem:s14+$0x0]  }
0x504: {  	v13 =	vadd.f32 v13, v14;
	v14 =	vadd.f32 v16, v21  }
0x505: {  	s13 =	sadd.s32 $0x200, s13;
	v16 =	vadd.f32 v17, v19;
	v15 =	vadd.f32 v20, v15  }
0x506: {  	v17 =	vor.u32 s13, v10;
	v14 =	vsub.f32 v14, v13  }
0x507: {  	v17 =	vand.u32 v11, v17;
	v15 =	vsub.f32 v15, v16  }
0x508: {  	v18 =	vor.u32 s13, v12;
	v14 =	vmul.f32 v14, v22  }
0x509: {  	v15 =	vmul.f32 v15, v22  }
0x50a: {  	v13 =	vadd.f32 v14, v13  }
0x50b: {  	v14 =	vadd.f32 v15, v16  }
0x50c: {  	[tilespmem:v17+s0+$0x0] =	vst.idx.msk $0xffff, v13  }
.Ltmp18:
0x50d: {  	s15 =	sadd.s32 $0x10, s15;
	[tilespmem:v18+s0+$0x0] =	vst.idx.msk $0xffff, v14;
	(pc) =	sbr.rel @p0 .LBB2_39-.Ltmp18, $4  }
0x50e: {  	s18 =	sand.u32 $0x3F0, s16;
	v13 =	vld [tilespmem:s15+$0x0]  }
0x50f: {  	v14 =	vld [tilespmem:s18+$0xFC00]  }
0x510: {  	v16 =	vld [tilespmem:s18+$0x10000]  }
0x511: {  	s16 =	sadd.s32 $0x10, s16;
	v15 =	vld [tilespmem:s18+$0x10400]  }
0x512: {  	_ = 	snop  }
0x513: {  	s15 =	sadd.s32 $0x10, s17  }
0x514: {  	v17 =	vand.u32 $0xFFFF0000, v13;
	v18 =	vld [tilespmem:s15+$0x0]  }
0x515: {  	v56 =	vshll.u32 v13, $0x10;
	v19 =	vand.u32 $0xFFFF0000, v14;
	v57 =	vshll.u32 v14, $0x10  }
0x516: {  	v20 =	vand.u32 $0xFFFF0000, v16;
	v58 =	vshll.u32 v16, $0x10;
	v21 =	vshll.u32 v15, $0x10  }
0x517: {  	v14 =	vsub.f32 v57, v56;
	v59 =	vand.u32 $0xFFFF0000, v15;
	v21 =	vsub.f32 v21, v58  }
0x518: {  	v19 =	vsub.f32 v19, v17;
	v15 =	vsub.f32 v59, v20  }
0x519: {  	s14 =	sadd.s32 $0x10, s14;
	v14 =	vmul.f32 v14, v18;
	v21 =	vmul.f32 v21, v18  }
0x51a: {  	v22 =	vld [tilespmem:s14+$0x0];
	v19 =	vmul.f32 v19, v18;
	v15 =	vmul.f32 v15, v18  }
0x51b: {  	v13 =	vadd.f32 v56, v14;
	v60 =	vadd.f32 v58, v21  }
0x51c: {  	s13 =	sadd.s32 $0x200, s13;
	v61 =	vadd.f32 v17, v19;
	v15 =	vadd.f32 v20, v15  }
0x51d: {  	v10 =	vor.u32 s13, v10;
	v14 =	vsub.f32 v60, v13  }
0x51e: {  	v10 =	vand.u32 v11, v10;
	v15 =	vsub.f32 v15, v61  }
0x51f: {  	v12 =	vor.u32 s13, v12;
	v11 =	vmul.f32 v14, v22  }
0x520: {  	v62 =	vmul.f32 v15, v22  }
0x521: {  	v11 =	vadd.f32 v11, v13  }
0x522: {  	v63 =	vadd.f32 v62, v61  }
0x523: {  	[tilespmem:v10+s0+$0x0] =	vst.idx.msk $0xffff, v11  }
0x524: {  	[tilespmem:v12+s0+$0x0] =	vst.idx.msk $0xffff, v63  }
0x525: {  	s16 =	simm.s32 $0x400;
	v11 =	vld [tilespmem:s9+$0x0]  }
0x526: {  	v10 =	vld [tilespmem:s16+$0x0]  }
0x527: {  	s17 =	simm.s32 $0x12010;
	s18 =	simm.s32 $0xD810  }
0x528: {  	s13 =	simm.s32 $0xD800;
	s15 =	simm.s32 $0x11800;
	s14 =	simm.s32 $0x0  }
.LBB2_41:
0x529: {  	s9 =	sadd.s32 $0x10, s9;
	s16 =	sadd.s32 $0x10, s16;
	s11 =	sadd.s32 $0x10, s11  }
0x52a: {  	p0 =	sne.s32 s12, $0x3F0;
	s19 =	smov.u32 s12;
	s12 =	sadd.s32 $0x10, s12;
	v11 =	vmul.f32 $7.265000000e+02, v11  }
0x52b: {  	v10 =	vmul.f32 $7.265000000e+02, v10  }
0x52c: {  	v11 =	vadd.f32 $7.265000000e+02, v11  }
0x52d: {  	v10 =	vadd.f32 $7.265000000e+02, v10  }
0x52e: {  	v12 =	vtrunc.f32 v11  }
0x52f: {  	v12 =	vcvt.f32.s32 v12;
	v13 =	vtrunc.f32 v10  }
0x530: {  	v13 =	vcvt.f32.s32 v13  }
0x531: {  	v14 =	vcvt.s32.f32 v12  }
0x532: {  	v12 =	vmul.u32 $0x9E3779B1, v12;
	v15 =	vcvt.s32.f32 v13;
	v13 =	vmul.u32 $0x30025795, v13  }
0x533: {  	v11 =	vsub.f32 v11, v14  }
0x534: {  	v10 =	vsub.f32 v10, v15;
	v14 =	vadd.s32 $0x30025795, v13;
	v15 =	vxor.u32 v12, v13  }
0x535: {  	[tilespmem:s15+$0x0] =	vst v11;
	v11 =	vadd.s32 $0x9E3779B1, v12;
	v15 =	vand.u32 $0x7FFFF, v15;
	v12 =	vxor.u32 v12, v14;
	s15 =	smov.u32 s11  }
0x536: {  	[tilespmem:s10+$0x0] =	vst v10;
	v10 =	vor.u32 $0x700000, v15;
	v13 =	vxor.u32 v13, v11;
	v12 =	vand.u32 $0x7FFFF, v12;
	s10 =	smov.u32 s17  }
0x537: {  	s21 =	sand.u32 $0x3F0, s14;
	s14 =	smov.u32 s19;
	v11 =	vxor.u32 v11, v14;
	[tilespmem:s13+$0x0] =	vst v10;
	v10 =	vand.u32 $0x7FFFF, v13;
	v12 =	vor.u32 $0x700000, v12;
	s13 =	smov.u32 s18  }
0x538: {  	v11 =	vand.u32 $0x7FFFF, v11;
	v10 =	vor.u32 $0x700000, v10;
	[tilespmem:s21+$0xE000] =	vst v12  }
0x539: {  	[tilespmem:s21+$0xDC00] =	vst v10;
	v10 =	vor.u32 $0x700000, v11  }
.Ltmp19:
0x53a: {  	[tilespmem:s21+$0xE400] =	vst v10;
	(pc) =	sbr.rel @p0 .LBB2_41-.Ltmp19, $3  }
0x53b: {  	v11 =	vld [tilespmem:s9+$0x0]  }
0x53c: {  	v10 =	vld [tilespmem:s16+$0x0];
	_ =	sdelay $0x1  }
0x53d: {  	s17 =	sadd.s32 $0x10, s17;
	s18 =	sadd.s32 $0x10, s18  }
0x53e: {  	_ = 	snop  }
0x53f: {  	v11 =	vmul.f32 $7.265000000e+02, v11  }
0x540: {  	v10 =	vmul.f32 $7.265000000e+02, v10  }
0x541: {  	v11 =	vadd.f32 $7.265000000e+02, v11  }
0x542: {  	v10 =	vadd.f32 $7.265000000e+02, v10  }
0x543: {  	v12 =	vtrunc.f32 v11  }
0x544: {  	v12 =	vcvt.f32.s32 v12;
	v13 =	vtrunc.f32 v10  }
0x545: {  	v13 =	vcvt.f32.s32 v13  }
0x546: {  	v14 =	vcvt.s32.f32 v12  }
0x547: {  	v12 =	vmul.u32 $0x9E3779B1, v12;
	v15 =	vcvt.s32.f32 v13;
	v13 =	vmul.u32 $0x30025795, v13  }
0x548: {  	v11 =	vsub.f32 v11, v14  }
0x549: {  	v10 =	vsub.f32 v10, v15;
	v14 =	vadd.s32 $0x30025795, v13;
	v15 =	vxor.u32 v12, v13  }
0x54a: {  	[tilespmem:s15+$0x0] =	vst v11;
	v11 =	vadd.s32 $0x9E3779B1, v12;
	v15 =	vand.u32 $0x7FFFF, v15;
	v12 =	vxor.u32 v12, v14  }
0x54b: {  	[tilespmem:s10+$0x0] =	vst v10;
	v10 =	vor.u32 $0x700000, v15;
	v13 =	vxor.u32 v13, v11;
	v12 =	vand.u32 $0x7FFFF, v12  }
0x54c: {  	s9 =	sand.u32 $0x3F0, s14;
	v11 =	vxor.u32 v11, v14;
	[tilespmem:s13+$0x0] =	vst v10;
	v10 =	vand.u32 $0x7FFFF, v13;
	v12 =	vor.u32 $0x700000, v12  }
0x54d: {  	v11 =	vand.u32 $0x7FFFF, v11;
	v10 =	vor.u32 $0x700000, v10;
	[tilespmem:s9+$0xE000] =	vst v12  }
0x54e: {  	[tilespmem:s9+$0xDC00] =	vst v10;
	v10 =	vor.u32 $0x700000, v11  }
0x54f: {  	[tilespmem:s9+$0xE400] =	vst v10  }
0x550: {  	[tilespmem:s28], [sflag:$0x1] =	stream.indirect.gather [hbm4b:s6+s24], $0x1, s22, s24, $0xb8;
	[tilespmem:$0x1A800] =	vst v63  }
0x551: {  	_ =	swait.ge [sflag:s31], $0x1000  }
0x552: {  	[sflag:s31] =	ssyncset.done $0x0  }
0x553: {  	s18 =	simm.s32 $0x10800;
	s9 =	simm.s32 $0x0;
	[sflag:s31] =	ssyncadd.s32 $0xFFFFF000  }
0x554: {  	s19 =	sand.u32 $0x3F0, s9;
	v10 =	vld [tilespmem:s18+$0x0]  }
0x555: {  	v11 =	vld [tilespmem:s19+$0x10C00]  }
0x556: {  	v12 =	vld [tilespmem:s19+$0x11000]  }
0x557: {  	v13 =	vld [tilespmem:s19+$0x11400];
	_ =	sdelay $0x1  }
0x558: {  	s11 =	simm.s32 $0x11C00  }
0x559: {  	v15 =	vld [tilespmem:s11+$0x0];
	v14 =	vand.u32 $0xFFFF0000, v10  }
0x55a: {  	v16 =	vand.u32 $0xFFFF0000, v11;
	v10 =	vshll.u32 v10, $0x10;
	v17 =	vand.u32 $0xFFFF0000, v12  }
0x55b: {  	v11 =	vshll.u32 v11, $0x10;
	v12 =	vshll.u32 v12, $0x10;
	v18 =	vshll.u32 v13, $0x10  }
0x55c: {  	v13 =	vand.u32 $0xFFFF0000, v13;
	v11 =	vsub.f32 v11, v10;
	v18 =	vsub.f32 v18, v12  }
0x55d: {  	v16 =	vsub.f32 v16, v14;
	v13 =	vsub.f32 v13, v17  }
0x55e: {  	s10 =	simm.s32 $0x12400;
	v11 =	vmul.f32 v11, v15;
	v18 =	vmul.f32 v18, v15  }
0x55f: {  	v19 =	vld [tilespmem:s10+$0x0];
	v16 =	vmul.f32 v16, v15;
	v13 =	vmul.f32 v13, v15  }
0x560: {  	v15 =	vadd.f32 v10, v11;
	v11 =	vadd.f32 v12, v18  }
0x561: {  	v14 =	vadd.f32 v14, v16;
	v12 =	vadd.f32 v17, v13;
	v10 =	vor.u32 $0x1A, v0  }
0x562: {  	v16 =	vor.u32 s9, v10;
	v13 =	vsub.f32 v11, v15;
	v11 =	vor.u32 $0xFFFFFF9A, v1  }
0x563: {  	v17 =	vsub.f32 v12, v14;
	v12 =	vor.u32 $0x1B, v0;
	v16 =	vand.u32 v11, v16  }
0x564: {  	v18 =	vor.u32 s9, v12;
	v13 =	vmul.f32 v13, v19  }
0x565: {  	v17 =	vmul.f32 v17, v19  }
0x566: {  	v13 =	vadd.f32 v13, v15  }
0x567: {  	v14 =	vadd.f32 v17, v14  }
0x568: {  	[tilespmem:v16+s0+$0x0] =	vst.idx.msk $0xffff, v13  }
0x569: {  	s12 =	simm.s32 $0x10;
	s15 =	simm.s32 $0x10810;
	[tilespmem:v18+s0+$0x0] =	vst.idx.msk $0xffff, v14  }
0x56a: {  	s21 =	sand.u32 $0x3F0, s12;
	v13 =	vld [tilespmem:s15+$0x0]  }
0x56b: {  	v14 =	vld [tilespmem:s21+$0x10C00]  }
0x56c: {  	s16 =	simm.s32 $0x20;
	v16 =	vld [tilespmem:s21+$0x11000]  }
0x56d: {  	s17 =	simm.s32 $0x11C00;
	s14 =	simm.s32 $0x12400;
	s13 =	simm.s32 $0x0;
	v15 =	vld [tilespmem:s21+$0x11400]  }
.LBB2_43:
0x56e: {  	p0 =	sne.s32 s16, $0x3F0  }
0x56f: {  	s17 =	sadd.s32 $0x10, s17;
	v17 =	vand.u32 $0xFFFF0000, v13  }
0x570: {  	v18 =	vld [tilespmem:s17+$0x0];
	v19 =	vand.u32 $0xFFFF0000, v14  }
0x571: {  	v13 =	vshll.u32 v13, $0x10;
	v20 =	vand.u32 $0xFFFF0000, v16  }
0x572: {  	v14 =	vshll.u32 v14, $0x10;
	v16 =	vshll.u32 v16, $0x10;
	v21 =	vshll.u32 v15, $0x10  }
0x573: {  	v14 =	vsub.f32 v14, v13;
	v15 =	vand.u32 $0xFFFF0000, v15;
	v21 =	vsub.f32 v21, v16  }
0x574: {  	v19 =	vsub.f32 v19, v17;
	v15 =	vsub.f32 v15, v20  }
0x575: {  	s14 =	sadd.s32 $0x10, s14;
	v14 =	vmul.f32 v14, v18;
	v21 =	vmul.f32 v21, v18  }
0x576: {  	v19 =	vmul.f32 v19, v18;
	v15 =	vmul.f32 v15, v18;
	v22 =	vld [tilespmem:s14+$0x0]  }
0x577: {  	v13 =	vadd.f32 v13, v14;
	v14 =	vadd.f32 v16, v21  }
0x578: {  	s13 =	sadd.s32 $0x200, s13;
	v16 =	vadd.f32 v17, v19;
	v15 =	vadd.f32 v20, v15  }
0x579: {  	v17 =	vor.u32 s13, v10;
	v14 =	vsub.f32 v14, v13  }
0x57a: {  	v17 =	vand.u32 v11, v17;
	v15 =	vsub.f32 v15, v16  }
0x57b: {  	v18 =	vor.u32 s13, v12;
	v14 =	vmul.f32 v14, v22  }
0x57c: {  	v15 =	vmul.f32 v15, v22  }
0x57d: {  	v13 =	vadd.f32 v14, v13  }
0x57e: {  	v14 =	vadd.f32 v15, v16  }
0x57f: {  	[tilespmem:v17+s0+$0x0] =	vst.idx.msk $0xffff, v13  }
.Ltmp20:
0x580: {  	s15 =	sadd.s32 $0x10, s15;
	[tilespmem:v18+s0+$0x0] =	vst.idx.msk $0xffff, v14;
	(pc) =	sbr.rel @p0 .LBB2_43-.Ltmp20, $4  }
0x581: {  	s18 =	sand.u32 $0x3F0, s16;
	v13 =	vld [tilespmem:s15+$0x0]  }
0x582: {  	v14 =	vld [tilespmem:s18+$0x10C00]  }
0x583: {  	v16 =	vld [tilespmem:s18+$0x11000]  }
0x584: {  	s16 =	sadd.s32 $0x10, s16;
	v15 =	vld [tilespmem:s18+$0x11400]  }
0x585: {  	_ = 	snop  }
0x586: {  	s15 =	sadd.s32 $0x10, s17  }
0x587: {  	v17 =	vand.u32 $0xFFFF0000, v13;
	v18 =	vld [tilespmem:s15+$0x0]  }
0x588: {  	v56 =	vshll.u32 v13, $0x10;
	v19 =	vand.u32 $0xFFFF0000, v14;
	v57 =	vshll.u32 v14, $0x10  }
0x589: {  	v20 =	vand.u32 $0xFFFF0000, v16;
	v58 =	vshll.u32 v16, $0x10;
	v21 =	vshll.u32 v15, $0x10  }
0x58a: {  	v14 =	vsub.f32 v57, v56;
	v59 =	vand.u32 $0xFFFF0000, v15;
	v21 =	vsub.f32 v21, v58  }
0x58b: {  	v19 =	vsub.f32 v19, v17;
	v15 =	vsub.f32 v59, v20  }
0x58c: {  	s14 =	sadd.s32 $0x10, s14;
	v14 =	vmul.f32 v14, v18;
	v21 =	vmul.f32 v21, v18  }
0x58d: {  	v22 =	vld [tilespmem:s14+$0x0];
	v19 =	vmul.f32 v19, v18;
	v15 =	vmul.f32 v15, v18  }
0x58e: {  	v13 =	vadd.f32 v56, v14;
	v60 =	vadd.f32 v58, v21  }
0x58f: {  	s13 =	sadd.s32 $0x200, s13;
	v61 =	vadd.f32 v17, v19;
	v15 =	vadd.f32 v20, v15  }
0x590: {  	v10 =	vor.u32 s13, v10;
	v14 =	vsub.f32 v60, v13  }
0x591: {  	v10 =	vand.u32 v11, v10;
	v15 =	vsub.f32 v15, v61  }
0x592: {  	v12 =	vor.u32 s13, v12;
	v11 =	vmul.f32 v14, v22  }
0x593: {  	v62 =	vmul.f32 v15, v22  }
0x594: {  	v11 =	vadd.f32 v11, v13  }
0x595: {  	v63 =	vadd.f32 v62, v61  }
0x596: {  	[tilespmem:v10+s0+$0x0] =	vst.idx.msk $0xffff, v11  }
0x597: {  	[tilespmem:v12+s0+$0x0] =	vst.idx.msk $0xffff, v63  }
0x598: {  	s16 =	simm.s32 $0x400;
	v11 =	vld [tilespmem:s9+$0x0]  }
0x599: {  	v10 =	vld [tilespmem:s16+$0x0]  }
0x59a: {  	s17 =	simm.s32 $0x12410;
	s18 =	simm.s32 $0xE810  }
0x59b: {  	s13 =	simm.s32 $0xE800;
	s15 =	simm.s32 $0x11C00;
	s14 =	simm.s32 $0x0  }
.LBB2_45:
0x59c: {  	s9 =	sadd.s32 $0x10, s9;
	s16 =	sadd.s32 $0x10, s16;
	s11 =	sadd.s32 $0x10, s11  }
0x59d: {  	p0 =	sne.s32 s12, $0x3F0;
	s19 =	smov.u32 s12;
	s12 =	sadd.s32 $0x10, s12;
	v11 =	vmul.f32 $1.002500000e+03, v11  }
0x59e: {  	v10 =	vmul.f32 $1.002500000e+03, v10  }
0x59f: {  	v11 =	vadd.f32 $1.002500000e+03, v11  }
0x5a0: {  	v10 =	vadd.f32 $1.002500000e+03, v10  }
0x5a1: {  	v12 =	vtrunc.f32 v11  }
0x5a2: {  	v12 =	vcvt.f32.s32 v12;
	v13 =	vtrunc.f32 v10  }
0x5a3: {  	v13 =	vcvt.f32.s32 v13  }
0x5a4: {  	v14 =	vcvt.s32.f32 v12  }
0x5a5: {  	v12 =	vmul.u32 $0x9E3779B1, v12;
	v15 =	vcvt.s32.f32 v13;
	v13 =	vmul.u32 $0x30025795, v13  }
0x5a6: {  	v11 =	vsub.f32 v11, v14  }
0x5a7: {  	v10 =	vsub.f32 v10, v15;
	v14 =	vadd.s32 $0x30025795, v13;
	v15 =	vxor.u32 v12, v13  }
0x5a8: {  	[tilespmem:s15+$0x0] =	vst v11;
	v11 =	vadd.s32 $0x9E3779B1, v12;
	v15 =	vand.u32 $0x7FFFF, v15;
	v12 =	vxor.u32 v12, v14;
	s15 =	smov.u32 s11  }
0x5a9: {  	[tilespmem:s10+$0x0] =	vst v10;
	v10 =	vor.u32 $0x780000, v15;
	v13 =	vxor.u32 v13, v11;
	v12 =	vand.u32 $0x7FFFF, v12;
	s10 =	smov.u32 s17  }
0x5aa: {  	s21 =	sand.u32 $0x3F0, s14;
	s14 =	smov.u32 s19;
	v11 =	vxor.u32 v11, v14;
	[tilespmem:s13+$0x0] =	vst v10;
	v10 =	vand.u32 $0x7FFFF, v13;
	v12 =	vor.u32 $0x780000, v12;
	s13 =	smov.u32 s18  }
0x5ab: {  	v11 =	vand.u32 $0x7FFFF, v11;
	v10 =	vor.u32 $0x780000, v10;
	[tilespmem:s21+$0xF000] =	vst v12  }
0x5ac: {  	[tilespmem:s21+$0xEC00] =	vst v10;
	v10 =	vor.u32 $0x780000, v11  }
.Ltmp21:
0x5ad: {  	[tilespmem:s21+$0xF400] =	vst v10;
	(pc) =	sbr.rel @p0 .LBB2_45-.Ltmp21, $3  }
0x5ae: {  	v11 =	vld [tilespmem:s9+$0x0]  }
0x5af: {  	v10 =	vld [tilespmem:s16+$0x0];
	_ =	sdelay $0x1  }
0x5b0: {  	s17 =	sadd.s32 $0x10, s17;
	s18 =	sadd.s32 $0x10, s18  }
0x5b1: {  	_ = 	snop  }
0x5b2: {  	v11 =	vmul.f32 $1.002500000e+03, v11  }
0x5b3: {  	v10 =	vmul.f32 $1.002500000e+03, v10  }
0x5b4: {  	v11 =	vadd.f32 $1.002500000e+03, v11  }
0x5b5: {  	v10 =	vadd.f32 $1.002500000e+03, v10  }
0x5b6: {  	v12 =	vtrunc.f32 v11  }
0x5b7: {  	v12 =	vcvt.f32.s32 v12;
	v13 =	vtrunc.f32 v10  }
0x5b8: {  	v13 =	vcvt.f32.s32 v13  }
0x5b9: {  	v14 =	vcvt.s32.f32 v12  }
0x5ba: {  	v12 =	vmul.u32 $0x9E3779B1, v12;
	v15 =	vcvt.s32.f32 v13;
	v13 =	vmul.u32 $0x30025795, v13  }
0x5bb: {  	v11 =	vsub.f32 v11, v14  }
0x5bc: {  	v10 =	vsub.f32 v10, v15;
	v14 =	vadd.s32 $0x30025795, v13;
	v15 =	vxor.u32 v12, v13  }
0x5bd: {  	[tilespmem:s15+$0x0] =	vst v11;
	v11 =	vadd.s32 $0x9E3779B1, v12;
	v15 =	vand.u32 $0x7FFFF, v15;
	v12 =	vxor.u32 v12, v14  }
0x5be: {  	[tilespmem:s10+$0x0] =	vst v10;
	v10 =	vor.u32 $0x780000, v15;
	v13 =	vxor.u32 v13, v11;
	v12 =	vand.u32 $0x7FFFF, v12  }
0x5bf: {  	s9 =	sand.u32 $0x3F0, s14;
	v11 =	vxor.u32 v11, v14;
	[tilespmem:s13+$0x0] =	vst v10;
	v10 =	vand.u32 $0x7FFFF, v13;
	v12 =	vor.u32 $0x780000, v12  }
0x5c0: {  	v11 =	vand.u32 $0x7FFFF, v11;
	v10 =	vor.u32 $0x780000, v10;
	[tilespmem:s9+$0xF000] =	vst v12  }
0x5c1: {  	[tilespmem:s9+$0xEC00] =	vst v10;
	v10 =	vor.u32 $0x780000, v11  }
0x5c2: {  	[tilespmem:s9+$0xF400] =	vst v10  }
0x5c3: {  	[tilespmem:s30], [sflag:$0x2] =	stream.indirect.gather [hbm4b:s6+s24], $0x1, s26, s24, $0xb8;
	[tilespmem:$0x1A800] =	vst v63  }
0x5c4: {  	_ =	swait.ge [sflag:s29], $0x1000  }
0x5c5: {  	[sflag:s29] =	ssyncset.done $0x0  }
0x5c6: {  	s18 =	simm.s32 $0xF800;
	s9 =	simm.s32 $0x0;
	[sflag:s29] =	ssyncadd.s32 $0xFFFFF000  }
0x5c7: {  	s19 =	sand.u32 $0x3F0, s9;
	v10 =	vld [tilespmem:s18+$0x0]  }
0x5c8: {  	v11 =	vld [tilespmem:s19+$0xFC00]  }
0x5c9: {  	v12 =	vld [tilespmem:s19+$0x10000]  }
0x5ca: {  	v13 =	vld [tilespmem:s19+$0x10400];
	_ =	sdelay $0x1  }
0x5cb: {  	s11 =	simm.s32 $0x11800  }
0x5cc: {  	v15 =	vld [tilespmem:s11+$0x0];
	v14 =	vand.u32 $0xFFFF0000, v10  }
0x5cd: {  	v16 =	vand.u32 $0xFFFF0000, v11;
	v10 =	vshll.u32 v10, $0x10;
	v17 =	vand.u32 $0xFFFF0000, v12  }
0x5ce: {  	v11 =	vshll.u32 v11, $0x10;
	v12 =	vshll.u32 v12, $0x10;
	v18 =	vshll.u32 v13, $0x10  }
0x5cf: {  	v13 =	vand.u32 $0xFFFF0000, v13;
	v11 =	vsub.f32 v11, v10;
	v18 =	vsub.f32 v18, v12  }
0x5d0: {  	v16 =	vsub.f32 v16, v14;
	v13 =	vsub.f32 v13, v17  }
0x5d1: {  	s10 =	simm.s32 $0x12000;
	v11 =	vmul.f32 v11, v15;
	v18 =	vmul.f32 v18, v15  }
0x5d2: {  	v19 =	vld [tilespmem:s10+$0x0];
	v16 =	vmul.f32 v16, v15;
	v13 =	vmul.f32 v13, v15  }
0x5d3: {  	v15 =	vadd.f32 v10, v11;
	v11 =	vadd.f32 v12, v18  }
0x5d4: {  	v14 =	vadd.f32 v14, v16;
	v12 =	vadd.f32 v17, v13;
	v10 =	vor.u32 $0x1C, v0  }
0x5d5: {  	v16 =	vor.u32 s9, v10;
	v13 =	vsub.f32 v11, v15;
	v11 =	vor.u32 $0xFFFFFF9C, v1  }
0x5d6: {  	v17 =	vsub.f32 v12, v14;
	v12 =	vor.u32 $0x1D, v0;
	v16 =	vand.u32 v11, v16  }
0x5d7: {  	v18 =	vor.u32 s9, v12;
	v13 =	vmul.f32 v13, v19  }
0x5d8: {  	v17 =	vmul.f32 v17, v19  }
0x5d9: {  	v13 =	vadd.f32 v13, v15  }
0x5da: {  	v14 =	vadd.f32 v17, v14  }
0x5db: {  	[tilespmem:v16+s0+$0x0] =	vst.idx.msk $0xffff, v13  }
0x5dc: {  	s21 =	simm.s32 $0x10;
	s12 =	simm.s32 $0xF810;
	[tilespmem:v18+s0+$0x0] =	vst.idx.msk $0xffff, v14  }
0x5dd: {  	s13 =	sand.u32 $0x3F0, s21;
	v14 =	vld [tilespmem:s12+$0x0]  }
0x5de: {  	v15 =	vld [tilespmem:s13+$0xFC00]  }
0x5df: {  	v16 =	vld [tilespmem:s13+$0x10000]  }
0x5e0: {  	v13 =	vld [tilespmem:s13+$0x10400];
	s13 =	simm.s32 $0x20  }
.LBB2_47:
0x5e1: {  	p0 =	sne.s32 s13, $0x3F0  }
0x5e2: {  	s11 =	sadd.s32 $0x10, s11;
	v17 =	vand.u32 $0xFFFF0000, v14  }
0x5e3: {  	v18 =	vld [tilespmem:s11+$0x0];
	v19 =	vand.u32 $0xFFFF0000, v15  }
0x5e4: {  	v14 =	vshll.u32 v14, $0x10;
	v20 =	vand.u32 $0xFFFF0000, v16  }
0x5e5: {  	v15 =	vshll.u32 v15, $0x10;
	v16 =	vshll.u32 v16, $0x10;
	v21 =	vshll.u32 v13, $0x10  }
0x5e6: {  	v15 =	vsub.f32 v15, v14;
	v13 =	vand.u32 $0xFFFF0000, v13;
	v21 =	vsub.f32 v21, v16  }
0x5e7: {  	v19 =	vsub.f32 v19, v17;
	v13 =	vsub.f32 v13, v20  }
0x5e8: {  	s10 =	sadd.s32 $0x10, s10;
	v15 =	vmul.f32 v15, v18;
	v21 =	vmul.f32 v21, v18  }
0x5e9: {  	v19 =	vmul.f32 v19, v18;
	v13 =	vmul.f32 v13, v18;
	v22 =	vld [tilespmem:s10+$0x0]  }
0x5ea: {  	v14 =	vadd.f32 v14, v15;
	v15 =	vadd.f32 v16, v21  }
0x5eb: {  	s9 =	sadd.s32 $0x200, s9;
	v16 =	vadd.f32 v17, v19;
	v13 =	vadd.f32 v20, v13  }
0x5ec: {  	v17 =	vor.u32 s9, v10;
	v15 =	vsub.f32 v15, v14  }
0x5ed: {  	v17 =	vand.u32 v11, v17;
	v13 =	vsub.f32 v13, v16  }
0x5ee: {  	v18 =	vor.u32 s9, v12;
	v15 =	vmul.f32 v15, v22  }
0x5ef: {  	v13 =	vmul.f32 v13, v22  }
0x5f0: {  	v14 =	vadd.f32 v15, v14  }
0x5f1: {  	v13 =	vadd.f32 v13, v16  }
0x5f2: {  	[tilespmem:v17+s0+$0x0] =	vst.idx.msk $0xffff, v14  }
.Ltmp22:
0x5f3: {  	s12 =	sadd.s32 $0x10, s12;
	[tilespmem:v18+s0+$0x0] =	vst.idx.msk $0xffff, v13;
	(pc) =	sbr.rel @p0 .LBB2_47-.Ltmp22, $4  }
0x5f4: {  	s14 =	sand.u32 $0x3F0, s13;
	v14 =	vld [tilespmem:s12+$0x0]  }
0x5f5: {  	v15 =	vld [tilespmem:s14+$0xFC00]  }
0x5f6: {  	v16 =	vld [tilespmem:s14+$0x10000]  }
0x5f7: {  	s13 =	sadd.s32 $0x10, s13;
	v13 =	vld [tilespmem:s14+$0x10400]  }
0x5f8: {  	_ = 	snop  }
0x5f9: {  	s11 =	sadd.s32 $0x10, s11  }
0x5fa: {  	v17 =	vand.u32 $0xFFFF0000, v14;
	v18 =	vld [tilespmem:s11+$0x0]  }
0x5fb: {  	v14 =	vshll.u32 v14, $0x10;
	v19 =	vand.u32 $0xFFFF0000, v15;
	v15 =	vshll.u32 v15, $0x10  }
0x5fc: {  	v20 =	vand.u32 $0xFFFF0000, v16;
	v16 =	vshll.u32 v16, $0x10;
	v21 =	vshll.u32 v13, $0x10  }
0x5fd: {  	v15 =	vsub.f32 v15, v14;
	v13 =	vand.u32 $0xFFFF0000, v13;
	v21 =	vsub.f32 v21, v16  }
0x5fe: {  	v19 =	vsub.f32 v19, v17;
	v13 =	vsub.f32 v13, v20  }
0x5ff: {  	s10 =	sadd.s32 $0x10, s10;
	v15 =	vmul.f32 v15, v18;
	v21 =	vmul.f32 v21, v18  }
0x600: {  	v22 =	vld [tilespmem:s10+$0x0];
	v19 =	vmul.f32 v19, v18;
	v13 =	vmul.f32 v13, v18  }
0x601: {  	v14 =	vadd.f32 v14, v15;
	v15 =	vadd.f32 v16, v21  }
0x602: {  	s9 =	sadd.s32 $0x200, s9;
	v16 =	vadd.f32 v17, v19;
	v13 =	vadd.f32 v20, v13  }
0x603: {  	v10 =	vor.u32 s9, v10;
	v15 =	vsub.f32 v15, v14  }
0x604: {  	v10 =	vand.u32 v11, v10;
	v13 =	vsub.f32 v13, v16  }
0x605: {  	v12 =	vor.u32 s9, v12;
	v11 =	vmul.f32 v15, v22  }
0x606: {  	v13 =	vmul.f32 v13, v22  }
0x607: {  	v11 =	vadd.f32 v11, v14  }
0x608: {  	v13 =	vadd.f32 v13, v16  }
0x609: {  	[tilespmem:v10+s0+$0x0] =	vst.idx.msk $0xffff, v11  }
0x60a: {  	[tilespmem:v12+s0+$0x0] =	vst.idx.msk $0xffff, v13  }
0x60b: {  	_ =	swait.ge [sflag:s31], $0x1000  }
0x60c: {  	[sflag:s31] =	ssyncset.done $0x0  }
0x60d: {  	s19 =	simm.s32 $0x10800;
	s9 =	simm.s32 $0x0;
	[sflag:s31] =	ssyncadd.s32 $0xFFFFF000  }
0x60e: {  	s21 =	sand.u32 $0x3F0, s9;
	v10 =	vld [tilespmem:s19+$0x0]  }
0x60f: {  	v11 =	vld [tilespmem:s21+$0x10C00]  }
0x610: {  	v12 =	vld [tilespmem:s21+$0x11000]  }
0x611: {  	v13 =	vld [tilespmem:s21+$0x11400];
	_ =	sdelay $0x1  }
0x612: {  	s11 =	simm.s32 $0x11C00  }
0x613: {  	v15 =	vld [tilespmem:s11+$0x0];
	v14 =	vand.u32 $0xFFFF0000, v10  }
0x614: {  	v16 =	vand.u32 $0xFFFF0000, v11;
	v10 =	vshll.u32 v10, $0x10;
	v17 =	vand.u32 $0xFFFF0000, v12  }
0x615: {  	v11 =	vshll.u32 v11, $0x10;
	v12 =	vshll.u32 v12, $0x10;
	v18 =	vshll.u32 v13, $0x10  }
0x616: {  	v13 =	vand.u32 $0xFFFF0000, v13;
	v11 =	vsub.f32 v11, v10;
	v18 =	vsub.f32 v18, v12  }
0x617: {  	v16 =	vsub.f32 v16, v14;
	v13 =	vsub.f32 v13, v17  }
0x618: {  	s10 =	simm.s32 $0x12400;
	v11 =	vmul.f32 v11, v15;
	v18 =	vmul.f32 v18, v15  }
0x619: {  	v19 =	vld [tilespmem:s10+$0x0];
	v16 =	vmul.f32 v16, v15;
	v13 =	vmul.f32 v13, v15  }
0x61a: {  	v15 =	vadd.f32 v10, v11;
	v11 =	vadd.f32 v12, v18  }
0x61b: {  	v14 =	vadd.f32 v14, v16;
	v12 =	vadd.f32 v17, v13;
	v10 =	vor.u32 $0x1E, v0  }
0x61c: {  	v16 =	vor.u32 s9, v10;
	v13 =	vsub.f32 v11, v15;
	v11 =	vor.u32 $0xFFFFFF9E, v1  }
0x61d: {  	v17 =	vsub.f32 v12, v14;
	v12 =	vor.u32 $0x1F, v0;
	v16 =	vand.u32 v11, v16  }
0x61e: {  	v18 =	vor.u32 s9, v12;
	v13 =	vmul.f32 v13, v19  }
0x61f: {  	v17 =	vmul.f32 v17, v19  }
0x620: {  	v13 =	vadd.f32 v13, v15  }
0x621: {  	v14 =	vadd.f32 v17, v14  }
0x622: {  	[tilespmem:v16+s0+$0x0] =	vst.idx.msk $0xffff, v13  }
0x623: {  	s13 =	simm.s32 $0x10;
	s12 =	simm.s32 $0x10810;
	[tilespmem:v18+s0+$0x0] =	vst.idx.msk $0xffff, v14  }
0x624: {  	s13 =	sand.u32 $0x3F0, s13;
	v14 =	vld [tilespmem:s12+$0x0]  }
0x625: {  	v15 =	vld [tilespmem:s13+$0x10C00]  }
0x626: {  	v16 =	vld [tilespmem:s13+$0x11000]  }
0x627: {  	v13 =	vld [tilespmem:s13+$0x11400];
	s13 =	simm.s32 $0x20  }
.LBB2_49:
0x628: {  	p0 =	sne.s32 s13, $0x3F0  }
0x629: {  	s11 =	sadd.s32 $0x10, s11;
	v17 =	vand.u32 $0xFFFF0000, v14  }
0x62a: {  	v18 =	vld [tilespmem:s11+$0x0];
	v19 =	vand.u32 $0xFFFF0000, v15  }
0x62b: {  	v14 =	vshll.u32 v14, $0x10;
	v20 =	vand.u32 $0xFFFF0000, v16  }
0x62c: {  	v15 =	vshll.u32 v15, $0x10;
	v16 =	vshll.u32 v16, $0x10;
	v21 =	vshll.u32 v13, $0x10  }
0x62d: {  	v15 =	vsub.f32 v15, v14;
	v13 =	vand.u32 $0xFFFF0000, v13;
	v21 =	vsub.f32 v21, v16  }
0x62e: {  	v19 =	vsub.f32 v19, v17;
	v13 =	vsub.f32 v13, v20  }
0x62f: {  	s10 =	sadd.s32 $0x10, s10;
	v15 =	vmul.f32 v15, v18;
	v21 =	vmul.f32 v21, v18  }
0x630: {  	v19 =	vmul.f32 v19, v18;
	v13 =	vmul.f32 v13, v18;
	v22 =	vld [tilespmem:s10+$0x0]  }
0x631: {  	v14 =	vadd.f32 v14, v15;
	v15 =	vadd.f32 v16, v21  }
0x632: {  	s9 =	sadd.s32 $0x200, s9;
	v16 =	vadd.f32 v17, v19;
	v13 =	vadd.f32 v20, v13  }
0x633: {  	v17 =	vor.u32 s9, v10;
	v15 =	vsub.f32 v15, v14  }
0x634: {  	v17 =	vand.u32 v11, v17;
	v13 =	vsub.f32 v13, v16  }
0x635: {  	v18 =	vor.u32 s9, v12;
	v15 =	vmul.f32 v15, v22  }
0x636: {  	v13 =	vmul.f32 v13, v22  }
0x637: {  	v14 =	vadd.f32 v15, v14  }
0x638: {  	v13 =	vadd.f32 v13, v16  }
0x639: {  	[tilespmem:v17+s0+$0x0] =	vst.idx.msk $0xffff, v14  }
.Ltmp23:
0x63a: {  	s12 =	sadd.s32 $0x10, s12;
	[tilespmem:v18+s0+$0x0] =	vst.idx.msk $0xffff, v13;
	(pc) =	sbr.rel @p0 .LBB2_49-.Ltmp23, $4  }
0x63b: {  	s14 =	sand.u32 $0x3F0, s13;
	v14 =	vld [tilespmem:s12+$0x0]  }
0x63c: {  	v15 =	vld [tilespmem:s14+$0x10C00]  }
0x63d: {  	v16 =	vld [tilespmem:s14+$0x11000]  }
0x63e: {  	s13 =	sadd.s32 $0x10, s13;
	v13 =	vld [tilespmem:s14+$0x11400]  }
0x63f: {  	_ = 	snop  }
0x640: {  	s11 =	sadd.s32 $0x10, s11  }
0x641: {  	v17 =	vand.u32 $0xFFFF0000, v14;
	v18 =	vld [tilespmem:s11+$0x0]  }
0x642: {  	v58 =	vshll.u32 v14, $0x10;
	v19 =	vand.u32 $0xFFFF0000, v15;
	v59 =	vshll.u32 v15, $0x10  }
0x643: {  	v20 =	vand.u32 $0xFFFF0000, v16;
	v60 =	vshll.u32 v16, $0x10;
	v21 =	vshll.u32 v13, $0x10  }
0x644: {  	v15 =	vsub.f32 v59, v58;
	v61 =	vand.u32 $0xFFFF0000, v13;
	v21 =	vsub.f32 v21, v60  }
0x645: {  	v19 =	vsub.f32 v19, v17;
	v13 =	vsub.f32 v61, v20  }
0x646: {  	s10 =	sadd.s32 $0x10, s10;
	v15 =	vmul.f32 v15, v18;
	v21 =	vmul.f32 v21, v18  }
0x647: {  	v22 =	vld [tilespmem:s10+$0x0];
	v19 =	vmul.f32 v19, v18;
	v13 =	vmul.f32 v13, v18  }
0x648: {  	v14 =	vadd.f32 v58, v15;
	v62 =	vadd.f32 v60, v21  }
0x649: {  	s9 =	sadd.s32 $0x200, s9;
	v63 =	vadd.f32 v17, v19;
	v13 =	vadd.f32 v20, v13  }
0x64a: {  	v10 =	vor.u32 s9, v10;
	v15 =	vsub.f32 v62, v14  }
0x64b: {  	v10 =	vand.u32 v11, v10;
	v13 =	vsub.f32 v13, v63  }
0x64c: {  	v12 =	vor.u32 s9, v12;
	v11 =	vmul.f32 v15, v22  }
0x64d: {  	v13 =	vmul.f32 v13, v22  }
0x64e: {  	v11 =	vadd.f32 v11, v14  }
0x64f: {  	s7 =	sadd.s32 $0x1, s7;
	v13 =	vadd.f32 v13, v63  }
0x650: {  	s8 =	sshll.u32 s8, $0x2;
	p0 =	sne.s32 s7, $0x20;
	[tilespmem:v10+s0+$0x0] =	vst.idx.msk $0xffff, v11  }
.Ltmp24:
0x651: {  	s8 =	sadd.s32 s1, s8;
	[tilespmem:v12+s0+$0x0] =	vst.idx.msk $0xffff, v13;
	(pc) =	sbr.rel @p0 .LBB2_2-.Ltmp24, $4  }
0x652: {  	[hbm4b:s8+s2] =	stream.linear.scatter [tilespmem:s0], [sflag:$0x3], $0x8000, $0x38;
	[tilespmem:$0x1A800] =	vst v63  }
0x653: {  	_ =	swait.ge [sflag:s23], $0x8000  }
0x654: {  	[sflag:s23] =	ssyncset.done $0x0  }
0x655: {  	[sflag:s23] =	ssyncadd.s32 $0xFFFF8000  }
0x656: {  	s4 =	sadd.s32 $0x1, s4;
	s7 =	rddreg [dreg:$0x10]  }
0x657: {  	p0 =	sne.s32 s4, s7  }
.Ltmp25:
0x658: {  	_ = 	snop;
	(pc) =	sbr.rel @p0 .LBB2_1-.Ltmp25, $1  }
0x659: {  	_ =	sdelay $0x3  }
0x65a: {  	_ =	sfence.sel $0x180000  }
0x65b: {  	[bflag:$0x0] =	sbarrier.arrive $0xFFFF  }
0x65c: {  	_ =	strace $0x9000004A  }
0x65d: {  	s0 =	stileid.u32;
	[bflag:$0x2] =	sbarrier.arrive $0xFFFF  }
0x65e: {  	p0 =	sne.s32 s0, $0x0;
	s0 =	rddreg [dreg:$0x2]  }
0x65f: {  	s0 =	sadd.s32 @!p0 $0x100000, s0  }
0x660: {  	[sflag:s0] =	ssyncadd.tile.s32 @!p0 $0x1;
	_ =	shalt  }
.Lfunc_end2:
_tile_overlayer_lowered:
.L_overlay_start_2:
0x661: {  	(tag) =	ssettag $0x2  }
0x662: {  	s0 =	rddreg [dreg:$0x0];
	s2 =	stileid.u32  }
0x663: {  	s1 =	rddreg [dreg:$0x1];
	p0 =	sne.s32 s2, $0x0  }
0x664: {  	s3 =	rddreg [dreg:$0x2];
	[bflag:$0x3] =	sbarrier.arrive $0xFFFF;
	s2 =	simm.s32 @!p0 $0x1C03  }
0x665: {  	[timem:s3], [sflag:s2] =	dma.local @!p0 [hbm:s0], s1  }
0x666: {  	s0 =	simm.s32 @!p0 $0x3  }
0x667: {  	_ =	swait.ge @!p0 [sflag:s0], s1  }
0x668: {  	s1 =	ssub.s32 @!p0 $0x0, s1;
	[sflag:s0] =	ssyncset.done @!p0 $0x0  }
0x669: {  	[sflag:s0] =	ssyncadd.s32 @!p0 s1  }
0x66a: {  	[bflag:$0x3] =	sbarrier.arrive $0xFFFF  }
0x66b: {  	_ =	shalt  }

// kernel: sparse-core-data-format-call.1.cloned.1.call-start
scs
called_computation.1_lowered:
.L_overlay_start_0:
0x0: {  	s2 =	sld [smem:$0x3FD9]  }
0x1: {  	s3 =	sld [smem:$0x3FFE];
	_ =	sdelay $0x1  }
0x2: {  	s1 =	srdreg.scid  }
0x3: {  	s0 =	sand.u32 $0x1, s1  }
0x4: {  	s18 =	sshll.u32 s0, $0xA;
	s2 =	sadd.s32 s3, s2  }
0x5: {  	s2 =	sadd.s32 s2, s18  }
0x6: {  	[smem:$0x3FC6] =	sst s2  }
0x7: {  	_ = 	snop  }
0x8: {  	s2 =	sld [smem:$0x3FD0];
	(tm) =	ssettm $0x1  }
0x9: {  	s19 =	sld [smem:$0x3FFB];
	_ =	sdelay $0x3  }
0xa: {  	_ =	strace s19  }
0xb: {  	s3 =	sld [smem:$0x3FFC];
	_ =	sdelay $0x3  }
0xc: {  	_ =	strace s3  }
0xd: {  	s3 =	sld [smem:$0x3FFD];
	_ =	sdelay $0x3  }
0xe: {  	_ =	strace s3  }
0xf: {  	_ =	strace $0x8FFFFFFF  }
0x10: {  	s20 =	sld [smem:$0x3FDB];
	_ =	sdelay $0x1  }
0x11: {  	s4 =	simm.s32 $_scs_section_size  }
0x12: {  	s5 =	simm.s32 $_size__tile_overlayer_lowered;
	s6 =	simm.s32 $_tile_overlayer_lowered  }
0x13: {  	s23 =	simm.s32 $0x1BFF;
	s22 =	sshll.u32 s6, $0x1;
	s3 =	sadd.s32 s4, s20  }
0x14: {  	s7 =	simm.s32 $0x0;
	s21 =	sshll.u32 s5, $0x1;
	s5 =	sadd.s32 s22, s3  }
0x15: {  	[timem:s7], [sflag:s23] =	dma.local [hbm:s5], s21  }
0x16: {  	_ =	swait.ge [sflag:s23], s21  }
0x17: {  	s4 =	ssub.s32 $0x0, s21;
	[sflag:s23] =	ssyncset.done $0x0  }
0x18: {  	[sflag:s23] =	ssyncadd.s32 s4;
	_ =	sdelay $0x1  }
0x19: {  	s24 =	simm.s32 $0x1B8B  }
0x1a: {  	_ =	swait.ge [sflag:s24], $0x1  }
0x1b: {  	[sflag:s24] =	ssyncset.done $0x0  }
0x1c: {  	s26 =	simm.s32 $0x1B8E;
	s25 =	sld [smem:$0x3FFE];
	[sflag:s24] =	ssyncadd.s32 $0xFFFFFFFF  }
0x1d: {  	s27 =	simm.s32 $execute0_lowered;
	[smem:$0x3FD2] =	sst s26  }
0x1e: {  	s5 =	sshll.u32 s27, $0x1;
	_ =	strace $0x80000046;
	[dreg:$0x1] =	wrdreg $0xFFFFFFFF  }
0x1f: {  	s28 =	simm.s32 $_size_execute0_lowered;
	s3 =	sadd.s32 s3, s5;
	[dreg:$0x0] =	wrdreg $0x0  }
0x20: {  	s5 =	sshll.u32 s28, $0x1;
	[dreg:$0x2] =	wrdreg s3  }
0x21: {  	[dreg:$0x3] =	wrdreg s5  }
0x22: {  	[dreg:$0x4] =	wrdreg $0xC0  }
0x23: {  	_ =	task [dreg:s7], $0x5FFFF  }
0x24: {  	[dreg:$0x1] =	wrdreg $0xFFFFFFFF  }
0x25: {  	[dreg:$0x0] =	wrdreg $0x60  }
0x26: {  	[dreg:$0x2] =	wrdreg s2  }
0x27: {  	[dreg:$0x3] =	wrdreg s25  }
0x28: {  	[dreg:$0x4] =	wrdreg $0x9  }
0x29: {  	_ =	task.clear_ibuf [dreg:s7], $0x5FFFF;
	_ =	strace $0x90000046  }
0x2a: {  	s29 =	simm.s32 $0x9;
	_ =	strace $0x80000048  }
0x2b: {  	_ =	swait.ge [sflag:s29], $0x1  }
0x2c: {  	[sflag:s29] =	ssyncadd.s32 $0xFFFFFFFF  }
0x2d: {  	_ =	strace $0x90000048  }
0x2e: {  	_ =	sfence  }
0x2f: {  	s30 =	sld [smem:$0x0];
	_ =	sdelay $0x2  }
0x30: {  	s31 =	sshll.u32 s1, $0xD;
	s1 =	sshrl.u32 s1, $0x2  }
0x31: {  	s3 =	sand.u32 $0x4000, s31;
	s1 =	sadd.s32 s1, s30  }
0x32: {  	s0 =	sor.u32 s3, s0;
	s1 =	sshll.u32 s1, $0x11  }
0x33: {  	s0 =	sor.u32 s1, s0  }
0x34: {  	s0 =	sadd.s32 $0x8F2B, s0  }
0x35: {  	[sflag:s0] =	ssyncadd.remote.s32 $0x1  }
0x36: {  	_ =	sfence.sel $0xFFFF  }
0x37: {  	[dreg:$0x0] =	wrdreg $0xFFFFFFFF;
	(pc) =	sbr.abs _section_cstart, $3  }
0x38: {  	[dreg:$0x1] =	wrdreg $0xFFFFFFFF  }
0x39: {  	_ =	task.clear_ibuf [dreg:s7], $0x2FFFF;
	_ =	strace $0x9FFFFFFF  }
0x3a: {  	(tm) =	ssettm $0x7FFFFFFF  }
0x3b: {  	_ =	shalt  }
tec
execute0_lowered:
.L_overlay_start_1:
0x0: {  	(tag) =	ssettag $0x1  }
0x1: {  	s0 =	stileid.u32;
	s1 =	srdreg.scid  }
0x2: {  	s7 =	rddreg [dreg:$0x1];
	s31 =	simm.s32 $0x2;
	s15 =	simm.s32 $0x0  }
0x3: {  	s10 =	simm.s32 $0x80000;
	s2 =	sshll.u32 s0, $0x3;
	s1 =	sshll.u32 s1, $0x7  }
0x4: {  	s11 =	simm.s32 $0x0;
	s16 =	simm.s32 $0x0;
	s1 =	sor.u32 s2, s1  }
0x5: {  	s14 =	simm.s32 $0x0;
	s3 =	sand.u32 $0x1, s0;
	s1 =	sand.u32 $0xF0, s1  }
0x6: {  	s7 =	sadd.s32 $0x1400, s7;
	s5 =	ssub.s32 $0x2, s3;
	s4 =	ssub.s32 $0x1000, s1  }
0x7: {  	s2 =	rddreg [dreg:$0x0];
	s8 =	sshrl.u32 s5, $0x1;
	s6 =	sand.u32 $0xF0, s4  }
0x8: {  	s5 =	sand.u32 $0x1, s5;
	p0 =	sne.s32 s6, $0x0;
	s6 =	simm.s32 $0x1  }
.Ltmp0:
0x9: {  	s9 =	sshrl.u32 s4, $0x8;
	s6 =	simm.s32 @!p0 $0x0;
	(pc) =	sbr.rel .LBB1_1-.Ltmp0, $4  }
0xa: {  	s8 =	sadd.s32 s5, s8;
	s5 =	simm.s32 $0x1;
	s6 =	sadd.s32 s6, s9  }
0xb: {  	s4 =	rddreg [dreg:$0x2];
	_ =	strace $0x80000047;
	s6 =	smul.u32 s8, s6  }
0xc: {  	s13 =	smov.u32 s3;
	s12 =	smov.u32 s1;
	[sflag:s5] =	ssyncpa.u1 $0x0  }
0xd: {  	[sflag:s31] =	ssyncpa.u1 $0x0;
	s9 =	simm.s32 $0x800;
	s8 =	sadd.s32 $0x1, s6  }
.LBB1_7:
0xe: {  	s17 =	sadd.s32 $0x100, s12  }
0xf: {  	s15 =	sadd.s32 $0x2, s13;
	s19 =	smov.u32 s13;
	p1 =	sgt.s32 s17, $0xFFF  }
0x10: {  	s19 =	smov.u32 @p1 s15  }
0x11: {  	s17 =	smov.u32 @p1 s1;
	p1 =	sgt.s32 s19, $0x1  }
0x12: {  	s19 =	smov.u32 @p1 s3;
	p1 =	sne.s32 s14, s8  }
.Ltmp1:
0x13: {  	p0 =	slt.u32 s14, $0x2;
	(pc) =	sbr.rel @!p1 .LBB1_8-.Ltmp1, $4  }
0x14: {  	s18 =	simm.s32 @!p0 $0x2  }
0x15: {  	s16 =	smov.u32 s13;
	s11 =	sadd.s32 $0x4000, s11;
	_ =	swait.ge @!p0 [sflag:s18], $0x4000  }
0x16: {  	s15 =	smov.u32 s12;
	[sflag:s18] =	ssyncset.done @!p0 $0x0;
	s12 =	smov.u32 s17  }
0x17: {  	s14 =	sadd.s32 $0x1, s14;
	[sflag:s18] =	ssyncadd.s32 @!p0 $0xFFFFC000;
	s13 =	smov.u32 s19  }
.LBB1_1:
0x18: {  	p0 =	sge.u32 s14, s6  }
0x19: {  	s31 =	sadd.s32 $0xFFFFFFFF, s14;
	s17 =	sxor.u32 @!p0 $0xFFFFFFFF, s14;
	s18 =	sshll.u32 @!p0 s13, $0x13  }
0x1a: {  	s19 =	sshll.u32 @!p0 s12, $0x7;
	s17 =	sshll.u32 @!p0 s17, $0xE;
	s18 =	sadd.s32 @!p0 s2, s18  }
0x1b: {  	s17 =	sand.u32 @!p0 $0x4000, s17;
	s18 =	sadd.s32 @!p0 s19, s18;
	s19 =	simm.s32 @!p0 $0x0  }
0x1c: {  	[tilespmem:s17], [sflag:$0x1] =	stream.linear.gather @!p0 [hbm4b:s18+s19], $0x4000, $0x38;
	[tilespmem:$0x10000] =	vst v63  }
0x1d: {  	p0 =	sge.u32 s31, s6  }
.Ltmp2:
0x1e: {  	_ = 	snop;
	(pc) =	sbr.rel @p0 .LBB1_7-.Ltmp2, $1  }
0x1f: {  	_ =	sdelay $0x3  }
0x20: {  	s18 =	sand.u32 $0x4000, s11  }
0x21: {  	_ =	swait.ge [sflag:s5], $0x4000;
	s20 =	sshll.u32 s14, $0xE;
	s17 =	sor.u32 $0x8040, s18  }
0x22: {  	s19 =	sor.u32 $0x40, s18;
	[sflag:s5] =	ssyncset.done $0x0;
	s31 =	sand.u32 $0x4000, s20  }
0x23: {  	s20 =	simm.s32 $0x0;
	[sflag:s5] =	ssyncadd.s32 $0xFFFFC000;
	s18 =	sor.u32 $0x8000, s31  }
.LBB1_3:
0x24: {  	v0 =	vmov s19;
	_ =	sdelay $0x3  }
0x25: {  	s22 =	simm.s32 $0x0  }
0x26: {  	v6 =	vld.idx.msk [tilespmem:v0+s22+$0x30 ss:$0x1], $0xffff  }
0x27: {  	v7 =	vld.idx.msk [tilespmem:v0+s22+$0xFFFFFFC0 ss:$0x1], $0xffff  }
0x28: {  	v5 =	vld.idx.msk [tilespmem:v0+s22+$0xFFFFFFD0 ss:$0x1], $0xffff  }
0x29: {  	v4 =	vld.idx.msk [tilespmem:v0+s22+$0xFFFFFFE0 ss:$0x1], $0xffff  }
0x2a: {  	v3 =	vld.idx.msk [tilespmem:v0+s22+$0xFFFFFFF0 ss:$0x1], $0xffff  }
0x2b: {  	v1 =	vld.idx.msk [tilespmem:v0+s22+$0x0 ss:$0x1], $0xffff  }
0x2c: {  	v2 =	vld.idx.msk [tilespmem:v0+s22+$0x10 ss:$0x1], $0xffff;
	[tilespmem:s17+$0x30] =	vst v6  }
0x2d: {  	s21 =	simm.s32 $0x80;
	s23 =	simm.s32 $0x400;
	[tilespmem:s17+$0xFFFFFFC0] =	vst v7;
	v6 =	vld.idx.msk [tilespmem:v0+s22+$0x20 ss:$0x1], $0xffff;
	s22 =	smov.u32 s17  }
.LBB1_4:
0x2e: {  	p0 =	sne.s32 s23, $0xE00;
	v7 =	vld.idx.msk [tilespmem:v0+s21+$0x30 ss:$0x1], $0xffff;
	[tilespmem:s22+$0xFFFFFFD0] =	vst v5  }
0x2f: {  	v8 =	vld.idx.msk [tilespmem:v0+s21+$0xFFFFFFC0 ss:$0x1], $0xffff;
	[tilespmem:s22+$0xFFFFFFE0] =	vst v4  }
0x30: {  	v5 =	vld.idx.msk [tilespmem:v0+s21+$0xFFFFFFD0 ss:$0x1], $0xffff;
	[tilespmem:s22+$0xFFFFFFF0] =	vst v3  }
.Ltmp3:
0x31: {  	v4 =	vld.idx.msk [tilespmem:v0+s21+$0xFFFFFFE0 ss:$0x1], $0xffff;
	[tilespmem:s22+$0x0] =	vst v1;
	(pc) =	sbr.rel @p0 .LBB1_4-.Ltmp3, $4  }
0x32: {  	v3 =	vld.idx.msk [tilespmem:v0+s21+$0xFFFFFFF0 ss:$0x1], $0xffff;
	[tilespmem:s22+$0x10] =	vst v2  }
0x33: {  	v1 =	vld.idx.msk [tilespmem:v0+s21+$0x0 ss:$0x1], $0xffff;
	[tilespmem:s22+$0x20] =	vst v6;
	s22 =	sadd.s32 $0x800, s22  }
0x34: {  	v2 =	vld.idx.msk [tilespmem:v0+s21+$0x10 ss:$0x1], $0xffff;
	[tilespmem:s22+$0x30] =	vst v7  }
0x35: {  	[tilespmem:s22+$0xFFFFFFC0] =	vst v8;
	v6 =	vld.idx.msk [tilespmem:v0+s21+$0x20 ss:$0x1], $0xffff;
	s21 =	sshra.s32 s23, $0x2;
	s23 =	sadd.s32 $0x200, s23  }
0x36: {  	_ =	sdelay $0x2  }
0x37: {  	[tilespmem:s22+$0xFFFFFFD0] =	vst v5  }
0x38: {  	v56 =	vld.idx.msk [tilespmem:v0+s21+$0x30 ss:$0x1], $0xffff;
	[tilespmem:s22+$0xFFFFFFE0] =	vst v4  }
0x39: {  	v57 =	vld.idx.msk [tilespmem:v0+s21+$0xFFFFFFC0 ss:$0x1], $0xffff;
	[tilespmem:s22+$0xFFFFFFF0] =	vst v3  }
0x3a: {  	v58 =	vld.idx.msk [tilespmem:v0+s21+$0xFFFFFFD0 ss:$0x1], $0xffff;
	[tilespmem:s22+$0x0] =	vst v1  }
0x3b: {  	v59 =	vld.idx.msk [tilespmem:v0+s21+$0xFFFFFFE0 ss:$0x1], $0xffff;
	[tilespmem:s22+$0x10] =	vst v2  }
0x3c: {  	v60 =	vld.idx.msk [tilespmem:v0+s21+$0xFFFFFFF0 ss:$0x1], $0xffff;
	s31 =	sadd.s32 $0x800, s22;
	[tilespmem:s22+$0x20] =	vst v6  }
0x3d: {  	v61 =	vld.idx.msk [tilespmem:v0+s21+$0x0 ss:$0x1], $0xffff;
	[tilespmem:s31+$0x30] =	vst v56  }
0x3e: {  	v62 =	vld.idx.msk [tilespmem:v0+s21+$0x10 ss:$0x1], $0xffff;
	s20 =	sadd.s32 $0x1, s20;
	[tilespmem:s31+$0xFFFFFFC0] =	vst v57  }
0x3f: {  	v63 =	vld.idx.msk [tilespmem:v0+s21+$0x20 ss:$0x1], $0xffff;
	p0 =	sne.s32 s20, $0x10;
	[tilespmem:s31+$0xFFFFFFD0] =	vst v58  }
.Ltmp4:
0x40: {  	[tilespmem:s31+$0xFFFFFFE0] =	vst v59;
	(pc) =	sbr.rel @p0 .LBB1_3-.Ltmp4, $4  }
0x41: {  	[tilespmem:s31+$0xFFFFFFF0] =	vst v60  }
0x42: {  	[tilespmem:s31+$0x0] =	vst v61  }
0x43: {  	[tilespmem:s31+$0x10] =	vst v62  }
0x44: {  	s17 =	sadd.s32 $0x80, s17;
	s19 =	sadd.s32 $0x400, s19;
	[tilespmem:s31+$0x20] =	vst v63  }
.Ltmp5:
0x45: {  	(pc) =	sbr.rel .LBB1_7-.Ltmp5, $4  }
0x46: {  	s16 =	sshll.u32 s16, $0x13;
	s15 =	sshll.u32 s15, $0x4  }
0x47: {  	s15 =	sand.u32 $0xFFF0, s15;
	s16 =	sadd.s32 s7, s16  }
0x48: {  	s15 =	sadd.s32 s15, s16  }
0x49: {  	[hbm4b:s15+s9] =	stream.strided.scatter [tilespmem:s18], [sflag:$0x2], $0x4000, s10, s9, $0x38;
	[tilespmem:$0x10000] =	vst v63  }
.LBB1_8:
0x4a: {  	_ =	sfence.sel $0x180000  }
0x4b: {  	s1 =	simm.s32 $0x1;
	[bflag:$0x0] =	sbarrier.arrive $0xFFFF  }
0x4c: {  	s31 =	simm.s32 $0x2;
	[sflag:s1] =	ssyncpa.u1 $0x1  }
0x4d: {  	[sflag:s31] =	ssyncpa.u1 $0x1  }
0x4e: {  	p0 =	sne.s32 s0, $0x0;
	_ =	strace $0x90000047  }
0x4f: {  	s0 =	sadd.s32 @!p0 $0x100000, s4;
	[bflag:$0x2] =	sbarrier.arrive $0xFFFF  }
0x50: {  	[sflag:s0] =	ssyncadd.tile.s32 @!p0 $0x1;
	_ =	shalt  }
.Lfunc_end1:
_tile_overlayer_lowered:
.L_overlay_start_2:
0x51: {  	(tag) =	ssettag $0x2  }
0x52: {  	s0 =	rddreg [dreg:$0x0];
	s2 =	stileid.u32  }
0x53: {  	s1 =	rddreg [dreg:$0x1];
	p0 =	sne.s32 s2, $0x0  }
0x54: {  	s3 =	rddreg [dreg:$0x2];
	[bflag:$0x3] =	sbarrier.arrive $0xFFFF;
	s2 =	simm.s32 @!p0 $0x1C01  }
0x55: {  	[timem:s3], [sflag:s2] =	dma.local @!p0 [hbm:s0], s1  }
0x56: {  	s0 =	simm.s32 @!p0 $0x1  }
0x57: {  	_ =	swait.ge @!p0 [sflag:s0], s1  }
0x58: {  	s1 =	ssub.s32 @!p0 $0x0, s1;
	[sflag:s0] =	ssyncset.done @!p0 $0x0  }
0x59: {  	[sflag:s0] =	ssyncadd.s32 @!p0 s1  }
0x5a: {  	[bflag:$0x3] =	sbarrier.arrive $0xFFFF  }
0x5b: {  	_ =	shalt  }

// kernel: sparse-core-data-format-call.cloned.1.call-start
scs
called_computation_lowered:
.L_overlay_start_0:
0x0: {  	s2 =	sld [smem:$0x3FD9]  }
0x1: {  	s3 =	sld [smem:$0x3FFE];
	_ =	sdelay $0x1  }
0x2: {  	s1 =	srdreg.scid  }
0x3: {  	s0 =	sand.u32 $0x1, s1  }
0x4: {  	s18 =	sshll.u32 s0, $0xA;
	s2 =	sadd.s32 s3, s2  }
0x5: {  	s2 =	sadd.s32 s2, s18  }
0x6: {  	[smem:$0x3FC6] =	sst s2  }
0x7: {  	_ = 	snop  }
0x8: {  	s2 =	sld [smem:$0x3FD0];
	(tm) =	ssettm $0x1  }
0x9: {  	s19 =	sld [smem:$0x3FFB];
	_ =	sdelay $0x3  }
0xa: {  	_ =	strace s19  }
0xb: {  	s3 =	sld [smem:$0x3FFC];
	_ =	sdelay $0x3  }
0xc: {  	_ =	strace s3  }
0xd: {  	s3 =	sld [smem:$0x3FFD];
	_ =	sdelay $0x3  }
0xe: {  	_ =	strace s3  }
0xf: {  	_ =	strace $0x8FFFFFFF  }
0x10: {  	s20 =	sld [smem:$0x3FDB];
	_ =	sdelay $0x1  }
0x11: {  	s4 =	simm.s32 $_scs_section_size  }
0x12: {  	s5 =	simm.s32 $_size__tile_overlayer_lowered;
	s6 =	simm.s32 $_tile_overlayer_lowered  }
0x13: {  	s23 =	simm.s32 $0x1BFF;
	s22 =	sshll.u32 s6, $0x1;
	s3 =	sadd.s32 s4, s20  }
0x14: {  	s7 =	simm.s32 $0x0;
	s21 =	sshll.u32 s5, $0x1;
	s5 =	sadd.s32 s22, s3  }
0x15: {  	[timem:s7], [sflag:s23] =	dma.local [hbm:s5], s21  }
0x16: {  	_ =	swait.ge [sflag:s23], s21  }
0x17: {  	s4 =	ssub.s32 $0x0, s21;
	[sflag:s23] =	ssyncset.done $0x0  }
0x18: {  	[sflag:s23] =	ssyncadd.s32 s4;
	_ =	sdelay $0x1  }
0x19: {  	s24 =	simm.s32 $0x1B8B  }
0x1a: {  	_ =	swait.ge [sflag:s24], $0x1  }
0x1b: {  	[sflag:s24] =	ssyncset.done $0x0  }
0x1c: {  	s26 =	simm.s32 $0x1B8E;
	s25 =	sld [smem:$0x3FFE];
	[sflag:s24] =	ssyncadd.s32 $0xFFFFFFFF  }
0x1d: {  	s27 =	simm.s32 $execute0_lowered;
	[smem:$0x3FD2] =	sst s26  }
0x1e: {  	s5 =	sshll.u32 s27, $0x1;
	_ =	strace $0x8000004C;
	[dreg:$0x1] =	wrdreg $0xFFFFFFFF  }
0x1f: {  	s28 =	simm.s32 $_size_execute0_lowered;
	s3 =	sadd.s32 s3, s5;
	[dreg:$0x0] =	wrdreg $0x0  }
0x20: {  	s5 =	sshll.u32 s28, $0x1;
	[dreg:$0x2] =	wrdreg s3  }
0x21: {  	[dreg:$0x3] =	wrdreg s5  }
0x22: {  	[dreg:$0x4] =	wrdreg $0xC0  }
0x23: {  	_ =	task [dreg:s7], $0x5FFFF  }
0x24: {  	[dreg:$0x1] =	wrdreg $0xFFFFFFFF  }
0x25: {  	[dreg:$0x0] =	wrdreg $0x60  }
0x26: {  	[dreg:$0x2] =	wrdreg s25  }
0x27: {  	[dreg:$0x3] =	wrdreg s2  }
0x28: {  	[dreg:$0x4] =	wrdreg $0x9  }
0x29: {  	_ =	task.clear_ibuf [dreg:s7], $0x5FFFF;
	_ =	strace $0x9000004C  }
0x2a: {  	s29 =	simm.s32 $0x9;
	_ =	strace $0x8000004E  }
0x2b: {  	_ =	swait.ge [sflag:s29], $0x1  }
0x2c: {  	[sflag:s29] =	ssyncadd.s32 $0xFFFFFFFF  }
0x2d: {  	_ =	strace $0x9000004E  }
0x2e: {  	_ =	sfence  }
0x2f: {  	s30 =	sld [smem:$0x0];
	_ =	sdelay $0x2  }
0x30: {  	s31 =	sshll.u32 s1, $0xD;
	s1 =	sshrl.u32 s1, $0x2  }
0x31: {  	s3 =	sand.u32 $0x4000, s31;
	s1 =	sadd.s32 s1, s30  }
0x32: {  	s0 =	sor.u32 s3, s0;
	s1 =	sshll.u32 s1, $0x11  }
0x33: {  	s0 =	sor.u32 s1, s0  }
0x34: {  	s0 =	sadd.s32 $0x8F2B, s0  }
0x35: {  	[sflag:s0] =	ssyncadd.remote.s32 $0x1  }
0x36: {  	_ =	sfence.sel $0xFFFF  }
0x37: {  	[dreg:$0x0] =	wrdreg $0xFFFFFFFF;
	(pc) =	sbr.abs _section_cstart, $3  }
0x38: {  	[dreg:$0x1] =	wrdreg $0xFFFFFFFF  }
0x39: {  	_ =	task.clear_ibuf [dreg:s7], $0x2FFFF;
	_ =	strace $0x9FFFFFFF  }
0x3a: {  	(tm) =	ssettm $0x7FFFFFFF  }
0x3b: {  	_ =	shalt  }
tec
execute0_lowered:
.L_overlay_start_1:
0x0: {  	(tag) =	ssettag $0x1  }
0x1: {  	s0 =	srdreg.scid  }
0x2: {  	s1 =	sshll.u32 s0, $0x4  }
0x3: {  	s4 =	rddreg [dreg:$0x0];
	s0 =	stileid.u32;
	s1 =	sand.u32 $0x10, s1  }
0x4: {  	s2 =	rddreg [dreg:$0x1];
	s7 =	simm.s32 $0x1;
	s1 =	sor.u32 s0, s1  }
0x5: {  	s8 =	simm.s32 $0x2;
	s11 =	simm.s32 $0x0;
	s3 =	sshll.u32 s1, $0x7  }
0x6: {  	s10 =	simm.s32 $0x0;
	s4 =	sadd.s32 $0x1400, s4;
	s6 =	ssub.s32 $0x100000, s3  }
.Ltmp0:
0x7: {  	s1 =	rddreg [dreg:$0x2];
	s5 =	sand.u32 $0xF80, s6;
	(pc) =	sbr.rel .LBB1_1-.Ltmp0, $4  }
0x8: {  	_ =	strace $0x8000004D;
	s9 =	smov.u32 s3;
	p0 =	sne.s32 s5, $0x0  }
0x9: {  	s6 =	sshrl.u32 s6, $0xC;
	s5 =	simm.s32 $0x1;
	s7 =	simm.s32 @!p0 $0x0  }
0xa: {  	[sflag:s5] =	ssyncpa.u1 $0x0;
	p0 =	por $0x0, $0x0;
	s6 =	sadd.s32 s7, s6  }
0xb: {  	[sflag:s8] =	ssyncpa.u1 $0x0;
	s8 =	simm.s32 $0x800000;
	s7 =	sadd.s32 $0x1, s6  }
.LBB1_4:
0xc: {  	s13 =	sshll.u32 s11, $0x3  }
0xd: {  	s15 =	sand.u32 $0x78, s11;
	s13 =	sand.u32 $0xFFC00, s13  }
0xe: {  	s30 =	sand.u32 $0x3E0000, s11;
	s31 =	sand.u32 $0x7, s11;
	s13 =	sor.u32 s15, s13  }
0xf: {  	s11 =	sshll.u32 s31, $0x12;
	s15 =	sadd.s32 s2, s30;
	s13 =	sshrl.u32 s13, $0x3  }
0x10: {  	[tilespmem:s14+$0x0 ss:$0x81] =	vst.msk $0xffff, v0;
	s11 =	sor.u32 $0x400, s11;
	s13 =	sadd.s32 s13, s15  }
0x11: {  	[hbm4b:s13+s11] =	stream.strided.scatter [tilespmem:s12], [sflag:$0x2], $0x1000, s8, s11, $0x20;
	[tilespmem:$0x4040] =	vst v63  }
.LBB1_5:
0x12: {  	s13 =	sadd.s32 $0x1000, s9  }
0x13: {  	p2 =	sgt.s32 s13, $0xFFFFF  }
0x14: {  	s13 =	smov.u32 @p2 s3;
	p2 =	sne.s32 s10, s7  }
.Ltmp1:
0x15: {  	p1 =	slt.u32 s10, $0x2;
	(pc) =	sbr.rel @!p2 .LBB1_6-.Ltmp1, $4  }
0x16: {  	s12 =	simm.s32 @!p1 $0x2  }
0x17: {  	s14 =	sadd.s32 $0x1, s10;
	_ =	swait.ge @!p1 [sflag:s12], $0x1000  }
0x18: {  	s11 =	smov.u32 s9;
	p0 =	por !p0, !p0;
	[sflag:s12] =	ssyncset.done @!p1 $0x0  }
0x19: {  	s10 =	smov.u32 s14;
	s9 =	smov.u32 s13;
	[sflag:s12] =	ssyncadd.s32 @!p1 $0xFFFFF000  }
.LBB1_1:
0x1a: {  	p1 =	sge.u32 s10, s6  }
0x1b: {  	s31 =	sadd.s32 $0xFFFFFFFF, s10;
	s12 =	sxor.u32 @!p1 $0xFFFFFFFF, s10;
	s13 =	sshll.u32 @!p1 s9, $0x4  }
0x1c: {  	s14 =	simm.s32 @!p1 $0x20;
	s12 =	sshll.u32 @!p1 s12, $0xC;
	s13 =	sand.u32 @!p1 $0xFFFFF0, s13  }
0x1d: {  	s15 =	simm.s32 @!p1 $0x80;
	s12 =	sand.u32 @!p1 $0x1000, s12;
	s13 =	sadd.s32 @!p1 s4, s13  }
0x1e: {  	[tilespmem:s12], [sflag:$0x1] =	stream.strided.gather @!p1 [hbm4b:s13+s14], $0x1000, s15, s14, $0x38;
	[tilespmem:$0x4040] =	vst v63  }
0x1f: {  	p1 =	sge.u32 s31, s6  }
.Ltmp2:
0x20: {  	_ = 	snop;
	(pc) =	sbr.rel @p1 .LBB1_5-.Ltmp2, $1  }
0x21: {  	_ =	sdelay $0x3  }
0x22: {  	s12 =	simm.s32 $0x1  }
0x23: {  	_ =	swait.ge [sflag:s5], $0x1000;
	s12 =	simm.s32 @!p0 $0x0  }
0x24: {  	[sflag:s5] =	ssyncset.done $0x0;
	s13 =	sshll.u32 s12, $0xC  }
0x25: {  	[sflag:s5] =	ssyncadd.s32 $0xFFFFF000;
	s16 =	sor.u32 $0x10, s13  }
0x26: {  	s12 =	smul.u32 $0x4080, s12;
	v1 =	vld [tilespmem:s16+$0x0]  }
0x27: {  	s30 =	sand.u32 $0x1, s10;
	v0 =	vld [tilespmem:s16+$0xFFFFFFF0]  }
0x28: {  	s14 =	smul.u32 $0x4080, s30;
	s12 =	sshrl.u32 s12, $0x2  }
0x29: {  	s13 =	sor.u32 $0x2000, s12  }
0x2a: {  	s31 =	sshrl.u32 s14, $0x2;
	s14 =	sadd.s32 $0x0, s13  }
0x2b: {  	s15 =	simm.s32 $0x4;
	s16 =	sadd.s32 $0x20, s16;
	s12 =	sor.u32 $0x2000, s31;
	[tilespmem:s14+$0x810 ss:$0x81] =	vst.msk $0xffff, v1  }
.LBB1_3:
0x2c: {  	v1 =	vld [tilespmem:s16+$0x0];
	p1 =	sne.s32 s15, $0x1FC;
	[tilespmem:s14+$0x0 ss:$0x81] =	vst.msk $0xffff, v0;
	s14 =	smov.u32 s15;
	s15 =	sadd.s32 $0x4, s15  }
.Ltmp3:
0x2d: {  	v0 =	vld [tilespmem:s16+$0xFFFFFFF0];
	(pc) =	sbr.rel @p1 .LBB1_3-.Ltmp3, $4  }
0x2e: {  	_ = 	snop  }
0x2f: {  	s14 =	sshra.s32 s14, $0x2  }
0x30: {  	s14 =	sadd.s32 s14, s13  }
0x31: {  	s16 =	sadd.s32 $0x20, s16;
	[tilespmem:s14+$0x810 ss:$0x81] =	vst.msk $0xffff, v1  }
.Ltmp4:
0x32: {  	_ = 	snop;
	(pc) =	sbr.rel .LBB1_4-.Ltmp4, $1  }
0x33: {  	_ =	sdelay $0x3  }
.LBB1_6:
0x34: {  	_ =	sfence.sel $0x180000  }
0x35: {  	s2 =	simm.s32 $0x1;
	[bflag:$0x0] =	sbarrier.arrive $0xFFFF  }
0x36: {  	s31 =	simm.s32 $0x2;
	[sflag:s2] =	ssyncpa.u1 $0x1  }
0x37: {  	[sflag:s31] =	ssyncpa.u1 $0x1  }
0x38: {  	p0 =	sne.s32 s0, $0x0;
	_ =	strace $0x9000004D  }
0x39: {  	s0 =	sadd.s32 @!p0 $0x100000, s1;
	[bflag:$0x2] =	sbarrier.arrive $0xFFFF  }
0x3a: {  	[sflag:s0] =	ssyncadd.tile.s32 @!p0 $0x1;
	_ =	shalt  }
.Lfunc_end1:
_tile_overlayer_lowered:
.L_overlay_start_2:
0x3b: {  	(tag) =	ssettag $0x2  }
0x3c: {  	s0 =	rddreg [dreg:$0x0];
	s2 =	stileid.u32  }
0x3d: {  	s1 =	rddreg [dreg:$0x1];
	p0 =	sne.s32 s2, $0x0  }
0x3e: {  	s3 =	rddreg [dreg:$0x2];
	[bflag:$0x3] =	sbarrier.arrive $0xFFFF;
	s2 =	simm.s32 @!p0 $0x1C01  }
0x3f: {  	[timem:s3], [sflag:s2] =	dma.local @!p0 [hbm:s0], s1  }
0x40: {  	s0 =	simm.s32 @!p0 $0x1  }
0x41: {  	_ =	swait.ge @!p0 [sflag:s0], s1  }
0x42: {  	s1 =	ssub.s32 @!p0 $0x0, s1;
	[sflag:s0] =	ssyncset.done @!p0 $0x0  }
0x43: {  	[sflag:s0] =	ssyncadd.s32 @!p0 s1  }
0x44: {  	[bflag:$0x3] =	sbarrier.arrive $0xFFFF  }
0x45: {  	_ =	shalt  }

</sc_bundles>
